<compile_context>
chip_gen: v7x
topology: tpu7x:2x2x1
jax: 0.10.2.dev20260603
libtpu: 0.0.44.dev20260713+nightly
codegen_flags: <defaults>
</compile_context>

<pallas_src>
import functools

import jax
import jax.numpy as jnp
from jax import lax
from jax.experimental import pallas as pl
from jax.experimental.pallas import tpu as pltpu
from jax.experimental.pallas import tpu_sc as plsc

_N, _E, _D, _H, _L, _C = 10000, 320000, 128, 128, 4, 10
_NC, _NS = 2, 16
_NW = _NC * _NS
_EPW = _E // _NW
_K = 125
_NCHUNK = _EPW // _K
_HALF = _NCHUNK // 2
_HPAIR = _HALF // 2
_SZ0 = 640
_SZL = _N - 15 * _SZ0

_BR = 2000
_NBLK = _N // _BR


def _segsum_body(src_hbm, dst_hbm, h_hbm, zero_hbm, out_hbm,
                 sidx, didx, rows_a, rows_b, acc, sem_a, sem_b, zsem):
    cid = lax.axis_index("c")
    sid = lax.axis_index("s")
    wid = sid * _NC + cid
    rb = pl.multiple_of(sid * _SZ0, 8)
    ob = pl.multiple_of(cid * _N + sid * _SZ0, 8)

    @pl.when(sid < _NS - 1)
    def _():
        pltpu.async_copy(zero_hbm.at[pl.ds(rb, _SZ0)],
                         acc.at[pl.ds(rb, _SZ0)], zsem)

    @pl.when(sid == _NS - 1)
    def _():
        pltpu.async_copy(zero_hbm.at[pl.ds(rb, _SZL)],
                         acc.at[pl.ds(rb, _SZL)], zsem)

    pltpu.sync_copy(src_hbm.at[wid, 0], sidx)
    pltpu.sync_copy(dst_hbm.at[wid, 0], didx)
    pltpu.async_copy(h_hbm.at[sidx.at[0]], rows_a, sem_a)

    @pl.when(sid < _NS - 1)
    def _():
        pltpu.make_async_copy(zero_hbm.at[pl.ds(rb, _SZ0)],
                              acc.at[pl.ds(rb, _SZ0)], zsem).wait()

    @pl.when(sid == _NS - 1)
    def _():
        pltpu.make_async_copy(zero_hbm.at[pl.ds(rb, _SZL)],
                              acc.at[pl.ds(rb, _SZL)], zsem).wait()

    plsc.subcore_barrier()

    for hh in range(2):

        def pair(j, carry):
            c0 = 2 * j
            pltpu.async_copy(h_hbm.at[sidx.at[c0 + 1]], rows_b, sem_b)
            pltpu.make_async_copy(h_hbm.at[sidx.at[c0]], rows_a, sem_a).wait()
            pltpu.sync_copy(rows_a, acc.at[didx.at[c0]], add=True)

            @pl.when(j < _HPAIR - 1)
            def _():
                pltpu.async_copy(h_hbm.at[sidx.at[c0 + 2]], rows_a, sem_a)

            pltpu.make_async_copy(h_hbm.at[sidx.at[c0 + 1]], rows_b,
                                  sem_b).wait()
            pltpu.sync_copy(rows_b, acc.at[didx.at[c0 + 1]], add=True)
            return carry

        lax.fori_loop(0, _HPAIR, pair, 0)
        if hh == 0:
            pltpu.sync_copy(src_hbm.at[wid, 1], sidx)
            pltpu.sync_copy(dst_hbm.at[wid, 1], didx)
            pltpu.async_copy(h_hbm.at[sidx.at[0]], rows_a, sem_a)
    plsc.subcore_barrier()

    @pl.when(sid < _NS - 1)
    def _():
        pltpu.sync_copy(acc.at[pl.ds(rb, _SZ0)], out_hbm.at[pl.ds(ob, _SZ0)])

    @pl.when(sid == _NS - 1)
    def _():
        pltpu.sync_copy(acc.at[pl.ds(rb, _SZL)], out_hbm.at[pl.ds(ob, _SZL)])


@functools.cache
def _make_segsum():
    return pl.kernel(
        _segsum_body,
        out_type=jax.ShapeDtypeStruct((_NC * _N, _H), jnp.float32),
        mesh=plsc.VectorSubcoreMesh(core_axis_name="c", subcore_axis_name="s",
                                    num_cores=_NC, num_subcores=_NS),
        scratch_types=[
            pltpu.VMEM((_HALF, _K), jnp.int32),
            pltpu.VMEM((_HALF, _K), jnp.int32),
            pltpu.VMEM((_K, _H), jnp.float32),
            pltpu.VMEM((_K, _H), jnp.float32),
            pltpu.VMEM_SHARED((_N, _H), jnp.float32),
            pltpu.SemaphoreType.DMA,
            pltpu.SemaphoreType.DMA,
            pltpu.SemaphoreType.DMA,
        ],
    )


def _dot(a, b):
    a_hi = a.astype(jnp.bfloat16)
    a_lo = (a - a_hi.astype(jnp.float32)).astype(jnp.bfloat16)
    b_hi = b.astype(jnp.bfloat16)
    b_lo = (b - b_hi.astype(jnp.float32)).astype(jnp.bfloat16)

    def dg(x, y):
        return lax.dot_general(x, y, (((1,), (0,)), ((), ())),
                               preferred_element_type=jnp.float32)

    return dg(a_hi, b_hi) + (dg(a_hi, b_lo) + dg(a_lo, b_hi))


def _emb_body(x_ref, w_ref, b_ref, out_ref, pool_ref):
    h = _dot(x_ref[...], w_ref[...]) + b_ref[...]
    out_ref[...] = h
    s = jnp.sum(h, axis=0, keepdims=True)

    @pl.when(pl.program_id(0) == 0)
    def _():
        pool_ref[...] = s

    @pl.when(pl.program_id(0) != 0)
    def _():
        pool_ref[...] += s


_emb = pl.pallas_call(
    _emb_body,
    grid=(_NBLK,),
    in_specs=[
        pl.BlockSpec((_BR, _D), lambda i: (i, 0)),
        pl.BlockSpec((_D, _H), lambda i: (0, 0)),
        pl.BlockSpec((1, _H), lambda i: (0, 0)),
    ],
    out_specs=[
        pl.BlockSpec((_BR, _H), lambda i: (i, 0)),
        pl.BlockSpec((1, _H), lambda i: (0, 0)),
    ],
    out_shape=[
        jax.ShapeDtypeStruct((_N, _H), jnp.float32),
        jax.ShapeDtypeStruct((1, _H), jnp.float32),
    ],
)


def _layer_body(h_ref, n0_ref, n1_ref, norm_ref, w1_ref, b1_ref,
                w2_ref, b2_ref, eps_ref, out_ref, pool_ref):
    h_in = h_ref[...]
    t = (1.0 + eps_ref[0, 0]) * h_in + (n0_ref[...] + n1_ref[...])
    a = jnp.maximum(
        _dot(t, w1_ref[...]) + b1_ref[...], 0.0)
    bb = _dot(a, w2_ref[...]) + b2_ref[...]
    r = jnp.maximum(bb, 0.0) * norm_ref[...]
    r = jnp.maximum(r, 0.0)
    h_out = h_in + r
    out_ref[...] = h_out
    s = jnp.sum(h_out, axis=0, keepdims=True)

    @pl.when(pl.program_id(0) == 0)
    def _():
        pool_ref[...] = s

    @pl.when(pl.program_id(0) != 0)
    def _():
        pool_ref[...] += s


_layer = pl.pallas_call(
    _layer_body,
    grid=(_NBLK,),
    in_specs=[
        pl.BlockSpec((_BR, _H), lambda i: (i, 0)),
        pl.BlockSpec((_BR, _H), lambda i: (i, 0)),
        pl.BlockSpec((_BR, _H), lambda i: (i + _NBLK, 0)),
        pl.BlockSpec((_BR, 1), lambda i: (i, 0)),
        pl.BlockSpec((_H, _H), lambda i: (0, 0)),
        pl.BlockSpec((1, _H), lambda i: (0, 0)),
        pl.BlockSpec((_H, _H), lambda i: (0, 0)),
        pl.BlockSpec((1, _H), lambda i: (0, 0)),
        pl.BlockSpec(memory_space=pltpu.SMEM),
    ],
    out_specs=[
        pl.BlockSpec((_BR, _H), lambda i: (i, 0)),
        pl.BlockSpec((1, _H), lambda i: (0, 0)),
    ],
    out_shape=[
        jax.ShapeDtypeStruct((_N, _H), jnp.float32),
        jax.ShapeDtypeStruct((1, _H), jnp.float32),
    ],
)


def _proj_body(pool_ref, wp_ref, bp_ref, out_ref):
    s = _dot(pool_ref[...], wp_ref[...])
    out_ref[...] = s + jnp.sum(bp_ref[...], axis=0, keepdims=True)


_proj = pl.pallas_call(
    _proj_body,
    out_shape=jax.ShapeDtypeStruct((1, _C), jnp.float32),
)


def kernel(edge_index, nodes_feat, edges_feat, nodes_num_norm_sqrt,
           edges_num_norm_sqrt, W_emb, b_emb, W1, b1, W2, b2, eps, Wp, bp):
    src = edge_index[0].astype(jnp.int32).reshape(_NW, 2, _HALF, _K)
    dst = edge_index[1].astype(jnp.int32).reshape(_NW, 2, _HALF, _K)
    zeros = jnp.zeros((_N, _H), jnp.float32)

    segsum = _make_segsum()
    h, pool0 = _emb(nodes_feat, W_emb, b_emb.reshape(1, _H))
    pools = [pool0]
    for i in range(_L):
        parts = segsum(src, dst, h, zeros)
        h, pool = _layer(h, parts, parts, nodes_num_norm_sqrt,
                         W1[i], b1[i].reshape(1, _H), W2[i],
                         b2[i].reshape(1, _H), eps[i].reshape(1, 1))
        pools.append(pool)

    pool_flat = jnp.concatenate(pools, axis=1)
    return _proj(pool_flat, Wp.reshape((_L + 1) * _H, _C), bp)

# --- scband reference (transcript-rebuilt; emitter-appended) ---
"""Pipeline reference for scband-ginnet-50113678409981 (READ-ONLY COPY).

The authoritative reference and input builder live on the scoring server;
editing this copy changes nothing except your own understanding.
"""

import jax, jax.numpy as jnp
import numpy as np

N = 10000
E = 320000
D = 128
H = 128
L = 4
C = 10

def setup_inputs(seed: int = 0) -> dict:
    key = jax.random.key(seed)
    ks = jax.random.split(key, 12)
    edge_index = jax.random.randint(ks[0], (2, E), 0, N, dtype=jnp.int64) if jax.config.jax_enable_x64 else jax.random.randint(ks[0], (2, E), 0, N, dtype=jnp.int32)
    nodes_feat = jax.random.normal(ks[1], (N, D), dtype=jnp.float32)
    edges_feat = jax.random.normal(ks[2], (E, 4), dtype=jnp.float32)
    nodes_num_norm_sqrt = jax.random.uniform(ks[3], (N, 1), dtype=jnp.float32)
    edges_num_norm_sqrt = jax.random.uniform(ks[4], (E, 1), dtype=jnp.float32)
    W_emb = jax.random.normal(ks[5], (D, H), dtype=jnp.float32) * 0.05
    b_emb = jnp.zeros((H,), dtype=jnp.float32)
    W1 = jax.random.normal(ks[6], (L, H, H), dtype=jnp.float32) * 0.05
    b1 = jnp.zeros((L, H), dtype=jnp.float32)
    W2 = jax.random.normal(ks[7], (L, H, H), dtype=jnp.float32) * 0.05
    b2 = jnp.zeros((L, H), dtype=jnp.float32)
    eps = jnp.zeros((L,), dtype=jnp.float32)
    Wp = jax.random.normal(ks[8], (L + 1, H, C), dtype=jnp.float32) * 0.05
    bp = jnp.zeros((L + 1, C), dtype=jnp.float32)
    return {"edge_index": edge_index, "nodes_feat": nodes_feat, "edges_feat": edges_feat,
            "nodes_num_norm_sqrt": nodes_num_norm_sqrt, "edges_num_norm_sqrt": edges_num_norm_sqrt,
            "W_emb": W_emb, "b_emb": b_emb, "W1": W1, "b1": b1, "W2": W2, "b2": b2,
            "eps": eps, "Wp": Wp, "bp": bp}


def reference(edge_index, nodes_feat, edges_feat, nodes_num_norm_sqrt, edges_num_norm_sqrt,
              W_emb, b_emb, W1, b1, W2, b2, eps, Wp, bp):
    src = edge_index[0]
    dst = edge_index[1]
    # embedding_h
    h = nodes_feat @ W_emb + b_emb
    hidden_rep = [h]
    for i in range(L):
        h_in = h
        # GIN sum aggregation: gather source features, scatter-add to destination nodes
        neigh = jax.ops.segment_sum(h[src], dst, num_segments=N)
        h = (1.0 + eps[i]) * h + neigh
        # ApplyNodeFunc(MLP): linear -> BN(identity, eval running stats) -> relu -> linear, then BN + relu
        h = jax.nn.relu(h @ W1[i] + b1[i])
        h = h @ W2[i] + b2[i]
        h = jax.nn.relu(h)
        # graph_norm
        h = h * nodes_num_norm_sqrt
        # batch_norm (eval: running mean 0, var 1 -> identity), then relu
        h = jax.nn.relu(h)
        # residual
        h = h_in + h
        # dropout p=0.0 -> identity
        hidden_rep.append(h)
    score_over_layer = jnp.zeros((1, C), dtype=jnp.float32)
    for i, hh in enumerate(hidden_rep):
        pooled = jnp.sum(hh, axis=0, keepdims=True)  # SumPooling over single batched graph
        score_over_layer = score_over_layer + pooled @ Wp[i] + bp[i]
    return score_over_layer

if __name__ == "__main__":
    import jax
    _d = setup_inputs()
    print(jax.jit(kernel)(*tuple(_d.values())))

</pallas_src>

<mosaic_0001>
#map = affine_map<(d0, d1) -> (0, 0, 0, 0)>
#map1 = affine_map<(d0, d1) -> (0, 0)>
module attributes {stable_mosaic.version = 14 : i64} {
  func.func @_segsum_body(%arg0: i32, %arg1: i32, %arg2: memref<32x2x40x125xi32, #tpu.memory_space<hbm>>, %arg3: memref<32x2x40x125xi32, #tpu.memory_space<hbm>>, %arg4: memref<10000x128xf32, #tpu.memory_space<hbm>>, %arg5: memref<10000x128xf32, #tpu.memory_space<hbm>>, %arg6: memref<20000x128xf32, #tpu.memory_space<hbm>>, %arg7: memref<40x125xi32, #tpu.memory_space<vmem>>, %arg8: memref<40x125xi32, #tpu.memory_space<vmem>>, %arg9: memref<125x128xf32, #tpu.memory_space<vmem>>, %arg10: memref<125x128xf32, #tpu.memory_space<vmem>>, %arg11: memref<10000x128xf32, #tpu.memory_space<vmem_shared>>, %arg12: memref<!tpu.dma_semaphore, #tpu.memory_space<semaphore_mem>>, %arg13: memref<!tpu.dma_semaphore, #tpu.memory_space<semaphore_mem>>, %arg14: memref<!tpu.dma_semaphore, #tpu.memory_space<semaphore_mem>>) attributes {dimension_semantics = [#tpu.dimension_semantics<core_parallel>, #tpu.dimension_semantics<subcore_parallel>], iteration_bounds = array<i64: 2, 16>, scalar_prefetch = 0 : i64, scratch_operands = 8 : i64, tpu.core_type = #tpu.core_type<sc_vector_subcore>, window_params = [{transform_indices = #map}, {transform_indices = #map}, {transform_indices = #map1}, {transform_indices = #map1}, {transform_indices = #map1}]} {
    %mul3A = arith.constant 2 : i32
    %mul3A_0 = arith.muli %arg1, %mul3A : i32
    %add3A = arith.addi %mul3A_0, %arg0 : i32
    %mul3A_1 = arith.constant 640 : i32
    %mul3A_2 = arith.muli %arg1, %mul3A_1 : i32
    %multiple_of3A = tpu.assume_multiple %mul3A_2, 8 : i32
    %mul3A_3 = arith.constant 10000 : i32
    %mul3A_4 = arith.muli %arg0, %mul3A_3 : i32
    %mul3A_5 = arith.constant 640 : i32
    %mul3A_6 = arith.muli %arg1, %mul3A_5 : i32
    %add3A_7 = arith.addi %mul3A_4, %mul3A_6 : i32
    %multiple_of3A_8 = tpu.assume_multiple %add3A_7, 8 : i32
    %lt3A = arith.constant 15 : i32
    %lt3A_9 = arith.cmpi slt, %arg1, %lt3A : i32
    %convert_element_type3A = arith.extui %lt3A_9 : i1 to i32
    %cond3A = arith.constant 0 : i32
    %cond3A_10 = arith.cmpi ne, %convert_element_type3A, %cond3A : i32
    scf.if %cond3A_10 {
      %dma_start3A_63 = arith.constant 0 : i32
      %dma_start3A_64 = tpu.memref_slice %arg11[%multiple_of3A, %dma_start3A_63] : memref<10000x128xf32, #tpu.memory_space<vmem_shared>> -> memref<640x128xf32, #tpu.memory_space<vmem_shared>>
      %dma_start3A_65 = arith.constant 0 : i32
      %dma_start3A_66 = tpu.memref_slice %arg5[%multiple_of3A, %dma_start3A_65] : memref<10000x128xf32, #tpu.memory_space<hbm>> -> memref<640x128xf32, #tpu.memory_space<hbm>>
      tpu.enqueue_dma source(%dma_start3A_66 : memref<640x128xf32, #tpu.memory_space<hbm>>) target(%dma_start3A_64 : memref<640x128xf32, #tpu.memory_space<vmem_shared>>) target_semaphore(%arg14 : memref<!tpu.dma_semaphore, #tpu.memory_space<semaphore_mem>>)
    } else {
    }
    %eq3A = arith.constant 15 : i32
    %eq3A_11 = arith.cmpi eq, %arg1, %eq3A : i32
    %convert_element_type3A_12 = arith.extui %eq3A_11 : i1 to i32
    %cond3A_13 = arith.constant 0 : i32
    %cond3A_14 = arith.cmpi ne, %convert_element_type3A_12, %cond3A_13 : i32
    scf.if %cond3A_14 {
      %dma_start3A_63 = arith.constant 0 : i32
      %dma_start3A_64 = tpu.memref_slice %arg11[%multiple_of3A, %dma_start3A_63] : memref<10000x128xf32, #tpu.memory_space<vmem_shared>> -> memref<400x128xf32, #tpu.memory_space<vmem_shared>>
      %dma_start3A_65 = arith.constant 0 : i32
      %dma_start3A_66 = tpu.memref_slice %arg5[%multiple_of3A, %dma_start3A_65] : memref<10000x128xf32, #tpu.memory_space<hbm>> -> memref<400x128xf32, #tpu.memory_space<hbm>>
      tpu.enqueue_dma source(%dma_start3A_66 : memref<400x128xf32, #tpu.memory_space<hbm>>) target(%dma_start3A_64 : memref<400x128xf32, #tpu.memory_space<vmem_shared>>) target_semaphore(%arg14 : memref<!tpu.dma_semaphore, #tpu.memory_space<semaphore_mem>>)
    } else {
    }
    %run_scoped3A = arith.constant 0 : i32
    "tpu.region"() ({
      %run_scoped3A_63 = tpu.sem_alloc : memref<!tpu.dma_semaphore, #tpu.memory_space<semaphore_mem>>
      %dma_start3A_64 = arith.constant 0 : i32
      %dma_start3A_65 = arith.constant 0 : i32
      %dma_start3A_66 = tpu.memref_slice %arg2[%add3A, %run_scoped3A, %dma_start3A_64, %dma_start3A_65] : memref<32x2x40x125xi32, #tpu.memory_space<hbm>> -> memref<1x1x40x125xi32, #tpu.memory_space<hbm>>
      %dma_start3A_67 = tpu.memref_squeeze %dma_start3A_66 : memref<1x1x40x125xi32, #tpu.memory_space<hbm>> -> memref<40x125xi32, #tpu.memory_space<hbm>>
      %dma_start3A_68 = arith.constant 0 : i32
      %dma_start3A_69 = arith.constant 0 : i32
      %dma_start3A_70 = tpu.memref_slice %arg2[%add3A, %run_scoped3A, %dma_start3A_68, %dma_start3A_69] : memref<32x2x40x125xi32, #tpu.memory_space<hbm>> -> memref<1x1x40x125xi32, #tpu.memory_space<hbm>>
      %dma_start3A_71 = tpu.memref_squeeze %dma_start3A_70 : memref<1x1x40x125xi32, #tpu.memory_space<hbm>> -> memref<40x125xi32, #tpu.memory_space<hbm>>
      tpu.enqueue_dma source(%dma_start3A_71 : memref<40x125xi32, #tpu.memory_space<hbm>>) target(%arg7 : memref<40x125xi32, #tpu.memory_space<vmem>>) target_semaphore(%run_scoped3A_63 : memref<!tpu.dma_semaphore, #tpu.memory_space<semaphore_mem>>)
      %dma_wait3A = arith.constant 0 : i32
      %dma_wait3A_72 = arith.constant 0 : i32
      %dma_wait3A_73 = tpu.memref_slice %arg2[%add3A, %run_scoped3A, %dma_wait3A, %dma_wait3A_72] : memref<32x2x40x125xi32, #tpu.memory_space<hbm>> -> memref<1x1x40x125xi32, #tpu.memory_space<hbm>>
      %dma_wait3A_74 = tpu.memref_squeeze %dma_wait3A_73 : memref<1x1x40x125xi32, #tpu.memory_space<hbm>> -> memref<40x125xi32, #tpu.memory_space<hbm>>
      %dma_wait3A_75 = arith.constant 0 : i32
      %dma_wait3A_76 = arith.constant 0 : i32
      %dma_wait3A_77 = tpu.memref_slice %arg2[%add3A, %run_scoped3A, %dma_wait3A_75, %dma_wait3A_76] : memref<32x2x40x125xi32, #tpu.memory_space<hbm>> -> memref<1x1x40x125xi32, #tpu.memory_space<hbm>>
      %dma_wait3A_78 = tpu.memref_squeeze %dma_wait3A_77 : memref<1x1x40x125xi32, #tpu.memory_space<hbm>> -> memref<40x125xi32, #tpu.memory_space<hbm>>
      tpu.wait_dma2 semaphore(%run_scoped3A_63 : memref<!tpu.dma_semaphore, #tpu.memory_space<semaphore_mem>>) src(%dma_wait3A_78 : memref<40x125xi32, #tpu.memory_space<hbm>>) dst(%arg7 : memref<40x125xi32, #tpu.memory_space<vmem>>)
      tpu.yield
    }) : () -> ()
    %run_scoped3A_15 = arith.constant 0 : i32
    "tpu.region"() ({
      %run_scoped3A_63 = tpu.sem_alloc : memref<!tpu.dma_semaphore, #tpu.memory_space<semaphore_mem>>
      %dma_start3A_64 = arith.constant 0 : i32
      %dma_start3A_65 = arith.constant 0 : i32
      %dma_start3A_66 = tpu.memref_slice %arg3[%add3A, %run_scoped3A_15, %dma_start3A_64, %dma_start3A_65] : memref<32x2x40x125xi32, #tpu.memory_space<hbm>> -> memref<1x1x40x125xi32, #tpu.memory_space<hbm>>
      %dma_start3A_67 = tpu.memref_squeeze %dma_start3A_66 : memref<1x1x40x125xi32, #tpu.memory_space<hbm>> -> memref<40x125xi32, #tpu.memory_space<hbm>>
      %dma_start3A_68 = arith.constant 0 : i32
      %dma_start3A_69 = arith.constant 0 : i32
      %dma_start3A_70 = tpu.memref_slice %arg3[%add3A, %run_scoped3A_15, %dma_start3A_68, %dma_start3A_69] : memref<32x2x40x125xi32, #tpu.memory_space<hbm>> -> memref<1x1x40x125xi32, #tpu.memory_space<hbm>>
      %dma_start3A_71 = tpu.memref_squeeze %dma_start3A_70 : memref<1x1x40x125xi32, #tpu.memory_space<hbm>> -> memref<40x125xi32, #tpu.memory_space<hbm>>
      tpu.enqueue_dma source(%dma_start3A_71 : memref<40x125xi32, #tpu.memory_space<hbm>>) target(%arg8 : memref<40x125xi32, #tpu.memory_space<vmem>>) target_semaphore(%run_scoped3A_63 : memref<!tpu.dma_semaphore, #tpu.memory_space<semaphore_mem>>)
      %dma_wait3A = arith.constant 0 : i32
      %dma_wait3A_72 = arith.constant 0 : i32
      %dma_wait3A_73 = tpu.memref_slice %arg3[%add3A, %run_scoped3A_15, %dma_wait3A, %dma_wait3A_72] : memref<32x2x40x125xi32, #tpu.memory_space<hbm>> -> memref<1x1x40x125xi32, #tpu.memory_space<hbm>>
      %dma_wait3A_74 = tpu.memref_squeeze %dma_wait3A_73 : memref<1x1x40x125xi32, #tpu.memory_space<hbm>> -> memref<40x125xi32, #tpu.memory_space<hbm>>
      %dma_wait3A_75 = arith.constant 0 : i32
      %dma_wait3A_76 = arith.constant 0 : i32
      %dma_wait3A_77 = tpu.memref_slice %arg3[%add3A, %run_scoped3A_15, %dma_wait3A_75, %dma_wait3A_76] : memref<32x2x40x125xi32, #tpu.memory_space<hbm>> -> memref<1x1x40x125xi32, #tpu.memory_space<hbm>>
      %dma_wait3A_78 = tpu.memref_squeeze %dma_wait3A_77 : memref<1x1x40x125xi32, #tpu.memory_space<hbm>> -> memref<40x125xi32, #tpu.memory_space<hbm>>
      tpu.wait_dma2 semaphore(%run_scoped3A_63 : memref<!tpu.dma_semaphore, #tpu.memory_space<semaphore_mem>>) src(%dma_wait3A_78 : memref<40x125xi32, #tpu.memory_space<hbm>>) dst(%arg8 : memref<40x125xi32, #tpu.memory_space<vmem>>)
      tpu.yield
    }) : () -> ()
    %dma_start3A = arith.constant 0 : i32
    %dma_start3A_16 = arith.constant 0 : i32
    %dma_start3A_17 = tpu.memref_slice %arg7[%dma_start3A, %dma_start3A_16] : memref<40x125xi32, #tpu.memory_space<vmem>> -> memref<1x125xi32, #tpu.memory_space<vmem>>
    %dma_start3A_18 = tpu.memref_squeeze %dma_start3A_17 : memref<1x125xi32, #tpu.memory_space<vmem>> -> memref<125xi32, #tpu.memory_space<vmem>>
    %dma_start3A_19 = arith.constant 0 : i32
    %dma_start3A_20 = arith.constant 0 : i32
    %dma_start3A_21 = tpu.memref_slice %arg4[%dma_start3A_19, %dma_start3A_20] : memref<10000x128xf32, #tpu.memory_space<hbm>> -> memref<10000x128xf32, #tpu.memory_space<hbm>>
    tpu.enqueue_indirect_dma source(%dma_start3A_21 : memref<10000x128xf32, #tpu.memory_space<hbm>>) target(%arg9 : memref<125x128xf32, #tpu.memory_space<vmem>>) offsets(%dma_start3A_18 : memref<125xi32, #tpu.memory_space<vmem>>) semaphore(%arg12 : memref<!tpu.dma_semaphore, #tpu.memory_space<semaphore_mem>>)
    %lt3A_22 = arith.constant 15 : i32
    %lt3A_23 = arith.cmpi slt, %arg1, %lt3A_22 : i32
    %convert_element_type3A_24 = arith.extui %lt3A_23 : i1 to i32
    %cond3A_25 = arith.constant 0 : i32
    %cond3A_26 = arith.cmpi ne, %convert_element_type3A_24, %cond3A_25 : i32
    scf.if %cond3A_26 {
      %dma_wait3A = arith.constant 0 : i32
      %dma_wait3A_63 = tpu.memref_slice %arg11[%multiple_of3A, %dma_wait3A] : memref<10000x128xf32, #tpu.memory_space<vmem_shared>> -> memref<640x128xf32, #tpu.memory_space<vmem_shared>>
      %dma_wait3A_64 = arith.constant 0 : i32
      %dma_wait3A_65 = tpu.memref_slice %arg5[%multiple_of3A, %dma_wait3A_64] : memref<10000x128xf32, #tpu.memory_space<hbm>> -> memref<640x128xf32, #tpu.memory_space<hbm>>
      tpu.wait_dma2 semaphore(%arg14 : memref<!tpu.dma_semaphore, #tpu.memory_space<semaphore_mem>>) src(%dma_wait3A_65 : memref<640x128xf32, #tpu.memory_space<hbm>>) dst(%dma_wait3A_63 : memref<640x128xf32, #tpu.memory_space<vmem_shared>>)
    } else {
    }
    %eq3A_27 = arith.constant 15 : i32
    %eq3A_28 = arith.cmpi eq, %arg1, %eq3A_27 : i32
    %convert_element_type3A_29 = arith.extui %eq3A_28 : i1 to i32
    %cond3A_30 = arith.constant 0 : i32
    %cond3A_31 = arith.cmpi ne, %convert_element_type3A_29, %cond3A_30 : i32
    scf.if %cond3A_31 {
      %dma_wait3A = arith.constant 0 : i32
      %dma_wait3A_63 = tpu.memref_slice %arg11[%multiple_of3A, %dma_wait3A] : memref<10000x128xf32, #tpu.memory_space<vmem_shared>> -> memref<400x128xf32, #tpu.memory_space<vmem_shared>>
      %dma_wait3A_64 = arith.constant 0 : i32
      %dma_wait3A_65 = tpu.memref_slice %arg5[%multiple_of3A, %dma_wait3A_64] : memref<10000x128xf32, #tpu.memory_space<hbm>> -> memref<400x128xf32, #tpu.memory_space<hbm>>
      tpu.wait_dma2 semaphore(%arg14 : memref<!tpu.dma_semaphore, #tpu.memory_space<semaphore_mem>>) src(%dma_wait3A_65 : memref<400x128xf32, #tpu.memory_space<hbm>>) dst(%dma_wait3A_63 : memref<400x128xf32, #tpu.memory_space<vmem_shared>>)
    } else {
    }
    %barrier3A = arith.constant 0 : index
    tpu.barrier barrier_id(%barrier3A)
    %scan3A = arith.constant 0 : i32
    %scan3A_32 = arith.constant 0 : i32
    %scan3A_33 = arith.constant 20 : i32
    %scan3A_34 = arith.addi %scan3A_32, %scan3A_33 : i32
    %scan3A_35 = arith.constant 1 : i32
    scf.for %scan3A_63 = %scan3A_32 to %scan3A_34 step %scan3A_35  : i32 {
      %mul3A_64 = arith.constant 2 : i32
      %mul3A_65 = arith.muli %mul3A_64, %scan3A_63 : i32
      %add3A_66 = arith.constant 1 : i32
      %add3A_67 = arith.addi %mul3A_65, %add3A_66 : i32
      %dma_start3A_68 = arith.constant 0 : i32
      %dma_start3A_69 = tpu.memref_slice %arg7[%add3A_67, %dma_start3A_68] : memref<40x125xi32, #tpu.memory_space<vmem>> -> memref<1x125xi32, #tpu.memory_space<vmem>>
      %dma_start3A_70 = tpu.memref_squeeze %dma_start3A_69 : memref<1x125xi32, #tpu.memory_space<vmem>> -> memref<125xi32, #tpu.memory_space<vmem>>
      %dma_start3A_71 = arith.constant 0 : i32
      %dma_start3A_72 = arith.constant 0 : i32
      %dma_start3A_73 = tpu.memref_slice %arg4[%dma_start3A_71, %dma_start3A_72] : memref<10000x128xf32, #tpu.memory_space<hbm>> -> memref<10000x128xf32, #tpu.memory_space<hbm>>
      tpu.enqueue_indirect_dma source(%dma_start3A_73 : memref<10000x128xf32, #tpu.memory_space<hbm>>) target(%arg10 : memref<125x128xf32, #tpu.memory_space<vmem>>) offsets(%dma_start3A_70 : memref<125xi32, #tpu.memory_space<vmem>>) semaphore(%arg13 : memref<!tpu.dma_semaphore, #tpu.memory_space<semaphore_mem>>)
      %dma_wait3A = arith.constant 0 : i32
      %dma_wait3A_74 = tpu.memref_slice %arg7[%mul3A_65, %dma_wait3A] : memref<40x125xi32, #tpu.memory_space<vmem>> -> memref<1x125xi32, #tpu.memory_space<vmem>>
      %dma_wait3A_75 = tpu.memref_squeeze %dma_wait3A_74 : memref<1x125xi32, #tpu.memory_space<vmem>> -> memref<125xi32, #tpu.memory_space<vmem>>
      %dma_wait3A_76 = arith.constant 0 : i32
      %dma_wait3A_77 = arith.constant 0 : i32
      %dma_wait3A_78 = tpu.memref_slice %arg4[%dma_wait3A_76, %dma_wait3A_77] : memref<10000x128xf32, #tpu.memory_space<hbm>> -> memref<10000x128xf32, #tpu.memory_space<hbm>>
      tpu.wait_indirect_dma semaphore(%arg12 : memref<!tpu.dma_semaphore, #tpu.memory_space<semaphore_mem>>) src(%dma_wait3A_78 : memref<10000x128xf32, #tpu.memory_space<hbm>>) dst(%arg9 : memref<125x128xf32, #tpu.memory_space<vmem>>)
      "tpu.region"() ({
        %run_scoped3A_94 = tpu.sem_alloc : memref<!tpu.dma_semaphore, #tpu.memory_space<semaphore_mem>>
        %dma_start3A_95 = arith.constant 0 : i32
        %dma_start3A_96 = tpu.memref_slice %arg8[%mul3A_65, %dma_start3A_95] : memref<40x125xi32, #tpu.memory_space<vmem>> -> memref<1x125xi32, #tpu.memory_space<vmem>>
        %dma_start3A_97 = tpu.memref_squeeze %dma_start3A_96 : memref<1x125xi32, #tpu.memory_space<vmem>> -> memref<125xi32, #tpu.memory_space<vmem>>
        %dma_start3A_98 = arith.constant 0 : i32
        %dma_start3A_99 = arith.constant 0 : i32
        %dma_start3A_100 = tpu.memref_slice %arg11[%dma_start3A_98, %dma_start3A_99] : memref<10000x128xf32, #tpu.memory_space<vmem_shared>> -> memref<10000x128xf32, #tpu.memory_space<vmem_shared>>
        tpu.enqueue_indirect_dma source(%arg9 : memref<125x128xf32, #tpu.memory_space<vmem>>) target(%dma_start3A_100 : memref<10000x128xf32, #tpu.memory_space<vmem_shared>>) offsets(%dma_start3A_97 : memref<125xi32, #tpu.memory_space<vmem>>) semaphore(%run_scoped3A_94 : memref<!tpu.dma_semaphore, #tpu.memory_space<semaphore_mem>>) {add = true}
        %dma_wait3A_101 = arith.constant 0 : i32
        %dma_wait3A_102 = tpu.memref_slice %arg8[%mul3A_65, %dma_wait3A_101] : memref<40x125xi32, #tpu.memory_space<vmem>> -> memref<1x125xi32, #tpu.memory_space<vmem>>
        %dma_wait3A_103 = tpu.memref_squeeze %dma_wait3A_102 : memref<1x125xi32, #tpu.memory_space<vmem>> -> memref<125xi32, #tpu.memory_space<vmem>>
        %dma_wait3A_104 = arith.constant 0 : i32
        %dma_wait3A_105 = arith.constant 0 : i32
        %dma_wait3A_106 = tpu.memref_slice %arg11[%dma_wait3A_104, %dma_wait3A_105] : memref<10000x128xf32, #tpu.memory_space<vmem_shared>> -> memref<10000x128xf32, #tpu.memory_space<vmem_shared>>
        tpu.wait_indirect_dma semaphore(%run_scoped3A_94 : memref<!tpu.dma_semaphore, #tpu.memory_space<semaphore_mem>>) src(%arg9 : memref<125x128xf32, #tpu.memory_space<vmem>>) dst(%dma_wait3A_106 : memref<10000x128xf32, #tpu.memory_space<vmem_shared>>)
        tpu.yield
      }) : () -> ()
      %lt3A_79 = arith.constant 19 : i32
      %lt3A_80 = arith.cmpi slt, %scan3A_63, %lt3A_79 : i32
      %convert_element_type3A_81 = arith.extui %lt3A_80 : i1 to i32
      %cond3A_82 = arith.constant 0 : i32
      %cond3A_83 = arith.cmpi ne, %convert_element_type3A_81, %cond3A_82 : i32
      scf.if %cond3A_83 {
        %add3A_94 = arith.constant 2 : i32
        %add3A_95 = arith.addi %mul3A_65, %add3A_94 : i32
        %dma_start3A_96 = arith.constant 0 : i32
        %dma_start3A_97 = tpu.memref_slice %arg7[%add3A_95, %dma_start3A_96] : memref<40x125xi32, #tpu.memory_space<vmem>> -> memref<1x125xi32, #tpu.memory_space<vmem>>
        %dma_start3A_98 = tpu.memref_squeeze %dma_start3A_97 : memref<1x125xi32, #tpu.memory_space<vmem>> -> memref<125xi32, #tpu.memory_space<vmem>>
        %dma_start3A_99 = arith.constant 0 : i32
        %dma_start3A_100 = arith.constant 0 : i32
        %dma_start3A_101 = tpu.memref_slice %arg4[%dma_start3A_99, %dma_start3A_100] : memref<10000x128xf32, #tpu.memory_space<hbm>> -> memref<10000x128xf32, #tpu.memory_space<hbm>>
        tpu.enqueue_indirect_dma source(%dma_start3A_101 : memref<10000x128xf32, #tpu.memory_space<hbm>>) target(%arg9 : memref<125x128xf32, #tpu.memory_space<vmem>>) offsets(%dma_start3A_98 : memref<125xi32, #tpu.memory_space<vmem>>) semaphore(%arg12 : memref<!tpu.dma_semaphore, #tpu.memory_space<semaphore_mem>>)
      } else {
      }
      %add3A_84 = arith.constant 1 : i32
      %add3A_85 = arith.addi %mul3A_65, %add3A_84 : i32
      %dma_wait3A_86 = arith.constant 0 : i32
      %dma_wait3A_87 = tpu.memref_slice %arg7[%add3A_85, %dma_wait3A_86] : memref<40x125xi32, #tpu.memory_space<vmem>> -> memref<1x125xi32, #tpu.memory_space<vmem>>
      %dma_wait3A_88 = tpu.memref_squeeze %dma_wait3A_87 : memref<1x125xi32, #tpu.memory_space<vmem>> -> memref<125xi32, #tpu.memory_space<vmem>>
      %dma_wait3A_89 = arith.constant 0 : i32
      %dma_wait3A_90 = arith.constant 0 : i32
      %dma_wait3A_91 = tpu.memref_slice %arg4[%dma_wait3A_89, %dma_wait3A_90] : memref<10000x128xf32, #tpu.memory_space<hbm>> -> memref<10000x128xf32, #tpu.memory_space<hbm>>
      tpu.wait_indirect_dma semaphore(%arg13 : memref<!tpu.dma_semaphore, #tpu.memory_space<semaphore_mem>>) src(%dma_wait3A_91 : memref<10000x128xf32, #tpu.memory_space<hbm>>) dst(%arg10 : memref<125x128xf32, #tpu.memory_space<vmem>>)
      %add3A_92 = arith.constant 1 : i32
      %add3A_93 = arith.addi %mul3A_65, %add3A_92 : i32
      "tpu.region"() ({
        %run_scoped3A_94 = tpu.sem_alloc : memref<!tpu.dma_semaphore, #tpu.memory_space<semaphore_mem>>
        %dma_start3A_95 = arith.constant 0 : i32
        %dma_start3A_96 = tpu.memref_slice %arg8[%add3A_93, %dma_start3A_95] : memref<40x125xi32, #tpu.memory_space<vmem>> -> memref<1x125xi32, #tpu.memory_space<vmem>>
        %dma_start3A_97 = tpu.memref_squeeze %dma_start3A_96 : memref<1x125xi32, #tpu.memory_space<vmem>> -> memref<125xi32, #tpu.memory_space<vmem>>
        %dma_start3A_98 = arith.constant 0 : i32
        %dma_start3A_99 = arith.constant 0 : i32
        %dma_start3A_100 = tpu.memref_slice %arg11[%dma_start3A_98, %dma_start3A_99] : memref<10000x128xf32, #tpu.memory_space<vmem_shared>> -> memref<10000x128xf32, #tpu.memory_space<vmem_shared>>
        tpu.enqueue_indirect_dma source(%arg10 : memref<125x128xf32, #tpu.memory_space<vmem>>) target(%dma_start3A_100 : memref<10000x128xf32, #tpu.memory_space<vmem_shared>>) offsets(%dma_start3A_97 : memref<125xi32, #tpu.memory_space<vmem>>) semaphore(%run_scoped3A_94 : memref<!tpu.dma_semaphore, #tpu.memory_space<semaphore_mem>>) {add = true}
        %dma_wait3A_101 = arith.constant 0 : i32
        %dma_wait3A_102 = tpu.memref_slice %arg8[%add3A_93, %dma_wait3A_101] : memref<40x125xi32, #tpu.memory_space<vmem>> -> memref<1x125xi32, #tpu.memory_space<vmem>>
        %dma_wait3A_103 = tpu.memref_squeeze %dma_wait3A_102 : memref<1x125xi32, #tpu.memory_space<vmem>> -> memref<125xi32, #tpu.memory_space<vmem>>
        %dma_wait3A_104 = arith.constant 0 : i32
        %dma_wait3A_105 = arith.constant 0 : i32
        %dma_wait3A_106 = tpu.memref_slice %arg11[%dma_wait3A_104, %dma_wait3A_105] : memref<10000x128xf32, #tpu.memory_space<vmem_shared>> -> memref<10000x128xf32, #tpu.memory_space<vmem_shared>>
        tpu.wait_indirect_dma semaphore(%run_scoped3A_94 : memref<!tpu.dma_semaphore, #tpu.memory_space<semaphore_mem>>) src(%arg10 : memref<125x128xf32, #tpu.memory_space<vmem>>) dst(%dma_wait3A_106 : memref<10000x128xf32, #tpu.memory_space<vmem_shared>>)
        tpu.yield
      }) : () -> ()
    }
    %scan3A_36 = arith.constant 20 : i32
    %run_scoped3A_37 = arith.constant 1 : i32
    "tpu.region"() ({
      %run_scoped3A_63 = tpu.sem_alloc : memref<!tpu.dma_semaphore, #tpu.memory_space<semaphore_mem>>
      %dma_start3A_64 = arith.constant 0 : i32
      %dma_start3A_65 = arith.constant 0 : i32
      %dma_start3A_66 = tpu.memref_slice %arg2[%add3A, %run_scoped3A_37, %dma_start3A_64, %dma_start3A_65] : memref<32x2x40x125xi32, #tpu.memory_space<hbm>> -> memref<1x1x40x125xi32, #tpu.memory_space<hbm>>
      %dma_start3A_67 = tpu.memref_squeeze %dma_start3A_66 : memref<1x1x40x125xi32, #tpu.memory_space<hbm>> -> memref<40x125xi32, #tpu.memory_space<hbm>>
      %dma_start3A_68 = arith.constant 0 : i32
      %dma_start3A_69 = arith.constant 0 : i32
      %dma_start3A_70 = tpu.memref_slice %arg2[%add3A, %run_scoped3A_37, %dma_start3A_68, %dma_start3A_69] : memref<32x2x40x125xi32, #tpu.memory_space<hbm>> -> memref<1x1x40x125xi32, #tpu.memory_space<hbm>>
      %dma_start3A_71 = tpu.memref_squeeze %dma_start3A_70 : memref<1x1x40x125xi32, #tpu.memory_space<hbm>> -> memref<40x125xi32, #tpu.memory_space<hbm>>
      tpu.enqueue_dma source(%dma_start3A_71 : memref<40x125xi32, #tpu.memory_space<hbm>>) target(%arg7 : memref<40x125xi32, #tpu.memory_space<vmem>>) target_semaphore(%run_scoped3A_63 : memref<!tpu.dma_semaphore, #tpu.memory_space<semaphore_mem>>)
      %dma_wait3A = arith.constant 0 : i32
      %dma_wait3A_72 = arith.constant 0 : i32
      %dma_wait3A_73 = tpu.memref_slice %arg2[%add3A, %run_scoped3A_37, %dma_wait3A, %dma_wait3A_72] : memref<32x2x40x125xi32, #tpu.memory_space<hbm>> -> memref<1x1x40x125xi32, #tpu.memory_space<hbm>>
      %dma_wait3A_74 = tpu.memref_squeeze %dma_wait3A_73 : memref<1x1x40x125xi32, #tpu.memory_space<hbm>> -> memref<40x125xi32, #tpu.memory_space<hbm>>
      %dma_wait3A_75 = arith.constant 0 : i32
      %dma_wait3A_76 = arith.constant 0 : i32
      %dma_wait3A_77 = tpu.memref_slice %arg2[%add3A, %run_scoped3A_37, %dma_wait3A_75, %dma_wait3A_76] : memref<32x2x40x125xi32, #tpu.memory_space<hbm>> -> memref<1x1x40x125xi32, #tpu.memory_space<hbm>>
      %dma_wait3A_78 = tpu.memref_squeeze %dma_wait3A_77 : memref<1x1x40x125xi32, #tpu.memory_space<hbm>> -> memref<40x125xi32, #tpu.memory_space<hbm>>
      tpu.wait_dma2 semaphore(%run_scoped3A_63 : memref<!tpu.dma_semaphore, #tpu.memory_space<semaphore_mem>>) src(%dma_wait3A_78 : memref<40x125xi32, #tpu.memory_space<hbm>>) dst(%arg7 : memref<40x125xi32, #tpu.memory_space<vmem>>)
      tpu.yield
    }) : () -> ()
    %run_scoped3A_38 = arith.constant 1 : i32
    "tpu.region"() ({
      %run_scoped3A_63 = tpu.sem_alloc : memref<!tpu.dma_semaphore, #tpu.memory_space<semaphore_mem>>
      %dma_start3A_64 = arith.constant 0 : i32
      %dma_start3A_65 = arith.constant 0 : i32
      %dma_start3A_66 = tpu.memref_slice %arg3[%add3A, %run_scoped3A_38, %dma_start3A_64, %dma_start3A_65] : memref<32x2x40x125xi32, #tpu.memory_space<hbm>> -> memref<1x1x40x125xi32, #tpu.memory_space<hbm>>
      %dma_start3A_67 = tpu.memref_squeeze %dma_start3A_66 : memref<1x1x40x125xi32, #tpu.memory_space<hbm>> -> memref<40x125xi32, #tpu.memory_space<hbm>>
      %dma_start3A_68 = arith.constant 0 : i32
      %dma_start3A_69 = arith.constant 0 : i32
      %dma_start3A_70 = tpu.memref_slice %arg3[%add3A, %run_scoped3A_38, %dma_start3A_68, %dma_start3A_69] : memref<32x2x40x125xi32, #tpu.memory_space<hbm>> -> memref<1x1x40x125xi32, #tpu.memory_space<hbm>>
      %dma_start3A_71 = tpu.memref_squeeze %dma_start3A_70 : memref<1x1x40x125xi32, #tpu.memory_space<hbm>> -> memref<40x125xi32, #tpu.memory_space<hbm>>
      tpu.enqueue_dma source(%dma_start3A_71 : memref<40x125xi32, #tpu.memory_space<hbm>>) target(%arg8 : memref<40x125xi32, #tpu.memory_space<vmem>>) target_semaphore(%run_scoped3A_63 : memref<!tpu.dma_semaphore, #tpu.memory_space<semaphore_mem>>)
      %dma_wait3A = arith.constant 0 : i32
      %dma_wait3A_72 = arith.constant 0 : i32
      %dma_wait3A_73 = tpu.memref_slice %arg3[%add3A, %run_scoped3A_38, %dma_wait3A, %dma_wait3A_72] : memref<32x2x40x125xi32, #tpu.memory_space<hbm>> -> memref<1x1x40x125xi32, #tpu.memory_space<hbm>>
      %dma_wait3A_74 = tpu.memref_squeeze %dma_wait3A_73 : memref<1x1x40x125xi32, #tpu.memory_space<hbm>> -> memref<40x125xi32, #tpu.memory_space<hbm>>
      %dma_wait3A_75 = arith.constant 0 : i32
      %dma_wait3A_76 = arith.constant 0 : i32
      %dma_wait3A_77 = tpu.memref_slice %arg3[%add3A, %run_scoped3A_38, %dma_wait3A_75, %dma_wait3A_76] : memref<32x2x40x125xi32, #tpu.memory_space<hbm>> -> memref<1x1x40x125xi32, #tpu.memory_space<hbm>>
      %dma_wait3A_78 = tpu.memref_squeeze %dma_wait3A_77 : memref<1x1x40x125xi32, #tpu.memory_space<hbm>> -> memref<40x125xi32, #tpu.memory_space<hbm>>
      tpu.wait_dma2 semaphore(%run_scoped3A_63 : memref<!tpu.dma_semaphore, #tpu.memory_space<semaphore_mem>>) src(%dma_wait3A_78 : memref<40x125xi32, #tpu.memory_space<hbm>>) dst(%arg8 : memref<40x125xi32, #tpu.memory_space<vmem>>)
      tpu.yield
    }) : () -> ()
    %dma_start3A_39 = arith.constant 0 : i32
    %dma_start3A_40 = arith.constant 0 : i32
    %dma_start3A_41 = tpu.memref_slice %arg7[%dma_start3A_39, %dma_start3A_40] : memref<40x125xi32, #tpu.memory_space<vmem>> -> memref<1x125xi32, #tpu.memory_space<vmem>>
    %dma_start3A_42 = tpu.memref_squeeze %dma_start3A_41 : memref<1x125xi32, #tpu.memory_space<vmem>> -> memref<125xi32, #tpu.memory_space<vmem>>
    %dma_start3A_43 = arith.constant 0 : i32
    %dma_start3A_44 = arith.constant 0 : i32
    %dma_start3A_45 = tpu.memref_slice %arg4[%dma_start3A_43, %dma_start3A_44] : memref<10000x128xf32, #tpu.memory_space<hbm>> -> memref<10000x128xf32, #tpu.memory_space<hbm>>
    tpu.enqueue_indirect_dma source(%dma_start3A_45 : memref<10000x128xf32, #tpu.memory_space<hbm>>) target(%arg9 : memref<125x128xf32, #tpu.memory_space<vmem>>) offsets(%dma_start3A_42 : memref<125xi32, #tpu.memory_space<vmem>>) semaphore(%arg12 : memref<!tpu.dma_semaphore, #tpu.memory_space<semaphore_mem>>)
    %scan3A_46 = arith.constant 0 : i32
    %scan3A_47 = arith.constant 0 : i32
    %scan3A_48 = arith.constant 20 : i32
    %scan3A_49 = arith.addi %scan3A_47, %scan3A_48 : i32
    %scan3A_50 = arith.constant 1 : i32
    scf.for %scan3A_63 = %scan3A_47 to %scan3A_49 step %scan3A_50  : i32 {
      %mul3A_64 = arith.constant 2 : i32
      %mul3A_65 = arith.muli %mul3A_64, %scan3A_63 : i32
      %add3A_66 = arith.constant 1 : i32
      %add3A_67 = arith.addi %mul3A_65, %add3A_66 : i32
      %dma_start3A_68 = arith.constant 0 : i32
      %dma_start3A_69 = tpu.memref_slice %arg7[%add3A_67, %dma_start3A_68] : memref<40x125xi32, #tpu.memory_space<vmem>> -> memref<1x125xi32, #tpu.memory_space<vmem>>
      %dma_start3A_70 = tpu.memref_squeeze %dma_start3A_69 : memref<1x125xi32, #tpu.memory_space<vmem>> -> memref<125xi32, #tpu.memory_space<vmem>>
      %dma_start3A_71 = arith.constant 0 : i32
      %dma_start3A_72 = arith.constant 0 : i32
      %dma_start3A_73 = tpu.memref_slice %arg4[%dma_start3A_71, %dma_start3A_72] : memref<10000x128xf32, #tpu.memory_space<hbm>> -> memref<10000x128xf32, #tpu.memory_space<hbm>>
      tpu.enqueue_indirect_dma source(%dma_start3A_73 : memref<10000x128xf32, #tpu.memory_space<hbm>>) target(%arg10 : memref<125x128xf32, #tpu.memory_space<vmem>>) offsets(%dma_start3A_70 : memref<125xi32, #tpu.memory_space<vmem>>) semaphore(%arg13 : memref<!tpu.dma_semaphore, #tpu.memory_space<semaphore_mem>>)
      %dma_wait3A = arith.constant 0 : i32
      %dma_wait3A_74 = tpu.memref_slice %arg7[%mul3A_65, %dma_wait3A] : memref<40x125xi32, #tpu.memory_space<vmem>> -> memref<1x125xi32, #tpu.memory_space<vmem>>
      %dma_wait3A_75 = tpu.memref_squeeze %dma_wait3A_74 : memref<1x125xi32, #tpu.memory_space<vmem>> -> memref<125xi32, #tpu.memory_space<vmem>>
      %dma_wait3A_76 = arith.constant 0 : i32
      %dma_wait3A_77 = arith.constant 0 : i32
      %dma_wait3A_78 = tpu.memref_slice %arg4[%dma_wait3A_76, %dma_wait3A_77] : memref<10000x128xf32, #tpu.memory_space<hbm>> -> memref<10000x128xf32, #tpu.memory_space<hbm>>
      tpu.wait_indirect_dma semaphore(%arg12 : memref<!tpu.dma_semaphore, #tpu.memory_space<semaphore_mem>>) src(%dma_wait3A_78 : memref<10000x128xf32, #tpu.memory_space<hbm>>) dst(%arg9 : memref<125x128xf32, #tpu.memory_space<vmem>>)
      "tpu.region"() ({
        %run_scoped3A_94 = tpu.sem_alloc : memref<!tpu.dma_semaphore, #tpu.memory_space<semaphore_mem>>
        %dma_start3A_95 = arith.constant 0 : i32
        %dma_start3A_96 = tpu.memref_slice %arg8[%mul3A_65, %dma_start3A_95] : memref<40x125xi32, #tpu.memory_space<vmem>> -> memref<1x125xi32, #tpu.memory_space<vmem>>
        %dma_start3A_97 = tpu.memref_squeeze %dma_start3A_96 : memref<1x125xi32, #tpu.memory_space<vmem>> -> memref<125xi32, #tpu.memory_space<vmem>>
        %dma_start3A_98 = arith.constant 0 : i32
        %dma_start3A_99 = arith.constant 0 : i32
        %dma_start3A_100 = tpu.memref_slice %arg11[%dma_start3A_98, %dma_start3A_99] : memref<10000x128xf32, #tpu.memory_space<vmem_shared>> -> memref<10000x128xf32, #tpu.memory_space<vmem_shared>>
        tpu.enqueue_indirect_dma source(%arg9 : memref<125x128xf32, #tpu.memory_space<vmem>>) target(%dma_start3A_100 : memref<10000x128xf32, #tpu.memory_space<vmem_shared>>) offsets(%dma_start3A_97 : memref<125xi32, #tpu.memory_space<vmem>>) semaphore(%run_scoped3A_94 : memref<!tpu.dma_semaphore, #tpu.memory_space<semaphore_mem>>) {add = true}
        %dma_wait3A_101 = arith.constant 0 : i32
        %dma_wait3A_102 = tpu.memref_slice %arg8[%mul3A_65, %dma_wait3A_101] : memref<40x125xi32, #tpu.memory_space<vmem>> -> memref<1x125xi32, #tpu.memory_space<vmem>>
        %dma_wait3A_103 = tpu.memref_squeeze %dma_wait3A_102 : memref<1x125xi32, #tpu.memory_space<vmem>> -> memref<125xi32, #tpu.memory_space<vmem>>
        %dma_wait3A_104 = arith.constant 0 : i32
        %dma_wait3A_105 = arith.constant 0 : i32
        %dma_wait3A_106 = tpu.memref_slice %arg11[%dma_wait3A_104, %dma_wait3A_105] : memref<10000x128xf32, #tpu.memory_space<vmem_shared>> -> memref<10000x128xf32, #tpu.memory_space<vmem_shared>>
        tpu.wait_indirect_dma semaphore(%run_scoped3A_94 : memref<!tpu.dma_semaphore, #tpu.memory_space<semaphore_mem>>) src(%arg9 : memref<125x128xf32, #tpu.memory_space<vmem>>) dst(%dma_wait3A_106 : memref<10000x128xf32, #tpu.memory_space<vmem_shared>>)
        tpu.yield
      }) : () -> ()
      %lt3A_79 = arith.constant 19 : i32
      %lt3A_80 = arith.cmpi slt, %scan3A_63, %lt3A_79 : i32
      %convert_element_type3A_81 = arith.extui %lt3A_80 : i1 to i32
      %cond3A_82 = arith.constant 0 : i32
      %cond3A_83 = arith.cmpi ne, %convert_element_type3A_81, %cond3A_82 : i32
      scf.if %cond3A_83 {
        %add3A_94 = arith.constant 2 : i32
        %add3A_95 = arith.addi %mul3A_65, %add3A_94 : i32
        %dma_start3A_96 = arith.constant 0 : i32
        %dma_start3A_97 = tpu.memref_slice %arg7[%add3A_95, %dma_start3A_96] : memref<40x125xi32, #tpu.memory_space<vmem>> -> memref<1x125xi32, #tpu.memory_space<vmem>>
        %dma_start3A_98 = tpu.memref_squeeze %dma_start3A_97 : memref<1x125xi32, #tpu.memory_space<vmem>> -> memref<125xi32, #tpu.memory_space<vmem>>
        %dma_start3A_99 = arith.constant 0 : i32
        %dma_start3A_100 = arith.constant 0 : i32
        %dma_start3A_101 = tpu.memref_slice %arg4[%dma_start3A_99, %dma_start3A_100] : memref<10000x128xf32, #tpu.memory_space<hbm>> -> memref<10000x128xf32, #tpu.memory_space<hbm>>
        tpu.enqueue_indirect_dma source(%dma_start3A_101 : memref<10000x128xf32, #tpu.memory_space<hbm>>) target(%arg9 : memref<125x128xf32, #tpu.memory_space<vmem>>) offsets(%dma_start3A_98 : memref<125xi32, #tpu.memory_space<vmem>>) semaphore(%arg12 : memref<!tpu.dma_semaphore, #tpu.memory_space<semaphore_mem>>)
      } else {
      }
      %add3A_84 = arith.constant 1 : i32
      %add3A_85 = arith.addi %mul3A_65, %add3A_84 : i32
      %dma_wait3A_86 = arith.constant 0 : i32
      %dma_wait3A_87 = tpu.memref_slice %arg7[%add3A_85, %dma_wait3A_86] : memref<40x125xi32, #tpu.memory_space<vmem>> -> memref<1x125xi32, #tpu.memory_space<vmem>>
      %dma_wait3A_88 = tpu.memref_squeeze %dma_wait3A_87 : memref<1x125xi32, #tpu.memory_space<vmem>> -> memref<125xi32, #tpu.memory_space<vmem>>
      %dma_wait3A_89 = arith.constant 0 : i32
      %dma_wait3A_90 = arith.constant 0 : i32
      %dma_wait3A_91 = tpu.memref_slice %arg4[%dma_wait3A_89, %dma_wait3A_90] : memref<10000x128xf32, #tpu.memory_space<hbm>> -> memref<10000x128xf32, #tpu.memory_space<hbm>>
      tpu.wait_indirect_dma semaphore(%arg13 : memref<!tpu.dma_semaphore, #tpu.memory_space<semaphore_mem>>) src(%dma_wait3A_91 : memref<10000x128xf32, #tpu.memory_space<hbm>>) dst(%arg10 : memref<125x128xf32, #tpu.memory_space<vmem>>)
      %add3A_92 = arith.constant 1 : i32
      %add3A_93 = arith.addi %mul3A_65, %add3A_92 : i32
      "tpu.region"() ({
        %run_scoped3A_94 = tpu.sem_alloc : memref<!tpu.dma_semaphore, #tpu.memory_space<semaphore_mem>>
        %dma_start3A_95 = arith.constant 0 : i32
        %dma_start3A_96 = tpu.memref_slice %arg8[%add3A_93, %dma_start3A_95] : memref<40x125xi32, #tpu.memory_space<vmem>> -> memref<1x125xi32, #tpu.memory_space<vmem>>
        %dma_start3A_97 = tpu.memref_squeeze %dma_start3A_96 : memref<1x125xi32, #tpu.memory_space<vmem>> -> memref<125xi32, #tpu.memory_space<vmem>>
        %dma_start3A_98 = arith.constant 0 : i32
        %dma_start3A_99 = arith.constant 0 : i32
        %dma_start3A_100 = tpu.memref_slice %arg11[%dma_start3A_98, %dma_start3A_99] : memref<10000x128xf32, #tpu.memory_space<vmem_shared>> -> memref<10000x128xf32, #tpu.memory_space<vmem_shared>>
        tpu.enqueue_indirect_dma source(%arg10 : memref<125x128xf32, #tpu.memory_space<vmem>>) target(%dma_start3A_100 : memref<10000x128xf32, #tpu.memory_space<vmem_shared>>) offsets(%dma_start3A_97 : memref<125xi32, #tpu.memory_space<vmem>>) semaphore(%run_scoped3A_94 : memref<!tpu.dma_semaphore, #tpu.memory_space<semaphore_mem>>) {add = true}
        %dma_wait3A_101 = arith.constant 0 : i32
        %dma_wait3A_102 = tpu.memref_slice %arg8[%add3A_93, %dma_wait3A_101] : memref<40x125xi32, #tpu.memory_space<vmem>> -> memref<1x125xi32, #tpu.memory_space<vmem>>
        %dma_wait3A_103 = tpu.memref_squeeze %dma_wait3A_102 : memref<1x125xi32, #tpu.memory_space<vmem>> -> memref<125xi32, #tpu.memory_space<vmem>>
        %dma_wait3A_104 = arith.constant 0 : i32
        %dma_wait3A_105 = arith.constant 0 : i32
        %dma_wait3A_106 = tpu.memref_slice %arg11[%dma_wait3A_104, %dma_wait3A_105] : memref<10000x128xf32, #tpu.memory_space<vmem_shared>> -> memref<10000x128xf32, #tpu.memory_space<vmem_shared>>
        tpu.wait_indirect_dma semaphore(%run_scoped3A_94 : memref<!tpu.dma_semaphore, #tpu.memory_space<semaphore_mem>>) src(%arg10 : memref<125x128xf32, #tpu.memory_space<vmem>>) dst(%dma_wait3A_106 : memref<10000x128xf32, #tpu.memory_space<vmem_shared>>)
        tpu.yield
      }) : () -> ()
    }
    %scan3A_51 = arith.constant 20 : i32
    %barrier3A_52 = arith.constant 0 : index
    tpu.barrier barrier_id(%barrier3A_52)
    %lt3A_53 = arith.constant 15 : i32
    %lt3A_54 = arith.cmpi slt, %arg1, %lt3A_53 : i32
    %convert_element_type3A_55 = arith.extui %lt3A_54 : i1 to i32
    %cond3A_56 = arith.constant 0 : i32
    %cond3A_57 = arith.cmpi ne, %convert_element_type3A_55, %cond3A_56 : i32
    scf.if %cond3A_57 {
      "tpu.region"() ({
        %run_scoped3A_63 = tpu.sem_alloc : memref<!tpu.dma_semaphore, #tpu.memory_space<semaphore_mem>>
        %dma_start3A_64 = arith.constant 0 : i32
        %dma_start3A_65 = tpu.memref_slice %arg6[%multiple_of3A_8, %dma_start3A_64] : memref<20000x128xf32, #tpu.memory_space<hbm>> -> memref<640x128xf32, #tpu.memory_space<hbm>>
        %dma_start3A_66 = arith.constant 0 : i32
        %dma_start3A_67 = tpu.memref_slice %arg11[%multiple_of3A, %dma_start3A_66] : memref<10000x128xf32, #tpu.memory_space<vmem_shared>> -> memref<640x128xf32, #tpu.memory_space<vmem_shared>>
        tpu.enqueue_dma source(%dma_start3A_67 : memref<640x128xf32, #tpu.memory_space<vmem_shared>>) target(%dma_start3A_65 : memref<640x128xf32, #tpu.memory_space<hbm>>) target_semaphore(%run_scoped3A_63 : memref<!tpu.dma_semaphore, #tpu.memory_space<semaphore_mem>>)
        %dma_wait3A = arith.constant 0 : i32
        %dma_wait3A_68 = tpu.memref_slice %arg6[%multiple_of3A_8, %dma_wait3A] : memref<20000x128xf32, #tpu.memory_space<hbm>> -> memref<640x128xf32, #tpu.memory_space<hbm>>
        %dma_wait3A_69 = arith.constant 0 : i32
        %dma_wait3A_70 = tpu.memref_slice %arg11[%multiple_of3A, %dma_wait3A_69] : memref<10000x128xf32, #tpu.memory_space<vmem_shared>> -> memref<640x128xf32, #tpu.memory_space<vmem_shared>>
        tpu.wait_dma2 semaphore(%run_scoped3A_63 : memref<!tpu.dma_semaphore, #tpu.memory_space<semaphore_mem>>) src(%dma_wait3A_70 : memref<640x128xf32, #tpu.memory_space<vmem_shared>>) dst(%dma_wait3A_68 : memref<640x128xf32, #tpu.memory_space<hbm>>)
        tpu.yield
      }) : () -> ()
    } else {
    }
    %eq3A_58 = arith.constant 15 : i32
    %eq3A_59 = arith.cmpi eq, %arg1, %eq3A_58 : i32
    %convert_element_type3A_60 = arith.extui %eq3A_59 : i1 to i32
    %cond3A_61 = arith.constant 0 : i32
    %cond3A_62 = arith.cmpi ne, %convert_element_type3A_60, %cond3A_61 : i32
    scf.if %cond3A_62 {
      "tpu.region"() ({
        %run_scoped3A_63 = tpu.sem_alloc : memref<!tpu.dma_semaphore, #tpu.memory_space<semaphore_mem>>
        %dma_start3A_64 = arith.constant 0 : i32
        %dma_start3A_65 = tpu.memref_slice %arg6[%multiple_of3A_8, %dma_start3A_64] : memref<20000x128xf32, #tpu.memory_space<hbm>> -> memref<400x128xf32, #tpu.memory_space<hbm>>
        %dma_start3A_66 = arith.constant 0 : i32
        %dma_start3A_67 = tpu.memref_slice %arg11[%multiple_of3A, %dma_start3A_66] : memref<10000x128xf32, #tpu.memory_space<vmem_shared>> -> memref<400x128xf32, #tpu.memory_space<vmem_shared>>
        tpu.enqueue_dma source(%dma_start3A_67 : memref<400x128xf32, #tpu.memory_space<vmem_shared>>) target(%dma_start3A_65 : memref<400x128xf32, #tpu.memory_space<hbm>>) target_semaphore(%run_scoped3A_63 : memref<!tpu.dma_semaphore, #tpu.memory_space<semaphore_mem>>)
        %dma_wait3A = arith.constant 0 : i32
        %dma_wait3A_68 = tpu.memref_slice %arg6[%multiple_of3A_8, %dma_wait3A] : memref<20000x128xf32, #tpu.memory_space<hbm>> -> memref<400x128xf32, #tpu.memory_space<hbm>>
        %dma_wait3A_69 = arith.constant 0 : i32
        %dma_wait3A_70 = tpu.memref_slice %arg11[%multiple_of3A, %dma_wait3A_69] : memref<10000x128xf32, #tpu.memory_space<vmem_shared>> -> memref<400x128xf32, #tpu.memory_space<vmem_shared>>
        tpu.wait_dma2 semaphore(%run_scoped3A_63 : memref<!tpu.dma_semaphore, #tpu.memory_space<semaphore_mem>>) src(%dma_wait3A_70 : memref<400x128xf32, #tpu.memory_space<vmem_shared>>) dst(%dma_wait3A_68 : memref<400x128xf32, #tpu.memory_space<hbm>>)
        tpu.yield
      }) : () -> ()
    } else {
    }
    return
  }
}

#map = affine_map<(d0, d1) -> (0, 0, 0, 0)>
#map1 = affine_map<(d0, d1) -> (0, 0)>
module attributes {stable_mosaic.version = 14 : i64} {
  func.func @_segsum_body(%arg0: i32, %arg1: i32, %arg2: memref<32x2x40x125xi32, #tpu.memory_space<hbm>>, %arg3: memref<32x2x40x125xi32, #tpu.memory_space<hbm>>, %arg4: memref<10000x128xf32, #tpu.memory_space<hbm>>, %arg5: memref<10000x128xf32, #tpu.memory_space<hbm>>, %arg6: memref<20000x128xf32, #tpu.memory_space<hbm>>, %arg7: memref<40x125xi32, #tpu.memory_space<vmem>>, %arg8: memref<40x125xi32, #tpu.memory_space<vmem>>, %arg9: memref<125x128xf32, #tpu.memory_space<vmem>>, %arg10: memref<125x128xf32, #tpu.memory_space<vmem>>, %arg11: memref<10000x128xf32, #tpu.memory_space<vmem_shared>>, %arg12: memref<!tpu.dma_semaphore, #tpu.memory_space<semaphore_mem>>, %arg13: memref<!tpu.dma_semaphore, #tpu.memory_space<semaphore_mem>>, %arg14: memref<!tpu.dma_semaphore, #tpu.memory_space<semaphore_mem>>) attributes {dimension_semantics = [#tpu.dimension_semantics<core_parallel>, #tpu.dimension_semantics<subcore_parallel>], iteration_bounds = array<i64: 2, 16>, scalar_prefetch = 0 : i64, scratch_operands = 8 : i64, tpu.core_type = #tpu.core_type<sc_vector_subcore>, window_params = [{transform_indices = #map}, {transform_indices = #map}, {transform_indices = #map1}, {transform_indices = #map1}, {transform_indices = #map1}]} {
    %mul3A = arith.constant 2 : i32
    %mul3A_0 = arith.muli %arg1, %mul3A : i32
    %add3A = arith.addi %mul3A_0, %arg0 : i32
    %mul3A_1 = arith.constant 640 : i32
    %mul3A_2 = arith.muli %arg1, %mul3A_1 : i32
    %multiple_of3A = tpu.assume_multiple %mul3A_2, 8 : i32
    %mul3A_3 = arith.constant 10000 : i32
    %mul3A_4 = arith.muli %arg0, %mul3A_3 : i32
    %mul3A_5 = arith.constant 640 : i32
    %mul3A_6 = arith.muli %arg1, %mul3A_5 : i32
    %add3A_7 = arith.addi %mul3A_4, %mul3A_6 : i32
    %multiple_of3A_8 = tpu.assume_multiple %add3A_7, 8 : i32
    %lt3A = arith.constant 15 : i32
    %lt3A_9 = arith.cmpi slt, %arg1, %lt3A : i32
    %convert_element_type3A = arith.extui %lt3A_9 : i1 to i32
    %cond3A = arith.constant 0 : i32
    %cond3A_10 = arith.cmpi ne, %convert_element_type3A, %cond3A : i32
    scf.if %cond3A_10 {
      %dma_start3A_63 = arith.constant 0 : i32
      %dma_start3A_64 = tpu.memref_slice %arg11[%multiple_of3A, %dma_start3A_63] : memref<10000x128xf32, #tpu.memory_space<vmem_shared>> -> memref<640x128xf32, #tpu.memory_space<vmem_shared>>
      %dma_start3A_65 = arith.constant 0 : i32
      %dma_start3A_66 = tpu.memref_slice %arg5[%multiple_of3A, %dma_start3A_65] : memref<10000x128xf32, #tpu.memory_space<hbm>> -> memref<640x128xf32, #tpu.memory_space<hbm>>
      tpu.enqueue_dma source(%dma_start3A_66 : memref<640x128xf32, #tpu.memory_space<hbm>>) target(%dma_start3A_64 : memref<640x128xf32, #tpu.memory_space<vmem_shared>>) target_semaphore(%arg14 : memref<!tpu.dma_semaphore, #tpu.memory_space<semaphore_mem>>)
    } else {
    }
    %eq3A = arith.constant 15 : i32
    %eq3A_11 = arith.cmpi eq, %arg1, %eq3A : i32
    %convert_element_type3A_12 = arith.extui %eq3A_11 : i1 to i32
    %cond3A_13 = arith.constant 0 : i32
    %cond3A_14 = arith.cmpi ne, %convert_element_type3A_12, %cond3A_13 : i32
    scf.if %cond3A_14 {
      %dma_start3A_63 = arith.constant 0 : i32
      %dma_start3A_64 = tpu.memref_slice %arg11[%multiple_of3A, %dma_start3A_63] : memref<10000x128xf32, #tpu.memory_space<vmem_shared>> -> memref<400x128xf32, #tpu.memory_space<vmem_shared>>
      %dma_start3A_65 = arith.constant 0 : i32
      %dma_start3A_66 = tpu.memref_slice %arg5[%multiple_of3A, %dma_start3A_65] : memref<10000x128xf32, #tpu.memory_space<hbm>> -> memref<400x128xf32, #tpu.memory_space<hbm>>
      tpu.enqueue_dma source(%dma_start3A_66 : memref<400x128xf32, #tpu.memory_space<hbm>>) target(%dma_start3A_64 : memref<400x128xf32, #tpu.memory_space<vmem_shared>>) target_semaphore(%arg14 : memref<!tpu.dma_semaphore, #tpu.memory_space<semaphore_mem>>)
    } else {
    }
    %run_scoped3A = arith.constant 0 : i32
    "tpu.region"() ({
      %run_scoped3A_63 = tpu.sem_alloc : memref<!tpu.dma_semaphore, #tpu.memory_space<semaphore_mem>>
      %dma_start3A_64 = arith.constant 0 : i32
      %dma_start3A_65 = arith.constant 0 : i32
      %dma_start3A_66 = tpu.memref_slice %arg2[%add3A, %run_scoped3A, %dma_start3A_64, %dma_start3A_65] : memref<32x2x40x125xi32, #tpu.memory_space<hbm>> -> memref<1x1x40x125xi32, #tpu.memory_space<hbm>>
      %dma_start3A_67 = tpu.memref_squeeze %dma_start3A_66 : memref<1x1x40x125xi32, #tpu.memory_space<hbm>> -> memref<40x125xi32, #tpu.memory_space<hbm>>
      %dma_start3A_68 = arith.constant 0 : i32
      %dma_start3A_69 = arith.constant 0 : i32
      %dma_start3A_70 = tpu.memref_slice %arg2[%add3A, %run_scoped3A, %dma_start3A_68, %dma_start3A_69] : memref<32x2x40x125xi32, #tpu.memory_space<hbm>> -> memref<1x1x40x125xi32, #tpu.memory_space<hbm>>
      %dma_start3A_71 = tpu.memref_squeeze %dma_start3A_70 : memref<1x1x40x125xi32, #tpu.memory_space<hbm>> -> memref<40x125xi32, #tpu.memory_space<hbm>>
      tpu.enqueue_dma source(%dma_start3A_71 : memref<40x125xi32, #tpu.memory_space<hbm>>) target(%arg7 : memref<40x125xi32, #tpu.memory_space<vmem>>) target_semaphore(%run_scoped3A_63 : memref<!tpu.dma_semaphore, #tpu.memory_space<semaphore_mem>>)
      %dma_wait3A = arith.constant 0 : i32
      %dma_wait3A_72 = arith.constant 0 : i32
      %dma_wait3A_73 = tpu.memref_slice %arg2[%add3A, %run_scoped3A, %dma_wait3A, %dma_wait3A_72] : memref<32x2x40x125xi32, #tpu.memory_space<hbm>> -> memref<1x1x40x125xi32, #tpu.memory_space<hbm>>
      %dma_wait3A_74 = tpu.memref_squeeze %dma_wait3A_73 : memref<1x1x40x125xi32, #tpu.memory_space<hbm>> -> memref<40x125xi32, #tpu.memory_space<hbm>>
      %dma_wait3A_75 = arith.constant 0 : i32
      %dma_wait3A_76 = arith.constant 0 : i32
      %dma_wait3A_77 = tpu.memref_slice %arg2[%add3A, %run_scoped3A, %dma_wait3A_75, %dma_wait3A_76] : memref<32x2x40x125xi32, #tpu.memory_space<hbm>> -> memref<1x1x40x125xi32, #tpu.memory_space<hbm>>
      %dma_wait3A_78 = tpu.memref_squeeze %dma_wait3A_77 : memref<1x1x40x125xi32, #tpu.memory_space<hbm>> -> memref<40x125xi32, #tpu.memory_space<hbm>>
      tpu.wait_dma2 semaphore(%run_scoped3A_63 : memref<!tpu.dma_semaphore, #tpu.memory_space<semaphore_mem>>) src(%dma_wait3A_78 : memref<40x125xi32, #tpu.memory_space<hbm>>) dst(%arg7 : memref<40x125xi32, #tpu.memory_space<vmem>>)
      tpu.yield
    }) : () -> ()
    %run_scoped3A_15 = arith.constant 0 : i32
    "tpu.region"() ({
      %run_scoped3A_63 = tpu.sem_alloc : memref<!tpu.dma_semaphore, #tpu.memory_space<semaphore_mem>>
      %dma_start3A_64 = arith.constant 0 : i32
      %dma_start3A_65 = arith.constant 0 : i32
      %dma_start3A_66 = tpu.memref_slice %arg3[%add3A, %run_scoped3A_15, %dma_start3A_64, %dma_start3A_65] : memref<32x2x40x125xi32, #tpu.memory_space<hbm>> -> memref<1x1x40x125xi32, #tpu.memory_space<hbm>>
      %dma_start3A_67 = tpu.memref_squeeze %dma_start3A_66 : memref<1x1x40x125xi32, #tpu.memory_space<hbm>> -> memref<40x125xi32, #tpu.memory_space<hbm>>
      %dma_start3A_68 = arith.constant 0 : i32
      %dma_start3A_69 = arith.constant 0 : i32
      %dma_start3A_70 = tpu.memref_slice %arg3[%add3A, %run_scoped3A_15, %dma_start3A_68, %dma_start3A_69] : memref<32x2x40x125xi32, #tpu.memory_space<hbm>> -> memref<1x1x40x125xi32, #tpu.memory_space<hbm>>
      %dma_start3A_71 = tpu.memref_squeeze %dma_start3A_70 : memref<1x1x40x125xi32, #tpu.memory_space<hbm>> -> memref<40x125xi32, #tpu.memory_space<hbm>>
      tpu.enqueue_dma source(%dma_start3A_71 : memref<40x125xi32, #tpu.memory_space<hbm>>) target(%arg8 : memref<40x125xi32, #tpu.memory_space<vmem>>) target_semaphore(%run_scoped3A_63 : memref<!tpu.dma_semaphore, #tpu.memory_space<semaphore_mem>>)
      %dma_wait3A = arith.constant 0 : i32
      %dma_wait3A_72 = arith.constant 0 : i32
      %dma_wait3A_73 = tpu.memref_slice %arg3[%add3A, %run_scoped3A_15, %dma_wait3A, %dma_wait3A_72] : memref<32x2x40x125xi32, #tpu.memory_space<hbm>> -> memref<1x1x40x125xi32, #tpu.memory_space<hbm>>
      %dma_wait3A_74 = tpu.memref_squeeze %dma_wait3A_73 : memref<1x1x40x125xi32, #tpu.memory_space<hbm>> -> memref<40x125xi32, #tpu.memory_space<hbm>>
      %dma_wait3A_75 = arith.constant 0 : i32
      %dma_wait3A_76 = arith.constant 0 : i32
      %dma_wait3A_77 = tpu.memref_slice %arg3[%add3A, %run_scoped3A_15, %dma_wait3A_75, %dma_wait3A_76] : memref<32x2x40x125xi32, #tpu.memory_space<hbm>> -> memref<1x1x40x125xi32, #tpu.memory_space<hbm>>
      %dma_wait3A_78 = tpu.memref_squeeze %dma_wait3A_77 : memref<1x1x40x125xi32, #tpu.memory_space<hbm>> -> memref<40x125xi32, #tpu.memory_space<hbm>>
      tpu.wait_dma2 semaphore(%run_scoped3A_63 : memref<!tpu.dma_semaphore, #tpu.memory_space<semaphore_mem>>) src(%dma_wait3A_78 : memref<40x125xi32, #tpu.memory_space<hbm>>) dst(%arg8 : memref<40x125xi32, #tpu.memory_space<vmem>>)
      tpu.yield
    }) : () -> ()
    %dma_start3A = arith.constant 0 : i32
    %dma_start3A_16 = arith.constant 0 : i32
    %dma_start3A_17 = tpu.memref_slice %arg7[%dma_start3A, %dma_start3A_16] : memref<40x125xi32, #tpu.memory_space<vmem>> -> memref<1x125xi32, #tpu.memory_space<vmem>>
    %dma_start3A_18 = tpu.memref_squeeze %dma_start3A_17 : memref<1x125xi32, #tpu.memory_space<vmem>> -> memref<125xi32, #tpu.memory_space<vmem>>
    %dma_start3A_19 = arith.constant 0 : i32
    %dma_start3A_20 = arith.constant 0 : i32
    %dma_start3A_21 = tpu.memref_slice %arg4[%dma_start3A_19, %dma_start3A_20] : memref<10000x128xf32, #tpu.memory_space<hbm>> -> memref<10000x128xf32, #tpu.memory_space<hbm>>
    tpu.enqueue_indirect_dma source(%dma_start3A_21 : memref<10000x128xf32, #tpu.memory_space<hbm>>) target(%arg9 : memref<125x128xf32, #tpu.memory_space<vmem>>) offsets(%dma_start3A_18 : memref<125xi32, #tpu.memory_space<vmem>>) semaphore(%arg12 : memref<!tpu.dma_semaphore, #tpu.memory_space<semaphore_mem>>)
    %lt3A_22 = arith.constant 15 : i32
    %lt3A_23 = arith.cmpi slt, %arg1, %lt3A_22 : i32
    %convert_element_type3A_24 = arith.extui %lt3A_23 : i1 to i32
    %cond3A_25 = arith.constant 0 : i32
    %cond3A_26 = arith.cmpi ne, %convert_element_type3A_24, %cond3A_25 : i32
    scf.if %cond3A_26 {
      %dma_wait3A = arith.constant 0 : i32
      %dma_wait3A_63 = tpu.memref_slice %arg11[%multiple_of3A, %dma_wait3A] : memref<10000x128xf32, #tpu.memory_space<vmem_shared>> -> memref<640x128xf32, #tpu.memory_space<vmem_shared>>
      %dma_wait3A_64 = arith.constant 0 : i32
      %dma_wait3A_65 = tpu.memref_slice %arg5[%multiple_of3A, %dma_wait3A_64] : memref<10000x128xf32, #tpu.memory_space<hbm>> -> memref<640x128xf32, #tpu.memory_space<hbm>>
      tpu.wait_dma2 semaphore(%arg14 : memref<!tpu.dma_semaphore, #tpu.memory_space<semaphore_mem>>) src(%dma_wait3A_65 : memref<640x128xf32, #tpu.memory_space<hbm>>) dst(%dma_wait3A_63 : memref<640x128xf32, #tpu.memory_space<vmem_shared>>)
    } else {
    }
    %eq3A_27 = arith.constant 15 : i32
    %eq3A_28 = arith.cmpi eq, %arg1, %eq3A_27 : i32
    %convert_element_type3A_29 = arith.extui %eq3A_28 : i1 to i32
    %cond3A_30 = arith.constant 0 : i32
    %cond3A_31 = arith.cmpi ne, %convert_element_type3A_29, %cond3A_30 : i32
    scf.if %cond3A_31 {
      %dma_wait3A = arith.constant 0 : i32
      %dma_wait3A_63 = tpu.memref_slice %arg11[%multiple_of3A, %dma_wait3A] : memref<10000x128xf32, #tpu.memory_space<vmem_shared>> -> memref<400x128xf32, #tpu.memory_space<vmem_shared>>
      %dma_wait3A_64 = arith.constant 0 : i32
      %dma_wait3A_65 = tpu.memref_slice %arg5[%multiple_of3A, %dma_wait3A_64] : memref<10000x128xf32, #tpu.memory_space<hbm>> -> memref<400x128xf32, #tpu.memory_space<hbm>>
      tpu.wait_dma2 semaphore(%arg14 : memref<!tpu.dma_semaphore, #tpu.memory_space<semaphore_mem>>) src(%dma_wait3A_65 : memref<400x128xf32, #tpu.memory_space<hbm>>) dst(%dma_wait3A_63 : memref<400x128xf32, #tpu.memory_space<vmem_shared>>)
    } else {
    }
    %barrier3A = arith.constant 0 : index
    tpu.barrier barrier_id(%barrier3A)
    %scan3A = arith.constant 0 : i32
    %scan3A_32 = arith.constant 0 : i32
    %scan3A_33 = arith.constant 20 : i32
    %scan3A_34 = arith.addi %scan3A_32, %scan3A_33 : i32
    %scan3A_35 = arith.constant 1 : i32
    scf.for %scan3A_63 = %scan3A_32 to %scan3A_34 step %scan3A_35  : i32 {
      %mul3A_64 = arith.constant 2 : i32
      %mul3A_65 = arith.muli %mul3A_64, %scan3A_63 : i32
      %add3A_66 = arith.constant 1 : i32
      %add3A_67 = arith.addi %mul3A_65, %add3A_66 : i32
      %dma_start3A_68 = arith.constant 0 : i32
      %dma_start3A_69 = tpu.memref_slice %arg7[%add3A_67, %dma_start3A_68] : memref<40x125xi32, #tpu.memory_space<vmem>> -> memref<1x125xi32, #tpu.memory_space<vmem>>
      %dma_start3A_70 = tpu.memref_squeeze %dma_start3A_69 : memref<1x125xi32, #tpu.memory_space<vmem>> -> memref<125xi32, #tpu.memory_space<vmem>>
      %dma_start3A_71 = arith.constant 0 : i32
      %dma_start3A_72 = arith.constant 0 : i32
      %dma_start3A_73 = tpu.memref_slice %arg4[%dma_start3A_71, %dma_start3A_72] : memref<10000x128xf32, #tpu.memory_space<hbm>> -> memref<10000x128xf32, #tpu.memory_space<hbm>>
      tpu.enqueue_indirect_dma source(%dma_start3A_73 : memref<10000x128xf32, #tpu.memory_space<hbm>>) target(%arg10 : memref<125x128xf32, #tpu.memory_space<vmem>>) offsets(%dma_start3A_70 : memref<125xi32, #tpu.memory_space<vmem>>) semaphore(%arg13 : memref<!tpu.dma_semaphore, #tpu.memory_space<semaphore_mem>>)
      %dma_wait3A = arith.constant 0 : i32
      %dma_wait3A_74 = tpu.memref_slice %arg7[%mul3A_65, %dma_wait3A] : memref<40x125xi32, #tpu.memory_space<vmem>> -> memref<1x125xi32, #tpu.memory_space<vmem>>
      %dma_wait3A_75 = tpu.memref_squeeze %dma_wait3A_74 : memref<1x125xi32, #tpu.memory_space<vmem>> -> memref<125xi32, #tpu.memory_space<vmem>>
      %dma_wait3A_76 = arith.constant 0 : i32
      %dma_wait3A_77 = arith.constant 0 : i32
      %dma_wait3A_78 = tpu.memref_slice %arg4[%dma_wait3A_76, %dma_wait3A_77] : memref<10000x128xf32, #tpu.memory_space<hbm>> -> memref<10000x128xf32, #tpu.memory_space<hbm>>
      tpu.wait_indirect_dma semaphore(%arg12 : memref<!tpu.dma_semaphore, #tpu.memory_space<semaphore_mem>>) src(%dma_wait3A_78 : memref<10000x128xf32, #tpu.memory_space<hbm>>) dst(%arg9 : memref<125x128xf32, #tpu.memory_space<vmem>>)
      "tpu.region"() ({
        %run_scoped3A_94 = tpu.sem_alloc : memref<!tpu.dma_semaphore, #tpu.memory_space<semaphore_mem>>
        %dma_start3A_95 = arith.constant 0 : i32
        %dma_start3A_96 = tpu.memref_slice %arg8[%mul3A_65, %dma_start3A_95] : memref<40x125xi32, #tpu.memory_space<vmem>> -> memref<1x125xi32, #tpu.memory_space<vmem>>
        %dma_start3A_97 = tpu.memref_squeeze %dma_start3A_96 : memref<1x125xi32, #tpu.memory_space<vmem>> -> memref<125xi32, #tpu.memory_space<vmem>>
        %dma_start3A_98 = arith.constant 0 : i32
        %dma_start3A_99 = arith.constant 0 : i32
        %dma_start3A_100 = tpu.memref_slice %arg11[%dma_start3A_98, %dma_start3A_99] : memref<10000x128xf32, #tpu.memory_space<vmem_shared>> -> memref<10000x128xf32, #tpu.memory_space<vmem_shared>>
        tpu.enqueue_indirect_dma source(%arg9 : memref<125x128xf32, #tpu.memory_space<vmem>>) target(%dma_start3A_100 : memref<10000x128xf32, #tpu.memory_space<vmem_shared>>) offsets(%dma_start3A_97 : memref<125xi32, #tpu.memory_space<vmem>>) semaphore(%run_scoped3A_94 : memref<!tpu.dma_semaphore, #tpu.memory_space<semaphore_mem>>) {add = true}
        %dma_wait3A_101 = arith.constant 0 : i32
        %dma_wait3A_102 = tpu.memref_slice %arg8[%mul3A_65, %dma_wait3A_101] : memref<40x125xi32, #tpu.memory_space<vmem>> -> memref<1x125xi32, #tpu.memory_space<vmem>>
        %dma_wait3A_103 = tpu.memref_squeeze %dma_wait3A_102 : memref<1x125xi32, #tpu.memory_space<vmem>> -> memref<125xi32, #tpu.memory_space<vmem>>
        %dma_wait3A_104 = arith.constant 0 : i32
        %dma_wait3A_105 = arith.constant 0 : i32
        %dma_wait3A_106 = tpu.memref_slice %arg11[%dma_wait3A_104, %dma_wait3A_105] : memref<10000x128xf32, #tpu.memory_space<vmem_shared>> -> memref<10000x128xf32, #tpu.memory_space<vmem_shared>>
        tpu.wait_indirect_dma semaphore(%run_scoped3A_94 : memref<!tpu.dma_semaphore, #tpu.memory_space<semaphore_mem>>) src(%arg9 : memref<125x128xf32, #tpu.memory_space<vmem>>) dst(%dma_wait3A_106 : memref<10000x128xf32, #tpu.memory_space<vmem_shared>>)
        tpu.yield
      }) : () -> ()
      %lt3A_79 = arith.constant 19 : i32
      %lt3A_80 = arith.cmpi slt, %scan3A_63, %lt3A_79 : i32
      %convert_element_type3A_81 = arith.extui %lt3A_80 : i1 to i32
      %cond3A_82 = arith.constant 0 : i32
      %cond3A_83 = arith.cmpi ne, %convert_element_type3A_81, %cond3A_82 : i32
      scf.if %cond3A_83 {
        %add3A_94 = arith.constant 2 : i32
        %add3A_95 = arith.addi %mul3A_65, %add3A_94 : i32
        %dma_start3A_96 = arith.constant 0 : i32
        %dma_start3A_97 = tpu.memref_slice %arg7[%add3A_95, %dma_start3A_96] : memref<40x125xi32, #tpu.memory_space<vmem>> -> memref<1x125xi32, #tpu.memory_space<vmem>>
        %dma_start3A_98 = tpu.memref_squeeze %dma_start3A_97 : memref<1x125xi32, #tpu.memory_space<vmem>> -> memref<125xi32, #tpu.memory_space<vmem>>
        %dma_start3A_99 = arith.constant 0 : i32
        %dma_start3A_100 = arith.constant 0 : i32
        %dma_start3A_101 = tpu.memref_slice %arg4[%dma_start3A_99, %dma_start3A_100] : memref<10000x128xf32, #tpu.memory_space<hbm>> -> memref<10000x128xf32, #tpu.memory_space<hbm>>
        tpu.enqueue_indirect_dma source(%dma_start3A_101 : memref<10000x128xf32, #tpu.memory_space<hbm>>) target(%arg9 : memref<125x128xf32, #tpu.memory_space<vmem>>) offsets(%dma_start3A_98 : memref<125xi32, #tpu.memory_space<vmem>>) semaphore(%arg12 : memref<!tpu.dma_semaphore, #tpu.memory_space<semaphore_mem>>)
      } else {
      }
      %add3A_84 = arith.constant 1 : i32
      %add3A_85 = arith.addi %mul3A_65, %add3A_84 : i32
      %dma_wait3A_86 = arith.constant 0 : i32
      %dma_wait3A_87 = tpu.memref_slice %arg7[%add3A_85, %dma_wait3A_86] : memref<40x125xi32, #tpu.memory_space<vmem>> -> memref<1x125xi32, #tpu.memory_space<vmem>>
      %dma_wait3A_88 = tpu.memref_squeeze %dma_wait3A_87 : memref<1x125xi32, #tpu.memory_space<vmem>> -> memref<125xi32, #tpu.memory_space<vmem>>
      %dma_wait3A_89 = arith.constant 0 : i32
      %dma_wait3A_90 = arith.constant 0 : i32
      %dma_wait3A_91 = tpu.memref_slice %arg4[%dma_wait3A_89, %dma_wait3A_90] : memref<10000x128xf32, #tpu.memory_space<hbm>> -> memref<10000x128xf32, #tpu.memory_space<hbm>>
      tpu.wait_indirect_dma semaphore(%arg13 : memref<!tpu.dma_semaphore, #tpu.memory_space<semaphore_mem>>) src(%dma_wait3A_91 : memref<10000x128xf32, #tpu.memory_space<hbm>>) dst(%arg10 : memref<125x128xf32, #tpu.memory_space<vmem>>)
      %add3A_92 = arith.constant 1 : i32
      %add3A_93 = arith.addi %mul3A_65, %add3A_92 : i32
      "tpu.region"() ({
        %run_scoped3A_94 = tpu.sem_alloc : memref<!tpu.dma_semaphore, #tpu.memory_space<semaphore_mem>>
        %dma_start3A_95 = arith.constant 0 : i32
        %dma_start3A_96 = tpu.memref_slice %arg8[%add3A_93, %dma_start3A_95] : memref<40x125xi32, #tpu.memory_space<vmem>> -> memref<1x125xi32, #tpu.memory_space<vmem>>
        %dma_start3A_97 = tpu.memref_squeeze %dma_start3A_96 : memref<1x125xi32, #tpu.memory_space<vmem>> -> memref<125xi32, #tpu.memory_space<vmem>>
        %dma_start3A_98 = arith.constant 0 : i32
        %dma_start3A_99 = arith.constant 0 : i32
        %dma_start3A_100 = tpu.memref_slice %arg11[%dma_start3A_98, %dma_start3A_99] : memref<10000x128xf32, #tpu.memory_space<vmem_shared>> -> memref<10000x128xf32, #tpu.memory_space<vmem_shared>>
        tpu.enqueue_indirect_dma source(%arg10 : memref<125x128xf32, #tpu.memory_space<vmem>>) target(%dma_start3A_100 : memref<10000x128xf32, #tpu.memory_space<vmem_shared>>) offsets(%dma_start3A_97 : memref<125xi32, #tpu.memory_space<vmem>>) semaphore(%run_scoped3A_94 : memref<!tpu.dma_semaphore, #tpu.memory_space<semaphore_mem>>) {add = true}
        %dma_wait3A_101 = arith.constant 0 : i32
        %dma_wait3A_102 = tpu.memref_slice %arg8[%add3A_93, %dma_wait3A_101] : memref<40x125xi32, #tpu.memory_space<vmem>> -> memref<1x125xi32, #tpu.memory_space<vmem>>
        %dma_wait3A_103 = tpu.memref_squeeze %dma_wait3A_102 : memref<1x125xi32, #tpu.memory_space<vmem>> -> memref<125xi32, #tpu.memory_space<vmem>>
        %dma_wait3A_104 = arith.constant 0 : i32
        %dma_wait3A_105 = arith.constant 0 : i32
        %dma_wait3A_106 = tpu.memref_slice %arg11[%dma_wait3A_104, %dma_wait3A_105] : memref<10000x128xf32, #tpu.memory_space<vmem_shared>> -> memref<10000x128xf32, #tpu.memory_space<vmem_shared>>
        tpu.wait_indirect_dma semaphore(%run_scoped3A_94 : memref<!tpu.dma_semaphore, #tpu.memory_space<semaphore_mem>>) src(%arg10 : memref<125x128xf32, #tpu.memory_space<vmem>>) dst(%dma_wait3A_106 : memref<10000x128xf32, #tpu.memory_space<vmem_shared>>)
        tpu.yield
      }) : () -> ()
    }
    %scan3A_36 = arith.constant 20 : i32
    %run_scoped3A_37 = arith.constant 1 : i32
    "tpu.region"() ({
      %run_scoped3A_63 = tpu.sem_alloc : memref<!tpu.dma_semaphore, #tpu.memory_space<semaphore_mem>>
      %dma_start3A_64 = arith.constant 0 : i32
      %dma_start3A_65 = arith.constant 0 : i32
      %dma_start3A_66 = tpu.memref_slice %arg2[%add3A, %run_scoped3A_37, %dma_start3A_64, %dma_start3A_65] : memref<32x2x40x125xi32, #tpu.memory_space<hbm>> -> memref<1x1x40x125xi32, #tpu.memory_space<hbm>>
      %dma_start3A_67 = tpu.memref_squeeze %dma_start3A_66 : memref<1x1x40x125xi32, #tpu.memory_space<hbm>> -> memref<40x125xi32, #tpu.memory_space<hbm>>
      %dma_start3A_68 = arith.constant 0 : i32
      %dma_start3A_69 = arith.constant 0 : i32
      %dma_start3A_70 = tpu.memref_slice %arg2[%add3A, %run_scoped3A_37, %dma_start3A_68, %dma_start3A_69] : memref<32x2x40x125xi32, #tpu.memory_space<hbm>> -> memref<1x1x40x125xi32, #tpu.memory_space<hbm>>
      %dma_start3A_71 = tpu.memref_squeeze %dma_start3A_70 : memref<1x1x40x125xi32, #tpu.memory_space<hbm>> -> memref<40x125xi32, #tpu.memory_space<hbm>>
      tpu.enqueue_dma source(%dma_start3A_71 : memref<40x125xi32, #tpu.memory_space<hbm>>) target(%arg7 : memref<40x125xi32, #tpu.memory_space<vmem>>) target_semaphore(%run_scoped3A_63 : memref<!tpu.dma_semaphore, #tpu.memory_space<semaphore_mem>>)
      %dma_wait3A = arith.constant 0 : i32
      %dma_wait3A_72 = arith.constant 0 : i32
      %dma_wait3A_73 = tpu.memref_slice %arg2[%add3A, %run_scoped3A_37, %dma_wait3A, %dma_wait3A_72] : memref<32x2x40x125xi32, #tpu.memory_space<hbm>> -> memref<1x1x40x125xi32, #tpu.memory_space<hbm>>
      %dma_wait3A_74 = tpu.memref_squeeze %dma_wait3A_73 : memref<1x1x40x125xi32, #tpu.memory_space<hbm>> -> memref<40x125xi32, #tpu.memory_space<hbm>>
      %dma_wait3A_75 = arith.constant 0 : i32
      %dma_wait3A_76 = arith.constant 0 : i32
      %dma_wait3A_77 = tpu.memref_slice %arg2[%add3A, %run_scoped3A_37, %dma_wait3A_75, %dma_wait3A_76] : memref<32x2x40x125xi32, #tpu.memory_space<hbm>> -> memref<1x1x40x125xi32, #tpu.memory_space<hbm>>
      %dma_wait3A_78 = tpu.memref_squeeze %dma_wait3A_77 : memref<1x1x40x125xi32, #tpu.memory_space<hbm>> -> memref<40x125xi32, #tpu.memory_space<hbm>>
      tpu.wait_dma2 semaphore(%run_scoped3A_63 : memref<!tpu.dma_semaphore, #tpu.memory_space<semaphore_mem>>) src(%dma_wait3A_78 : memref<40x125xi32, #tpu.memory_space<hbm>>) dst(%arg7 : memref<40x125xi32, #tpu.memory_space<vmem>>)
      tpu.yield
    }) : () -> ()
    %run_scoped3A_38 = arith.constant 1 : i32
    "tpu.region"() ({
      %run_scoped3A_63 = tpu.sem_alloc : memref<!tpu.dma_semaphore, #tpu.memory_space<semaphore_mem>>
      %dma_start3A_64 = arith.constant 0 : i32
      %dma_start3A_65 = arith.constant 0 : i32
      %dma_start3A_66 = tpu.memref_slice %arg3[%add3A, %run_scoped3A_38, %dma_start3A_64, %dma_start3A_65] : memref<32x2x40x125xi32, #tpu.memory_space<hbm>> -> memref<1x1x40x125xi32, #tpu.memory_space<hbm>>
      %dma_start3A_67 = tpu.memref_squeeze %dma_start3A_66 : memref<1x1x40x125xi32, #tpu.memory_space<hbm>> -> memref<40x125xi32, #tpu.memory_space<hbm>>
      %dma_start3A_68 = arith.constant 0 : i32
      %dma_start3A_69 = arith.constant 0 : i32
      %dma_start3A_70 = tpu.memref_slice %arg3[%add3A, %run_scoped3A_38, %dma_start3A_68, %dma_start3A_69] : memref<32x2x40x125xi32, #tpu.memory_space<hbm>> -> memref<1x1x40x125xi32, #tpu.memory_space<hbm>>
      %dma_start3A_71 = tpu.memref_squeeze %dma_start3A_70 : memref<1x1x40x125xi32, #tpu.memory_space<hbm>> -> memref<40x125xi32, #tpu.memory_space<hbm>>
      tpu.enqueue_dma source(%dma_start3A_71 : memref<40x125xi32, #tpu.memory_space<hbm>>) target(%arg8 : memref<40x125xi32, #tpu.memory_space<vmem>>) target_semaphore(%run_scoped3A_63 : memref<!tpu.dma_semaphore, #tpu.memory_space<semaphore_mem>>)
      %dma_wait3A = arith.constant 0 : i32
      %dma_wait3A_72 = arith.constant 0 : i32
      %dma_wait3A_73 = tpu.memref_slice %arg3[%add3A, %run_scoped3A_38, %dma_wait3A, %dma_wait3A_72] : memref<32x2x40x125xi32, #tpu.memory_space<hbm>> -> memref<1x1x40x125xi32, #tpu.memory_space<hbm>>
      %dma_wait3A_74 = tpu.memref_squeeze %dma_wait3A_73 : memref<1x1x40x125xi32, #tpu.memory_space<hbm>> -> memref<40x125xi32, #tpu.memory_space<hbm>>
      %dma_wait3A_75 = arith.constant 0 : i32
      %dma_wait3A_76 = arith.constant 0 : i32
      %dma_wait3A_77 = tpu.memref_slice %arg3[%add3A, %run_scoped3A_38, %dma_wait3A_75, %dma_wait3A_76] : memref<32x2x40x125xi32, #tpu.memory_space<hbm>> -> memref<1x1x40x125xi32, #tpu.memory_space<hbm>>
      %dma_wait3A_78 = tpu.memref_squeeze %dma_wait3A_77 : memref<1x1x40x125xi32, #tpu.memory_space<hbm>> -> memref<40x125xi32, #tpu.memory_space<hbm>>
      tpu.wait_dma2 semaphore(%run_scoped3A_63 : memref<!tpu.dma_semaphore, #tpu.memory_space<semaphore_mem>>) src(%dma_wait3A_78 : memref<40x125xi32, #tpu.memory_space<hbm>>) dst(%arg8 : memref<40x125xi32, #tpu.memory_space<vmem>>)
      tpu.yield
    }) : () -> ()
    %dma_start3A_39 = arith.constant 0 : i32
    %dma_start3A_40 = arith.constant 0 : i32
    %dma_start3A_41 = tpu.memref_slice %arg7[%dma_start3A_39, %dma_start3A_40] : memref<40x125xi32, #tpu.memory_space<vmem>> -> memref<1x125xi32, #tpu.memory_space<vmem>>
    %dma_start3A_42 = tpu.memref_squeeze %dma_start3A_41 : memref<1x125xi32, #tpu.memory_space<vmem>> -> memref<125xi32, #tpu.memory_space<vmem>>
    %dma_start3A_43 = arith.constant 0 : i32
    %dma_start3A_44 = arith.constant 0 : i32
    %dma_start3A_45 = tpu.memref_slice %arg4[%dma_start3A_43, %dma_start3A_44] : memref<10000x128xf32, #tpu.memory_space<hbm>> -> memref<10000x128xf32, #tpu.memory_space<hbm>>
    tpu.enqueue_indirect_dma source(%dma_start3A_45 : memref<10000x128xf32, #tpu.memory_space<hbm>>) target(%arg9 : memref<125x128xf32, #tpu.memory_space<vmem>>) offsets(%dma_start3A_42 : memref<125xi32, #tpu.memory_space<vmem>>) semaphore(%arg12 : memref<!tpu.dma_semaphore, #tpu.memory_space<semaphore_mem>>)
    %scan3A_46 = arith.constant 0 : i32
    %scan3A_47 = arith.constant 0 : i32
    %scan3A_48 = arith.constant 20 : i32
    %scan3A_49 = arith.addi %scan3A_47, %scan3A_48 : i32
    %scan3A_50 = arith.constant 1 : i32
    scf.for %scan3A_63 = %scan3A_47 to %scan3A_49 step %scan3A_50  : i32 {
      %mul3A_64 = arith.constant 2 : i32
      %mul3A_65 = arith.muli %mul3A_64, %scan3A_63 : i32
      %add3A_66 = arith.constant 1 : i32
      %add3A_67 = arith.addi %mul3A_65, %add3A_66 : i32
      %dma_start3A_68 = arith.constant 0 : i32
      %dma_start3A_69 = tpu.memref_slice %arg7[%add3A_67, %dma_start3A_68] : memref<40x125xi32, #tpu.memory_space<vmem>> -> memref<1x125xi32, #tpu.memory_space<vmem>>
      %dma_start3A_70 = tpu.memref_squeeze %dma_start3A_69 : memref<1x125xi32, #tpu.memory_space<vmem>> -> memref<125xi32, #tpu.memory_space<vmem>>
      %dma_start3A_71 = arith.constant 0 : i32
      %dma_start3A_72 = arith.constant 0 : i32
      %dma_start3A_73 = tpu.memref_slice %arg4[%dma_start3A_71, %dma_start3A_72] : memref<10000x128xf32, #tpu.memory_space<hbm>> -> memref<10000x128xf32, #tpu.memory_space<hbm>>
      tpu.enqueue_indirect_dma source(%dma_start3A_73 : memref<10000x128xf32, #tpu.memory_space<hbm>>) target(%arg10 : memref<125x128xf32, #tpu.memory_space<vmem>>) offsets(%dma_start3A_70 : memref<125xi32, #tpu.memory_space<vmem>>) semaphore(%arg13 : memref<!tpu.dma_semaphore, #tpu.memory_space<semaphore_mem>>)
      %dma_wait3A = arith.constant 0 : i32
      %dma_wait3A_74 = tpu.memref_slice %arg7[%mul3A_65, %dma_wait3A] : memref<40x125xi32, #tpu.memory_space<vmem>> -> memref<1x125xi32, #tpu.memory_space<vmem>>
      %dma_wait3A_75 = tpu.memref_squeeze %dma_wait3A_74 : memref<1x125xi32, #tpu.memory_space<vmem>> -> memref<125xi32, #tpu.memory_space<vmem>>
      %dma_wait3A_76 = arith.constant 0 : i32
      %dma_wait3A_77 = arith.constant 0 : i32
      %dma_wait3A_78 = tpu.memref_slice %arg4[%dma_wait3A_76, %dma_wait3A_77] : memref<10000x128xf32, #tpu.memory_space<hbm>> -> memref<10000x128xf32, #tpu.memory_space<hbm>>
      tpu.wait_indirect_dma semaphore(%arg12 : memref<!tpu.dma_semaphore, #tpu.memory_space<semaphore_mem>>) src(%dma_wait3A_78 : memref<10000x128xf32, #tpu.memory_space<hbm>>) dst(%arg9 : memref<125x128xf32, #tpu.memory_space<vmem>>)
      "tpu.region"() ({
        %run_scoped3A_94 = tpu.sem_alloc : memref<!tpu.dma_semaphore, #tpu.memory_space<semaphore_mem>>
        %dma_start3A_95 = arith.constant 0 : i32
        %dma_start3A_96 = tpu.memref_slice %arg8[%mul3A_65, %dma_start3A_95] : memref<40x125xi32, #tpu.memory_space<vmem>> -> memref<1x125xi32, #tpu.memory_space<vmem>>
        %dma_start3A_97 = tpu.memref_squeeze %dma_start3A_96 : memref<1x125xi32, #tpu.memory_space<vmem>> -> memref<125xi32, #tpu.memory_space<vmem>>
        %dma_start3A_98 = arith.constant 0 : i32
        %dma_start3A_99 = arith.constant 0 : i32
        %dma_start3A_100 = tpu.memref_slice %arg11[%dma_start3A_98, %dma_start3A_99] : memref<10000x128xf32, #tpu.memory_space<vmem_shared>> -> memref<10000x128xf32, #tpu.memory_space<vmem_shared>>
        tpu.enqueue_indirect_dma source(%arg9 : memref<125x128xf32, #tpu.memory_space<vmem>>) target(%dma_start3A_100 : memref<10000x128xf32, #tpu.memory_space<vmem_shared>>) offsets(%dma_start3A_97 : memref<125xi32, #tpu.memory_space<vmem>>) semaphore(%run_scoped3A_94 : memref<!tpu.dma_semaphore, #tpu.memory_space<semaphore_mem>>) {add = true}
        %dma_wait3A_101 = arith.constant 0 : i32
        %dma_wait3A_102 = tpu.memref_slice %arg8[%mul3A_65, %dma_wait3A_101] : memref<40x125xi32, #tpu.memory_space<vmem>> -> memref<1x125xi32, #tpu.memory_space<vmem>>
        %dma_wait3A_103 = tpu.memref_squeeze %dma_wait3A_102 : memref<1x125xi32, #tpu.memory_space<vmem>> -> memref<125xi32, #tpu.memory_space<vmem>>
        %dma_wait3A_104 = arith.constant 0 : i32
        %dma_wait3A_105 = arith.constant 0 : i32
        %dma_wait3A_106 = tpu.memref_slice %arg11[%dma_wait3A_104, %dma_wait3A_105] : memref<10000x128xf32, #tpu.memory_space<vmem_shared>> -> memref<10000x128xf32, #tpu.memory_space<vmem_shared>>
        tpu.wait_indirect_dma semaphore(%run_scoped3A_94 : memref<!tpu.dma_semaphore, #tpu.memory_space<semaphore_mem>>) src(%arg9 : memref<125x128xf32, #tpu.memory_space<vmem>>) dst(%dma_wait3A_106 : memref<10000x128xf32, #tpu.memory_space<vmem_shared>>)
        tpu.yield
      }) : () -> ()
      %lt3A_79 = arith.constant 19 : i32
      %lt3A_80 = arith.cmpi slt, %scan3A_63, %lt3A_79 : i32
      %convert_element_type3A_81 = arith.extui %lt3A_80 : i1 to i32
      %cond3A_82 = arith.constant 0 : i32
      %cond3A_83 = arith.cmpi ne, %convert_element_type3A_81, %cond3A_82 : i32
      scf.if %cond3A_83 {
        %add3A_94 = arith.constant 2 : i32
        %add3A_95 = arith.addi %mul3A_65, %add3A_94 : i32
        %dma_start3A_96 = arith.constant 0 : i32
        %dma_start3A_97 = tpu.memref_slice %arg7[%add3A_95, %dma_start3A_96] : memref<40x125xi32, #tpu.memory_space<vmem>> -> memref<1x125xi32, #tpu.memory_space<vmem>>
        %dma_start3A_98 = tpu.memref_squeeze %dma_start3A_97 : memref<1x125xi32, #tpu.memory_space<vmem>> -> memref<125xi32, #tpu.memory_space<vmem>>
        %dma_start3A_99 = arith.constant 0 : i32
        %dma_start3A_100 = arith.constant 0 : i32
        %dma_start3A_101 = tpu.memref_slice %arg4[%dma_start3A_99, %dma_start3A_100] : memref<10000x128xf32, #tpu.memory_space<hbm>> -> memref<10000x128xf32, #tpu.memory_space<hbm>>
        tpu.enqueue_indirect_dma source(%dma_start3A_101 : memref<10000x128xf32, #tpu.memory_space<hbm>>) target(%arg9 : memref<125x128xf32, #tpu.memory_space<vmem>>) offsets(%dma_start3A_98 : memref<125xi32, #tpu.memory_space<vmem>>) semaphore(%arg12 : memref<!tpu.dma_semaphore, #tpu.memory_space<semaphore_mem>>)
      } else {
      }
      %add3A_84 = arith.constant 1 : i32
      %add3A_85 = arith.addi %mul3A_65, %add3A_84 : i32
      %dma_wait3A_86 = arith.constant 0 : i32
      %dma_wait3A_87 = tpu.memref_slice %arg7[%add3A_85, %dma_wait3A_86] : memref<40x125xi32, #tpu.memory_space<vmem>> -> memref<1x125xi32, #tpu.memory_space<vmem>>
      %dma_wait3A_88 = tpu.memref_squeeze %dma_wait3A_87 : memref<1x125xi32, #tpu.memory_space<vmem>> -> memref<125xi32, #tpu.memory_space<vmem>>
      %dma_wait3A_89 = arith.constant 0 : i32
      %dma_wait3A_90 = arith.constant 0 : i32
      %dma_wait3A_91 = tpu.memref_slice %arg4[%dma_wait3A_89, %dma_wait3A_90] : memref<10000x128xf32, #tpu.memory_space<hbm>> -> memref<10000x128xf32, #tpu.memory_space<hbm>>
      tpu.wait_indirect_dma semaphore(%arg13 : memref<!tpu.dma_semaphore, #tpu.memory_space<semaphore_mem>>) src(%dma_wait3A_91 : memref<10000x128xf32, #tpu.memory_space<hbm>>) dst(%arg10 : memref<125x128xf32, #tpu.memory_space<vmem>>)
      %add3A_92 = arith.constant 1 : i32
      %add3A_93 = arith.addi %mul3A_65, %add3A_92 : i32
      "tpu.region"() ({
        %run_scoped3A_94 = tpu.sem_alloc : memref<!tpu.dma_semaphore, #tpu.memory_space<semaphore_mem>>
        %dma_start3A_95 = arith.constant 0 : i32
        %dma_start3A_96 = tpu.memref_slice %arg8[%add3A_93, %dma_start3A_95] : memref<40x125xi32, #tpu.memory_space<vmem>> -> memref<1x125xi32, #tpu.memory_space<vmem>>
        %dma_start3A_97 = tpu.memref_squeeze %dma_start3A_96 : memref<1x125xi32, #tpu.memory_space<vmem>> -> memref<125xi32, #tpu.memory_space<vmem>>
        %dma_start3A_98 = arith.constant 0 : i32
        %dma_start3A_99 = arith.constant 0 : i32
        %dma_start3A_100 = tpu.memref_slice %arg11[%dma_start3A_98, %dma_start3A_99] : memref<10000x128xf32, #tpu.memory_space<vmem_shared>> -> memref<10000x128xf32, #tpu.memory_space<vmem_shared>>
        tpu.enqueue_indirect_dma source(%arg10 : memref<125x128xf32, #tpu.memory_space<vmem>>) target(%dma_start3A_100 : memref<10000x128xf32, #tpu.memory_space<vmem_shared>>) offsets(%dma_start3A_97 : memref<125xi32, #tpu.memory_space<vmem>>) semaphore(%run_scoped3A_94 : memref<!tpu.dma_semaphore, #tpu.memory_space<semaphore_mem>>) {add = true}
        %dma_wait3A_101 = arith.constant 0 : i32
        %dma_wait3A_102 = tpu.memref_slice %arg8[%add3A_93, %dma_wait3A_101] : memref<40x125xi32, #tpu.memory_space<vmem>> -> memref<1x125xi32, #tpu.memory_space<vmem>>
        %dma_wait3A_103 = tpu.memref_squeeze %dma_wait3A_102 : memref<1x125xi32, #tpu.memory_space<vmem>> -> memref<125xi32, #tpu.memory_space<vmem>>
        %dma_wait3A_104 = arith.constant 0 : i32
        %dma_wait3A_105 = arith.constant 0 : i32
        %dma_wait3A_106 = tpu.memref_slice %arg11[%dma_wait3A_104, %dma_wait3A_105] : memref<10000x128xf32, #tpu.memory_space<vmem_shared>> -> memref<10000x128xf32, #tpu.memory_space<vmem_shared>>
        tpu.wait_indirect_dma semaphore(%run_scoped3A_94 : memref<!tpu.dma_semaphore, #tpu.memory_space<semaphore_mem>>) src(%arg10 : memref<125x128xf32, #tpu.memory_space<vmem>>) dst(%dma_wait3A_106 : memref<10000x128xf32, #tpu.memory_space<vmem_shared>>)
        tpu.yield
      }) : () -> ()
    }
    %scan3A_51 = arith.constant 20 : i32
    %barrier3A_52 = arith.constant 0 : index
    tpu.barrier barrier_id(%barrier3A_52)
    %lt3A_53 = arith.constant 15 : i32
    %lt3A_54 = arith.cmpi slt, %arg1, %lt3A_53 : i32
    %convert_element_type3A_55 = arith.extui %lt3A_54 : i1 to i32
    %cond3A_56 = arith.constant 0 : i32
    %cond3A_57 = arith.cmpi ne, %convert_element_type3A_55, %cond3A_56 : i32
    scf.if %cond3A_57 {
      "tpu.region"() ({
        %run_scoped3A_63 = tpu.sem_alloc : memref<!tpu.dma_semaphore, #tpu.memory_space<semaphore_mem>>
        %dma_start3A_64 = arith.constant 0 : i32
        %dma_start3A_65 = tpu.memref_slice %arg6[%multiple_of3A_8, %dma_start3A_64] : memref<20000x128xf32, #tpu.memory_space<hbm>> -> memref<640x128xf32, #tpu.memory_space<hbm>>
        %dma_start3A_66 = arith.constant 0 : i32
        %dma_start3A_67 = tpu.memref_slice %arg11[%multiple_of3A, %dma_start3A_66] : memref<10000x128xf32, #tpu.memory_space<vmem_shared>> -> memref<640x128xf32, #tpu.memory_space<vmem_shared>>
        tpu.enqueue_dma source(%dma_start3A_67 : memref<640x128xf32, #tpu.memory_space<vmem_shared>>) target(%dma_start3A_65 : memref<640x128xf32, #tpu.memory_space<hbm>>) target_semaphore(%run_scoped3A_63 : memref<!tpu.dma_semaphore, #tpu.memory_space<semaphore_mem>>)
        %dma_wait3A = arith.constant 0 : i32
        %dma_wait3A_68 = tpu.memref_slice %arg6[%multiple_of3A_8, %dma_wait3A] : memref<20000x128xf32, #tpu.memory_space<hbm>> -> memref<640x128xf32, #tpu.memory_space<hbm>>
        %dma_wait3A_69 = arith.constant 0 : i32
        %dma_wait3A_70 = tpu.memref_slice %arg11[%multiple_of3A, %dma_wait3A_69] : memref<10000x128xf32, #tpu.memory_space<vmem_shared>> -> memref<640x128xf32, #tpu.memory_space<vmem_shared>>
        tpu.wait_dma2 semaphore(%run_scoped3A_63 : memref<!tpu.dma_semaphore, #tpu.memory_space<semaphore_mem>>) src(%dma_wait3A_70 : memref<640x128xf32, #tpu.memory_space<vmem_shared>>) dst(%dma_wait3A_68 : memref<640x128xf32, #tpu.memory_space<hbm>>)
        tpu.yield
      }) : () -> ()
    } else {
    }
    %eq3A_58 = arith.constant 15 : i32
    %eq3A_59 = arith.cmpi eq, %arg1, %eq3A_58 : i32
    %convert_element_type3A_60 = arith.extui %eq3A_59 : i1 to i32
    %cond3A_61 = arith.constant 0 : i32
    %cond3A_62 = arith.cmpi ne, %convert_element_type3A_60, %cond3A_61 : i32
    scf.if %cond3A_62 {
      "tpu.region"() ({
        %run_scoped3A_63 = tpu.sem_alloc : memref<!tpu.dma_semaphore, #tpu.memory_space<semaphore_mem>>
        %dma_start3A_64 = arith.constant 0 : i32
        %dma_start3A_65 = tpu.memref_slice %arg6[%multiple_of3A_8, %dma_start3A_64] : memref<20000x128xf32, #tpu.memory_space<hbm>> -> memref<400x128xf32, #tpu.memory_space<hbm>>
        %dma_start3A_66 = arith.constant 0 : i32
        %dma_start3A_67 = tpu.memref_slice %arg11[%multiple_of3A, %dma_start3A_66] : memref<10000x128xf32, #tpu.memory_space<vmem_shared>> -> memref<400x128xf32, #tpu.memory_space<vmem_shared>>
        tpu.enqueue_dma source(%dma_start3A_67 : memref<400x128xf32, #tpu.memory_space<vmem_shared>>) target(%dma_start3A_65 : memref<400x128xf32, #tpu.memory_space<hbm>>) target_semaphore(%run_scoped3A_63 : memref<!tpu.dma_semaphore, #tpu.memory_space<semaphore_mem>>)
        %dma_wait3A = arith.constant 0 : i32
        %dma_wait3A_68 = tpu.memref_slice %arg6[%multiple_of3A_8, %dma_wait3A] : memref<20000x128xf32, #tpu.memory_space<hbm>> -> memref<400x128xf32, #tpu.memory_space<hbm>>
        %dma_wait3A_69 = arith.constant 0 : i32
        %dma_wait3A_70 = tpu.memref_slice %arg11[%multiple_of3A, %dma_wait3A_69] : memref<10000x128xf32, #tpu.memory_space<vmem_shared>> -> memref<400x128xf32, #tpu.memory_space<vmem_shared>>
        tpu.wait_dma2 semaphore(%run_scoped3A_63 : memref<!tpu.dma_semaphore, #tpu.memory_space<semaphore_mem>>) src(%dma_wait3A_70 : memref<400x128xf32, #tpu.memory_space<vmem_shared>>) dst(%dma_wait3A_68 : memref<400x128xf32, #tpu.memory_space<hbm>>)
        tpu.yield
      }) : () -> ()
    } else {
    }
    return
  }
}

#map = affine_map<(d0, d1) -> (0, 0, 0, 0)>
#map1 = affine_map<(d0, d1) -> (0, 0)>
module attributes {stable_mosaic.version = 14 : i64} {
  func.func @_segsum_body(%arg0: i32, %arg1: i32, %arg2: memref<32x2x40x125xi32, #tpu.memory_space<hbm>>, %arg3: memref<32x2x40x125xi32, #tpu.memory_space<hbm>>, %arg4: memref<10000x128xf32, #tpu.memory_space<hbm>>, %arg5: memref<10000x128xf32, #tpu.memory_space<hbm>>, %arg6: memref<20000x128xf32, #tpu.memory_space<hbm>>, %arg7: memref<40x125xi32, #tpu.memory_space<vmem>>, %arg8: memref<40x125xi32, #tpu.memory_space<vmem>>, %arg9: memref<125x128xf32, #tpu.memory_space<vmem>>, %arg10: memref<125x128xf32, #tpu.memory_space<vmem>>, %arg11: memref<10000x128xf32, #tpu.memory_space<vmem_shared>>, %arg12: memref<!tpu.dma_semaphore, #tpu.memory_space<semaphore_mem>>, %arg13: memref<!tpu.dma_semaphore, #tpu.memory_space<semaphore_mem>>, %arg14: memref<!tpu.dma_semaphore, #tpu.memory_space<semaphore_mem>>) attributes {dimension_semantics = [#tpu.dimension_semantics<core_parallel>, #tpu.dimension_semantics<subcore_parallel>], iteration_bounds = array<i64: 2, 16>, scalar_prefetch = 0 : i64, scratch_operands = 8 : i64, tpu.core_type = #tpu.core_type<sc_vector_subcore>, window_params = [{transform_indices = #map}, {transform_indices = #map}, {transform_indices = #map1}, {transform_indices = #map1}, {transform_indices = #map1}]} {
    %mul3A = arith.constant 2 : i32
    %mul3A_0 = arith.muli %arg1, %mul3A : i32
    %add3A = arith.addi %mul3A_0, %arg0 : i32
    %mul3A_1 = arith.constant 640 : i32
    %mul3A_2 = arith.muli %arg1, %mul3A_1 : i32
    %multiple_of3A = tpu.assume_multiple %mul3A_2, 8 : i32
    %mul3A_3 = arith.constant 10000 : i32
    %mul3A_4 = arith.muli %arg0, %mul3A_3 : i32
    %mul3A_5 = arith.constant 640 : i32
    %mul3A_6 = arith.muli %arg1, %mul3A_5 : i32
    %add3A_7 = arith.addi %mul3A_4, %mul3A_6 : i32
    %multiple_of3A_8 = tpu.assume_multiple %add3A_7, 8 : i32
    %lt3A = arith.constant 15 : i32
    %lt3A_9 = arith.cmpi slt, %arg1, %lt3A : i32
    %convert_element_type3A = arith.extui %lt3A_9 : i1 to i32
    %cond3A = arith.constant 0 : i32
    %cond3A_10 = arith.cmpi ne, %convert_element_type3A, %cond3A : i32
    scf.if %cond3A_10 {
      %dma_start3A_63 = arith.constant 0 : i32
      %dma_start3A_64 = tpu.memref_slice %arg11[%multiple_of3A, %dma_start3A_63] : memref<10000x128xf32, #tpu.memory_space<vmem_shared>> -> memref<640x128xf32, #tpu.memory_space<vmem_shared>>
      %dma_start3A_65 = arith.constant 0 : i32
      %dma_start3A_66 = tpu.memref_slice %arg5[%multiple_of3A, %dma_start3A_65] : memref<10000x128xf32, #tpu.memory_space<hbm>> -> memref<640x128xf32, #tpu.memory_space<hbm>>
      tpu.enqueue_dma source(%dma_start3A_66 : memref<640x128xf32, #tpu.memory_space<hbm>>) target(%dma_start3A_64 : memref<640x128xf32, #tpu.memory_space<vmem_shared>>) target_semaphore(%arg14 : memref<!tpu.dma_semaphore, #tpu.memory_space<semaphore_mem>>)
    } else {
    }
    %eq3A = arith.constant 15 : i32
    %eq3A_11 = arith.cmpi eq, %arg1, %eq3A : i32
    %convert_element_type3A_12 = arith.extui %eq3A_11 : i1 to i32
    %cond3A_13 = arith.constant 0 : i32
    %cond3A_14 = arith.cmpi ne, %convert_element_type3A_12, %cond3A_13 : i32
    scf.if %cond3A_14 {
      %dma_start3A_63 = arith.constant 0 : i32
      %dma_start3A_64 = tpu.memref_slice %arg11[%multiple_of3A, %dma_start3A_63] : memref<10000x128xf32, #tpu.memory_space<vmem_shared>> -> memref<400x128xf32, #tpu.memory_space<vmem_shared>>
      %dma_start3A_65 = arith.constant 0 : i32
      %dma_start3A_66 = tpu.memref_slice %arg5[%multiple_of3A, %dma_start3A_65] : memref<10000x128xf32, #tpu.memory_space<hbm>> -> memref<400x128xf32, #tpu.memory_space<hbm>>
      tpu.enqueue_dma source(%dma_start3A_66 : memref<400x128xf32, #tpu.memory_space<hbm>>) target(%dma_start3A_64 : memref<400x128xf32, #tpu.memory_space<vmem_shared>>) target_semaphore(%arg14 : memref<!tpu.dma_semaphore, #tpu.memory_space<semaphore_mem>>)
    } else {
    }
    %run_scoped3A = arith.constant 0 : i32
    "tpu.region"() ({
      %run_scoped3A_63 = tpu.sem_alloc : memref<!tpu.dma_semaphore, #tpu.memory_space<semaphore_mem>>
      %dma_start3A_64 = arith.constant 0 : i32
      %dma_start3A_65 = arith.constant 0 : i32
      %dma_start3A_66 = tpu.memref_slice %arg2[%add3A, %run_scoped3A, %dma_start3A_64, %dma_start3A_65] : memref<32x2x40x125xi32, #tpu.memory_space<hbm>> -> memref<1x1x40x125xi32, #tpu.memory_space<hbm>>
      %dma_start3A_67 = tpu.memref_squeeze %dma_start3A_66 : memref<1x1x40x125xi32, #tpu.memory_space<hbm>> -> memref<40x125xi32, #tpu.memory_space<hbm>>
      %dma_start3A_68 = arith.constant 0 : i32
      %dma_start3A_69 = arith.constant 0 : i32
      %dma_start3A_70 = tpu.memref_slice %arg2[%add3A, %run_scoped3A, %dma_start3A_68, %dma_start3A_69] : memref<32x2x40x125xi32, #tpu.memory_space<hbm>> -> memref<1x1x40x125xi32, #tpu.memory_space<hbm>>
      %dma_start3A_71 = tpu.memref_squeeze %dma_start3A_70 : memref<1x1x40x125xi32, #tpu.memory_space<hbm>> -> memref<40x125xi32, #tpu.memory_space<hbm>>
      tpu.enqueue_dma source(%dma_start3A_71 : memref<40x125xi32, #tpu.memory_space<hbm>>) target(%arg7 : memref<40x125xi32, #tpu.memory_space<vmem>>) target_semaphore(%run_scoped3A_63 : memref<!tpu.dma_semaphore, #tpu.memory_space<semaphore_mem>>)
      %dma_wait3A = arith.constant 0 : i32
      %dma_wait3A_72 = arith.constant 0 : i32
      %dma_wait3A_73 = tpu.memref_slice %arg2[%add3A, %run_scoped3A, %dma_wait3A, %dma_wait3A_72] : memref<32x2x40x125xi32, #tpu.memory_space<hbm>> -> memref<1x1x40x125xi32, #tpu.memory_space<hbm>>
      %dma_wait3A_74 = tpu.memref_squeeze %dma_wait3A_73 : memref<1x1x40x125xi32, #tpu.memory_space<hbm>> -> memref<40x125xi32, #tpu.memory_space<hbm>>
      %dma_wait3A_75 = arith.constant 0 : i32
      %dma_wait3A_76 = arith.constant 0 : i32
      %dma_wait3A_77 = tpu.memref_slice %arg2[%add3A, %run_scoped3A, %dma_wait3A_75, %dma_wait3A_76] : memref<32x2x40x125xi32, #tpu.memory_space<hbm>> -> memref<1x1x40x125xi32, #tpu.memory_space<hbm>>
      %dma_wait3A_78 = tpu.memref_squeeze %dma_wait3A_77 : memref<1x1x40x125xi32, #tpu.memory_space<hbm>> -> memref<40x125xi32, #tpu.memory_space<hbm>>
      tpu.wait_dma2 semaphore(%run_scoped3A_63 : memref<!tpu.dma_semaphore, #tpu.memory_space<semaphore_mem>>) src(%dma_wait3A_78 : memref<40x125xi32, #tpu.memory_space<hbm>>) dst(%arg7 : memref<40x125xi32, #tpu.memory_space<vmem>>)
      tpu.yield
    }) : () -> ()
    %run_scoped3A_15 = arith.constant 0 : i32
    "tpu.region"() ({
      %run_scoped3A_63 = tpu.sem_alloc : memref<!tpu.dma_semaphore, #tpu.memory_space<semaphore_mem>>
      %dma_start3A_64 = arith.constant 0 : i32
      %dma_start3A_65 = arith.constant 0 : i32
      %dma_start3A_66 = tpu.memref_slice %arg3[%add3A, %run_scoped3A_15, %dma_start3A_64, %dma_start3A_65] : memref<32x2x40x125xi32, #tpu.memory_space<hbm>> -> memref<1x1x40x125xi32, #tpu.memory_space<hbm>>
      %dma_start3A_67 = tpu.memref_squeeze %dma_start3A_66 : memref<1x1x40x125xi32, #tpu.memory_space<hbm>> -> memref<40x125xi32, #tpu.memory_space<hbm>>
      %dma_start3A_68 = arith.constant 0 : i32
      %dma_start3A_69 = arith.constant 0 : i32
      %dma_start3A_70 = tpu.memref_slice %arg3[%add3A, %run_scoped3A_15, %dma_start3A_68, %dma_start3A_69] : memref<32x2x40x125xi32, #tpu.memory_space<hbm>> -> memref<1x1x40x125xi32, #tpu.memory_space<hbm>>
      %dma_start3A_71 = tpu.memref_squeeze %dma_start3A_70 : memref<1x1x40x125xi32, #tpu.memory_space<hbm>> -> memref<40x125xi32, #tpu.memory_space<hbm>>
      tpu.enqueue_dma source(%dma_start3A_71 : memref<40x125xi32, #tpu.memory_space<hbm>>) target(%arg8 : memref<40x125xi32, #tpu.memory_space<vmem>>) target_semaphore(%run_scoped3A_63 : memref<!tpu.dma_semaphore, #tpu.memory_space<semaphore_mem>>)
      %dma_wait3A = arith.constant 0 : i32
      %dma_wait3A_72 = arith.constant 0 : i32
      %dma_wait3A_73 = tpu.memref_slice %arg3[%add3A, %run_scoped3A_15, %dma_wait3A, %dma_wait3A_72] : memref<32x2x40x125xi32, #tpu.memory_space<hbm>> -> memref<1x1x40x125xi32, #tpu.memory_space<hbm>>
      %dma_wait3A_74 = tpu.memref_squeeze %dma_wait3A_73 : memref<1x1x40x125xi32, #tpu.memory_space<hbm>> -> memref<40x125xi32, #tpu.memory_space<hbm>>
      %dma_wait3A_75 = arith.constant 0 : i32
      %dma_wait3A_76 = arith.constant 0 : i32
      %dma_wait3A_77 = tpu.memref_slice %arg3[%add3A, %run_scoped3A_15, %dma_wait3A_75, %dma_wait3A_76] : memref<32x2x40x125xi32, #tpu.memory_space<hbm>> -> memref<1x1x40x125xi32, #tpu.memory_space<hbm>>
      %dma_wait3A_78 = tpu.memref_squeeze %dma_wait3A_77 : memref<1x1x40x125xi32, #tpu.memory_space<hbm>> -> memref<40x125xi32, #tpu.memory_space<hbm>>
      tpu.wait_dma2 semaphore(%run_scoped3A_63 : memref<!tpu.dma_semaphore, #tpu.memory_space<semaphore_mem>>) src(%dma_wait3A_78 : memref<40x125xi32, #tpu.memory_space<hbm>>) dst(%arg8 : memref<40x125xi32, #tpu.memory_space<vmem>>)
      tpu.yield
    }) : () -> ()
    %dma_start3A = arith.constant 0 : i32
    %dma_start3A_16 = arith.constant 0 : i32
    %dma_start3A_17 = tpu.memref_slice %arg7[%dma_start3A, %dma_start3A_16] : memref<40x125xi32, #tpu.memory_space<vmem>> -> memref<1x125xi32, #tpu.memory_space<vmem>>
    %dma_start3A_18 = tpu.memref_squeeze %dma_start3A_17 : memref<1x125xi32, #tpu.memory_space<vmem>> -> memref<125xi32, #tpu.memory_space<vmem>>
    %dma_start3A_19 = arith.constant 0 : i32
    %dma_start3A_20 = arith.constant 0 : i32
    %dma_start3A_21 = tpu.memref_slice %arg4[%dma_start3A_19, %dma_start3A_20] : memref<10000x128xf32, #tpu.memory_space<hbm>> -> memref<10000x128xf32, #tpu.memory_space<hbm>>
    tpu.enqueue_indirect_dma source(%dma_start3A_21 : memref<10000x128xf32, #tpu.memory_space<hbm>>) target(%arg9 : memref<125x128xf32, #tpu.memory_space<vmem>>) offsets(%dma_start3A_18 : memref<125xi32, #tpu.memory_space<vmem>>) semaphore(%arg12 : memref<!tpu.dma_semaphore, #tpu.memory_space<semaphore_mem>>)
    %lt3A_22 = arith.constant 15 : i32
    %lt3A_23 = arith.cmpi slt, %arg1, %lt3A_22 : i32
    %convert_element_type3A_24 = arith.extui %lt3A_23 : i1 to i32
    %cond3A_25 = arith.constant 0 : i32
    %cond3A_26 = arith.cmpi ne, %convert_element_type3A_24, %cond3A_25 : i32
    scf.if %cond3A_26 {
      %dma_wait3A = arith.constant 0 : i32
      %dma_wait3A_63 = tpu.memref_slice %arg11[%multiple_of3A, %dma_wait3A] : memref<10000x128xf32, #tpu.memory_space<vmem_shared>> -> memref<640x128xf32, #tpu.memory_space<vmem_shared>>
      %dma_wait3A_64 = arith.constant 0 : i32
      %dma_wait3A_65 = tpu.memref_slice %arg5[%multiple_of3A, %dma_wait3A_64] : memref<10000x128xf32, #tpu.memory_space<hbm>> -> memref<640x128xf32, #tpu.memory_space<hbm>>
      tpu.wait_dma2 semaphore(%arg14 : memref<!tpu.dma_semaphore, #tpu.memory_space<semaphore_mem>>) src(%dma_wait3A_65 : memref<640x128xf32, #tpu.memory_space<hbm>>) dst(%dma_wait3A_63 : memref<640x128xf32, #tpu.memory_space<vmem_shared>>)
    } else {
    }
    %eq3A_27 = arith.constant 15 : i32
    %eq3A_28 = arith.cmpi eq, %arg1, %eq3A_27 : i32
    %convert_element_type3A_29 = arith.extui %eq3A_28 : i1 to i32
    %cond3A_30 = arith.constant 0 : i32
    %cond3A_31 = arith.cmpi ne, %convert_element_type3A_29, %cond3A_30 : i32
    scf.if %cond3A_31 {
      %dma_wait3A = arith.constant 0 : i32
      %dma_wait3A_63 = tpu.memref_slice %arg11[%multiple_of3A, %dma_wait3A] : memref<10000x128xf32, #tpu.memory_space<vmem_shared>> -> memref<400x128xf32, #tpu.memory_space<vmem_shared>>
      %dma_wait3A_64 = arith.constant 0 : i32
      %dma_wait3A_65 = tpu.memref_slice %arg5[%multiple_of3A, %dma_wait3A_64] : memref<10000x128xf32, #tpu.memory_space<hbm>> -> memref<400x128xf32, #tpu.memory_space<hbm>>
      tpu.wait_dma2 semaphore(%arg14 : memref<!tpu.dma_semaphore, #tpu.memory_space<semaphore_mem>>) src(%dma_wait3A_65 : memref<400x128xf32, #tpu.memory_space<hbm>>) dst(%dma_wait3A_63 : memref<400x128xf32, #tpu.memory_space<vmem_shared>>)
    } else {
    }
    %barrier3A = arith.constant 0 : index
    tpu.barrier barrier_id(%barrier3A)
    %scan3A = arith.constant 0 : i32
    %scan3A_32 = arith.constant 0 : i32
    %scan3A_33 = arith.constant 20 : i32
    %scan3A_34 = arith.addi %scan3A_32, %scan3A_33 : i32
    %scan3A_35 = arith.constant 1 : i32
    scf.for %scan3A_63 = %scan3A_32 to %scan3A_34 step %scan3A_35  : i32 {
      %mul3A_64 = arith.constant 2 : i32
      %mul3A_65 = arith.muli %mul3A_64, %scan3A_63 : i32
      %add3A_66 = arith.constant 1 : i32
      %add3A_67 = arith.addi %mul3A_65, %add3A_66 : i32
      %dma_start3A_68 = arith.constant 0 : i32
      %dma_start3A_69 = tpu.memref_slice %arg7[%add3A_67, %dma_start3A_68] : memref<40x125xi32, #tpu.memory_space<vmem>> -> memref<1x125xi32, #tpu.memory_space<vmem>>
      %dma_start3A_70 = tpu.memref_squeeze %dma_start3A_69 : memref<1x125xi32, #tpu.memory_space<vmem>> -> memref<125xi32, #tpu.memory_space<vmem>>
      %dma_start3A_71 = arith.constant 0 : i32
      %dma_start3A_72 = arith.constant 0 : i32
      %dma_start3A_73 = tpu.memref_slice %arg4[%dma_start3A_71, %dma_start3A_72] : memref<10000x128xf32, #tpu.memory_space<hbm>> -> memref<10000x128xf32, #tpu.memory_space<hbm>>
      tpu.enqueue_indirect_dma source(%dma_start3A_73 : memref<10000x128xf32, #tpu.memory_space<hbm>>) target(%arg10 : memref<125x128xf32, #tpu.memory_space<vmem>>) offsets(%dma_start3A_70 : memref<125xi32, #tpu.memory_space<vmem>>) semaphore(%arg13 : memref<!tpu.dma_semaphore, #tpu.memory_space<semaphore_mem>>)
      %dma_wait3A = arith.constant 0 : i32
      %dma_wait3A_74 = tpu.memref_slice %arg7[%mul3A_65, %dma_wait3A] : memref<40x125xi32, #tpu.memory_space<vmem>> -> memref<1x125xi32, #tpu.memory_space<vmem>>
      %dma_wait3A_75 = tpu.memref_squeeze %dma_wait3A_74 : memref<1x125xi32, #tpu.memory_space<vmem>> -> memref<125xi32, #tpu.memory_space<vmem>>
      %dma_wait3A_76 = arith.constant 0 : i32
      %dma_wait3A_77 = arith.constant 0 : i32
      %dma_wait3A_78 = tpu.memref_slice %arg4[%dma_wait3A_76, %dma_wait3A_77] : memref<10000x128xf32, #tpu.memory_space<hbm>> -> memref<10000x128xf32, #tpu.memory_space<hbm>>
      tpu.wait_indirect_dma semaphore(%arg12 : memref<!tpu.dma_semaphore, #tpu.memory_space<semaphore_mem>>) src(%dma_wait3A_78 : memref<10000x128xf32, #tpu.memory_space<hbm>>) dst(%arg9 : memref<125x128xf32, #tpu.memory_space<vmem>>)
      "tpu.region"() ({
        %run_scoped3A_94 = tpu.sem_alloc : memref<!tpu.dma_semaphore, #tpu.memory_space<semaphore_mem>>
        %dma_start3A_95 = arith.constant 0 : i32
        %dma_start3A_96 = tpu.memref_slice %arg8[%mul3A_65, %dma_start3A_95] : memref<40x125xi32, #tpu.memory_space<vmem>> -> memref<1x125xi32, #tpu.memory_space<vmem>>
        %dma_start3A_97 = tpu.memref_squeeze %dma_start3A_96 : memref<1x125xi32, #tpu.memory_space<vmem>> -> memref<125xi32, #tpu.memory_space<vmem>>
        %dma_start3A_98 = arith.constant 0 : i32
        %dma_start3A_99 = arith.constant 0 : i32
        %dma_start3A_100 = tpu.memref_slice %arg11[%dma_start3A_98, %dma_start3A_99] : memref<10000x128xf32, #tpu.memory_space<vmem_shared>> -> memref<10000x128xf32, #tpu.memory_space<vmem_shared>>
        tpu.enqueue_indirect_dma source(%arg9 : memref<125x128xf32, #tpu.memory_space<vmem>>) target(%dma_start3A_100 : memref<10000x128xf32, #tpu.memory_space<vmem_shared>>) offsets(%dma_start3A_97 : memref<125xi32, #tpu.memory_space<vmem>>) semaphore(%run_scoped3A_94 : memref<!tpu.dma_semaphore, #tpu.memory_space<semaphore_mem>>) {add = true}
        %dma_wait3A_101 = arith.constant 0 : i32
        %dma_wait3A_102 = tpu.memref_slice %arg8[%mul3A_65, %dma_wait3A_101] : memref<40x125xi32, #tpu.memory_space<vmem>> -> memref<1x125xi32, #tpu.memory_space<vmem>>
        %dma_wait3A_103 = tpu.memref_squeeze %dma_wait3A_102 : memref<1x125xi32, #tpu.memory_space<vmem>> -> memref<125xi32, #tpu.memory_space<vmem>>
        %dma_wait3A_104 = arith.constant 0 : i32
        %dma_wait3A_105 = arith.constant 0 : i32
        %dma_wait3A_106 = tpu.memref_slice %arg11[%dma_wait3A_104, %dma_wait3A_105] : memref<10000x128xf32, #tpu.memory_space<vmem_shared>> -> memref<10000x128xf32, #tpu.memory_space<vmem_shared>>
        tpu.wait_indirect_dma semaphore(%run_scoped3A_94 : memref<!tpu.dma_semaphore, #tpu.memory_space<semaphore_mem>>) src(%arg9 : memref<125x128xf32, #tpu.memory_space<vmem>>) dst(%dma_wait3A_106 : memref<10000x128xf32, #tpu.memory_space<vmem_shared>>)
        tpu.yield
      }) : () -> ()
      %lt3A_79 = arith.constant 19 : i32
      %lt3A_80 = arith.cmpi slt, %scan3A_63, %lt3A_79 : i32
      %convert_element_type3A_81 = arith.extui %lt3A_80 : i1 to i32
      %cond3A_82 = arith.constant 0 : i32
      %cond3A_83 = arith.cmpi ne, %convert_element_type3A_81, %cond3A_82 : i32
      scf.if %cond3A_83 {
        %add3A_94 = arith.constant 2 : i32
        %add3A_95 = arith.addi %mul3A_65, %add3A_94 : i32
        %dma_start3A_96 = arith.constant 0 : i32
        %dma_start3A_97 = tpu.memref_slice %arg7[%add3A_95, %dma_start3A_96] : memref<40x125xi32, #tpu.memory_space<vmem>> -> memref<1x125xi32, #tpu.memory_space<vmem>>
        %dma_start3A_98 = tpu.memref_squeeze %dma_start3A_97 : memref<1x125xi32, #tpu.memory_space<vmem>> -> memref<125xi32, #tpu.memory_space<vmem>>
        %dma_start3A_99 = arith.constant 0 : i32
        %dma_start3A_100 = arith.constant 0 : i32
        %dma_start3A_101 = tpu.memref_slice %arg4[%dma_start3A_99, %dma_start3A_100] : memref<10000x128xf32, #tpu.memory_space<hbm>> -> memref<10000x128xf32, #tpu.memory_space<hbm>>
        tpu.enqueue_indirect_dma source(%dma_start3A_101 : memref<10000x128xf32, #tpu.memory_space<hbm>>) target(%arg9 : memref<125x128xf32, #tpu.memory_space<vmem>>) offsets(%dma_start3A_98 : memref<125xi32, #tpu.memory_space<vmem>>) semaphore(%arg12 : memref<!tpu.dma_semaphore, #tpu.memory_space<semaphore_mem>>)
      } else {
      }
      %add3A_84 = arith.constant 1 : i32
      %add3A_85 = arith.addi %mul3A_65, %add3A_84 : i32
      %dma_wait3A_86 = arith.constant 0 : i32
      %dma_wait3A_87 = tpu.memref_slice %arg7[%add3A_85, %dma_wait3A_86] : memref<40x125xi32, #tpu.memory_space<vmem>> -> memref<1x125xi32, #tpu.memory_space<vmem>>
      %dma_wait3A_88 = tpu.memref_squeeze %dma_wait3A_87 : memref<1x125xi32, #tpu.memory_space<vmem>> -> memref<125xi32, #tpu.memory_space<vmem>>
      %dma_wait3A_89 = arith.constant 0 : i32
      %dma_wait3A_90 = arith.constant 0 : i32
      %dma_wait3A_91 = tpu.memref_slice %arg4[%dma_wait3A_89, %dma_wait3A_90] : memref<10000x128xf32, #tpu.memory_space<hbm>> -> memref<10000x128xf32, #tpu.memory_space<hbm>>
      tpu.wait_indirect_dma semaphore(%arg13 : memref<!tpu.dma_semaphore, #tpu.memory_space<semaphore_mem>>) src(%dma_wait3A_91 : memref<10000x128xf32, #tpu.memory_space<hbm>>) dst(%arg10 : memref<125x128xf32, #tpu.memory_space<vmem>>)
      %add3A_92 = arith.constant 1 : i32
      %add3A_93 = arith.addi %mul3A_65, %add3A_92 : i32
      "tpu.region"() ({
        %run_scoped3A_94 = tpu.sem_alloc : memref<!tpu.dma_semaphore, #tpu.memory_space<semaphore_mem>>
        %dma_start3A_95 = arith.constant 0 : i32
        %dma_start3A_96 = tpu.memref_slice %arg8[%add3A_93, %dma_start3A_95] : memref<40x125xi32, #tpu.memory_space<vmem>> -> memref<1x125xi32, #tpu.memory_space<vmem>>
        %dma_start3A_97 = tpu.memref_squeeze %dma_start3A_96 : memref<1x125xi32, #tpu.memory_space<vmem>> -> memref<125xi32, #tpu.memory_space<vmem>>
        %dma_start3A_98 = arith.constant 0 : i32
        %dma_start3A_99 = arith.constant 0 : i32
        %dma_start3A_100 = tpu.memref_slice %arg11[%dma_start3A_98, %dma_start3A_99] : memref<10000x128xf32, #tpu.memory_space<vmem_shared>> -> memref<10000x128xf32, #tpu.memory_space<vmem_shared>>
        tpu.enqueue_indirect_dma source(%arg10 : memref<125x128xf32, #tpu.memory_space<vmem>>) target(%dma_start3A_100 : memref<10000x128xf32, #tpu.memory_space<vmem_shared>>) offsets(%dma_start3A_97 : memref<125xi32, #tpu.memory_space<vmem>>) semaphore(%run_scoped3A_94 : memref<!tpu.dma_semaphore, #tpu.memory_space<semaphore_mem>>) {add = true}
        %dma_wait3A_101 = arith.constant 0 : i32
        %dma_wait3A_102 = tpu.memref_slice %arg8[%add3A_93, %dma_wait3A_101] : memref<40x125xi32, #tpu.memory_space<vmem>> -> memref<1x125xi32, #tpu.memory_space<vmem>>
        %dma_wait3A_103 = tpu.memref_squeeze %dma_wait3A_102 : memref<1x125xi32, #tpu.memory_space<vmem>> -> memref<125xi32, #tpu.memory_space<vmem>>
        %dma_wait3A_104 = arith.constant 0 : i32
        %dma_wait3A_105 = arith.constant 0 : i32
        %dma_wait3A_106 = tpu.memref_slice %arg11[%dma_wait3A_104, %dma_wait3A_105] : memref<10000x128xf32, #tpu.memory_space<vmem_shared>> -> memref<10000x128xf32, #tpu.memory_space<vmem_shared>>
        tpu.wait_indirect_dma semaphore(%run_scoped3A_94 : memref<!tpu.dma_semaphore, #tpu.memory_space<semaphore_mem>>) src(%arg10 : memref<125x128xf32, #tpu.memory_space<vmem>>) dst(%dma_wait3A_106 : memref<10000x128xf32, #tpu.memory_space<vmem_shared>>)
        tpu.yield
      }) : () -> ()
    }
    %scan3A_36 = arith.constant 20 : i32
    %run_scoped3A_37 = arith.constant 1 : i32
    "tpu.region"() ({
      %run_scoped3A_63 = tpu.sem_alloc : memref<!tpu.dma_semaphore, #tpu.memory_space<semaphore_mem>>
      %dma_start3A_64 = arith.constant 0 : i32
      %dma_start3A_65 = arith.constant 0 : i32
      %dma_start3A_66 = tpu.memref_slice %arg2[%add3A, %run_scoped3A_37, %dma_start3A_64, %dma_start3A_65] : memref<32x2x40x125xi32, #tpu.memory_space<hbm>> -> memref<1x1x40x125xi32, #tpu.memory_space<hbm>>
      %dma_start3A_67 = tpu.memref_squeeze %dma_start3A_66 : memref<1x1x40x125xi32, #tpu.memory_space<hbm>> -> memref<40x125xi32, #tpu.memory_space<hbm>>
      %dma_start3A_68 = arith.constant 0 : i32
      %dma_start3A_69 = arith.constant 0 : i32
      %dma_start3A_70 = tpu.memref_slice %arg2[%add3A, %run_scoped3A_37, %dma_start3A_68, %dma_start3A_69] : memref<32x2x40x125xi32, #tpu.memory_space<hbm>> -> memref<1x1x40x125xi32, #tpu.memory_space<hbm>>
      %dma_start3A_71 = tpu.memref_squeeze %dma_start3A_70 : memref<1x1x40x125xi32, #tpu.memory_space<hbm>> -> memref<40x125xi32, #tpu.memory_space<hbm>>
      tpu.enqueue_dma source(%dma_start3A_71 : memref<40x125xi32, #tpu.memory_space<hbm>>) target(%arg7 : memref<40x125xi32, #tpu.memory_space<vmem>>) target_semaphore(%run_scoped3A_63 : memref<!tpu.dma_semaphore, #tpu.memory_space<semaphore_mem>>)
      %dma_wait3A = arith.constant 0 : i32
      %dma_wait3A_72 = arith.constant 0 : i32
      %dma_wait3A_73 = tpu.memref_slice %arg2[%add3A, %run_scoped3A_37, %dma_wait3A, %dma_wait3A_72] : memref<32x2x40x125xi32, #tpu.memory_space<hbm>> -> memref<1x1x40x125xi32, #tpu.memory_space<hbm>>
      %dma_wait3A_74 = tpu.memref_squeeze %dma_wait3A_73 : memref<1x1x40x125xi32, #tpu.memory_space<hbm>> -> memref<40x125xi32, #tpu.memory_space<hbm>>
      %dma_wait3A_75 = arith.constant 0 : i32
      %dma_wait3A_76 = arith.constant 0 : i32
      %dma_wait3A_77 = tpu.memref_slice %arg2[%add3A, %run_scoped3A_37, %dma_wait3A_75, %dma_wait3A_76] : memref<32x2x40x125xi32, #tpu.memory_space<hbm>> -> memref<1x1x40x125xi32, #tpu.memory_space<hbm>>
      %dma_wait3A_78 = tpu.memref_squeeze %dma_wait3A_77 : memref<1x1x40x125xi32, #tpu.memory_space<hbm>> -> memref<40x125xi32, #tpu.memory_space<hbm>>
      tpu.wait_dma2 semaphore(%run_scoped3A_63 : memref<!tpu.dma_semaphore, #tpu.memory_space<semaphore_mem>>) src(%dma_wait3A_78 : memref<40x125xi32, #tpu.memory_space<hbm>>) dst(%arg7 : memref<40x125xi32, #tpu.memory_space<vmem>>)
      tpu.yield
    }) : () -> ()
    %run_scoped3A_38 = arith.constant 1 : i32
    "tpu.region"() ({
      %run_scoped3A_63 = tpu.sem_alloc : memref<!tpu.dma_semaphore, #tpu.memory_space<semaphore_mem>>
      %dma_start3A_64 = arith.constant 0 : i32
      %dma_start3A_65 = arith.constant 0 : i32
      %dma_start3A_66 = tpu.memref_slice %arg3[%add3A, %run_scoped3A_38, %dma_start3A_64, %dma_start3A_65] : memref<32x2x40x125xi32, #tpu.memory_space<hbm>> -> memref<1x1x40x125xi32, #tpu.memory_space<hbm>>
      %dma_start3A_67 = tpu.memref_squeeze %dma_start3A_66 : memref<1x1x40x125xi32, #tpu.memory_space<hbm>> -> memref<40x125xi32, #tpu.memory_space<hbm>>
      %dma_start3A_68 = arith.constant 0 : i32
      %dma_start3A_69 = arith.constant 0 : i32
      %dma_start3A_70 = tpu.memref_slice %arg3[%add3A, %run_scoped3A_38, %dma_start3A_68, %dma_start3A_69] : memref<32x2x40x125xi32, #tpu.memory_space<hbm>> -> memref<1x1x40x125xi32, #tpu.memory_space<hbm>>
      %dma_start3A_71 = tpu.memref_squeeze %dma_start3A_70 : memref<1x1x40x125xi32, #tpu.memory_space<hbm>> -> memref<40x125xi32, #tpu.memory_space<hbm>>
      tpu.enqueue_dma source(%dma_start3A_71 : memref<40x125xi32, #tpu.memory_space<hbm>>) target(%arg8 : memref<40x125xi32, #tpu.memory_space<vmem>>) target_semaphore(%run_scoped3A_63 : memref<!tpu.dma_semaphore, #tpu.memory_space<semaphore_mem>>)
      %dma_wait3A = arith.constant 0 : i32
      %dma_wait3A_72 = arith.constant 0 : i32
      %dma_wait3A_73 = tpu.memref_slice %arg3[%add3A, %run_scoped3A_38, %dma_wait3A, %dma_wait3A_72] : memref<32x2x40x125xi32, #tpu.memory_space<hbm>> -> memref<1x1x40x125xi32, #tpu.memory_space<hbm>>
      %dma_wait3A_74 = tpu.memref_squeeze %dma_wait3A_73 : memref<1x1x40x125xi32, #tpu.memory_space<hbm>> -> memref<40x125xi32, #tpu.memory_space<hbm>>
      %dma_wait3A_75 = arith.constant 0 : i32
      %dma_wait3A_76 = arith.constant 0 : i32
      %dma_wait3A_77 = tpu.memref_slice %arg3[%add3A, %run_scoped3A_38, %dma_wait3A_75, %dma_wait3A_76] : memref<32x2x40x125xi32, #tpu.memory_space<hbm>> -> memref<1x1x40x125xi32, #tpu.memory_space<hbm>>
      %dma_wait3A_78 = tpu.memref_squeeze %dma_wait3A_77 : memref<1x1x40x125xi32, #tpu.memory_space<hbm>> -> memref<40x125xi32, #tpu.memory_space<hbm>>
      tpu.wait_dma2 semaphore(%run_scoped3A_63 : memref<!tpu.dma_semaphore, #tpu.memory_space<semaphore_mem>>) src(%dma_wait3A_78 : memref<40x125xi32, #tpu.memory_space<hbm>>) dst(%arg8 : memref<40x125xi32, #tpu.memory_space<vmem>>)
      tpu.yield
    }) : () -> ()
    %dma_start3A_39 = arith.constant 0 : i32
    %dma_start3A_40 = arith.constant 0 : i32
    %dma_start3A_41 = tpu.memref_slice %arg7[%dma_start3A_39, %dma_start3A_40] : memref<40x125xi32, #tpu.memory_space<vmem>> -> memref<1x125xi32, #tpu.memory_space<vmem>>
    %dma_start3A_42 = tpu.memref_squeeze %dma_start3A_41 : memref<1x125xi32, #tpu.memory_space<vmem>> -> memref<125xi32, #tpu.memory_space<vmem>>
    %dma_start3A_43 = arith.constant 0 : i32
    %dma_start3A_44 = arith.constant 0 : i32
    %dma_start3A_45 = tpu.memref_slice %arg4[%dma_start3A_43, %dma_start3A_44] : memref<10000x128xf32, #tpu.memory_space<hbm>> -> memref<10000x128xf32, #tpu.memory_space<hbm>>
    tpu.enqueue_indirect_dma source(%dma_start3A_45 : memref<10000x128xf32, #tpu.memory_space<hbm>>) target(%arg9 : memref<125x128xf32, #tpu.memory_space<vmem>>) offsets(%dma_start3A_42 : memref<125xi32, #tpu.memory_space<vmem>>) semaphore(%arg12 : memref<!tpu.dma_semaphore, #tpu.memory_space<semaphore_mem>>)
    %scan3A_46 = arith.constant 0 : i32
    %scan3A_47 = arith.constant 0 : i32
    %scan3A_48 = arith.constant 20 : i32
    %scan3A_49 = arith.addi %scan3A_47, %scan3A_48 : i32
    %scan3A_50 = arith.constant 1 : i32
    scf.for %scan3A_63 = %scan3A_47 to %scan3A_49 step %scan3A_50  : i32 {
      %mul3A_64 = arith.constant 2 : i32
      %mul3A_65 = arith.muli %mul3A_64, %scan3A_63 : i32
      %add3A_66 = arith.constant 1 : i32
      %add3A_67 = arith.addi %mul3A_65, %add3A_66 : i32
      %dma_start3A_68 = arith.constant 0 : i32
      %dma_start3A_69 = tpu.memref_slice %arg7[%add3A_67, %dma_start3A_68] : memref<40x125xi32, #tpu.memory_space<vmem>> -> memref<1x125xi32, #tpu.memory_space<vmem>>
      %dma_start3A_70 = tpu.memref_squeeze %dma_start3A_69 : memref<1x125xi32, #tpu.memory_space<vmem>> -> memref<125xi32, #tpu.memory_space<vmem>>
      %dma_start3A_71 = arith.constant 0 : i32
      %dma_start3A_72 = arith.constant 0 : i32
      %dma_start3A_73 = tpu.memref_slice %arg4[%dma_start3A_71, %dma_start3A_72] : memref<10000x128xf32, #tpu.memory_space<hbm>> -> memref<10000x128xf32, #tpu.memory_space<hbm>>
      tpu.enqueue_indirect_dma source(%dma_start3A_73 : memref<10000x128xf32, #tpu.memory_space<hbm>>) target(%arg10 : memref<125x128xf32, #tpu.memory_space<vmem>>) offsets(%dma_start3A_70 : memref<125xi32, #tpu.memory_space<vmem>>) semaphore(%arg13 : memref<!tpu.dma_semaphore, #tpu.memory_space<semaphore_mem>>)
      %dma_wait3A = arith.constant 0 : i32
      %dma_wait3A_74 = tpu.memref_slice %arg7[%mul3A_65, %dma_wait3A] : memref<40x125xi32, #tpu.memory_space<vmem>> -> memref<1x125xi32, #tpu.memory_space<vmem>>
      %dma_wait3A_75 = tpu.memref_squeeze %dma_wait3A_74 : memref<1x125xi32, #tpu.memory_space<vmem>> -> memref<125xi32, #tpu.memory_space<vmem>>
      %dma_wait3A_76 = arith.constant 0 : i32
      %dma_wait3A_77 = arith.constant 0 : i32
      %dma_wait3A_78 = tpu.memref_slice %arg4[%dma_wait3A_76, %dma_wait3A_77] : memref<10000x128xf32, #tpu.memory_space<hbm>> -> memref<10000x128xf32, #tpu.memory_space<hbm>>
      tpu.wait_indirect_dma semaphore(%arg12 : memref<!tpu.dma_semaphore, #tpu.memory_space<semaphore_mem>>) src(%dma_wait3A_78 : memref<10000x128xf32, #tpu.memory_space<hbm>>) dst(%arg9 : memref<125x128xf32, #tpu.memory_space<vmem>>)
      "tpu.region"() ({
        %run_scoped3A_94 = tpu.sem_alloc : memref<!tpu.dma_semaphore, #tpu.memory_space<semaphore_mem>>
        %dma_start3A_95 = arith.constant 0 : i32
        %dma_start3A_96 = tpu.memref_slice %arg8[%mul3A_65, %dma_start3A_95] : memref<40x125xi32, #tpu.memory_space<vmem>> -> memref<1x125xi32, #tpu.memory_space<vmem>>
        %dma_start3A_97 = tpu.memref_squeeze %dma_start3A_96 : memref<1x125xi32, #tpu.memory_space<vmem>> -> memref<125xi32, #tpu.memory_space<vmem>>
        %dma_start3A_98 = arith.constant 0 : i32
        %dma_start3A_99 = arith.constant 0 : i32
        %dma_start3A_100 = tpu.memref_slice %arg11[%dma_start3A_98, %dma_start3A_99] : memref<10000x128xf32, #tpu.memory_space<vmem_shared>> -> memref<10000x128xf32, #tpu.memory_space<vmem_shared>>
        tpu.enqueue_indirect_dma source(%arg9 : memref<125x128xf32, #tpu.memory_space<vmem>>) target(%dma_start3A_100 : memref<10000x128xf32, #tpu.memory_space<vmem_shared>>) offsets(%dma_start3A_97 : memref<125xi32, #tpu.memory_space<vmem>>) semaphore(%run_scoped3A_94 : memref<!tpu.dma_semaphore, #tpu.memory_space<semaphore_mem>>) {add = true}
        %dma_wait3A_101 = arith.constant 0 : i32
        %dma_wait3A_102 = tpu.memref_slice %arg8[%mul3A_65, %dma_wait3A_101] : memref<40x125xi32, #tpu.memory_space<vmem>> -> memref<1x125xi32, #tpu.memory_space<vmem>>
        %dma_wait3A_103 = tpu.memref_squeeze %dma_wait3A_102 : memref<1x125xi32, #tpu.memory_space<vmem>> -> memref<125xi32, #tpu.memory_space<vmem>>
        %dma_wait3A_104 = arith.constant 0 : i32
        %dma_wait3A_105 = arith.constant 0 : i32
        %dma_wait3A_106 = tpu.memref_slice %arg11[%dma_wait3A_104, %dma_wait3A_105] : memref<10000x128xf32, #tpu.memory_space<vmem_shared>> -> memref<10000x128xf32, #tpu.memory_space<vmem_shared>>
        tpu.wait_indirect_dma semaphore(%run_scoped3A_94 : memref<!tpu.dma_semaphore, #tpu.memory_space<semaphore_mem>>) src(%arg9 : memref<125x128xf32, #tpu.memory_space<vmem>>) dst(%dma_wait3A_106 : memref<10000x128xf32, #tpu.memory_space<vmem_shared>>)
        tpu.yield
      }) : () -> ()
      %lt3A_79 = arith.constant 19 : i32
      %lt3A_80 = arith.cmpi slt, %scan3A_63, %lt3A_79 : i32
      %convert_element_type3A_81 = arith.extui %lt3A_80 : i1 to i32
      %cond3A_82 = arith.constant 0 : i32
      %cond3A_83 = arith.cmpi ne, %convert_element_type3A_81, %cond3A_82 : i32
      scf.if %cond3A_83 {
        %add3A_94 = arith.constant 2 : i32
        %add3A_95 = arith.addi %mul3A_65, %add3A_94 : i32
        %dma_start3A_96 = arith.constant 0 : i32
        %dma_start3A_97 = tpu.memref_slice %arg7[%add3A_95, %dma_start3A_96] : memref<40x125xi32, #tpu.memory_space<vmem>> -> memref<1x125xi32, #tpu.memory_space<vmem>>
        %dma_start3A_98 = tpu.memref_squeeze %dma_start3A_97 : memref<1x125xi32, #tpu.memory_space<vmem>> -> memref<125xi32, #tpu.memory_space<vmem>>
        %dma_start3A_99 = arith.constant 0 : i32
        %dma_start3A_100 = arith.constant 0 : i32
        %dma_start3A_101 = tpu.memref_slice %arg4[%dma_start3A_99, %dma_start3A_100] : memref<10000x128xf32, #tpu.memory_space<hbm>> -> memref<10000x128xf32, #tpu.memory_space<hbm>>
        tpu.enqueue_indirect_dma source(%dma_start3A_101 : memref<10000x128xf32, #tpu.memory_space<hbm>>) target(%arg9 : memref<125x128xf32, #tpu.memory_space<vmem>>) offsets(%dma_start3A_98 : memref<125xi32, #tpu.memory_space<vmem>>) semaphore(%arg12 : memref<!tpu.dma_semaphore, #tpu.memory_space<semaphore_mem>>)
      } else {
      }
      %add3A_84 = arith.constant 1 : i32
      %add3A_85 = arith.addi %mul3A_65, %add3A_84 : i32
      %dma_wait3A_86 = arith.constant 0 : i32
      %dma_wait3A_87 = tpu.memref_slice %arg7[%add3A_85, %dma_wait3A_86] : memref<40x125xi32, #tpu.memory_space<vmem>> -> memref<1x125xi32, #tpu.memory_space<vmem>>
      %dma_wait3A_88 = tpu.memref_squeeze %dma_wait3A_87 : memref<1x125xi32, #tpu.memory_space<vmem>> -> memref<125xi32, #tpu.memory_space<vmem>>
      %dma_wait3A_89 = arith.constant 0 : i32
      %dma_wait3A_90 = arith.constant 0 : i32
      %dma_wait3A_91 = tpu.memref_slice %arg4[%dma_wait3A_89, %dma_wait3A_90] : memref<10000x128xf32, #tpu.memory_space<hbm>> -> memref<10000x128xf32, #tpu.memory_space<hbm>>
      tpu.wait_indirect_dma semaphore(%arg13 : memref<!tpu.dma_semaphore, #tpu.memory_space<semaphore_mem>>) src(%dma_wait3A_91 : memref<10000x128xf32, #tpu.memory_space<hbm>>) dst(%arg10 : memref<125x128xf32, #tpu.memory_space<vmem>>)
      %add3A_92 = arith.constant 1 : i32
      %add3A_93 = arith.addi %mul3A_65, %add3A_92 : i32
      "tpu.region"() ({
        %run_scoped3A_94 = tpu.sem_alloc : memref<!tpu.dma_semaphore, #tpu.memory_space<semaphore_mem>>
        %dma_start3A_95 = arith.constant 0 : i32
        %dma_start3A_96 = tpu.memref_slice %arg8[%add3A_93, %dma_start3A_95] : memref<40x125xi32, #tpu.memory_space<vmem>> -> memref<1x125xi32, #tpu.memory_space<vmem>>
        %dma_start3A_97 = tpu.memref_squeeze %dma_start3A_96 : memref<1x125xi32, #tpu.memory_space<vmem>> -> memref<125xi32, #tpu.memory_space<vmem>>
        %dma_start3A_98 = arith.constant 0 : i32
        %dma_start3A_99 = arith.constant 0 : i32
        %dma_start3A_100 = tpu.memref_slice %arg11[%dma_start3A_98, %dma_start3A_99] : memref<10000x128xf32, #tpu.memory_space<vmem_shared>> -> memref<10000x128xf32, #tpu.memory_space<vmem_shared>>
        tpu.enqueue_indirect_dma source(%arg10 : memref<125x128xf32, #tpu.memory_space<vmem>>) target(%dma_start3A_100 : memref<10000x128xf32, #tpu.memory_space<vmem_shared>>) offsets(%dma_start3A_97 : memref<125xi32, #tpu.memory_space<vmem>>) semaphore(%run_scoped3A_94 : memref<!tpu.dma_semaphore, #tpu.memory_space<semaphore_mem>>) {add = true}
        %dma_wait3A_101 = arith.constant 0 : i32
        %dma_wait3A_102 = tpu.memref_slice %arg8[%add3A_93, %dma_wait3A_101] : memref<40x125xi32, #tpu.memory_space<vmem>> -> memref<1x125xi32, #tpu.memory_space<vmem>>
        %dma_wait3A_103 = tpu.memref_squeeze %dma_wait3A_102 : memref<1x125xi32, #tpu.memory_space<vmem>> -> memref<125xi32, #tpu.memory_space<vmem>>
        %dma_wait3A_104 = arith.constant 0 : i32
        %dma_wait3A_105 = arith.constant 0 : i32
        %dma_wait3A_106 = tpu.memref_slice %arg11[%dma_wait3A_104, %dma_wait3A_105] : memref<10000x128xf32, #tpu.memory_space<vmem_shared>> -> memref<10000x128xf32, #tpu.memory_space<vmem_shared>>
        tpu.wait_indirect_dma semaphore(%run_scoped3A_94 : memref<!tpu.dma_semaphore, #tpu.memory_space<semaphore_mem>>) src(%arg10 : memref<125x128xf32, #tpu.memory_space<vmem>>) dst(%dma_wait3A_106 : memref<10000x128xf32, #tpu.memory_space<vmem_shared>>)
        tpu.yield
      }) : () -> ()
    }
    %scan3A_51 = arith.constant 20 : i32
    %barrier3A_52 = arith.constant 0 : index
    tpu.barrier barrier_id(%barrier3A_52)
    %lt3A_53 = arith.constant 15 : i32
    %lt3A_54 = arith.cmpi slt, %arg1, %lt3A_53 : i32
    %convert_element_type3A_55 = arith.extui %lt3A_54 : i1 to i32
    %cond3A_56 = arith.constant 0 : i32
    %cond3A_57 = arith.cmpi ne, %convert_element_type3A_55, %cond3A_56 : i32
    scf.if %cond3A_57 {
      "tpu.region"() ({
        %run_scoped3A_63 = tpu.sem_alloc : memref<!tpu.dma_semaphore, #tpu.memory_space<semaphore_mem>>
        %dma_start3A_64 = arith.constant 0 : i32
        %dma_start3A_65 = tpu.memref_slice %arg6[%multiple_of3A_8, %dma_start3A_64] : memref<20000x128xf32, #tpu.memory_space<hbm>> -> memref<640x128xf32, #tpu.memory_space<hbm>>
        %dma_start3A_66 = arith.constant 0 : i32
        %dma_start3A_67 = tpu.memref_slice %arg11[%multiple_of3A, %dma_start3A_66] : memref<10000x128xf32, #tpu.memory_space<vmem_shared>> -> memref<640x128xf32, #tpu.memory_space<vmem_shared>>
        tpu.enqueue_dma source(%dma_start3A_67 : memref<640x128xf32, #tpu.memory_space<vmem_shared>>) target(%dma_start3A_65 : memref<640x128xf32, #tpu.memory_space<hbm>>) target_semaphore(%run_scoped3A_63 : memref<!tpu.dma_semaphore, #tpu.memory_space<semaphore_mem>>)
        %dma_wait3A = arith.constant 0 : i32
        %dma_wait3A_68 = tpu.memref_slice %arg6[%multiple_of3A_8, %dma_wait3A] : memref<20000x128xf32, #tpu.memory_space<hbm>> -> memref<640x128xf32, #tpu.memory_space<hbm>>
        %dma_wait3A_69 = arith.constant 0 : i32
        %dma_wait3A_70 = tpu.memref_slice %arg11[%multiple_of3A, %dma_wait3A_69] : memref<10000x128xf32, #tpu.memory_space<vmem_shared>> -> memref<640x128xf32, #tpu.memory_space<vmem_shared>>
        tpu.wait_dma2 semaphore(%run_scoped3A_63 : memref<!tpu.dma_semaphore, #tpu.memory_space<semaphore_mem>>) src(%dma_wait3A_70 : memref<640x128xf32, #tpu.memory_space<vmem_shared>>) dst(%dma_wait3A_68 : memref<640x128xf32, #tpu.memory_space<hbm>>)
        tpu.yield
      }) : () -> ()
    } else {
    }
    %eq3A_58 = arith.constant 15 : i32
    %eq3A_59 = arith.cmpi eq, %arg1, %eq3A_58 : i32
    %convert_element_type3A_60 = arith.extui %eq3A_59 : i1 to i32
    %cond3A_61 = arith.constant 0 : i32
    %cond3A_62 = arith.cmpi ne, %convert_element_type3A_60, %cond3A_61 : i32
    scf.if %cond3A_62 {
      "tpu.region"() ({
        %run_scoped3A_63 = tpu.sem_alloc : memref<!tpu.dma_semaphore, #tpu.memory_space<semaphore_mem>>
        %dma_start3A_64 = arith.constant 0 : i32
        %dma_start3A_65 = tpu.memref_slice %arg6[%multiple_of3A_8, %dma_start3A_64] : memref<20000x128xf32, #tpu.memory_space<hbm>> -> memref<400x128xf32, #tpu.memory_space<hbm>>
        %dma_start3A_66 = arith.constant 0 : i32
        %dma_start3A_67 = tpu.memref_slice %arg11[%multiple_of3A, %dma_start3A_66] : memref<10000x128xf32, #tpu.memory_space<vmem_shared>> -> memref<400x128xf32, #tpu.memory_space<vmem_shared>>
        tpu.enqueue_dma source(%dma_start3A_67 : memref<400x128xf32, #tpu.memory_space<vmem_shared>>) target(%dma_start3A_65 : memref<400x128xf32, #tpu.memory_space<hbm>>) target_semaphore(%run_scoped3A_63 : memref<!tpu.dma_semaphore, #tpu.memory_space<semaphore_mem>>)
        %dma_wait3A = arith.constant 0 : i32
        %dma_wait3A_68 = tpu.memref_slice %arg6[%multiple_of3A_8, %dma_wait3A] : memref<20000x128xf32, #tpu.memory_space<hbm>> -> memref<400x128xf32, #tpu.memory_space<hbm>>
        %dma_wait3A_69 = arith.constant 0 : i32
        %dma_wait3A_70 = tpu.memref_slice %arg11[%multiple_of3A, %dma_wait3A_69] : memref<10000x128xf32, #tpu.memory_space<vmem_shared>> -> memref<400x128xf32, #tpu.memory_space<vmem_shared>>
        tpu.wait_dma2 semaphore(%run_scoped3A_63 : memref<!tpu.dma_semaphore, #tpu.memory_space<semaphore_mem>>) src(%dma_wait3A_70 : memref<400x128xf32, #tpu.memory_space<vmem_shared>>) dst(%dma_wait3A_68 : memref<400x128xf32, #tpu.memory_space<hbm>>)
        tpu.yield
      }) : () -> ()
    } else {
    }
    return
  }
}

#map = affine_map<(d0, d1) -> (0, 0, 0, 0)>
#map1 = affine_map<(d0, d1) -> (0, 0)>
module attributes {stable_mosaic.version = 14 : i64} {
  func.func @_segsum_body(%arg0: i32, %arg1: i32, %arg2: memref<32x2x40x125xi32, #tpu.memory_space<hbm>>, %arg3: memref<32x2x40x125xi32, #tpu.memory_space<hbm>>, %arg4: memref<10000x128xf32, #tpu.memory_space<hbm>>, %arg5: memref<10000x128xf32, #tpu.memory_space<hbm>>, %arg6: memref<20000x128xf32, #tpu.memory_space<hbm>>, %arg7: memref<40x125xi32, #tpu.memory_space<vmem>>, %arg8: memref<40x125xi32, #tpu.memory_space<vmem>>, %arg9: memref<125x128xf32, #tpu.memory_space<vmem>>, %arg10: memref<125x128xf32, #tpu.memory_space<vmem>>, %arg11: memref<10000x128xf32, #tpu.memory_space<vmem_shared>>, %arg12: memref<!tpu.dma_semaphore, #tpu.memory_space<semaphore_mem>>, %arg13: memref<!tpu.dma_semaphore, #tpu.memory_space<semaphore_mem>>, %arg14: memref<!tpu.dma_semaphore, #tpu.memory_space<semaphore_mem>>) attributes {dimension_semantics = [#tpu.dimension_semantics<core_parallel>, #tpu.dimension_semantics<subcore_parallel>], iteration_bounds = array<i64: 2, 16>, scalar_prefetch = 0 : i64, scratch_operands = 8 : i64, tpu.core_type = #tpu.core_type<sc_vector_subcore>, window_params = [{transform_indices = #map}, {transform_indices = #map}, {transform_indices = #map1}, {transform_indices = #map1}, {transform_indices = #map1}]} {
    %mul3A = arith.constant 2 : i32
    %mul3A_0 = arith.muli %arg1, %mul3A : i32
    %add3A = arith.addi %mul3A_0, %arg0 : i32
    %mul3A_1 = arith.constant 640 : i32
    %mul3A_2 = arith.muli %arg1, %mul3A_1 : i32
    %multiple_of3A = tpu.assume_multiple %mul3A_2, 8 : i32
    %mul3A_3 = arith.constant 10000 : i32
    %mul3A_4 = arith.muli %arg0, %mul3A_3 : i32
    %mul3A_5 = arith.constant 640 : i32
    %mul3A_6 = arith.muli %arg1, %mul3A_5 : i32
    %add3A_7 = arith.addi %mul3A_4, %mul3A_6 : i32
    %multiple_of3A_8 = tpu.assume_multiple %add3A_7, 8 : i32
    %lt3A = arith.constant 15 : i32
    %lt3A_9 = arith.cmpi slt, %arg1, %lt3A : i32
    %convert_element_type3A = arith.extui %lt3A_9 : i1 to i32
    %cond3A = arith.constant 0 : i32
    %cond3A_10 = arith.cmpi ne, %convert_element_type3A, %cond3A : i32
    scf.if %cond3A_10 {
      %dma_start3A_63 = arith.constant 0 : i32
      %dma_start3A_64 = tpu.memref_slice %arg11[%multiple_of3A, %dma_start3A_63] : memref<10000x128xf32, #tpu.memory_space<vmem_shared>> -> memref<640x128xf32, #tpu.memory_space<vmem_shared>>
      %dma_start3A_65 = arith.constant 0 : i32
      %dma_start3A_66 = tpu.memref_slice %arg5[%multiple_of3A, %dma_start3A_65] : memref<10000x128xf32, #tpu.memory_space<hbm>> -> memref<640x128xf32, #tpu.memory_space<hbm>>
      tpu.enqueue_dma source(%dma_start3A_66 : memref<640x128xf32, #tpu.memory_space<hbm>>) target(%dma_start3A_64 : memref<640x128xf32, #tpu.memory_space<vmem_shared>>) target_semaphore(%arg14 : memref<!tpu.dma_semaphore, #tpu.memory_space<semaphore_mem>>)
    } else {
    }
    %eq3A = arith.constant 15 : i32
    %eq3A_11 = arith.cmpi eq, %arg1, %eq3A : i32
    %convert_element_type3A_12 = arith.extui %eq3A_11 : i1 to i32
    %cond3A_13 = arith.constant 0 : i32
    %cond3A_14 = arith.cmpi ne, %convert_element_type3A_12, %cond3A_13 : i32
    scf.if %cond3A_14 {
      %dma_start3A_63 = arith.constant 0 : i32
      %dma_start3A_64 = tpu.memref_slice %arg11[%multiple_of3A, %dma_start3A_63] : memref<10000x128xf32, #tpu.memory_space<vmem_shared>> -> memref<400x128xf32, #tpu.memory_space<vmem_shared>>
      %dma_start3A_65 = arith.constant 0 : i32
      %dma_start3A_66 = tpu.memref_slice %arg5[%multiple_of3A, %dma_start3A_65] : memref<10000x128xf32, #tpu.memory_space<hbm>> -> memref<400x128xf32, #tpu.memory_space<hbm>>
      tpu.enqueue_dma source(%dma_start3A_66 : memref<400x128xf32, #tpu.memory_space<hbm>>) target(%dma_start3A_64 : memref<400x128xf32, #tpu.memory_space<vmem_shared>>) target_semaphore(%arg14 : memref<!tpu.dma_semaphore, #tpu.memory_space<semaphore_mem>>)
    } else {
    }
    %run_scoped3A = arith.constant 0 : i32
    "tpu.region"() ({
      %run_scoped3A_63 = tpu.sem_alloc : memref<!tpu.dma_semaphore, #tpu.memory_space<semaphore_mem>>
      %dma_start3A_64 = arith.constant 0 : i32
      %dma_start3A_65 = arith.constant 0 : i32
      %dma_start3A_66 = tpu.memref_slice %arg2[%add3A, %run_scoped3A, %dma_start3A_64, %dma_start3A_65] : memref<32x2x40x125xi32, #tpu.memory_space<hbm>> -> memref<1x1x40x125xi32, #tpu.memory_space<hbm>>
      %dma_start3A_67 = tpu.memref_squeeze %dma_start3A_66 : memref<1x1x40x125xi32, #tpu.memory_space<hbm>> -> memref<40x125xi32, #tpu.memory_space<hbm>>
      %dma_start3A_68 = arith.constant 0 : i32
      %dma_start3A_69 = arith.constant 0 : i32
      %dma_start3A_70 = tpu.memref_slice %arg2[%add3A, %run_scoped3A, %dma_start3A_68, %dma_start3A_69] : memref<32x2x40x125xi32, #tpu.memory_space<hbm>> -> memref<1x1x40x125xi32, #tpu.memory_space<hbm>>
      %dma_start3A_71 = tpu.memref_squeeze %dma_start3A_70 : memref<1x1x40x125xi32, #tpu.memory_space<hbm>> -> memref<40x125xi32, #tpu.memory_space<hbm>>
      tpu.enqueue_dma source(%dma_start3A_71 : memref<40x125xi32, #tpu.memory_space<hbm>>) target(%arg7 : memref<40x125xi32, #tpu.memory_space<vmem>>) target_semaphore(%run_scoped3A_63 : memref<!tpu.dma_semaphore, #tpu.memory_space<semaphore_mem>>)
      %dma_wait3A = arith.constant 0 : i32
      %dma_wait3A_72 = arith.constant 0 : i32
      %dma_wait3A_73 = tpu.memref_slice %arg2[%add3A, %run_scoped3A, %dma_wait3A, %dma_wait3A_72] : memref<32x2x40x125xi32, #tpu.memory_space<hbm>> -> memref<1x1x40x125xi32, #tpu.memory_space<hbm>>
      %dma_wait3A_74 = tpu.memref_squeeze %dma_wait3A_73 : memref<1x1x40x125xi32, #tpu.memory_space<hbm>> -> memref<40x125xi32, #tpu.memory_space<hbm>>
      %dma_wait3A_75 = arith.constant 0 : i32
      %dma_wait3A_76 = arith.constant 0 : i32
      %dma_wait3A_77 = tpu.memref_slice %arg2[%add3A, %run_scoped3A, %dma_wait3A_75, %dma_wait3A_76] : memref<32x2x40x125xi32, #tpu.memory_space<hbm>> -> memref<1x1x40x125xi32, #tpu.memory_space<hbm>>
      %dma_wait3A_78 = tpu.memref_squeeze %dma_wait3A_77 : memref<1x1x40x125xi32, #tpu.memory_space<hbm>> -> memref<40x125xi32, #tpu.memory_space<hbm>>
      tpu.wait_dma2 semaphore(%run_scoped3A_63 : memref<!tpu.dma_semaphore, #tpu.memory_space<semaphore_mem>>) src(%dma_wait3A_78 : memref<40x125xi32, #tpu.memory_space<hbm>>) dst(%arg7 : memref<40x125xi32, #tpu.memory_space<vmem>>)
      tpu.yield
    }) : () -> ()
    %run_scoped3A_15 = arith.constant 0 : i32
    "tpu.region"() ({
      %run_scoped3A_63 = tpu.sem_alloc : memref<!tpu.dma_semaphore, #tpu.memory_space<semaphore_mem>>
      %dma_start3A_64 = arith.constant 0 : i32
      %dma_start3A_65 = arith.constant 0 : i32
      %dma_start3A_66 = tpu.memref_slice %arg3[%add3A, %run_scoped3A_15, %dma_start3A_64, %dma_start3A_65] : memref<32x2x40x125xi32, #tpu.memory_space<hbm>> -> memref<1x1x40x125xi32, #tpu.memory_space<hbm>>
      %dma_start3A_67 = tpu.memref_squeeze %dma_start3A_66 : memref<1x1x40x125xi32, #tpu.memory_space<hbm>> -> memref<40x125xi32, #tpu.memory_space<hbm>>
      %dma_start3A_68 = arith.constant 0 : i32
      %dma_start3A_69 = arith.constant 0 : i32
      %dma_start3A_70 = tpu.memref_slice %arg3[%add3A, %run_scoped3A_15, %dma_start3A_68, %dma_start3A_69] : memref<32x2x40x125xi32, #tpu.memory_space<hbm>> -> memref<1x1x40x125xi32, #tpu.memory_space<hbm>>
      %dma_start3A_71 = tpu.memref_squeeze %dma_start3A_70 : memref<1x1x40x125xi32, #tpu.memory_space<hbm>> -> memref<40x125xi32, #tpu.memory_space<hbm>>
      tpu.enqueue_dma source(%dma_start3A_71 : memref<40x125xi32, #tpu.memory_space<hbm>>) target(%arg8 : memref<40x125xi32, #tpu.memory_space<vmem>>) target_semaphore(%run_scoped3A_63 : memref<!tpu.dma_semaphore, #tpu.memory_space<semaphore_mem>>)
      %dma_wait3A = arith.constant 0 : i32
      %dma_wait3A_72 = arith.constant 0 : i32
      %dma_wait3A_73 = tpu.memref_slice %arg3[%add3A, %run_scoped3A_15, %dma_wait3A, %dma_wait3A_72] : memref<32x2x40x125xi32, #tpu.memory_space<hbm>> -> memref<1x1x40x125xi32, #tpu.memory_space<hbm>>
      %dma_wait3A_74 = tpu.memref_squeeze %dma_wait3A_73 : memref<1x1x40x125xi32, #tpu.memory_space<hbm>> -> memref<40x125xi32, #tpu.memory_space<hbm>>
      %dma_wait3A_75 = arith.constant 0 : i32
      %dma_wait3A_76 = arith.constant 0 : i32
      %dma_wait3A_77 = tpu.memref_slice %arg3[%add3A, %run_scoped3A_15, %dma_wait3A_75, %dma_wait3A_76] : memref<32x2x40x125xi32, #tpu.memory_space<hbm>> -> memref<1x1x40x125xi32, #tpu.memory_space<hbm>>
      %dma_wait3A_78 = tpu.memref_squeeze %dma_wait3A_77 : memref<1x1x40x125xi32, #tpu.memory_space<hbm>> -> memref<40x125xi32, #tpu.memory_space<hbm>>
      tpu.wait_dma2 semaphore(%run_scoped3A_63 : memref<!tpu.dma_semaphore, #tpu.memory_space<semaphore_mem>>) src(%dma_wait3A_78 : memref<40x125xi32, #tpu.memory_space<hbm>>) dst(%arg8 : memref<40x125xi32, #tpu.memory_space<vmem>>)
      tpu.yield
    }) : () -> ()
    %dma_start3A = arith.constant 0 : i32
    %dma_start3A_16 = arith.constant 0 : i32
    %dma_start3A_17 = tpu.memref_slice %arg7[%dma_start3A, %dma_start3A_16] : memref<40x125xi32, #tpu.memory_space<vmem>> -> memref<1x125xi32, #tpu.memory_space<vmem>>
    %dma_start3A_18 = tpu.memref_squeeze %dma_start3A_17 : memref<1x125xi32, #tpu.memory_space<vmem>> -> memref<125xi32, #tpu.memory_space<vmem>>
    %dma_start3A_19 = arith.constant 0 : i32
    %dma_start3A_20 = arith.constant 0 : i32
    %dma_start3A_21 = tpu.memref_slice %arg4[%dma_start3A_19, %dma_start3A_20] : memref<10000x128xf32, #tpu.memory_space<hbm>> -> memref<10000x128xf32, #tpu.memory_space<hbm>>
    tpu.enqueue_indirect_dma source(%dma_start3A_21 : memref<10000x128xf32, #tpu.memory_space<hbm>>) target(%arg9 : memref<125x128xf32, #tpu.memory_space<vmem>>) offsets(%dma_start3A_18 : memref<125xi32, #tpu.memory_space<vmem>>) semaphore(%arg12 : memref<!tpu.dma_semaphore, #tpu.memory_space<semaphore_mem>>)
    %lt3A_22 = arith.constant 15 : i32
    %lt3A_23 = arith.cmpi slt, %arg1, %lt3A_22 : i32
    %convert_element_type3A_24 = arith.extui %lt3A_23 : i1 to i32
    %cond3A_25 = arith.constant 0 : i32
    %cond3A_26 = arith.cmpi ne, %convert_element_type3A_24, %cond3A_25 : i32
    scf.if %cond3A_26 {
      %dma_wait3A = arith.constant 0 : i32
      %dma_wait3A_63 = tpu.memref_slice %arg11[%multiple_of3A, %dma_wait3A] : memref<10000x128xf32, #tpu.memory_space<vmem_shared>> -> memref<640x128xf32, #tpu.memory_space<vmem_shared>>
      %dma_wait3A_64 = arith.constant 0 : i32
      %dma_wait3A_65 = tpu.memref_slice %arg5[%multiple_of3A, %dma_wait3A_64] : memref<10000x128xf32, #tpu.memory_space<hbm>> -> memref<640x128xf32, #tpu.memory_space<hbm>>
      tpu.wait_dma2 semaphore(%arg14 : memref<!tpu.dma_semaphore, #tpu.memory_space<semaphore_mem>>) src(%dma_wait3A_65 : memref<640x128xf32, #tpu.memory_space<hbm>>) dst(%dma_wait3A_63 : memref<640x128xf32, #tpu.memory_space<vmem_shared>>)
    } else {
    }
    %eq3A_27 = arith.constant 15 : i32
    %eq3A_28 = arith.cmpi eq, %arg1, %eq3A_27 : i32
    %convert_element_type3A_29 = arith.extui %eq3A_28 : i1 to i32
    %cond3A_30 = arith.constant 0 : i32
    %cond3A_31 = arith.cmpi ne, %convert_element_type3A_29, %cond3A_30 : i32
    scf.if %cond3A_31 {
      %dma_wait3A = arith.constant 0 : i32
      %dma_wait3A_63 = tpu.memref_slice %arg11[%multiple_of3A, %dma_wait3A] : memref<10000x128xf32, #tpu.memory_space<vmem_shared>> -> memref<400x128xf32, #tpu.memory_space<vmem_shared>>
      %dma_wait3A_64 = arith.constant 0 : i32
      %dma_wait3A_65 = tpu.memref_slice %arg5[%multiple_of3A, %dma_wait3A_64] : memref<10000x128xf32, #tpu.memory_space<hbm>> -> memref<400x128xf32, #tpu.memory_space<hbm>>
      tpu.wait_dma2 semaphore(%arg14 : memref<!tpu.dma_semaphore, #tpu.memory_space<semaphore_mem>>) src(%dma_wait3A_65 : memref<400x128xf32, #tpu.memory_space<hbm>>) dst(%dma_wait3A_63 : memref<400x128xf32, #tpu.memory_space<vmem_shared>>)
    } else {
    }
    %barrier3A = arith.constant 0 : index
    tpu.barrier barrier_id(%barrier3A)
    %scan3A = arith.constant 0 : i32
    %scan3A_32 = arith.constant 0 : i32
    %scan3A_33 = arith.constant 20 : i32
    %scan3A_34 = arith.addi %scan3A_32, %scan3A_33 : i32
    %scan3A_35 = arith.constant 1 : i32
    scf.for %scan3A_63 = %scan3A_32 to %scan3A_34 step %scan3A_35  : i32 {
      %mul3A_64 = arith.constant 2 : i32
      %mul3A_65 = arith.muli %mul3A_64, %scan3A_63 : i32
      %add3A_66 = arith.constant 1 : i32
      %add3A_67 = arith.addi %mul3A_65, %add3A_66 : i32
      %dma_start3A_68 = arith.constant 0 : i32
      %dma_start3A_69 = tpu.memref_slice %arg7[%add3A_67, %dma_start3A_68] : memref<40x125xi32, #tpu.memory_space<vmem>> -> memref<1x125xi32, #tpu.memory_space<vmem>>
      %dma_start3A_70 = tpu.memref_squeeze %dma_start3A_69 : memref<1x125xi32, #tpu.memory_space<vmem>> -> memref<125xi32, #tpu.memory_space<vmem>>
      %dma_start3A_71 = arith.constant 0 : i32
      %dma_start3A_72 = arith.constant 0 : i32
      %dma_start3A_73 = tpu.memref_slice %arg4[%dma_start3A_71, %dma_start3A_72] : memref<10000x128xf32, #tpu.memory_space<hbm>> -> memref<10000x128xf32, #tpu.memory_space<hbm>>
      tpu.enqueue_indirect_dma source(%dma_start3A_73 : memref<10000x128xf32, #tpu.memory_space<hbm>>) target(%arg10 : memref<125x128xf32, #tpu.memory_space<vmem>>) offsets(%dma_start3A_70 : memref<125xi32, #tpu.memory_space<vmem>>) semaphore(%arg13 : memref<!tpu.dma_semaphore, #tpu.memory_space<semaphore_mem>>)
      %dma_wait3A = arith.constant 0 : i32
      %dma_wait3A_74 = tpu.memref_slice %arg7[%mul3A_65, %dma_wait3A] : memref<40x125xi32, #tpu.memory_space<vmem>> -> memref<1x125xi32, #tpu.memory_space<vmem>>
      %dma_wait3A_75 = tpu.memref_squeeze %dma_wait3A_74 : memref<1x125xi32, #tpu.memory_space<vmem>> -> memref<125xi32, #tpu.memory_space<vmem>>
      %dma_wait3A_76 = arith.constant 0 : i32
      %dma_wait3A_77 = arith.constant 0 : i32
      %dma_wait3A_78 = tpu.memref_slice %arg4[%dma_wait3A_76, %dma_wait3A_77] : memref<10000x128xf32, #tpu.memory_space<hbm>> -> memref<10000x128xf32, #tpu.memory_space<hbm>>
      tpu.wait_indirect_dma semaphore(%arg12 : memref<!tpu.dma_semaphore, #tpu.memory_space<semaphore_mem>>) src(%dma_wait3A_78 : memref<10000x128xf32, #tpu.memory_space<hbm>>) dst(%arg9 : memref<125x128xf32, #tpu.memory_space<vmem>>)
      "tpu.region"() ({
        %run_scoped3A_94 = tpu.sem_alloc : memref<!tpu.dma_semaphore, #tpu.memory_space<semaphore_mem>>
        %dma_start3A_95 = arith.constant 0 : i32
        %dma_start3A_96 = tpu.memref_slice %arg8[%mul3A_65, %dma_start3A_95] : memref<40x125xi32, #tpu.memory_space<vmem>> -> memref<1x125xi32, #tpu.memory_space<vmem>>
        %dma_start3A_97 = tpu.memref_squeeze %dma_start3A_96 : memref<1x125xi32, #tpu.memory_space<vmem>> -> memref<125xi32, #tpu.memory_space<vmem>>
        %dma_start3A_98 = arith.constant 0 : i32
        %dma_start3A_99 = arith.constant 0 : i32
        %dma_start3A_100 = tpu.memref_slice %arg11[%dma_start3A_98, %dma_start3A_99] : memref<10000x128xf32, #tpu.memory_space<vmem_shared>> -> memref<10000x128xf32, #tpu.memory_space<vmem_shared>>
        tpu.enqueue_indirect_dma source(%arg9 : memref<125x128xf32, #tpu.memory_space<vmem>>) target(%dma_start3A_100 : memref<10000x128xf32, #tpu.memory_space<vmem_shared>>) offsets(%dma_start3A_97 : memref<125xi32, #tpu.memory_space<vmem>>) semaphore(%run_scoped3A_94 : memref<!tpu.dma_semaphore, #tpu.memory_space<semaphore_mem>>) {add = true}
        %dma_wait3A_101 = arith.constant 0 : i32
        %dma_wait3A_102 = tpu.memref_slice %arg8[%mul3A_65, %dma_wait3A_101] : memref<40x125xi32, #tpu.memory_space<vmem>> -> memref<1x125xi32, #tpu.memory_space<vmem>>
        %dma_wait3A_103 = tpu.memref_squeeze %dma_wait3A_102 : memref<1x125xi32, #tpu.memory_space<vmem>> -> memref<125xi32, #tpu.memory_space<vmem>>
        %dma_wait3A_104 = arith.constant 0 : i32
        %dma_wait3A_105 = arith.constant 0 : i32
        %dma_wait3A_106 = tpu.memref_slice %arg11[%dma_wait3A_104, %dma_wait3A_105] : memref<10000x128xf32, #tpu.memory_space<vmem_shared>> -> memref<10000x128xf32, #tpu.memory_space<vmem_shared>>
        tpu.wait_indirect_dma semaphore(%run_scoped3A_94 : memref<!tpu.dma_semaphore, #tpu.memory_space<semaphore_mem>>) src(%arg9 : memref<125x128xf32, #tpu.memory_space<vmem>>) dst(%dma_wait3A_106 : memref<10000x128xf32, #tpu.memory_space<vmem_shared>>)
        tpu.yield
      }) : () -> ()
      %lt3A_79 = arith.constant 19 : i32
      %lt3A_80 = arith.cmpi slt, %scan3A_63, %lt3A_79 : i32
      %convert_element_type3A_81 = arith.extui %lt3A_80 : i1 to i32
      %cond3A_82 = arith.constant 0 : i32
      %cond3A_83 = arith.cmpi ne, %convert_element_type3A_81, %cond3A_82 : i32
      scf.if %cond3A_83 {
        %add3A_94 = arith.constant 2 : i32
        %add3A_95 = arith.addi %mul3A_65, %add3A_94 : i32
        %dma_start3A_96 = arith.constant 0 : i32
        %dma_start3A_97 = tpu.memref_slice %arg7[%add3A_95, %dma_start3A_96] : memref<40x125xi32, #tpu.memory_space<vmem>> -> memref<1x125xi32, #tpu.memory_space<vmem>>
        %dma_start3A_98 = tpu.memref_squeeze %dma_start3A_97 : memref<1x125xi32, #tpu.memory_space<vmem>> -> memref<125xi32, #tpu.memory_space<vmem>>
        %dma_start3A_99 = arith.constant 0 : i32
        %dma_start3A_100 = arith.constant 0 : i32
        %dma_start3A_101 = tpu.memref_slice %arg4[%dma_start3A_99, %dma_start3A_100] : memref<10000x128xf32, #tpu.memory_space<hbm>> -> memref<10000x128xf32, #tpu.memory_space<hbm>>
        tpu.enqueue_indirect_dma source(%dma_start3A_101 : memref<10000x128xf32, #tpu.memory_space<hbm>>) target(%arg9 : memref<125x128xf32, #tpu.memory_space<vmem>>) offsets(%dma_start3A_98 : memref<125xi32, #tpu.memory_space<vmem>>) semaphore(%arg12 : memref<!tpu.dma_semaphore, #tpu.memory_space<semaphore_mem>>)
      } else {
      }
      %add3A_84 = arith.constant 1 : i32
      %add3A_85 = arith.addi %mul3A_65, %add3A_84 : i32
      %dma_wait3A_86 = arith.constant 0 : i32
      %dma_wait3A_87 = tpu.memref_slice %arg7[%add3A_85, %dma_wait3A_86] : memref<40x125xi32, #tpu.memory_space<vmem>> -> memref<1x125xi32, #tpu.memory_space<vmem>>
      %dma_wait3A_88 = tpu.memref_squeeze %dma_wait3A_87 : memref<1x125xi32, #tpu.memory_space<vmem>> -> memref<125xi32, #tpu.memory_space<vmem>>
      %dma_wait3A_89 = arith.constant 0 : i32
      %dma_wait3A_90 = arith.constant 0 : i32
      %dma_wait3A_91 = tpu.memref_slice %arg4[%dma_wait3A_89, %dma_wait3A_90] : memref<10000x128xf32, #tpu.memory_space<hbm>> -> memref<10000x128xf32, #tpu.memory_space<hbm>>
      tpu.wait_indirect_dma semaphore(%arg13 : memref<!tpu.dma_semaphore, #tpu.memory_space<semaphore_mem>>) src(%dma_wait3A_91 : memref<10000x128xf32, #tpu.memory_space<hbm>>) dst(%arg10 : memref<125x128xf32, #tpu.memory_space<vmem>>)
      %add3A_92 = arith.constant 1 : i32
      %add3A_93 = arith.addi %mul3A_65, %add3A_92 : i32
      "tpu.region"() ({
        %run_scoped3A_94 = tpu.sem_alloc : memref<!tpu.dma_semaphore, #tpu.memory_space<semaphore_mem>>
        %dma_start3A_95 = arith.constant 0 : i32
        %dma_start3A_96 = tpu.memref_slice %arg8[%add3A_93, %dma_start3A_95] : memref<40x125xi32, #tpu.memory_space<vmem>> -> memref<1x125xi32, #tpu.memory_space<vmem>>
        %dma_start3A_97 = tpu.memref_squeeze %dma_start3A_96 : memref<1x125xi32, #tpu.memory_space<vmem>> -> memref<125xi32, #tpu.memory_space<vmem>>
        %dma_start3A_98 = arith.constant 0 : i32
        %dma_start3A_99 = arith.constant 0 : i32
        %dma_start3A_100 = tpu.memref_slice %arg11[%dma_start3A_98, %dma_start3A_99] : memref<10000x128xf32, #tpu.memory_space<vmem_shared>> -> memref<10000x128xf32, #tpu.memory_space<vmem_shared>>
        tpu.enqueue_indirect_dma source(%arg10 : memref<125x128xf32, #tpu.memory_space<vmem>>) target(%dma_start3A_100 : memref<10000x128xf32, #tpu.memory_space<vmem_shared>>) offsets(%dma_start3A_97 : memref<125xi32, #tpu.memory_space<vmem>>) semaphore(%run_scoped3A_94 : memref<!tpu.dma_semaphore, #tpu.memory_space<semaphore_mem>>) {add = true}
        %dma_wait3A_101 = arith.constant 0 : i32
        %dma_wait3A_102 = tpu.memref_slice %arg8[%add3A_93, %dma_wait3A_101] : memref<40x125xi32, #tpu.memory_space<vmem>> -> memref<1x125xi32, #tpu.memory_space<vmem>>
        %dma_wait3A_103 = tpu.memref_squeeze %dma_wait3A_102 : memref<1x125xi32, #tpu.memory_space<vmem>> -> memref<125xi32, #tpu.memory_space<vmem>>
        %dma_wait3A_104 = arith.constant 0 : i32
        %dma_wait3A_105 = arith.constant 0 : i32
        %dma_wait3A_106 = tpu.memref_slice %arg11[%dma_wait3A_104, %dma_wait3A_105] : memref<10000x128xf32, #tpu.memory_space<vmem_shared>> -> memref<10000x128xf32, #tpu.memory_space<vmem_shared>>
        tpu.wait_indirect_dma semaphore(%run_scoped3A_94 : memref<!tpu.dma_semaphore, #tpu.memory_space<semaphore_mem>>) src(%arg10 : memref<125x128xf32, #tpu.memory_space<vmem>>) dst(%dma_wait3A_106 : memref<10000x128xf32, #tpu.memory_space<vmem_shared>>)
        tpu.yield
      }) : () -> ()
    }
    %scan3A_36 = arith.constant 20 : i32
    %run_scoped3A_37 = arith.constant 1 : i32
    "tpu.region"() ({
      %run_scoped3A_63 = tpu.sem_alloc : memref<!tpu.dma_semaphore, #tpu.memory_space<semaphore_mem>>
      %dma_start3A_64 = arith.constant 0 : i32
      %dma_start3A_65 = arith.constant 0 : i32
      %dma_start3A_66 = tpu.memref_slice %arg2[%add3A, %run_scoped3A_37, %dma_start3A_64, %dma_start3A_65] : memref<32x2x40x125xi32, #tpu.memory_space<hbm>> -> memref<1x1x40x125xi32, #tpu.memory_space<hbm>>
      %dma_start3A_67 = tpu.memref_squeeze %dma_start3A_66 : memref<1x1x40x125xi32, #tpu.memory_space<hbm>> -> memref<40x125xi32, #tpu.memory_space<hbm>>
      %dma_start3A_68 = arith.constant 0 : i32
      %dma_start3A_69 = arith.constant 0 : i32
      %dma_start3A_70 = tpu.memref_slice %arg2[%add3A, %run_scoped3A_37, %dma_start3A_68, %dma_start3A_69] : memref<32x2x40x125xi32, #tpu.memory_space<hbm>> -> memref<1x1x40x125xi32, #tpu.memory_space<hbm>>
      %dma_start3A_71 = tpu.memref_squeeze %dma_start3A_70 : memref<1x1x40x125xi32, #tpu.memory_space<hbm>> -> memref<40x125xi32, #tpu.memory_space<hbm>>
      tpu.enqueue_dma source(%dma_start3A_71 : memref<40x125xi32, #tpu.memory_space<hbm>>) target(%arg7 : memref<40x125xi32, #tpu.memory_space<vmem>>) target_semaphore(%run_scoped3A_63 : memref<!tpu.dma_semaphore, #tpu.memory_space<semaphore_mem>>)
      %dma_wait3A = arith.constant 0 : i32
      %dma_wait3A_72 = arith.constant 0 : i32
      %dma_wait3A_73 = tpu.memref_slice %arg2[%add3A, %run_scoped3A_37, %dma_wait3A, %dma_wait3A_72] : memref<32x2x40x125xi32, #tpu.memory_space<hbm>> -> memref<1x1x40x125xi32, #tpu.memory_space<hbm>>
      %dma_wait3A_74 = tpu.memref_squeeze %dma_wait3A_73 : memref<1x1x40x125xi32, #tpu.memory_space<hbm>> -> memref<40x125xi32, #tpu.memory_space<hbm>>
      %dma_wait3A_75 = arith.constant 0 : i32
      %dma_wait3A_76 = arith.constant 0 : i32
      %dma_wait3A_77 = tpu.memref_slice %arg2[%add3A, %run_scoped3A_37, %dma_wait3A_75, %dma_wait3A_76] : memref<32x2x40x125xi32, #tpu.memory_space<hbm>> -> memref<1x1x40x125xi32, #tpu.memory_space<hbm>>
      %dma_wait3A_78 = tpu.memref_squeeze %dma_wait3A_77 : memref<1x1x40x125xi32, #tpu.memory_space<hbm>> -> memref<40x125xi32, #tpu.memory_space<hbm>>
      tpu.wait_dma2 semaphore(%run_scoped3A_63 : memref<!tpu.dma_semaphore, #tpu.memory_space<semaphore_mem>>) src(%dma_wait3A_78 : memref<40x125xi32, #tpu.memory_space<hbm>>) dst(%arg7 : memref<40x125xi32, #tpu.memory_space<vmem>>)
      tpu.yield
    }) : () -> ()
    %run_scoped3A_38 = arith.constant 1 : i32
    "tpu.region"() ({
      %run_scoped3A_63 = tpu.sem_alloc : memref<!tpu.dma_semaphore, #tpu.memory_space<semaphore_mem>>
      %dma_start3A_64 = arith.constant 0 : i32
      %dma_start3A_65 = arith.constant 0 : i32
      %dma_start3A_66 = tpu.memref_slice %arg3[%add3A, %run_scoped3A_38, %dma_start3A_64, %dma_start3A_65] : memref<32x2x40x125xi32, #tpu.memory_space<hbm>> -> memref<1x1x40x125xi32, #tpu.memory_space<hbm>>
      %dma_start3A_67 = tpu.memref_squeeze %dma_start3A_66 : memref<1x1x40x125xi32, #tpu.memory_space<hbm>> -> memref<40x125xi32, #tpu.memory_space<hbm>>
      %dma_start3A_68 = arith.constant 0 : i32
      %dma_start3A_69 = arith.constant 0 : i32
      %dma_start3A_70 = tpu.memref_slice %arg3[%add3A, %run_scoped3A_38, %dma_start3A_68, %dma_start3A_69] : memref<32x2x40x125xi32, #tpu.memory_space<hbm>> -> memref<1x1x40x125xi32, #tpu.memory_space<hbm>>
      %dma_start3A_71 = tpu.memref_squeeze %dma_start3A_70 : memref<1x1x40x125xi32, #tpu.memory_space<hbm>> -> memref<40x125xi32, #tpu.memory_space<hbm>>
      tpu.enqueue_dma source(%dma_start3A_71 : memref<40x125xi32, #tpu.memory_space<hbm>>) target(%arg8 : memref<40x125xi32, #tpu.memory_space<vmem>>) target_semaphore(%run_scoped3A_63 : memref<!tpu.dma_semaphore, #tpu.memory_space<semaphore_mem>>)
      %dma_wait3A = arith.constant 0 : i32
      %dma_wait3A_72 = arith.constant 0 : i32
      %dma_wait3A_73 = tpu.memref_slice %arg3[%add3A, %run_scoped3A_38, %dma_wait3A, %dma_wait3A_72] : memref<32x2x40x125xi32, #tpu.memory_space<hbm>> -> memref<1x1x40x125xi32, #tpu.memory_space<hbm>>
      %dma_wait3A_74 = tpu.memref_squeeze %dma_wait3A_73 : memref<1x1x40x125xi32, #tpu.memory_space<hbm>> -> memref<40x125xi32, #tpu.memory_space<hbm>>
      %dma_wait3A_75 = arith.constant 0 : i32
      %dma_wait3A_76 = arith.constant 0 : i32
      %dma_wait3A_77 = tpu.memref_slice %arg3[%add3A, %run_scoped3A_38, %dma_wait3A_75, %dma_wait3A_76] : memref<32x2x40x125xi32, #tpu.memory_space<hbm>> -> memref<1x1x40x125xi32, #tpu.memory_space<hbm>>
      %dma_wait3A_78 = tpu.memref_squeeze %dma_wait3A_77 : memref<1x1x40x125xi32, #tpu.memory_space<hbm>> -> memref<40x125xi32, #tpu.memory_space<hbm>>
      tpu.wait_dma2 semaphore(%run_scoped3A_63 : memref<!tpu.dma_semaphore, #tpu.memory_space<semaphore_mem>>) src(%dma_wait3A_78 : memref<40x125xi32, #tpu.memory_space<hbm>>) dst(%arg8 : memref<40x125xi32, #tpu.memory_space<vmem>>)
      tpu.yield
    }) : () -> ()
    %dma_start3A_39 = arith.constant 0 : i32
    %dma_start3A_40 = arith.constant 0 : i32
    %dma_start3A_41 = tpu.memref_slice %arg7[%dma_start3A_39, %dma_start3A_40] : memref<40x125xi32, #tpu.memory_space<vmem>> -> memref<1x125xi32, #tpu.memory_space<vmem>>
    %dma_start3A_42 = tpu.memref_squeeze %dma_start3A_41 : memref<1x125xi32, #tpu.memory_space<vmem>> -> memref<125xi32, #tpu.memory_space<vmem>>
    %dma_start3A_43 = arith.constant 0 : i32
    %dma_start3A_44 = arith.constant 0 : i32
    %dma_start3A_45 = tpu.memref_slice %arg4[%dma_start3A_43, %dma_start3A_44] : memref<10000x128xf32, #tpu.memory_space<hbm>> -> memref<10000x128xf32, #tpu.memory_space<hbm>>
    tpu.enqueue_indirect_dma source(%dma_start3A_45 : memref<10000x128xf32, #tpu.memory_space<hbm>>) target(%arg9 : memref<125x128xf32, #tpu.memory_space<vmem>>) offsets(%dma_start3A_42 : memref<125xi32, #tpu.memory_space<vmem>>) semaphore(%arg12 : memref<!tpu.dma_semaphore, #tpu.memory_space<semaphore_mem>>)
    %scan3A_46 = arith.constant 0 : i32
    %scan3A_47 = arith.constant 0 : i32
    %scan3A_48 = arith.constant 20 : i32
    %scan3A_49 = arith.addi %scan3A_47, %scan3A_48 : i32
    %scan3A_50 = arith.constant 1 : i32
    scf.for %scan3A_63 = %scan3A_47 to %scan3A_49 step %scan3A_50  : i32 {
      %mul3A_64 = arith.constant 2 : i32
      %mul3A_65 = arith.muli %mul3A_64, %scan3A_63 : i32
      %add3A_66 = arith.constant 1 : i32
      %add3A_67 = arith.addi %mul3A_65, %add3A_66 : i32
      %dma_start3A_68 = arith.constant 0 : i32
      %dma_start3A_69 = tpu.memref_slice %arg7[%add3A_67, %dma_start3A_68] : memref<40x125xi32, #tpu.memory_space<vmem>> -> memref<1x125xi32, #tpu.memory_space<vmem>>
      %dma_start3A_70 = tpu.memref_squeeze %dma_start3A_69 : memref<1x125xi32, #tpu.memory_space<vmem>> -> memref<125xi32, #tpu.memory_space<vmem>>
      %dma_start3A_71 = arith.constant 0 : i32
      %dma_start3A_72 = arith.constant 0 : i32
      %dma_start3A_73 = tpu.memref_slice %arg4[%dma_start3A_71, %dma_start3A_72] : memref<10000x128xf32, #tpu.memory_space<hbm>> -> memref<10000x128xf32, #tpu.memory_space<hbm>>
      tpu.enqueue_indirect_dma source(%dma_start3A_73 : memref<10000x128xf32, #tpu.memory_space<hbm>>) target(%arg10 : memref<125x128xf32, #tpu.memory_space<vmem>>) offsets(%dma_start3A_70 : memref<125xi32, #tpu.memory_space<vmem>>) semaphore(%arg13 : memref<!tpu.dma_semaphore, #tpu.memory_space<semaphore_mem>>)
      %dma_wait3A = arith.constant 0 : i32
      %dma_wait3A_74 = tpu.memref_slice %arg7[%mul3A_65, %dma_wait3A] : memref<40x125xi32, #tpu.memory_space<vmem>> -> memref<1x125xi32, #tpu.memory_space<vmem>>
      %dma_wait3A_75 = tpu.memref_squeeze %dma_wait3A_74 : memref<1x125xi32, #tpu.memory_space<vmem>> -> memref<125xi32, #tpu.memory_space<vmem>>
      %dma_wait3A_76 = arith.constant 0 : i32
      %dma_wait3A_77 = arith.constant 0 : i32
      %dma_wait3A_78 = tpu.memref_slice %arg4[%dma_wait3A_76, %dma_wait3A_77] : memref<10000x128xf32, #tpu.memory_space<hbm>> -> memref<10000x128xf32, #tpu.memory_space<hbm>>
      tpu.wait_indirect_dma semaphore(%arg12 : memref<!tpu.dma_semaphore, #tpu.memory_space<semaphore_mem>>) src(%dma_wait3A_78 : memref<10000x128xf32, #tpu.memory_space<hbm>>) dst(%arg9 : memref<125x128xf32, #tpu.memory_space<vmem>>)
      "tpu.region"() ({
        %run_scoped3A_94 = tpu.sem_alloc : memref<!tpu.dma_semaphore, #tpu.memory_space<semaphore_mem>>
        %dma_start3A_95 = arith.constant 0 : i32
        %dma_start3A_96 = tpu.memref_slice %arg8[%mul3A_65, %dma_start3A_95] : memref<40x125xi32, #tpu.memory_space<vmem>> -> memref<1x125xi32, #tpu.memory_space<vmem>>
        %dma_start3A_97 = tpu.memref_squeeze %dma_start3A_96 : memref<1x125xi32, #tpu.memory_space<vmem>> -> memref<125xi32, #tpu.memory_space<vmem>>
        %dma_start3A_98 = arith.constant 0 : i32
        %dma_start3A_99 = arith.constant 0 : i32
        %dma_start3A_100 = tpu.memref_slice %arg11[%dma_start3A_98, %dma_start3A_99] : memref<10000x128xf32, #tpu.memory_space<vmem_shared>> -> memref<10000x128xf32, #tpu.memory_space<vmem_shared>>
        tpu.enqueue_indirect_dma source(%arg9 : memref<125x128xf32, #tpu.memory_space<vmem>>) target(%dma_start3A_100 : memref<10000x128xf32, #tpu.memory_space<vmem_shared>>) offsets(%dma_start3A_97 : memref<125xi32, #tpu.memory_space<vmem>>) semaphore(%run_scoped3A_94 : memref<!tpu.dma_semaphore, #tpu.memory_space<semaphore_mem>>) {add = true}
        %dma_wait3A_101 = arith.constant 0 : i32
        %dma_wait3A_102 = tpu.memref_slice %arg8[%mul3A_65, %dma_wait3A_101] : memref<40x125xi32, #tpu.memory_space<vmem>> -> memref<1x125xi32, #tpu.memory_space<vmem>>
        %dma_wait3A_103 = tpu.memref_squeeze %dma_wait3A_102 : memref<1x125xi32, #tpu.memory_space<vmem>> -> memref<125xi32, #tpu.memory_space<vmem>>
        %dma_wait3A_104 = arith.constant 0 : i32
        %dma_wait3A_105 = arith.constant 0 : i32
        %dma_wait3A_106 = tpu.memref_slice %arg11[%dma_wait3A_104, %dma_wait3A_105] : memref<10000x128xf32, #tpu.memory_space<vmem_shared>> -> memref<10000x128xf32, #tpu.memory_space<vmem_shared>>
        tpu.wait_indirect_dma semaphore(%run_scoped3A_94 : memref<!tpu.dma_semaphore, #tpu.memory_space<semaphore_mem>>) src(%arg9 : memref<125x128xf32, #tpu.memory_space<vmem>>) dst(%dma_wait3A_106 : memref<10000x128xf32, #tpu.memory_space<vmem_shared>>)
        tpu.yield
      }) : () -> ()
      %lt3A_79 = arith.constant 19 : i32
      %lt3A_80 = arith.cmpi slt, %scan3A_63, %lt3A_79 : i32
      %convert_element_type3A_81 = arith.extui %lt3A_80 : i1 to i32
      %cond3A_82 = arith.constant 0 : i32
      %cond3A_83 = arith.cmpi ne, %convert_element_type3A_81, %cond3A_82 : i32
      scf.if %cond3A_83 {
        %add3A_94 = arith.constant 2 : i32
        %add3A_95 = arith.addi %mul3A_65, %add3A_94 : i32
        %dma_start3A_96 = arith.constant 0 : i32
        %dma_start3A_97 = tpu.memref_slice %arg7[%add3A_95, %dma_start3A_96] : memref<40x125xi32, #tpu.memory_space<vmem>> -> memref<1x125xi32, #tpu.memory_space<vmem>>
        %dma_start3A_98 = tpu.memref_squeeze %dma_start3A_97 : memref<1x125xi32, #tpu.memory_space<vmem>> -> memref<125xi32, #tpu.memory_space<vmem>>
        %dma_start3A_99 = arith.constant 0 : i32
        %dma_start3A_100 = arith.constant 0 : i32
        %dma_start3A_101 = tpu.memref_slice %arg4[%dma_start3A_99, %dma_start3A_100] : memref<10000x128xf32, #tpu.memory_space<hbm>> -> memref<10000x128xf32, #tpu.memory_space<hbm>>
        tpu.enqueue_indirect_dma source(%dma_start3A_101 : memref<10000x128xf32, #tpu.memory_space<hbm>>) target(%arg9 : memref<125x128xf32, #tpu.memory_space<vmem>>) offsets(%dma_start3A_98 : memref<125xi32, #tpu.memory_space<vmem>>) semaphore(%arg12 : memref<!tpu.dma_semaphore, #tpu.memory_space<semaphore_mem>>)
      } else {
      }
      %add3A_84 = arith.constant 1 : i32
      %add3A_85 = arith.addi %mul3A_65, %add3A_84 : i32
      %dma_wait3A_86 = arith.constant 0 : i32
      %dma_wait3A_87 = tpu.memref_slice %arg7[%add3A_85, %dma_wait3A_86] : memref<40x125xi32, #tpu.memory_space<vmem>> -> memref<1x125xi32, #tpu.memory_space<vmem>>
      %dma_wait3A_88 = tpu.memref_squeeze %dma_wait3A_87 : memref<1x125xi32, #tpu.memory_space<vmem>> -> memref<125xi32, #tpu.memory_space<vmem>>
      %dma_wait3A_89 = arith.constant 0 : i32
      %dma_wait3A_90 = arith.constant 0 : i32
      %dma_wait3A_91 = tpu.memref_slice %arg4[%dma_wait3A_89, %dma_wait3A_90] : memref<10000x128xf32, #tpu.memory_space<hbm>> -> memref<10000x128xf32, #tpu.memory_space<hbm>>
      tpu.wait_indirect_dma semaphore(%arg13 : memref<!tpu.dma_semaphore, #tpu.memory_space<semaphore_mem>>) src(%dma_wait3A_91 : memref<10000x128xf32, #tpu.memory_space<hbm>>) dst(%arg10 : memref<125x128xf32, #tpu.memory_space<vmem>>)
      %add3A_92 = arith.constant 1 : i32
      %add3A_93 = arith.addi %mul3A_65, %add3A_92 : i32
      "tpu.region"() ({
        %run_scoped3A_94 = tpu.sem_alloc : memref<!tpu.dma_semaphore, #tpu.memory_space<semaphore_mem>>
        %dma_start3A_95 = arith.constant 0 : i32
        %dma_start3A_96 = tpu.memref_slice %arg8[%add3A_93, %dma_start3A_95] : memref<40x125xi32, #tpu.memory_space<vmem>> -> memref<1x125xi32, #tpu.memory_space<vmem>>
        %dma_start3A_97 = tpu.memref_squeeze %dma_start3A_96 : memref<1x125xi32, #tpu.memory_space<vmem>> -> memref<125xi32, #tpu.memory_space<vmem>>
        %dma_start3A_98 = arith.constant 0 : i32
        %dma_start3A_99 = arith.constant 0 : i32
        %dma_start3A_100 = tpu.memref_slice %arg11[%dma_start3A_98, %dma_start3A_99] : memref<10000x128xf32, #tpu.memory_space<vmem_shared>> -> memref<10000x128xf32, #tpu.memory_space<vmem_shared>>
        tpu.enqueue_indirect_dma source(%arg10 : memref<125x128xf32, #tpu.memory_space<vmem>>) target(%dma_start3A_100 : memref<10000x128xf32, #tpu.memory_space<vmem_shared>>) offsets(%dma_start3A_97 : memref<125xi32, #tpu.memory_space<vmem>>) semaphore(%run_scoped3A_94 : memref<!tpu.dma_semaphore, #tpu.memory_space<semaphore_mem>>) {add = true}
        %dma_wait3A_101 = arith.constant 0 : i32
        %dma_wait3A_102 = tpu.memref_slice %arg8[%add3A_93, %dma_wait3A_101] : memref<40x125xi32, #tpu.memory_space<vmem>> -> memref<1x125xi32, #tpu.memory_space<vmem>>
        %dma_wait3A_103 = tpu.memref_squeeze %dma_wait3A_102 : memref<1x125xi32, #tpu.memory_space<vmem>> -> memref<125xi32, #tpu.memory_space<vmem>>
        %dma_wait3A_104 = arith.constant 0 : i32
        %dma_wait3A_105 = arith.constant 0 : i32
        %dma_wait3A_106 = tpu.memref_slice %arg11[%dma_wait3A_104, %dma_wait3A_105] : memref<10000x128xf32, #tpu.memory_space<vmem_shared>> -> memref<10000x128xf32, #tpu.memory_space<vmem_shared>>
        tpu.wait_indirect_dma semaphore(%run_scoped3A_94 : memref<!tpu.dma_semaphore, #tpu.memory_space<semaphore_mem>>) src(%arg10 : memref<125x128xf32, #tpu.memory_space<vmem>>) dst(%dma_wait3A_106 : memref<10000x128xf32, #tpu.memory_space<vmem_shared>>)
        tpu.yield
      }) : () -> ()
    }
    %scan3A_51 = arith.constant 20 : i32
    %barrier3A_52 = arith.constant 0 : index
    tpu.barrier barrier_id(%barrier3A_52)
    %lt3A_53 = arith.constant 15 : i32
    %lt3A_54 = arith.cmpi slt, %arg1, %lt3A_53 : i32
    %convert_element_type3A_55 = arith.extui %lt3A_54 : i1 to i32
    %cond3A_56 = arith.constant 0 : i32
    %cond3A_57 = arith.cmpi ne, %convert_element_type3A_55, %cond3A_56 : i32
    scf.if %cond3A_57 {
      "tpu.region"() ({
        %run_scoped3A_63 = tpu.sem_alloc : memref<!tpu.dma_semaphore, #tpu.memory_space<semaphore_mem>>
        %dma_start3A_64 = arith.constant 0 : i32
        %dma_start3A_65 = tpu.memref_slice %arg6[%multiple_of3A_8, %dma_start3A_64] : memref<20000x128xf32, #tpu.memory_space<hbm>> -> memref<640x128xf32, #tpu.memory_space<hbm>>
        %dma_start3A_66 = arith.constant 0 : i32
        %dma_start3A_67 = tpu.memref_slice %arg11[%multiple_of3A, %dma_start3A_66] : memref<10000x128xf32, #tpu.memory_space<vmem_shared>> -> memref<640x128xf32, #tpu.memory_space<vmem_shared>>
        tpu.enqueue_dma source(%dma_start3A_67 : memref<640x128xf32, #tpu.memory_space<vmem_shared>>) target(%dma_start3A_65 : memref<640x128xf32, #tpu.memory_space<hbm>>) target_semaphore(%run_scoped3A_63 : memref<!tpu.dma_semaphore, #tpu.memory_space<semaphore_mem>>)
        %dma_wait3A = arith.constant 0 : i32
        %dma_wait3A_68 = tpu.memref_slice %arg6[%multiple_of3A_8, %dma_wait3A] : memref<20000x128xf32, #tpu.memory_space<hbm>> -> memref<640x128xf32, #tpu.memory_space<hbm>>
        %dma_wait3A_69 = arith.constant 0 : i32
        %dma_wait3A_70 = tpu.memref_slice %arg11[%multiple_of3A, %dma_wait3A_69] : memref<10000x128xf32, #tpu.memory_space<vmem_shared>> -> memref<640x128xf32, #tpu.memory_space<vmem_shared>>
        tpu.wait_dma2 semaphore(%run_scoped3A_63 : memref<!tpu.dma_semaphore, #tpu.memory_space<semaphore_mem>>) src(%dma_wait3A_70 : memref<640x128xf32, #tpu.memory_space<vmem_shared>>) dst(%dma_wait3A_68 : memref<640x128xf32, #tpu.memory_space<hbm>>)
        tpu.yield
      }) : () -> ()
    } else {
    }
    %eq3A_58 = arith.constant 15 : i32
    %eq3A_59 = arith.cmpi eq, %arg1, %eq3A_58 : i32
    %convert_element_type3A_60 = arith.extui %eq3A_59 : i1 to i32
    %cond3A_61 = arith.constant 0 : i32
    %cond3A_62 = arith.cmpi ne, %convert_element_type3A_60, %cond3A_61 : i32
    scf.if %cond3A_62 {
      "tpu.region"() ({
        %run_scoped3A_63 = tpu.sem_alloc : memref<!tpu.dma_semaphore, #tpu.memory_space<semaphore_mem>>
        %dma_start3A_64 = arith.constant 0 : i32
        %dma_start3A_65 = tpu.memref_slice %arg6[%multiple_of3A_8, %dma_start3A_64] : memref<20000x128xf32, #tpu.memory_space<hbm>> -> memref<400x128xf32, #tpu.memory_space<hbm>>
        %dma_start3A_66 = arith.constant 0 : i32
        %dma_start3A_67 = tpu.memref_slice %arg11[%multiple_of3A, %dma_start3A_66] : memref<10000x128xf32, #tpu.memory_space<vmem_shared>> -> memref<400x128xf32, #tpu.memory_space<vmem_shared>>
        tpu.enqueue_dma source(%dma_start3A_67 : memref<400x128xf32, #tpu.memory_space<vmem_shared>>) target(%dma_start3A_65 : memref<400x128xf32, #tpu.memory_space<hbm>>) target_semaphore(%run_scoped3A_63 : memref<!tpu.dma_semaphore, #tpu.memory_space<semaphore_mem>>)
        %dma_wait3A = arith.constant 0 : i32
        %dma_wait3A_68 = tpu.memref_slice %arg6[%multiple_of3A_8, %dma_wait3A] : memref<20000x128xf32, #tpu.memory_space<hbm>> -> memref<400x128xf32, #tpu.memory_space<hbm>>
        %dma_wait3A_69 = arith.constant 0 : i32
        %dma_wait3A_70 = tpu.memref_slice %arg11[%multiple_of3A, %dma_wait3A_69] : memref<10000x128xf32, #tpu.memory_space<vmem_shared>> -> memref<400x128xf32, #tpu.memory_space<vmem_shared>>
        tpu.wait_dma2 semaphore(%run_scoped3A_63 : memref<!tpu.dma_semaphore, #tpu.memory_space<semaphore_mem>>) src(%dma_wait3A_70 : memref<400x128xf32, #tpu.memory_space<vmem_shared>>) dst(%dma_wait3A_68 : memref<400x128xf32, #tpu.memory_space<hbm>>)
        tpu.yield
      }) : () -> ()
    } else {
    }
    return
  }
}

module attributes {stable_mosaic.version = 14 : i64} {
  func.func @_emb_body(%arg0: i32, %arg1: memref<2000x128xf32, #tpu.memory_space<vmem>>, %arg2: memref<128x128xf32, #tpu.memory_space<vmem>>, %arg3: memref<1x128xf32, #tpu.memory_space<vmem>>, %arg4: memref<2000x128xf32, #tpu.memory_space<vmem>>, %arg5: memref<1x128xf32, #tpu.memory_space<vmem>>) attributes {dimension_semantics = [#tpu.dimension_semantics<arbitrary>], iteration_bounds = array<i64: 5>, scalar_prefetch = 0 : i64, scratch_operands = 0 : i64, tpu.core_type = #tpu.core_type<tc>, window_params = [{transform_indices = @transform_0, window_bounds = array<i64: 2000, 128>}, {pipeline_mode = #tpu.pipeline_mode<synchronous>, transform_indices = @transform_1, window_bounds = array<i64: 128, 128>}, {pipeline_mode = #tpu.pipeline_mode<synchronous>, transform_indices = @transform_2, window_bounds = array<i64: 1, 128>}, {transform_indices = @transform_3, window_bounds = array<i64: 2000, 128>}, {pipeline_mode = #tpu.pipeline_mode<synchronous>, transform_indices = @transform_4, window_bounds = array<i64: 1, 128>}]} {
    %get3A = arith.constant 0 : index
    %get3A_0 = arith.constant 0 : index
    %get3A_1 = vector.load %arg1[%get3A, %get3A_0] : memref<2000x128xf32, #tpu.memory_space<vmem>>, vector<2000x128xf32>
    %get3A_2 = arith.constant 0 : index
    %get3A_3 = arith.constant 0 : index
    %get3A_4 = vector.load %arg2[%get3A_2, %get3A_3] : memref<128x128xf32, #tpu.memory_space<vmem>>, vector<128x128xf32>
    %convert_element_type3A = arith.truncf %get3A_1 : vector<2000x128xf32> to vector<2000x128xbf16>
    %convert_element_type3A_5 = arith.extf %convert_element_type3A : vector<2000x128xbf16> to vector<2000x128xf32>
    %sub3A = arith.subf %get3A_1, %convert_element_type3A_5 : vector<2000x128xf32>
    %convert_element_type3A_6 = arith.truncf %sub3A : vector<2000x128xf32> to vector<2000x128xbf16>
    %convert_element_type3A_7 = arith.truncf %get3A_4 : vector<128x128xf32> to vector<128x128xbf16>
    %convert_element_type3A_8 = arith.extf %convert_element_type3A_7 : vector<128x128xbf16> to vector<128x128xf32>
    %sub3A_9 = arith.subf %get3A_4, %convert_element_type3A_8 : vector<128x128xf32>
    %convert_element_type3A_10 = arith.truncf %sub3A_9 : vector<128x128xf32> to vector<128x128xbf16>
    %dot_general3A = arith.constant dense<0.000000e+00> : vector<2000x128xf32>
    %dot_general3A_11 = tpu.matmul %convert_element_type3A, %convert_element_type3A_7, %dot_general3A {dimension_numbers = #tpu.dot_dimension_numbers<[1], [0], [0], [1], [0, 0, 1, 1], [], []>, transpose_lhs_hint = false} : vector<2000x128xbf16>, vector<128x128xbf16>, vector<2000x128xf32> -> vector<2000x128xf32>
    %dot_general3A_12 = arith.constant dense<0.000000e+00> : vector<2000x128xf32>
    %dot_general3A_13 = tpu.matmul %convert_element_type3A, %convert_element_type3A_10, %dot_general3A_12 {dimension_numbers = #tpu.dot_dimension_numbers<[1], [0], [0], [1], [0, 0, 1, 1], [], []>, transpose_lhs_hint = false} : vector<2000x128xbf16>, vector<128x128xbf16>, vector<2000x128xf32> -> vector<2000x128xf32>
    %dot_general3A_14 = arith.constant dense<0.000000e+00> : vector<2000x128xf32>
    %dot_general3A_15 = tpu.matmul %convert_element_type3A_6, %convert_element_type3A_7, %dot_general3A_14 {dimension_numbers = #tpu.dot_dimension_numbers<[1], [0], [0], [1], [0, 0, 1, 1], [], []>, transpose_lhs_hint = false} : vector<2000x128xbf16>, vector<128x128xbf16>, vector<2000x128xf32> -> vector<2000x128xf32>
    %add3A = arith.addf %dot_general3A_13, %dot_general3A_15 : vector<2000x128xf32>
    %add3A_16 = arith.addf %dot_general3A_11, %add3A : vector<2000x128xf32>
    %get3A_17 = arith.constant 0 : index
    %get3A_18 = arith.constant 0 : index
    %get3A_19 = vector.load %arg3[%get3A_17, %get3A_18] : memref<1x128xf32, #tpu.memory_space<vmem>>, vector<1x128xf32>
    %add3A_20 = vector.broadcast %get3A_19 : vector<1x128xf32> to vector<2000x128xf32>
    %add3A_21 = arith.addf %add3A_16, %add3A_20 : vector<2000x128xf32>
    %swap3A = arith.constant 0 : index
    %swap3A_22 = arith.constant 0 : index
    %swap3A_23 = vector.load %arg4[%swap3A, %swap3A_22] : memref<2000x128xf32, #tpu.memory_space<vmem>>, vector<2000x128xf32>
    tpu.vector_store %arg4[%swap3A, %swap3A_22], %add3A_21 {strides = array<i32>} : memref<2000x128xf32, #tpu.memory_space<vmem>>, vector<2000x128xf32>,
    %reduce_sum3A = arith.constant dense<0.000000e+00> : vector<128xf32>
    %reduce_sum3A_24 = vector.multi_reduction <add>, %add3A_21, %reduce_sum3A [0] : vector<2000x128xf32> to vector<128xf32>
    %broadcast_in_dim3A = vector.shape_cast %reduce_sum3A_24 : vector<128xf32> to vector<1x128xf32>
    %eq3A = arith.constant 0 : i32
    %eq3A_25 = arith.cmpi eq, %arg0, %eq3A : i32
    %convert_element_type3A_26 = arith.extui %eq3A_25 : i1 to i32
    %cond3A = arith.constant 0 : i32
    %cond3A_27 = arith.cmpi ne, %convert_element_type3A_26, %cond3A : i32
    scf.if %cond3A_27 {
      %swap3A_32 = arith.constant 0 : index
      %swap3A_33 = arith.constant 0 : index
      %swap3A_34 = vector.load %arg5[%swap3A_32, %swap3A_33] : memref<1x128xf32, #tpu.memory_space<vmem>>, vector<1x128xf32>
      tpu.vector_store %arg5[%swap3A_32, %swap3A_33], %broadcast_in_dim3A {strides = array<i32>} : memref<1x128xf32, #tpu.memory_space<vmem>>, vector<1x128xf32>,
    } else {
    }
    %ne3A = arith.constant 0 : i32
    %ne3A_28 = arith.cmpi ne, %arg0, %ne3A : i32
    %convert_element_type3A_29 = arith.extui %ne3A_28 : i1 to i32
    %cond3A_30 = arith.constant 0 : i32
    %cond3A_31 = arith.cmpi ne, %convert_element_type3A_29, %cond3A_30 : i32
    scf.if %cond3A_31 {
      %get3A_32 = arith.constant 0 : index
      %get3A_33 = arith.constant 0 : index
      %get3A_34 = vector.load %arg5[%get3A_32, %get3A_33] : memref<1x128xf32, #tpu.memory_space<vmem>>, vector<1x128xf32>
      %add3A_35 = arith.addf %get3A_34, %broadcast_in_dim3A : vector<1x128xf32>
      %swap3A_36 = arith.constant 0 : index
      %swap3A_37 = arith.constant 0 : index
      %swap3A_38 = vector.load %arg5[%swap3A_36, %swap3A_37] : memref<1x128xf32, #tpu.memory_space<vmem>>, vector<1x128xf32>
      tpu.vector_store %arg5[%swap3A_36, %swap3A_37], %add3A_35 {strides = array<i32>} : memref<1x128xf32, #tpu.memory_space<vmem>>, vector<1x128xf32>,
    } else {
    }
    return
  }
  func.func @transform_0(%arg0: i32) -> (i32, i32) {
    %c0_i32 = arith.constant 0 : i32
    %c0_i32_0 = arith.constant 0 : i32
    return %arg0, %c0_i32 : i32, i32
  }
  func.func @transform_1(%arg0: i32) -> (i32, i32) {
    %c0_i32 = arith.constant 0 : i32
    %c0_i32_0 = arith.constant 0 : i32
    %c0_i32_1 = arith.constant 0 : i32
    return %c0_i32, %c0_i32_0 : i32, i32
  }
  func.func @transform_2(%arg0: i32) -> (i32, i32) {
    %c0_i32 = arith.constant 0 : i32
    %c0_i32_0 = arith.constant 0 : i32
    %c0_i32_1 = arith.constant 0 : i32
    return %c0_i32, %c0_i32_0 : i32, i32
  }
  func.func @transform_3(%arg0: i32) -> (i32, i32) {
    %c0_i32 = arith.constant 0 : i32
    %c0_i32_0 = arith.constant 0 : i32
    return %arg0, %c0_i32 : i32, i32
  }
  func.func @transform_4(%arg0: i32) -> (i32, i32) {
    %c0_i32 = arith.constant 0 : i32
    %c0_i32_0 = arith.constant 0 : i32
    %c0_i32_1 = arith.constant 0 : i32
    return %c0_i32, %c0_i32_0 : i32, i32
  }
}

module attributes {stable_mosaic.version = 14 : i64} {
  func.func @_layer_body(%arg0: i32, %arg1: memref<2000x128xf32, #tpu.memory_space<vmem>>, %arg2: memref<2000x128xf32, #tpu.memory_space<vmem>>, %arg3: memref<2000x128xf32, #tpu.memory_space<vmem>>, %arg4: memref<2000x1xf32, #tpu.memory_space<vmem>>, %arg5: memref<128x128xf32, #tpu.memory_space<vmem>>, %arg6: memref<1x128xf32, #tpu.memory_space<vmem>>, %arg7: memref<128x128xf32, #tpu.memory_space<vmem>>, %arg8: memref<1x128xf32, #tpu.memory_space<vmem>>, %arg9: memref<1x1xf32, #tpu.memory_space<smem>>, %arg10: memref<2000x128xf32, #tpu.memory_space<vmem>>, %arg11: memref<1x128xf32, #tpu.memory_space<vmem>>) attributes {dimension_semantics = [#tpu.dimension_semantics<arbitrary>], iteration_bounds = array<i64: 5>, scalar_prefetch = 0 : i64, scratch_operands = 0 : i64, tpu.core_type = #tpu.core_type<tc>, window_params = [{transform_indices = @transform_0, window_bounds = array<i64: 2000, 128>}, {transform_indices = @transform_1, window_bounds = array<i64: 2000, 128>}, {transform_indices = @transform_2, window_bounds = array<i64: 2000, 128>}, {transform_indices = @transform_3, window_bounds = array<i64: 2000, 1>}, {pipeline_mode = #tpu.pipeline_mode<synchronous>, transform_indices = @transform_4, window_bounds = array<i64: 128, 128>}, {pipeline_mode = #tpu.pipeline_mode<synchronous>, transform_indices = @transform_5, window_bounds = array<i64: 1, 128>}, {pipeline_mode = #tpu.pipeline_mode<synchronous>, transform_indices = @transform_6, window_bounds = array<i64: 128, 128>}, {pipeline_mode = #tpu.pipeline_mode<synchronous>, transform_indices = @transform_7, window_bounds = array<i64: 1, 128>}, {transform_indices = @transform_8, window_bounds = array<i64: 1, 1>}, {transform_indices = @transform_9, window_bounds = array<i64: 2000, 128>}, {pipeline_mode = #tpu.pipeline_mode<synchronous>, transform_indices = @transform_10, window_bounds = array<i64: 1, 128>}]} {
    %get3A = arith.constant 0 : index
    %get3A_0 = arith.constant 0 : index
    %get3A_1 = vector.load %arg1[%get3A, %get3A_0] : memref<2000x128xf32, #tpu.memory_space<vmem>>, vector<2000x128xf32>
    %get3A_2 = arith.constant 0 : index
    %get3A_3 = arith.constant 0 : index
    %get3A_4 = memref.load %arg9[%get3A_2, %get3A_3] : memref<1x1xf32, #tpu.memory_space<smem>>
    %add3A = arith.constant 1.000000e+00 : f32
    %add3A_5 = arith.addf %add3A, %get3A_4 : f32
    %mul3A = vector.broadcast %add3A_5 : f32 to vector<2000x128xf32>
    %mul3A_6 = arith.mulf %mul3A, %get3A_1 : vector<2000x128xf32>
    %get3A_7 = arith.constant 0 : index
    %get3A_8 = arith.constant 0 : index
    %get3A_9 = vector.load %arg2[%get3A_7, %get3A_8] : memref<2000x128xf32, #tpu.memory_space<vmem>>, vector<2000x128xf32>
    %get3A_10 = arith.constant 0 : index
    %get3A_11 = arith.constant 0 : index
    %get3A_12 = vector.load %arg3[%get3A_10, %get3A_11] : memref<2000x128xf32, #tpu.memory_space<vmem>>, vector<2000x128xf32>
    %add3A_13 = arith.addf %get3A_9, %get3A_12 : vector<2000x128xf32>
    %add3A_14 = arith.addf %mul3A_6, %add3A_13 : vector<2000x128xf32>
    %get3A_15 = arith.constant 0 : index
    %get3A_16 = arith.constant 0 : index
    %get3A_17 = vector.load %arg5[%get3A_15, %get3A_16] : memref<128x128xf32, #tpu.memory_space<vmem>>, vector<128x128xf32>
    %convert_element_type3A = arith.truncf %add3A_14 : vector<2000x128xf32> to vector<2000x128xbf16>
    %convert_element_type3A_18 = arith.extf %convert_element_type3A : vector<2000x128xbf16> to vector<2000x128xf32>
    %sub3A = arith.subf %add3A_14, %convert_element_type3A_18 : vector<2000x128xf32>
    %convert_element_type3A_19 = arith.truncf %sub3A : vector<2000x128xf32> to vector<2000x128xbf16>
    %convert_element_type3A_20 = arith.truncf %get3A_17 : vector<128x128xf32> to vector<128x128xbf16>
    %convert_element_type3A_21 = arith.extf %convert_element_type3A_20 : vector<128x128xbf16> to vector<128x128xf32>
    %sub3A_22 = arith.subf %get3A_17, %convert_element_type3A_21 : vector<128x128xf32>
    %convert_element_type3A_23 = arith.truncf %sub3A_22 : vector<128x128xf32> to vector<128x128xbf16>
    %dot_general3A = arith.constant dense<0.000000e+00> : vector<2000x128xf32>
    %dot_general3A_24 = tpu.matmul %convert_element_type3A, %convert_element_type3A_20, %dot_general3A {dimension_numbers = #tpu.dot_dimension_numbers<[1], [0], [0], [1], [0, 0, 1, 1], [], []>, transpose_lhs_hint = false} : vector<2000x128xbf16>, vector<128x128xbf16>, vector<2000x128xf32> -> vector<2000x128xf32>
    %dot_general3A_25 = arith.constant dense<0.000000e+00> : vector<2000x128xf32>
    %dot_general3A_26 = tpu.matmul %convert_element_type3A, %convert_element_type3A_23, %dot_general3A_25 {dimension_numbers = #tpu.dot_dimension_numbers<[1], [0], [0], [1], [0, 0, 1, 1], [], []>, transpose_lhs_hint = false} : vector<2000x128xbf16>, vector<128x128xbf16>, vector<2000x128xf32> -> vector<2000x128xf32>
    %dot_general3A_27 = arith.constant dense<0.000000e+00> : vector<2000x128xf32>
    %dot_general3A_28 = tpu.matmul %convert_element_type3A_19, %convert_element_type3A_20, %dot_general3A_27 {dimension_numbers = #tpu.dot_dimension_numbers<[1], [0], [0], [1], [0, 0, 1, 1], [], []>, transpose_lhs_hint = false} : vector<2000x128xbf16>, vector<128x128xbf16>, vector<2000x128xf32> -> vector<2000x128xf32>
    %add3A_29 = arith.addf %dot_general3A_26, %dot_general3A_28 : vector<2000x128xf32>
    %add3A_30 = arith.addf %dot_general3A_24, %add3A_29 : vector<2000x128xf32>
    %get3A_31 = arith.constant 0 : index
    %get3A_32 = arith.constant 0 : index
    %get3A_33 = vector.load %arg6[%get3A_31, %get3A_32] : memref<1x128xf32, #tpu.memory_space<vmem>>, vector<1x128xf32>
    %add3A_34 = vector.broadcast %get3A_33 : vector<1x128xf32> to vector<2000x128xf32>
    %add3A_35 = arith.addf %add3A_30, %add3A_34 : vector<2000x128xf32>
    %max3A = arith.constant 0.000000e+00 : f32
    %max3A_36 = vector.broadcast %max3A : f32 to vector<2000x128xf32>
    %max3A_37 = arith.maximumf %add3A_35, %max3A_36 : vector<2000x128xf32>
    %get3A_38 = arith.constant 0 : index
    %get3A_39 = arith.constant 0 : index
    %get3A_40 = vector.load %arg7[%get3A_38, %get3A_39] : memref<128x128xf32, #tpu.memory_space<vmem>>, vector<128x128xf32>
    %convert_element_type3A_41 = arith.truncf %max3A_37 : vector<2000x128xf32> to vector<2000x128xbf16>
    %convert_element_type3A_42 = arith.extf %convert_element_type3A_41 : vector<2000x128xbf16> to vector<2000x128xf32>
    %sub3A_43 = arith.subf %max3A_37, %convert_element_type3A_42 : vector<2000x128xf32>
    %convert_element_type3A_44 = arith.truncf %sub3A_43 : vector<2000x128xf32> to vector<2000x128xbf16>
    %convert_element_type3A_45 = arith.truncf %get3A_40 : vector<128x128xf32> to vector<128x128xbf16>
    %convert_element_type3A_46 = arith.extf %convert_element_type3A_45 : vector<128x128xbf16> to vector<128x128xf32>
    %sub3A_47 = arith.subf %get3A_40, %convert_element_type3A_46 : vector<128x128xf32>
    %convert_element_type3A_48 = arith.truncf %sub3A_47 : vector<128x128xf32> to vector<128x128xbf16>
    %dot_general3A_49 = arith.constant dense<0.000000e+00> : vector<2000x128xf32>
    %dot_general3A_50 = tpu.matmul %convert_element_type3A_41, %convert_element_type3A_45, %dot_general3A_49 {dimension_numbers = #tpu.dot_dimension_numbers<[1], [0], [0], [1], [0, 0, 1, 1], [], []>, transpose_lhs_hint = false} : vector<2000x128xbf16>, vector<128x128xbf16>, vector<2000x128xf32> -> vector<2000x128xf32>
    %dot_general3A_51 = arith.constant dense<0.000000e+00> : vector<2000x128xf32>
    %dot_general3A_52 = tpu.matmul %convert_element_type3A_41, %convert_element_type3A_48, %dot_general3A_51 {dimension_numbers = #tpu.dot_dimension_numbers<[1], [0], [0], [1], [0, 0, 1, 1], [], []>, transpose_lhs_hint = false} : vector<2000x128xbf16>, vector<128x128xbf16>, vector<2000x128xf32> -> vector<2000x128xf32>
    %dot_general3A_53 = arith.constant dense<0.000000e+00> : vector<2000x128xf32>
    %dot_general3A_54 = tpu.matmul %convert_element_type3A_44, %convert_element_type3A_45, %dot_general3A_53 {dimension_numbers = #tpu.dot_dimension_numbers<[1], [0], [0], [1], [0, 0, 1, 1], [], []>, transpose_lhs_hint = false} : vector<2000x128xbf16>, vector<128x128xbf16>, vector<2000x128xf32> -> vector<2000x128xf32>
    %add3A_55 = arith.addf %dot_general3A_52, %dot_general3A_54 : vector<2000x128xf32>
    %add3A_56 = arith.addf %dot_general3A_50, %add3A_55 : vector<2000x128xf32>
    %get3A_57 = arith.constant 0 : index
    %get3A_58 = arith.constant 0 : index
    %get3A_59 = vector.load %arg8[%get3A_57, %get3A_58] : memref<1x128xf32, #tpu.memory_space<vmem>>, vector<1x128xf32>
    %add3A_60 = vector.broadcast %get3A_59 : vector<1x128xf32> to vector<2000x128xf32>
    %add3A_61 = arith.addf %add3A_56, %add3A_60 : vector<2000x128xf32>
    %max3A_62 = arith.constant 0.000000e+00 : f32
    %max3A_63 = vector.broadcast %max3A_62 : f32 to vector<2000x128xf32>
    %max3A_64 = arith.maximumf %add3A_61, %max3A_63 : vector<2000x128xf32>
    %get3A_65 = arith.constant 0 : index
    %get3A_66 = arith.constant 0 : index
    %get3A_67 = vector.load %arg4[%get3A_65, %get3A_66] : memref<2000x1xf32, #tpu.memory_space<vmem>>, vector<2000x1xf32>
    %mul3A_68 = vector.broadcast %get3A_67 : vector<2000x1xf32> to vector<2000x128xf32>
    %mul3A_69 = arith.mulf %max3A_64, %mul3A_68 : vector<2000x128xf32>
    %max3A_70 = arith.constant 0.000000e+00 : f32
    %max3A_71 = vector.broadcast %max3A_70 : f32 to vector<2000x128xf32>
    %max3A_72 = arith.maximumf %mul3A_69, %max3A_71 : vector<2000x128xf32>
    %add3A_73 = arith.addf %get3A_1, %max3A_72 : vector<2000x128xf32>
    %swap3A = arith.constant 0 : index
    %swap3A_74 = arith.constant 0 : index
    %swap3A_75 = vector.load %arg10[%swap3A, %swap3A_74] : memref<2000x128xf32, #tpu.memory_space<vmem>>, vector<2000x128xf32>
    tpu.vector_store %arg10[%swap3A, %swap3A_74], %add3A_73 {strides = array<i32>} : memref<2000x128xf32, #tpu.memory_space<vmem>>, vector<2000x128xf32>,
    %reduce_sum3A = arith.constant dense<0.000000e+00> : vector<128xf32>
    %reduce_sum3A_76 = vector.multi_reduction <add>, %add3A_73, %reduce_sum3A [0] : vector<2000x128xf32> to vector<128xf32>
    %broadcast_in_dim3A = vector.shape_cast %reduce_sum3A_76 : vector<128xf32> to vector<1x128xf32>
    %eq3A = arith.constant 0 : i32
    %eq3A_77 = arith.cmpi eq, %arg0, %eq3A : i32
    %convert_element_type3A_78 = arith.extui %eq3A_77 : i1 to i32
    %cond3A = arith.constant 0 : i32
    %cond3A_79 = arith.cmpi ne, %convert_element_type3A_78, %cond3A : i32
    scf.if %cond3A_79 {
      %swap3A_84 = arith.constant 0 : index
      %swap3A_85 = arith.constant 0 : index
      %swap3A_86 = vector.load %arg11[%swap3A_84, %swap3A_85] : memref<1x128xf32, #tpu.memory_space<vmem>>, vector<1x128xf32>
      tpu.vector_store %arg11[%swap3A_84, %swap3A_85], %broadcast_in_dim3A {strides = array<i32>} : memref<1x128xf32, #tpu.memory_space<vmem>>, vector<1x128xf32>,
    } else {
    }
    %ne3A = arith.constant 0 : i32
    %ne3A_80 = arith.cmpi ne, %arg0, %ne3A : i32
    %convert_element_type3A_81 = arith.extui %ne3A_80 : i1 to i32
    %cond3A_82 = arith.constant 0 : i32
    %cond3A_83 = arith.cmpi ne, %convert_element_type3A_81, %cond3A_82 : i32
    scf.if %cond3A_83 {
      %get3A_84 = arith.constant 0 : index
      %get3A_85 = arith.constant 0 : index
      %get3A_86 = vector.load %arg11[%get3A_84, %get3A_85] : memref<1x128xf32, #tpu.memory_space<vmem>>, vector<1x128xf32>
      %add3A_87 = arith.addf %get3A_86, %broadcast_in_dim3A : vector<1x128xf32>
      %swap3A_88 = arith.constant 0 : index
      %swap3A_89 = arith.constant 0 : index
      %swap3A_90 = vector.load %arg11[%swap3A_88, %swap3A_89] : memref<1x128xf32, #tpu.memory_space<vmem>>, vector<1x128xf32>
      tpu.vector_store %arg11[%swap3A_88, %swap3A_89], %add3A_87 {strides = array<i32>} : memref<1x128xf32, #tpu.memory_space<vmem>>, vector<1x128xf32>,
    } else {
    }
    return
  }
  func.func @transform_0(%arg0: i32) -> (i32, i32) {
    %c0_i32 = arith.constant 0 : i32
    %c0_i32_0 = arith.constant 0 : i32
    return %arg0, %c0_i32 : i32, i32
  }
  func.func @transform_1(%arg0: i32) -> (i32, i32) {
    %c0_i32 = arith.constant 0 : i32
    %c0_i32_0 = arith.constant 0 : i32
    return %arg0, %c0_i32 : i32, i32
  }
  func.func @transform_2(%arg0: i32) -> (i32, i32) {
    %add3A = arith.constant 5 : i32
    %add3A_0 = arith.addi %arg0, %add3A : i32
    %c0_i32 = arith.constant 0 : i32
    %c0_i32_1 = arith.constant 0 : i32
    return %add3A_0, %c0_i32 : i32, i32
  }
  func.func @transform_3(%arg0: i32) -> (i32, i32) {
    %c0_i32 = arith.constant 0 : i32
    %c0_i32_0 = arith.constant 0 : i32
    return %arg0, %c0_i32 : i32, i32
  }
  func.func @transform_4(%arg0: i32) -> (i32, i32) {
    %c0_i32 = arith.constant 0 : i32
    %c0_i32_0 = arith.constant 0 : i32
    %c0_i32_1 = arith.constant 0 : i32
    return %c0_i32, %c0_i32_0 : i32, i32
  }
  func.func @transform_5(%arg0: i32) -> (i32, i32) {
    %c0_i32 = arith.constant 0 : i32
    %c0_i32_0 = arith.constant 0 : i32
    %c0_i32_1 = arith.constant 0 : i32
    return %c0_i32, %c0_i32_0 : i32, i32
  }
  func.func @transform_6(%arg0: i32) -> (i32, i32) {
    %c0_i32 = arith.constant 0 : i32
    %c0_i32_0 = arith.constant 0 : i32
    %c0_i32_1 = arith.constant 0 : i32
    return %c0_i32, %c0_i32_0 : i32, i32
  }
  func.func @transform_7(%arg0: i32) -> (i32, i32) {
    %c0_i32 = arith.constant 0 : i32
    %c0_i32_0 = arith.constant 0 : i32
    %c0_i32_1 = arith.constant 0 : i32
    return %c0_i32, %c0_i32_0 : i32, i32
  }
  func.func @transform_8(%arg0: i32) -> (i32, i32) {
    %c0_i32 = arith.constant 0 : i32
    %c0_i32_0 = arith.constant 0 : i32
    %c0_i32_1 = arith.constant 0 : i32
    return %c0_i32, %c0_i32_0 : i32, i32
  }
  func.func @transform_9(%arg0: i32) -> (i32, i32) {
    %c0_i32 = arith.constant 0 : i32
    %c0_i32_0 = arith.constant 0 : i32
    return %arg0, %c0_i32 : i32, i32
  }
  func.func @transform_10(%arg0: i32) -> (i32, i32) {
    %c0_i32 = arith.constant 0 : i32
    %c0_i32_0 = arith.constant 0 : i32
    %c0_i32_1 = arith.constant 0 : i32
    return %c0_i32, %c0_i32_0 : i32, i32
  }
}

module attributes {stable_mosaic.version = 14 : i64} {
  func.func @_layer_body(%arg0: i32, %arg1: memref<2000x128xf32, #tpu.memory_space<vmem>>, %arg2: memref<2000x128xf32, #tpu.memory_space<vmem>>, %arg3: memref<2000x128xf32, #tpu.memory_space<vmem>>, %arg4: memref<2000x1xf32, #tpu.memory_space<vmem>>, %arg5: memref<128x128xf32, #tpu.memory_space<vmem>>, %arg6: memref<1x128xf32, #tpu.memory_space<vmem>>, %arg7: memref<128x128xf32, #tpu.memory_space<vmem>>, %arg8: memref<1x128xf32, #tpu.memory_space<vmem>>, %arg9: memref<1x1xf32, #tpu.memory_space<smem>>, %arg10: memref<2000x128xf32, #tpu.memory_space<vmem>>, %arg11: memref<1x128xf32, #tpu.memory_space<vmem>>) attributes {dimension_semantics = [#tpu.dimension_semantics<arbitrary>], iteration_bounds = array<i64: 5>, scalar_prefetch = 0 : i64, scratch_operands = 0 : i64, tpu.core_type = #tpu.core_type<tc>, window_params = [{transform_indices = @transform_0, window_bounds = array<i64: 2000, 128>}, {transform_indices = @transform_1, window_bounds = array<i64: 2000, 128>}, {transform_indices = @transform_2, window_bounds = array<i64: 2000, 128>}, {transform_indices = @transform_3, window_bounds = array<i64: 2000, 1>}, {pipeline_mode = #tpu.pipeline_mode<synchronous>, transform_indices = @transform_4, window_bounds = array<i64: 128, 128>}, {pipeline_mode = #tpu.pipeline_mode<synchronous>, transform_indices = @transform_5, window_bounds = array<i64: 1, 128>}, {pipeline_mode = #tpu.pipeline_mode<synchronous>, transform_indices = @transform_6, window_bounds = array<i64: 128, 128>}, {pipeline_mode = #tpu.pipeline_mode<synchronous>, transform_indices = @transform_7, window_bounds = array<i64: 1, 128>}, {transform_indices = @transform_8, window_bounds = array<i64: 1, 1>}, {transform_indices = @transform_9, window_bounds = array<i64: 2000, 128>}, {pipeline_mode = #tpu.pipeline_mode<synchronous>, transform_indices = @transform_10, window_bounds = array<i64: 1, 128>}]} {
    %get3A = arith.constant 0 : index
    %get3A_0 = arith.constant 0 : index
    %get3A_1 = vector.load %arg1[%get3A, %get3A_0] : memref<2000x128xf32, #tpu.memory_space<vmem>>, vector<2000x128xf32>
    %get3A_2 = arith.constant 0 : index
    %get3A_3 = arith.constant 0 : index
    %get3A_4 = memref.load %arg9[%get3A_2, %get3A_3] : memref<1x1xf32, #tpu.memory_space<smem>>
    %add3A = arith.constant 1.000000e+00 : f32
    %add3A_5 = arith.addf %add3A, %get3A_4 : f32
    %mul3A = vector.broadcast %add3A_5 : f32 to vector<2000x128xf32>
    %mul3A_6 = arith.mulf %mul3A, %get3A_1 : vector<2000x128xf32>
    %get3A_7 = arith.constant 0 : index
    %get3A_8 = arith.constant 0 : index
    %get3A_9 = vector.load %arg2[%get3A_7, %get3A_8] : memref<2000x128xf32, #tpu.memory_space<vmem>>, vector<2000x128xf32>
    %get3A_10 = arith.constant 0 : index
    %get3A_11 = arith.constant 0 : index
    %get3A_12 = vector.load %arg3[%get3A_10, %get3A_11] : memref<2000x128xf32, #tpu.memory_space<vmem>>, vector<2000x128xf32>
    %add3A_13 = arith.addf %get3A_9, %get3A_12 : vector<2000x128xf32>
    %add3A_14 = arith.addf %mul3A_6, %add3A_13 : vector<2000x128xf32>
    %get3A_15 = arith.constant 0 : index
    %get3A_16 = arith.constant 0 : index
    %get3A_17 = vector.load %arg5[%get3A_15, %get3A_16] : memref<128x128xf32, #tpu.memory_space<vmem>>, vector<128x128xf32>
    %convert_element_type3A = arith.truncf %add3A_14 : vector<2000x128xf32> to vector<2000x128xbf16>
    %convert_element_type3A_18 = arith.extf %convert_element_type3A : vector<2000x128xbf16> to vector<2000x128xf32>
    %sub3A = arith.subf %add3A_14, %convert_element_type3A_18 : vector<2000x128xf32>
    %convert_element_type3A_19 = arith.truncf %sub3A : vector<2000x128xf32> to vector<2000x128xbf16>
    %convert_element_type3A_20 = arith.truncf %get3A_17 : vector<128x128xf32> to vector<128x128xbf16>
    %convert_element_type3A_21 = arith.extf %convert_element_type3A_20 : vector<128x128xbf16> to vector<128x128xf32>
    %sub3A_22 = arith.subf %get3A_17, %convert_element_type3A_21 : vector<128x128xf32>
    %convert_element_type3A_23 = arith.truncf %sub3A_22 : vector<128x128xf32> to vector<128x128xbf16>
    %dot_general3A = arith.constant dense<0.000000e+00> : vector<2000x128xf32>
    %dot_general3A_24 = tpu.matmul %convert_element_type3A, %convert_element_type3A_20, %dot_general3A {dimension_numbers = #tpu.dot_dimension_numbers<[1], [0], [0], [1], [0, 0, 1, 1], [], []>, transpose_lhs_hint = false} : vector<2000x128xbf16>, vector<128x128xbf16>, vector<2000x128xf32> -> vector<2000x128xf32>
    %dot_general3A_25 = arith.constant dense<0.000000e+00> : vector<2000x128xf32>
    %dot_general3A_26 = tpu.matmul %convert_element_type3A, %convert_element_type3A_23, %dot_general3A_25 {dimension_numbers = #tpu.dot_dimension_numbers<[1], [0], [0], [1], [0, 0, 1, 1], [], []>, transpose_lhs_hint = false} : vector<2000x128xbf16>, vector<128x128xbf16>, vector<2000x128xf32> -> vector<2000x128xf32>
    %dot_general3A_27 = arith.constant dense<0.000000e+00> : vector<2000x128xf32>
    %dot_general3A_28 = tpu.matmul %convert_element_type3A_19, %convert_element_type3A_20, %dot_general3A_27 {dimension_numbers = #tpu.dot_dimension_numbers<[1], [0], [0], [1], [0, 0, 1, 1], [], []>, transpose_lhs_hint = false} : vector<2000x128xbf16>, vector<128x128xbf16>, vector<2000x128xf32> -> vector<2000x128xf32>
    %add3A_29 = arith.addf %dot_general3A_26, %dot_general3A_28 : vector<2000x128xf32>
    %add3A_30 = arith.addf %dot_general3A_24, %add3A_29 : vector<2000x128xf32>
    %get3A_31 = arith.constant 0 : index
    %get3A_32 = arith.constant 0 : index
    %get3A_33 = vector.load %arg6[%get3A_31, %get3A_32] : memref<1x128xf32, #tpu.memory_space<vmem>>, vector<1x128xf32>
    %add3A_34 = vector.broadcast %get3A_33 : vector<1x128xf32> to vector<2000x128xf32>
    %add3A_35 = arith.addf %add3A_30, %add3A_34 : vector<2000x128xf32>
    %max3A = arith.constant 0.000000e+00 : f32
    %max3A_36 = vector.broadcast %max3A : f32 to vector<2000x128xf32>
    %max3A_37 = arith.maximumf %add3A_35, %max3A_36 : vector<2000x128xf32>
    %get3A_38 = arith.constant 0 : index
    %get3A_39 = arith.constant 0 : index
    %get3A_40 = vector.load %arg7[%get3A_38, %get3A_39] : memref<128x128xf32, #tpu.memory_space<vmem>>, vector<128x128xf32>
    %convert_element_type3A_41 = arith.truncf %max3A_37 : vector<2000x128xf32> to vector<2000x128xbf16>
    %convert_element_type3A_42 = arith.extf %convert_element_type3A_41 : vector<2000x128xbf16> to vector<2000x128xf32>
    %sub3A_43 = arith.subf %max3A_37, %convert_element_type3A_42 : vector<2000x128xf32>
    %convert_element_type3A_44 = arith.truncf %sub3A_43 : vector<2000x128xf32> to vector<2000x128xbf16>
    %convert_element_type3A_45 = arith.truncf %get3A_40 : vector<128x128xf32> to vector<128x128xbf16>
    %convert_element_type3A_46 = arith.extf %convert_element_type3A_45 : vector<128x128xbf16> to vector<128x128xf32>
    %sub3A_47 = arith.subf %get3A_40, %convert_element_type3A_46 : vector<128x128xf32>
    %convert_element_type3A_48 = arith.truncf %sub3A_47 : vector<128x128xf32> to vector<128x128xbf16>
    %dot_general3A_49 = arith.constant dense<0.000000e+00> : vector<2000x128xf32>
    %dot_general3A_50 = tpu.matmul %convert_element_type3A_41, %convert_element_type3A_45, %dot_general3A_49 {dimension_numbers = #tpu.dot_dimension_numbers<[1], [0], [0], [1], [0, 0, 1, 1], [], []>, transpose_lhs_hint = false} : vector<2000x128xbf16>, vector<128x128xbf16>, vector<2000x128xf32> -> vector<2000x128xf32>
    %dot_general3A_51 = arith.constant dense<0.000000e+00> : vector<2000x128xf32>
    %dot_general3A_52 = tpu.matmul %convert_element_type3A_41, %convert_element_type3A_48, %dot_general3A_51 {dimension_numbers = #tpu.dot_dimension_numbers<[1], [0], [0], [1], [0, 0, 1, 1], [], []>, transpose_lhs_hint = false} : vector<2000x128xbf16>, vector<128x128xbf16>, vector<2000x128xf32> -> vector<2000x128xf32>
    %dot_general3A_53 = arith.constant dense<0.000000e+00> : vector<2000x128xf32>
    %dot_general3A_54 = tpu.matmul %convert_element_type3A_44, %convert_element_type3A_45, %dot_general3A_53 {dimension_numbers = #tpu.dot_dimension_numbers<[1], [0], [0], [1], [0, 0, 1, 1], [], []>, transpose_lhs_hint = false} : vector<2000x128xbf16>, vector<128x128xbf16>, vector<2000x128xf32> -> vector<2000x128xf32>
    %add3A_55 = arith.addf %dot_general3A_52, %dot_general3A_54 : vector<2000x128xf32>
    %add3A_56 = arith.addf %dot_general3A_50, %add3A_55 : vector<2000x128xf32>
    %get3A_57 = arith.constant 0 : index
    %get3A_58 = arith.constant 0 : index
    %get3A_59 = vector.load %arg8[%get3A_57, %get3A_58] : memref<1x128xf32, #tpu.memory_space<vmem>>, vector<1x128xf32>
    %add3A_60 = vector.broadcast %get3A_59 : vector<1x128xf32> to vector<2000x128xf32>
    %add3A_61 = arith.addf %add3A_56, %add3A_60 : vector<2000x128xf32>
    %max3A_62 = arith.constant 0.000000e+00 : f32
    %max3A_63 = vector.broadcast %max3A_62 : f32 to vector<2000x128xf32>
    %max3A_64 = arith.maximumf %add3A_61, %max3A_63 : vector<2000x128xf32>
    %get3A_65 = arith.constant 0 : index
    %get3A_66 = arith.constant 0 : index
    %get3A_67 = vector.load %arg4[%get3A_65, %get3A_66] : memref<2000x1xf32, #tpu.memory_space<vmem>>, vector<2000x1xf32>
    %mul3A_68 = vector.broadcast %get3A_67 : vector<2000x1xf32> to vector<2000x128xf32>
    %mul3A_69 = arith.mulf %max3A_64, %mul3A_68 : vector<2000x128xf32>
    %max3A_70 = arith.constant 0.000000e+00 : f32
    %max3A_71 = vector.broadcast %max3A_70 : f32 to vector<2000x128xf32>
    %max3A_72 = arith.maximumf %mul3A_69, %max3A_71 : vector<2000x128xf32>
    %add3A_73 = arith.addf %get3A_1, %max3A_72 : vector<2000x128xf32>
    %swap3A = arith.constant 0 : index
    %swap3A_74 = arith.constant 0 : index
    %swap3A_75 = vector.load %arg10[%swap3A, %swap3A_74] : memref<2000x128xf32, #tpu.memory_space<vmem>>, vector<2000x128xf32>
    tpu.vector_store %arg10[%swap3A, %swap3A_74], %add3A_73 {strides = array<i32>} : memref<2000x128xf32, #tpu.memory_space<vmem>>, vector<2000x128xf32>,
    %reduce_sum3A = arith.constant dense<0.000000e+00> : vector<128xf32>
    %reduce_sum3A_76 = vector.multi_reduction <add>, %add3A_73, %reduce_sum3A [0] : vector<2000x128xf32> to vector<128xf32>
    %broadcast_in_dim3A = vector.shape_cast %reduce_sum3A_76 : vector<128xf32> to vector<1x128xf32>
    %eq3A = arith.constant 0 : i32
    %eq3A_77 = arith.cmpi eq, %arg0, %eq3A : i32
    %convert_element_type3A_78 = arith.extui %eq3A_77 : i1 to i32
    %cond3A = arith.constant 0 : i32
    %cond3A_79 = arith.cmpi ne, %convert_element_type3A_78, %cond3A : i32
    scf.if %cond3A_79 {
      %swap3A_84 = arith.constant 0 : index
      %swap3A_85 = arith.constant 0 : index
      %swap3A_86 = vector.load %arg11[%swap3A_84, %swap3A_85] : memref<1x128xf32, #tpu.memory_space<vmem>>, vector<1x128xf32>
      tpu.vector_store %arg11[%swap3A_84, %swap3A_85], %broadcast_in_dim3A {strides = array<i32>} : memref<1x128xf32, #tpu.memory_space<vmem>>, vector<1x128xf32>,
    } else {
    }
    %ne3A = arith.constant 0 : i32
    %ne3A_80 = arith.cmpi ne, %arg0, %ne3A : i32
    %convert_element_type3A_81 = arith.extui %ne3A_80 : i1 to i32
    %cond3A_82 = arith.constant 0 : i32
    %cond3A_83 = arith.cmpi ne, %convert_element_type3A_81, %cond3A_82 : i32
    scf.if %cond3A_83 {
      %get3A_84 = arith.constant 0 : index
      %get3A_85 = arith.constant 0 : index
      %get3A_86 = vector.load %arg11[%get3A_84, %get3A_85] : memref<1x128xf32, #tpu.memory_space<vmem>>, vector<1x128xf32>
      %add3A_87 = arith.addf %get3A_86, %broadcast_in_dim3A : vector<1x128xf32>
      %swap3A_88 = arith.constant 0 : index
      %swap3A_89 = arith.constant 0 : index
      %swap3A_90 = vector.load %arg11[%swap3A_88, %swap3A_89] : memref<1x128xf32, #tpu.memory_space<vmem>>, vector<1x128xf32>
      tpu.vector_store %arg11[%swap3A_88, %swap3A_89], %add3A_87 {strides = array<i32>} : memref<1x128xf32, #tpu.memory_space<vmem>>, vector<1x128xf32>,
    } else {
    }
    return
  }
  func.func @transform_0(%arg0: i32) -> (i32, i32) {
    %c0_i32 = arith.constant 0 : i32
    %c0_i32_0 = arith.constant 0 : i32
    return %arg0, %c0_i32 : i32, i32
  }
  func.func @transform_1(%arg0: i32) -> (i32, i32) {
    %c0_i32 = arith.constant 0 : i32
    %c0_i32_0 = arith.constant 0 : i32
    return %arg0, %c0_i32 : i32, i32
  }
  func.func @transform_2(%arg0: i32) -> (i32, i32) {
    %add3A = arith.constant 5 : i32
    %add3A_0 = arith.addi %arg0, %add3A : i32
    %c0_i32 = arith.constant 0 : i32
    %c0_i32_1 = arith.constant 0 : i32
    return %add3A_0, %c0_i32 : i32, i32
  }
  func.func @transform_3(%arg0: i32) -> (i32, i32) {
    %c0_i32 = arith.constant 0 : i32
    %c0_i32_0 = arith.constant 0 : i32
    return %arg0, %c0_i32 : i32, i32
  }
  func.func @transform_4(%arg0: i32) -> (i32, i32) {
    %c0_i32 = arith.constant 0 : i32
    %c0_i32_0 = arith.constant 0 : i32
    %c0_i32_1 = arith.constant 0 : i32
    return %c0_i32, %c0_i32_0 : i32, i32
  }
  func.func @transform_5(%arg0: i32) -> (i32, i32) {
    %c0_i32 = arith.constant 0 : i32
    %c0_i32_0 = arith.constant 0 : i32
    %c0_i32_1 = arith.constant 0 : i32
    return %c0_i32, %c0_i32_0 : i32, i32
  }
  func.func @transform_6(%arg0: i32) -> (i32, i32) {
    %c0_i32 = arith.constant 0 : i32
    %c0_i32_0 = arith.constant 0 : i32
    %c0_i32_1 = arith.constant 0 : i32
    return %c0_i32, %c0_i32_0 : i32, i32
  }
  func.func @transform_7(%arg0: i32) -> (i32, i32) {
    %c0_i32 = arith.constant 0 : i32
    %c0_i32_0 = arith.constant 0 : i32
    %c0_i32_1 = arith.constant 0 : i32
    return %c0_i32, %c0_i32_0 : i32, i32
  }
  func.func @transform_8(%arg0: i32) -> (i32, i32) {
    %c0_i32 = arith.constant 0 : i32
    %c0_i32_0 = arith.constant 0 : i32
    %c0_i32_1 = arith.constant 0 : i32
    return %c0_i32, %c0_i32_0 : i32, i32
  }
  func.func @transform_9(%arg0: i32) -> (i32, i32) {
    %c0_i32 = arith.constant 0 : i32
    %c0_i32_0 = arith.constant 0 : i32
    return %arg0, %c0_i32 : i32, i32
  }
  func.func @transform_10(%arg0: i32) -> (i32, i32) {
    %c0_i32 = arith.constant 0 : i32
    %c0_i32_0 = arith.constant 0 : i32
    %c0_i32_1 = arith.constant 0 : i32
    return %c0_i32, %c0_i32_0 : i32, i32
  }
}

module attributes {stable_mosaic.version = 14 : i64} {
  func.func @_proj_body(%arg0: memref<1x640xf32, #tpu.memory_space<vmem>>, %arg1: memref<640x10xf32, #tpu.memory_space<vmem>>, %arg2: memref<5x10xf32, #tpu.memory_space<vmem>>, %arg3: memref<1x10xf32, #tpu.memory_space<vmem>>) attributes {dimension_semantics = [], scalar_prefetch = 0 : i64, scratch_operands = 0 : i64, tpu.core_type = #tpu.core_type<tc>} {
    %get3A = arith.constant 0 : index
    %get3A_0 = arith.constant 0 : index
    %get3A_1 = vector.load %arg0[%get3A, %get3A_0] : memref<1x640xf32, #tpu.memory_space<vmem>>, vector<1x640xf32>
    %get3A_2 = arith.constant 0 : index
    %get3A_3 = arith.constant 0 : index
    %get3A_4 = vector.load %arg1[%get3A_2, %get3A_3] : memref<640x10xf32, #tpu.memory_space<vmem>>, vector<640x10xf32>
    %convert_element_type3A = arith.truncf %get3A_1 : vector<1x640xf32> to vector<1x640xbf16>
    %convert_element_type3A_5 = arith.extf %convert_element_type3A : vector<1x640xbf16> to vector<1x640xf32>
    %sub3A = arith.subf %get3A_1, %convert_element_type3A_5 : vector<1x640xf32>
    %convert_element_type3A_6 = arith.truncf %sub3A : vector<1x640xf32> to vector<1x640xbf16>
    %convert_element_type3A_7 = arith.truncf %get3A_4 : vector<640x10xf32> to vector<640x10xbf16>
    %convert_element_type3A_8 = arith.extf %convert_element_type3A_7 : vector<640x10xbf16> to vector<640x10xf32>
    %sub3A_9 = arith.subf %get3A_4, %convert_element_type3A_8 : vector<640x10xf32>
    %convert_element_type3A_10 = arith.truncf %sub3A_9 : vector<640x10xf32> to vector<640x10xbf16>
    %dot_general3A = arith.constant dense<0.000000e+00> : vector<1x10xf32>
    %dot_general3A_11 = tpu.matmul %convert_element_type3A, %convert_element_type3A_7, %dot_general3A {dimension_numbers = #tpu.dot_dimension_numbers<[1], [0], [0], [1], [0, 0, 1, 1], [], []>, transpose_lhs_hint = false} : vector<1x640xbf16>, vector<640x10xbf16>, vector<1x10xf32> -> vector<1x10xf32>
    %dot_general3A_12 = arith.constant dense<0.000000e+00> : vector<1x10xf32>
    %dot_general3A_13 = tpu.matmul %convert_element_type3A, %convert_element_type3A_10, %dot_general3A_12 {dimension_numbers = #tpu.dot_dimension_numbers<[1], [0], [0], [1], [0, 0, 1, 1], [], []>, transpose_lhs_hint = false} : vector<1x640xbf16>, vector<640x10xbf16>, vector<1x10xf32> -> vector<1x10xf32>
    %dot_general3A_14 = arith.constant dense<0.000000e+00> : vector<1x10xf32>
    %dot_general3A_15 = tpu.matmul %convert_element_type3A_6, %convert_element_type3A_7, %dot_general3A_14 {dimension_numbers = #tpu.dot_dimension_numbers<[1], [0], [0], [1], [0, 0, 1, 1], [], []>, transpose_lhs_hint = false} : vector<1x640xbf16>, vector<640x10xbf16>, vector<1x10xf32> -> vector<1x10xf32>
    %add3A = arith.addf %dot_general3A_13, %dot_general3A_15 : vector<1x10xf32>
    %add3A_16 = arith.addf %dot_general3A_11, %add3A : vector<1x10xf32>
    %get3A_17 = arith.constant 0 : index
    %get3A_18 = arith.constant 0 : index
    %get3A_19 = vector.load %arg2[%get3A_17, %get3A_18] : memref<5x10xf32, #tpu.memory_space<vmem>>, vector<5x10xf32>
    %reduce_sum3A = arith.constant dense<0.000000e+00> : vector<10xf32>
    %reduce_sum3A_20 = vector.multi_reduction <add>, %get3A_19, %reduce_sum3A [0] : vector<5x10xf32> to vector<10xf32>
    %broadcast_in_dim3A = vector.shape_cast %reduce_sum3A_20 : vector<10xf32> to vector<1x10xf32>
    %add3A_21 = arith.addf %add3A_16, %broadcast_in_dim3A : vector<1x10xf32>
    %swap3A = arith.constant 0 : index
    %swap3A_22 = arith.constant 0 : index
    %swap3A_23 = vector.load %arg3[%swap3A, %swap3A_22] : memref<1x10xf32, #tpu.memory_space<vmem>>, vector<1x10xf32>
    tpu.vector_store %arg3[%swap3A, %swap3A_22], %add3A_21 {strides = array<i32>} : memref<1x10xf32, #tpu.memory_space<vmem>>, vector<1x10xf32>,
    return
  }
}

</mosaic_0001>

<sc_bundles>
// kernel: kernel.12.cloned.1.call-start
scs
__scs_entry_jumppad:
0x0: {  	(pc) =	sbr.rel $0x88, $3  }
0x1: {  	(tag) =	ssettag $0x0;
	lr =	simm.s32 $0x1  }
0x2: {  	[smem:$0x3F95] =	sst lr;
	_ =	strace $0xD0000000  }
0x3: {  	_ = 	snop  }
0x4: {  	_ = 	snop  }
0x5: {  	_ = 	snop  }
0x6: {  	_ = 	snop  }
0x7: {  	_ = 	snop  }
__scs_overlays_trampoline_lowered:
0x8: {  	[smem:$0x3FA4] =	sst s0  }
0x9: {  	[smem:$0x3FA5] =	sst s1  }
0xa: {  	[smem:$0x3FA6] =	sst s2  }
0xb: {  	[smem:$0x3FA7] =	sst s3  }
0xc: {  	[smem:$0x3FA8] =	sst s4  }
0xd: {  	[smem:$0x3FA9] =	sst s5  }
0xe: {  	[smem:$0x3FAA] =	sst s6  }
0xf: {  	[smem:$0x3FAB] =	sst s7  }
0x10: {  	[smem:$0x3FAC] =	sst s8  }
0x11: {  	[smem:$0x3FAD] =	sst s9;
	s0 =	simm.s32 @!p0 $0x0  }
0x12: {  	s1 =	sld [smem:$0x3F93];
	s0 =	simm.s32 @p0 $0x1  }
0x13: {  	[smem:$0x3FAE] =	sst s0;
	s0 =	simm.s32 @!p1 $0x0  }
0x14: {  	s2 =	sld [smem:$0x3F92];
	s0 =	simm.s32 @p1 $0x1  }
0x15: {  	[smem:$0x3FAF] =	sst s0;
	s0 =	simm.s32 @!p2 $0x0  }
0x16: {  	s3 =	sld [smem:$0x3FDB];
	s0 =	simm.s32 @p2 $0x1  }
0x17: {  	s4 =	simm.s32 $0x1BF5;
	[smem:$0x3FB1] =	sst s0  }
0x18: {  	s0 =	sld [smem:$0x3F94];
	_ =	swait.ge [sflag:s4], $0x0  }
0x19: {  	s7 =	sld [smem:$0x3F95]  }
0x1a: {  	s8 =	sadd.s32 $0xFFFFE003, lr  }
0x1b: {  	s9 =	sadd.s32 $0xFFFFFEF7, lr;
	s5 =	simm.s32 $0xFFFFFFFF;
	p2 =	slt.u32 s8, $0xFFFFF086  }
0x1c: {  	p1 =	slt.u32 s9, $0xF7A;
	s5 =	simm.s32 @!p2 $0x0  }
0x1d: {  	s5 =	simm.s32 @p1 $0x1;
	p0 =	seq.s32 s7, s2  }
0x1e: {  	s7 =	smul.u32 @!p0 $0xF7A, s2;
	p2 =	seq.s32 @!p0 s5, $0x0  }
0x1f: {  	s9 =	smul.u32 $0xF7A, s1;
	s8 =	simm.s32 @!p0 $0x1BF5;
	p2 =	por !p2, p0  }
0x20: {  	[sflag:s8] =	ssyncset.s32 @!p0 $0xFFFFF086;
	s6 =	sadd.s32 @!p0 s3, s7;
	s7 =	simm.s32 @!p0 $0x108  }
0x21: {  	s3 =	sadd.s32 s3, s9;
	s6 =	sadd.s32 @!p0 $0x88, s6;
	s7 =	simm.s32 @p2 $0x1082  }
0x22: {  	[simem:s7], [sflag:s8] =	dma.local @!p0 [hbm:s6], $0xF7A  }
0x23: {  	s9 =	sor.u32 $0xD0000000, s2;
	s6 =	simm.s32 $0x108;
	_ =	swait.ge @!p0 [sflag:s8], $0x0  }
0x24: {  	s3 =	sadd.s32 $0x88, s3;
	s6 =	simm.s32 @!p1 $0x1082;
	[sflag:s4] =	ssyncset.s32 $0xFFFFF086  }
0x25: {  	[simem:s6], [sflag:s4] =	dma.local [hbm:s3], $0xF7A  }
0x26: {  	[smem:$0x3F95] =	sst s1;
	(tag) =	ssettag s2;
	_ =	strace s9  }
0x27: {  	s1 =	sld [smem:$0x3FA5]  }
0x28: {  	s2 =	sld [smem:$0x3FA6]  }
0x29: {  	s4 =	sld [smem:$0x3FA8]  }
0x2a: {  	p0 =	seq.s32 s5, $0x0;
	s5 =	sld [smem:$0x3FA9]  }
0x2b: {  	s6 =	sld [smem:$0x3FAA]  }
0x2c: {  	s7 =	sld [smem:$0x3FAB]  }
0x2d: {  	s3 =	simm.s32 $0x108;
	s8 =	sld [smem:$0x3FAC]  }
0x2e: {  	s3 =	simm.s32 @!p0 $0x1082;
	s9 =	sld [smem:$0x3FAD]  }
0x2f: {  	lr =	sadd.s32 s0, s3;
	s0 =	sld [smem:$0x3FA4]  }
0x30: {  	s3 =	sld [smem:$0x3FA7]  }
0x31: {  	[smem:$0x3FB0] =	sst s10  }
0x32: {  	s10 =	sld [smem:$0x3FAE];
	_ =	sdelay $0x3  }
0x33: {  	p0 =	seq.s32 s10, $0x1;
	s10 =	sld [smem:$0x3FB0];
	_ =	sdelay $0x3  }
0x34: {  	[smem:$0x3FB0] =	sst s10  }
0x35: {  	s10 =	sld [smem:$0x3FAF];
	_ =	sdelay $0x3  }
0x36: {  	p1 =	seq.s32 s10, $0x1;
	s10 =	sld [smem:$0x3FB0];
	_ =	sdelay $0x3  }
0x37: {  	[smem:$0x3FB0] =	sst s10  }
0x38: {  	s10 =	sld [smem:$0x3FB1]  }
0x39: {  	_ = 	snop;
	(pc) =	sbr.ind lr, $3  }
0x3a: {  	_ = 	snop  }
0x3b: {  	_ = 	snop  }
0x3c: {  	p2 =	seq.s32 s10, $0x1;
	s10 =	sld [smem:$0x3FB0]  }
0x3d: {  	_ =	shalt  }
0x3e: {  	_ =	shalt  }
0x3f: {  	_ =	shalt  }
0x40: {  	_ =	shalt  }
0x41: {  	_ =	shalt  }
0x42: {  	_ =	shalt  }
0x43: {  	_ =	shalt  }
0x44: {  	_ =	shalt  }
0x45: {  	_ =	shalt  }
0x46: {  	_ =	shalt  }
0x47: {  	_ =	shalt  }
0x48: {  	_ =	shalt  }
0x49: {  	_ =	shalt  }
0x4a: {  	_ =	shalt  }
0x4b: {  	_ =	shalt  }
0x4c: {  	_ =	shalt  }
0x4d: {  	_ =	shalt  }
0x4e: {  	_ =	shalt  }
0x4f: {  	_ =	shalt  }
0x50: {  	_ =	shalt  }
0x51: {  	_ =	shalt  }
0x52: {  	_ =	shalt  }
0x53: {  	_ =	shalt  }
0x54: {  	_ =	shalt  }
0x55: {  	_ =	shalt  }
0x56: {  	_ =	shalt  }
0x57: {  	_ =	shalt  }
0x58: {  	_ =	shalt  }
0x59: {  	_ =	shalt  }
0x5a: {  	_ =	shalt  }
0x5b: {  	_ =	shalt  }
0x5c: {  	_ =	shalt  }
0x5d: {  	_ =	shalt  }
0x5e: {  	_ =	shalt  }
0x5f: {  	_ =	shalt  }
0x60: {  	_ =	shalt  }
0x61: {  	_ =	shalt  }
0x62: {  	_ =	shalt  }
0x63: {  	_ =	shalt  }
0x64: {  	_ =	shalt  }
0x65: {  	_ =	shalt  }
0x66: {  	_ =	shalt  }
0x67: {  	_ =	shalt  }
0x68: {  	_ =	shalt  }
0x69: {  	_ =	shalt  }
0x6a: {  	_ =	shalt  }
0x6b: {  	_ =	shalt  }
0x6c: {  	_ =	shalt  }
0x6d: {  	_ =	shalt  }
0x6e: {  	_ =	shalt  }
0x6f: {  	_ =	shalt  }
0x70: {  	_ =	shalt  }
0x71: {  	_ =	shalt  }
0x72: {  	_ =	shalt  }
0x73: {  	_ =	shalt  }
0x74: {  	_ =	shalt  }
0x75: {  	_ =	shalt  }
0x76: {  	_ =	shalt  }
0x77: {  	_ =	shalt  }
0x78: {  	_ =	shalt  }
0x79: {  	_ =	shalt  }
0x7a: {  	_ =	shalt  }
0x7b: {  	_ =	shalt  }
0x7c: {  	_ =	shalt  }
0x7d: {  	_ =	shalt  }
0x7e: {  	_ =	shalt  }
0x7f: {  	_ =	shalt  }
0x80: {  	_ =	shalt  }
0x81: {  	_ =	shalt  }
0x82: {  	_ =	shalt  }
0x83: {  	_ =	shalt  }
0x84: {  	_ =	shalt  }
0x85: {  	_ =	shalt  }
0x86: {  	_ =	shalt  }
0x87: {  	_ =	shalt  }
.Lfunc_end0:
.L_simem_size_0:
called_computation_lowered:
.L_overlay_start_0:
0x88: {  	s2 =	sld [smem:$0x3FD9]  }
0x89: {  	s3 =	sld [smem:$0x3FFE];
	_ =	sdelay $0x1  }
0x8a: {  	s1 =	srdreg.scid  }
0x8b: {  	s0 =	sand.u32 $0x1, s1  }
0x8c: {  	s16 =	sshll.u32 s0, $0xA;
	s2 =	sadd.s32 s3, s2  }
0x8d: {  	s2 =	sadd.s32 s2, s16  }
0x8e: {  	[smem:$0x3FBC] =	sst s2  }
0x8f: {  	_ = 	snop  }
0x90: {  	(tm) =	ssettm $0x1  }
0x91: {  	s17 =	sld [smem:$0x3FFB];
	_ =	sdelay $0x3  }
0x92: {  	_ =	strace s17  }
0x93: {  	s2 =	sld [smem:$0x3FFC];
	_ =	sdelay $0x3  }
0x94: {  	_ =	strace s2  }
0x95: {  	s2 =	sld [smem:$0x3FFD];
	_ =	sdelay $0x3  }
0x96: {  	_ =	strace s2  }
0x97: {  	_ =	strace $0x8FFFFFFF  }
0x98: {  	s18 =	sld [smem:$0x3FDB];
	_ =	sdelay $0x1  }
0x99: {  	s19 =	simm.s32 $_scs_section_size  }
0x9a: {  	s4 =	simm.s32 $_size__tile_overlayer_lowered;
	s5 =	simm.s32 $_tile_overlayer_lowered  }
0x9b: {  	s22 =	simm.s32 $0x1BFF;
	s21 =	sshll.u32 s5, $0x1;
	s2 =	sadd.s32 s19, s18  }
0x9c: {  	s6 =	simm.s32 $0x0;
	s20 =	sshll.u32 s4, $0x1;
	s4 =	sadd.s32 s21, s2  }
0x9d: {  	[timem:s6], [sflag:s22] =	dma.local [hbm:s4], s20  }
0x9e: {  	_ =	swait.ge [sflag:s22], s20  }
0x9f: {  	s3 =	ssub.s32 $0x0, s20;
	[sflag:s22] =	ssyncset.done $0x0  }
0xa0: {  	[sflag:s22] =	ssyncadd.s32 s3;
	_ =	sdelay $0x1  }
0xa1: {  	s23 =	simm.s32 $0x1B8B  }
0xa2: {  	_ =	swait.ge [sflag:s23], $0x1  }
0xa3: {  	[sflag:s23] =	ssyncset.done $0x0  }
0xa4: {  	s25 =	simm.s32 $0x1B8E;
	s24 =	sld [smem:$0x3FFE];
	[sflag:s23] =	ssyncadd.s32 $0xFFFFFFFF  }
0xa5: {  	s26 =	simm.s32 $execute0_lowered;
	[smem:$0x3FD2] =	sst s25  }
0xa6: {  	s4 =	sshll.u32 s26, $0x1;
	_ =	strace $0x80000046;
	[dreg:$0x1] =	wrdreg $0xFFFFFFFF  }
0xa7: {  	s28 =	simm.s32 $_size_execute0_lowered;
	s2 =	sadd.s32 s2, s4;
	[dreg:$0x0] =	wrdreg $0x0  }
0xa8: {  	s4 =	sshll.u32 s28, $0x1;
	[dreg:$0x2] =	wrdreg s2  }
0xa9: {  	[dreg:$0x3] =	wrdreg s4  }
0xaa: {  	[dreg:$0x4] =	wrdreg $0xC0  }
0xab: {  	_ =	task [dreg:s6], $0x5FFFF  }
0xac: {  	[dreg:$0x1] =	wrdreg $0xFFFFFFFF  }
0xad: {  	[dreg:$0x0] =	wrdreg $0x60  }
0xae: {  	[dreg:$0x2] =	wrdreg s24  }
0xaf: {  	[dreg:$0x3] =	wrdreg $0xA8000  }
0xb0: {  	[dreg:$0x4] =	wrdreg $0x9  }
0xb1: {  	_ =	task.clear_ibuf [dreg:s6], $0x5FFFF;
	_ =	strace $0x90000046  }
0xb2: {  	s29 =	simm.s32 $0x9;
	_ =	strace $0x80000048  }
0xb3: {  	_ =	swait.ge [sflag:s29], $0x1  }
0xb4: {  	[sflag:s29] =	ssyncadd.s32 $0xFFFFFFFF  }
0xb5: {  	_ =	strace $0x90000048  }
0xb6: {  	_ =	sfence  }
0xb7: {  	s30 =	sld [smem:$0x0];
	_ =	sdelay $0x2  }
0xb8: {  	s31 =	sshll.u32 s1, $0xD;
	s1 =	sshrl.u32 s1, $0x2  }
0xb9: {  	s3 =	sand.u32 $0x4000, s31;
	s1 =	sadd.s32 s1, s30  }
0xba: {  	s0 =	sor.u32 s3, s0;
	s1 =	sshll.u32 s1, $0x11  }
0xbb: {  	s0 =	sor.u32 s1, s0  }
0xbc: {  	s0 =	sadd.s32 $0x8F2B, s0  }
0xbd: {  	[sflag:s0] =	ssyncadd.remote.s32 $0x1  }
0xbe: {  	_ =	sfence.sel $0xFFFF  }
0xbf: {  	[dreg:$0x0] =	wrdreg $0xFFFFFFFF;
	(pc) =	sbr.abs _section_cstart, $3  }
0xc0: {  	[dreg:$0x1] =	wrdreg $0xFFFFFFFF  }
0xc1: {  	_ =	task.clear_ibuf [dreg:s6], $0x2FFFF;
	_ =	strace $0x9FFFFFFF  }
0xc2: {  	(tm) =	ssettm $0x7FFFFFFF  }
0xc3: {  	_ =	shalt  }
tec
execute0_lowered:
.L_overlay_start_1:
0x0: {  	(tag) =	ssettag $0x1  }
0x1: {  	s6 =	rddreg [dreg:$0x0]  }
0x2: {  	s2 =	rddreg [dreg:$0x1];
	s0 =	stileid.u32  }
0x3: {  	s3 =	simm.s32 $0x0;
	s4 =	srdreg.scid;
	s17 =	simm.s32 $0x4  }
0x4: {  	s18 =	simm.s32 $0x1400;
	s19 =	simm.s32 $0x7D;
	s20 =	simm.s32 $0x2800  }
0x5: {  	s21 =	simm.s32 $0x6800;
	s22 =	simm.s32 $0x1;
	s23 =	simm.s32 $0x2  }
0x6: {  	s24 =	simm.s32 $0x1380;
	s25 =	simm.s32 $0x2700;
	s28 =	simm.s32 $0x0  }
0x7: {  	s5 =	smul.u32 $0x2800, s0;
	[smem:$0x7FF] =	sst s3;
	s7 =	sand.u32 $0x1, s4  }
0x8: {  	s8 =	smul.u32 $0x280, s0;
	s9 =	sadd.s32 $0x3E00, s6;
	s11 =	sadd.s32 $0xDE00, s6  }
0x9: {  	s4 =	sadd.s32 $0x17E00, s6;
	s26 =	sshll.u32 s0, $0x1;
	s12 =	smul.u32 $0x50000, s0  }
0xa: {  	s15 =	sadd.s32 $0x12C000, s2;
	p0 =	seq.s32 s0, $0xF;
	_ =	strace $0x80000047  }
0xb: {  	s10 =	smul.u32 $0x2710, s7;
	s13 =	ssub.s32 $0x2, s7;
	s7 =	sor.u32 s7, s26  }
0xc: {  	s26 =	simm.s32 $0x2780;
	s5 =	sadd.s32 s5, s6;
	s29 =	sshrl.u32 s13, $0x1  }
0xd: {  	s12 =	sshrl.u32 s12, $0x2;
	s7 =	smul.u32 $0x2800, s7;
	s8 =	sadd.s32 s8, s10  }
0xe: {  	s13 =	ssub.s32 s13, s29;
	s16 =	sadd.s32 s12, s2;
	s5 =	sadd.s32 $0x3F000, s5  }
0xf: {  	s12 =	sshll.u32 @!p0 s0, $0x6;
	s8 =	sshll.u32 s8, $0x4;
	s30 =	sshrl.u32 s7, $0x3  }
0x10: {  	s13 =	smax.u32 s13, $0x1;
	s16 =	sshrl.u32 @!p0 s16, $0x3;
	s14 =	sadd.s32 s8, s6  }
0x11: {  	s6 =	sadd.s32 $0x64800, s6;
	s7 =	sadd.s32 s9, s30;
	s31 =	sadd.s32 $0x280, s30  }
0x12: {  	s8 =	sadd.s32 s11, s30;
	s9 =	sadd.s32 s9, s31;
	s10 =	sadd.s32 s11, s31  }
0x13: {  	s11 =	sadd.s32 $0x66200, s14;
	s14 =	sshrl.u32 @p0 s15, $0x3;
	s15 =	sor.u32 @!p0 $0x1C03, s12  }
.LBB2_1:
0x14: {  	s29 =	simm.s32 @p0 $0x1FC3  }
0x15: {  	[spmem:s14], [sflag:s29] =	dma.local @p0 [hbm:s6], $0x1900  }
0x16: {  	[spmem:s16], [sflag:s15] =	dma.local @!p0 [hbm:s5], $0x2800  }
0x17: {  	[tilespmem:s3], [sflag:$0x4] =	stream.linear.gather [hbm4b:s7+s3], $0x1400, $0x38;
	[tilespmem:$0x1E080] =	vst v63  }
0x18: {  	_ =	swait.ge [sflag:s17], $0x1400  }
0x19: {  	[sflag:s17] =	ssyncset.done $0x0  }
0x1a: {  	[sflag:s17] =	ssyncadd.s32 $0xFFFFEC00  }
0x1b: {  	[tilespmem:s18], [sflag:$0x4] =	stream.linear.gather [hbm4b:s8+s3], $0x1400, $0x38;
	[tilespmem:$0x1E080] =	vst v63  }
0x1c: {  	_ =	swait.ge [sflag:s17], $0x1400  }
0x1d: {  	[sflag:s17] =	ssyncset.done $0x0  }
0x1e: {  	s29 =	simm.s32 @p0 $0x3;
	[sflag:s17] =	ssyncadd.s32 $0xFFFFEC00  }
0x1f: {  	[tilespmem:s20], [sflag:$0x1] =	stream.indirect.gather [hbm4b:s4+s19], $0x80, s3, s19, $0xb8;
	[tilespmem:$0x1E080] =	vst v63  }
0x20: {  	_ =	swait.ge @p0 [sflag:s29], $0x1900  }
0x21: {  	[sflag:s29] =	ssyncset.done @p0 $0x0  }
0x22: {  	[sflag:s29] =	ssyncadd.s32 @p0 $0xFFFFE700;
	s29 =	simm.s32 @!p0 $0x3  }
0x23: {  	_ =	swait.ge @!p0 [sflag:s29], $0x2800  }
0x24: {  	[sflag:s29] =	ssyncset.done @!p0 $0x0  }
0x25: {  	[sflag:s29] =	ssyncadd.s32 @!p0 $0xFFFFD800  }
0x26: {  	s29 =	simm.s32 $0x80;
	[bflag:$0x0] =	sbarrier.arrive $0xFFFF  }
0x27: {  	[tilespmem:s21], [sflag:$0x2] =	stream.indirect.gather [hbm4b:s4+s19], $0x80, s29, s19, $0xb8;
	[tilespmem:$0x1E080] =	vst v63  }
0x28: {  	_ =	swait.ge [sflag:s22], $0x3E80  }
0x29: {  	[sflag:s22] =	ssyncset.done $0x0  }
0x2a: {  	s29 =	simm.s32 $0x1400;
	[sflag:s22] =	ssyncadd.s32 $0xFFFFC180  }
0x2b: {  	[spmem:s2] =	stream.indirect.scatter.add.f32 [tilespmem:s20], [sflag:$0x4], $0x80, s29, s19, $0xb8;
	[tilespmem:$0x1E080] =	vst v63  }
0x2c: {  	_ =	swait.ge [sflag:s17], $0x3E80  }
0x2d: {  	[sflag:s17] =	ssyncset.done $0x0  }
0x2e: {  	s29 =	simm.s32 $0x100;
	[sflag:s17] =	ssyncadd.s32 $0xFFFFC180  }
0x2f: {  	[tilespmem:s20], [sflag:$0x1] =	stream.indirect.gather [hbm4b:s4+s19], $0x80, s29, s19, $0xb8;
	[tilespmem:$0x1E080] =	vst v63  }
0x30: {  	_ =	swait.ge [sflag:s23], $0x3E80  }
0x31: {  	[sflag:s23] =	ssyncset.done $0x0  }
0x32: {  	s29 =	simm.s32 $0x1480;
	[sflag:s23] =	ssyncadd.s32 $0xFFFFC180  }
0x33: {  	[spmem:s2] =	stream.indirect.scatter.add.f32 [tilespmem:s21], [sflag:$0x4], $0x80, s29, s19, $0xb8;
	[tilespmem:$0x1E080] =	vst v63  }
0x34: {  	_ =	swait.ge [sflag:s17], $0x3E80  }
0x35: {  	s30 =	simm.s32 $0x800;
	s29 =	simm.s32 $0x100;
	[sflag:s17] =	ssyncset.done $0x0  }
.LBB2_2:
0x36: {  	s31 =	sadd.s32 $0x80, s29  }
0x37: {  	[sflag:s17] =	ssyncadd.s32 $0xFFFFC180;
	s0 =	smov.u32 s30;
	s1 =	sadd.s32 $0x400, s30  }
0x38: {  	[tilespmem:s21], [sflag:$0x2] =	stream.indirect.gather [hbm4b:s4+s19], $0x80, s31, s19, $0xb8;
	[tilespmem:$0x1E080] =	vst v63  }
0x39: {  	p1 =	sne.s32 s30, $0x4800;
	_ =	swait.ge [sflag:s22], $0x3E80  }
0x3a: {  	[sflag:s22] =	ssyncset.done $0x0  }
0x3b: {  	s30 =	sadd.s32 $0x1400, s29;
	[sflag:s22] =	ssyncadd.s32 $0xFFFFC180  }
0x3c: {  	[spmem:s2] =	stream.indirect.scatter.add.f32 [tilespmem:s20], [sflag:$0x4], $0x80, s30, s19, $0xb8;
	[tilespmem:$0x1E080] =	vst v63  }
0x3d: {  	_ =	swait.ge [sflag:s17], $0x3E80  }
0x3e: {  	[sflag:s17] =	ssyncset.done $0x0  }
0x3f: {  	s30 =	sadd.s32 $0x100, s29;
	[sflag:s17] =	ssyncadd.s32 $0xFFFFC180  }
0x40: {  	[tilespmem:s20], [sflag:$0x1] =	stream.indirect.gather [hbm4b:s4+s19], $0x80, s30, s19, $0xb8;
	[tilespmem:$0x1E080] =	vst v63  }
0x41: {  	_ =	swait.ge [sflag:s23], $0x3E80  }
.Ltmp0:
0x42: {  	[sflag:s23] =	ssyncset.done $0x0;
	(pc) =	sbr.rel @p1 .LBB2_2-.Ltmp0, $4  }
0x43: {  	s29 =	sadd.s32 $0x1480, s29;
	[sflag:s23] =	ssyncadd.s32 $0xFFFFC180  }
0x44: {  	[spmem:s2] =	stream.indirect.scatter.add.f32 [tilespmem:s21], [sflag:$0x4], $0x80, s29, s19, $0xb8;
	[tilespmem:$0x1E080] =	vst v63  }
0x45: {  	_ =	swait.ge [sflag:s17], $0x3E80  }
0x46: {  	s30 =	smov.u32 s1;
	s29 =	sshra.s32 s0, $0x2;
	[sflag:s17] =	ssyncset.done $0x0  }
0x47: {  	s0 =	sadd.s32 $0x80, s29;
	[sflag:s17] =	ssyncadd.s32 $0xFFFFC180  }
0x48: {  	[tilespmem:s21], [sflag:$0x2] =	stream.indirect.gather [hbm4b:s4+s19], $0x80, s0, s19, $0xb8;
	[tilespmem:$0x1E080] =	vst v63  }
0x49: {  	_ =	swait.ge [sflag:s22], $0x3E80  }
0x4a: {  	[sflag:s22] =	ssyncset.done $0x0  }
0x4b: {  	s1 =	sadd.s32 $0x1400, s29;
	[sflag:s22] =	ssyncadd.s32 $0xFFFFC180  }
0x4c: {  	[spmem:s2] =	stream.indirect.scatter.add.f32 [tilespmem:s20], [sflag:$0x4], $0x80, s1, s19, $0xb8;
	[tilespmem:$0x1E080] =	vst v63  }
0x4d: {  	_ =	swait.ge [sflag:s17], $0x3E80  }
0x4e: {  	[sflag:s17] =	ssyncset.done $0x0  }
0x4f: {  	s31 =	sadd.s32 $0x100, s29;
	[sflag:s17] =	ssyncadd.s32 $0xFFFFC180  }
0x50: {  	[tilespmem:s20], [sflag:$0x1] =	stream.indirect.gather [hbm4b:s4+s19], $0x80, s31, s19, $0xb8;
	[tilespmem:$0x1E080] =	vst v63  }
0x51: {  	_ =	swait.ge [sflag:s23], $0x3E80  }
0x52: {  	[sflag:s23] =	ssyncset.done $0x0  }
0x53: {  	s1 =	sadd.s32 $0x1480, s29;
	[sflag:s23] =	ssyncadd.s32 $0xFFFFC180  }
0x54: {  	[spmem:s2] =	stream.indirect.scatter.add.f32 [tilespmem:s21], [sflag:$0x4], $0x80, s1, s19, $0xb8;
	[tilespmem:$0x1E080] =	vst v63  }
0x55: {  	_ =	swait.ge [sflag:s17], $0x3E80  }
0x56: {  	[sflag:s17] =	ssyncset.done $0x0  }
0x57: {  	[sflag:s17] =	ssyncadd.s32 $0xFFFFC180  }
0x58: {  	[tilespmem:s21], [sflag:$0x2] =	stream.indirect.gather [hbm4b:s4+s19], $0x80, s24, s19, $0xb8;
	[tilespmem:$0x1E080] =	vst v63  }
0x59: {  	_ =	swait.ge [sflag:s22], $0x3E80  }
0x5a: {  	[sflag:s22] =	ssyncset.done $0x0  }
0x5b: {  	[sflag:s22] =	ssyncadd.s32 $0xFFFFC180  }
0x5c: {  	[spmem:s2] =	stream.indirect.scatter.add.f32 [tilespmem:s20], [sflag:$0x4], $0x80, s25, s19, $0xb8;
	[tilespmem:$0x1E080] =	vst v63  }
0x5d: {  	_ =	swait.ge [sflag:s17], $0x3E80  }
0x5e: {  	[sflag:s17] =	ssyncset.done $0x0  }
0x5f: {  	[sflag:s17] =	ssyncadd.s32 $0xFFFFC180  }
0x60: {  	_ =	swait.ge [sflag:s23], $0x3E80  }
0x61: {  	[sflag:s23] =	ssyncset.done $0x0  }
0x62: {  	[sflag:s23] =	ssyncadd.s32 $0xFFFFC180  }
0x63: {  	[spmem:s2] =	stream.indirect.scatter.add.f32 [tilespmem:s21], [sflag:$0x4], $0x80, s26, s19, $0xb8;
	[tilespmem:$0x1E080] =	vst v63  }
0x64: {  	_ =	swait.ge [sflag:s17], $0x3E80  }
0x65: {  	[sflag:s17] =	ssyncset.done $0x0  }
0x66: {  	s31 =	simm.s32 $0x0;
	[sflag:s17] =	ssyncadd.s32 $0xFFFFC180  }
0x67: {  	[tilespmem:s31], [sflag:$0x4] =	stream.linear.gather [hbm4b:s9+s31], $0x1400, $0x38;
	[tilespmem:$0x1E080] =	vst v63  }
0x68: {  	_ =	swait.ge [sflag:s17], $0x1400  }
0x69: {  	[sflag:s17] =	ssyncset.done $0x0  }
0x6a: {  	[sflag:s17] =	ssyncadd.s32 $0xFFFFEC00  }
0x6b: {  	[tilespmem:s18], [sflag:$0x4] =	stream.linear.gather [hbm4b:s10+s31], $0x1400, $0x38;
	[tilespmem:$0x1E080] =	vst v63  }
0x6c: {  	_ =	swait.ge [sflag:s17], $0x1400  }
0x6d: {  	[sflag:s17] =	ssyncset.done $0x0  }
0x6e: {  	[sflag:s17] =	ssyncadd.s32 $0xFFFFEC00  }
0x6f: {  	[tilespmem:s20], [sflag:$0x1] =	stream.indirect.gather [hbm4b:s4+s19], $0x80, s31, s19, $0xb8;
	[tilespmem:$0x1E080] =	vst v63  }
0x70: {  	s1 =	simm.s32 $0x80  }
0x71: {  	[tilespmem:s21], [sflag:$0x2] =	stream.indirect.gather [hbm4b:s4+s19], $0x80, s1, s19, $0xb8;
	[tilespmem:$0x1E080] =	vst v63  }
0x72: {  	_ =	swait.ge [sflag:s22], $0x3E80  }
0x73: {  	[sflag:s22] =	ssyncset.done $0x0  }
0x74: {  	s31 =	simm.s32 $0x1400;
	[sflag:s22] =	ssyncadd.s32 $0xFFFFC180  }
0x75: {  	[spmem:s2] =	stream.indirect.scatter.add.f32 [tilespmem:s20], [sflag:$0x4], $0x80, s31, s19, $0xb8;
	[tilespmem:$0x1E080] =	vst v63  }
0x76: {  	_ =	swait.ge [sflag:s17], $0x3E80  }
0x77: {  	[sflag:s17] =	ssyncset.done $0x0  }
0x78: {  	s1 =	simm.s32 $0x100;
	[sflag:s17] =	ssyncadd.s32 $0xFFFFC180  }
0x79: {  	[tilespmem:s20], [sflag:$0x1] =	stream.indirect.gather [hbm4b:s4+s19], $0x80, s1, s19, $0xb8;
	[tilespmem:$0x1E080] =	vst v63  }
0x7a: {  	_ =	swait.ge [sflag:s23], $0x3E80  }
0x7b: {  	[sflag:s23] =	ssyncset.done $0x0  }
0x7c: {  	s31 =	simm.s32 $0x1480;
	[sflag:s23] =	ssyncadd.s32 $0xFFFFC180  }
0x7d: {  	[spmem:s2] =	stream.indirect.scatter.add.f32 [tilespmem:s21], [sflag:$0x4], $0x80, s31, s19, $0xb8;
	[tilespmem:$0x1E080] =	vst v63  }
0x7e: {  	_ =	swait.ge [sflag:s17], $0x3E80  }
0x7f: {  	s30 =	simm.s32 $0x800;
	s29 =	simm.s32 $0x100;
	[sflag:s17] =	ssyncset.done $0x0  }
.LBB2_4:
0x80: {  	s0 =	sadd.s32 $0x80, s29  }
0x81: {  	[sflag:s17] =	ssyncadd.s32 $0xFFFFC180;
	s1 =	smov.u32 s30;
	s31 =	sadd.s32 $0x400, s30  }
0x82: {  	[tilespmem:s21], [sflag:$0x2] =	stream.indirect.gather [hbm4b:s4+s19], $0x80, s0, s19, $0xb8;
	[tilespmem:$0x1E080] =	vst v63  }
0x83: {  	p1 =	sne.s32 s30, $0x4800;
	_ =	swait.ge [sflag:s22], $0x3E80  }
0x84: {  	[sflag:s22] =	ssyncset.done $0x0  }
0x85: {  	s0 =	sadd.s32 $0x1400, s29;
	[sflag:s22] =	ssyncadd.s32 $0xFFFFC180  }
0x86: {  	[spmem:s2] =	stream.indirect.scatter.add.f32 [tilespmem:s20], [sflag:$0x4], $0x80, s0, s19, $0xb8;
	[tilespmem:$0x1E080] =	vst v63  }
0x87: {  	_ =	swait.ge [sflag:s17], $0x3E80  }
0x88: {  	[sflag:s17] =	ssyncset.done $0x0  }
0x89: {  	s0 =	sadd.s32 $0x100, s29;
	[sflag:s17] =	ssyncadd.s32 $0xFFFFC180  }
0x8a: {  	[tilespmem:s20], [sflag:$0x1] =	stream.indirect.gather [hbm4b:s4+s19], $0x80, s0, s19, $0xb8;
	[tilespmem:$0x1E080] =	vst v63  }
0x8b: {  	_ =	swait.ge [sflag:s23], $0x3E80  }
.Ltmp1:
0x8c: {  	[sflag:s23] =	ssyncset.done $0x0;
	(pc) =	sbr.rel @p1 .LBB2_4-.Ltmp1, $4  }
0x8d: {  	s0 =	sadd.s32 $0x1480, s29;
	[sflag:s23] =	ssyncadd.s32 $0xFFFFC180  }
0x8e: {  	[spmem:s2] =	stream.indirect.scatter.add.f32 [tilespmem:s21], [sflag:$0x4], $0x80, s0, s19, $0xb8;
	[tilespmem:$0x1E080] =	vst v63  }
0x8f: {  	_ =	swait.ge [sflag:s17], $0x3E80  }
0x90: {  	s30 =	smov.u32 s31;
	s29 =	sshra.s32 s1, $0x2;
	[sflag:s17] =	ssyncset.done $0x0  }
0x91: {  	s0 =	sadd.s32 $0x80, s29;
	[sflag:s17] =	ssyncadd.s32 $0xFFFFC180  }
0x92: {  	[tilespmem:s21], [sflag:$0x2] =	stream.indirect.gather [hbm4b:s4+s19], $0x80, s0, s19, $0xb8;
	[tilespmem:$0x1E080] =	vst v63  }
0x93: {  	_ =	swait.ge [sflag:s22], $0x3E80  }
0x94: {  	[sflag:s22] =	ssyncset.done $0x0  }
0x95: {  	s1 =	sadd.s32 $0x1400, s29;
	[sflag:s22] =	ssyncadd.s32 $0xFFFFC180  }
0x96: {  	[spmem:s2] =	stream.indirect.scatter.add.f32 [tilespmem:s20], [sflag:$0x4], $0x80, s1, s19, $0xb8;
	[tilespmem:$0x1E080] =	vst v63  }
0x97: {  	_ =	swait.ge [sflag:s17], $0x3E80  }
0x98: {  	[sflag:s17] =	ssyncset.done $0x0  }
0x99: {  	s30 =	sadd.s32 $0x100, s29;
	[sflag:s17] =	ssyncadd.s32 $0xFFFFC180  }
0x9a: {  	[tilespmem:s20], [sflag:$0x1] =	stream.indirect.gather [hbm4b:s4+s19], $0x80, s30, s19, $0xb8;
	[tilespmem:$0x1E080] =	vst v63  }
0x9b: {  	_ =	swait.ge [sflag:s23], $0x3E80  }
0x9c: {  	[sflag:s23] =	ssyncset.done $0x0  }
0x9d: {  	s31 =	sadd.s32 $0x1480, s29;
	[sflag:s23] =	ssyncadd.s32 $0xFFFFC180  }
0x9e: {  	[spmem:s2] =	stream.indirect.scatter.add.f32 [tilespmem:s21], [sflag:$0x4], $0x80, s31, s19, $0xb8;
	[tilespmem:$0x1E080] =	vst v63  }
0x9f: {  	_ =	swait.ge [sflag:s17], $0x3E80  }
0xa0: {  	[sflag:s17] =	ssyncset.done $0x0  }
0xa1: {  	[sflag:s17] =	ssyncadd.s32 $0xFFFFC180  }
0xa2: {  	[tilespmem:s21], [sflag:$0x2] =	stream.indirect.gather [hbm4b:s4+s19], $0x80, s24, s19, $0xb8;
	[tilespmem:$0x1E080] =	vst v63  }
0xa3: {  	_ =	swait.ge [sflag:s22], $0x3E80  }
0xa4: {  	[sflag:s22] =	ssyncset.done $0x0  }
0xa5: {  	[sflag:s22] =	ssyncadd.s32 $0xFFFFC180  }
0xa6: {  	[spmem:s2] =	stream.indirect.scatter.add.f32 [tilespmem:s20], [sflag:$0x4], $0x80, s25, s19, $0xb8;
	[tilespmem:$0x1E080] =	vst v63  }
0xa7: {  	_ =	swait.ge [sflag:s17], $0x3E80  }
0xa8: {  	[sflag:s17] =	ssyncset.done $0x0  }
0xa9: {  	[sflag:s17] =	ssyncadd.s32 $0xFFFFC180  }
0xaa: {  	_ =	swait.ge [sflag:s23], $0x3E80  }
0xab: {  	[sflag:s23] =	ssyncset.done $0x0  }
0xac: {  	[sflag:s23] =	ssyncadd.s32 $0xFFFFC180  }
0xad: {  	[spmem:s2] =	stream.indirect.scatter.add.f32 [tilespmem:s21], [sflag:$0x4], $0x80, s26, s19, $0xb8;
	[tilespmem:$0x1E080] =	vst v63  }
0xae: {  	_ =	swait.ge [sflag:s17], $0x3E80  }
0xaf: {  	[sflag:s17] =	ssyncset.done $0x0  }
0xb0: {  	[sflag:s17] =	ssyncadd.s32 $0xFFFFC180  }
0xb1: {  	s0 =	simm.s32 @p0 $0x1FC4;
	[bflag:$0x0] =	sbarrier.arrive $0xFFFF  }
0xb2: {  	[hbm:s11], [sflag:s0] =	dma.local @p0 [spmem:s14], $0x1900  }
0xb3: {  	s0 =	simm.s32 @p0 $0x4  }
0xb4: {  	_ =	swait.ge @p0 [sflag:s0], $0x1900  }
0xb5: {  	s28 =	sadd.s32 $0x1, s28;
	[sflag:s0] =	ssyncset.done @p0 $0x0  }
0xb6: {  	p1 =	sne.s32 s28, s13;
	[sflag:s0] =	ssyncadd.s32 @p0 $0xFFFFE700;
	s0 =	sor.u32 @!p0 $0x1C04, s12  }
0xb7: {  	[hbm:s11], [sflag:s0] =	dma.local @!p0 [spmem:s16], $0x2800  }
.Ltmp2:
0xb8: {  	_ = 	snop;
	(pc) =	sbr.rel @p1 .LBB2_1-.Ltmp2, $4  }
0xb9: {  	s0 =	simm.s32 @!p0 $0x4  }
0xba: {  	_ =	swait.ge @!p0 [sflag:s0], $0x2800  }
0xbb: {  	[sflag:s0] =	ssyncset.done @!p0 $0x0  }
0xbc: {  	[sflag:s0] =	ssyncadd.s32 @!p0 $0xFFFFD800  }
0xbd: {  	_ =	sfence.sel $0x180000  }
0xbe: {  	[bflag:$0x0] =	sbarrier.arrive $0xFFFF  }
0xbf: {  	_ =	strace $0x90000047  }
0xc0: {  	s0 =	stileid.u32;
	[bflag:$0x2] =	sbarrier.arrive $0xFFFF  }
0xc1: {  	p0 =	sne.s32 s0, $0x0;
	s0 =	rddreg [dreg:$0x2]  }
0xc2: {  	s0 =	sadd.s32 @!p0 $0x100000, s0  }
0xc3: {  	[sflag:s0] =	ssyncadd.tile.s32 @!p0 $0x1;
	_ =	shalt  }
.Lfunc_end2:
_tile_overlayer_lowered:
.L_overlay_start_2:
0xc4: {  	(tag) =	ssettag $0x2  }
0xc5: {  	s0 =	rddreg [dreg:$0x0];
	s2 =	stileid.u32  }
0xc6: {  	s1 =	rddreg [dreg:$0x1];
	p0 =	sne.s32 s2, $0x0  }
0xc7: {  	s3 =	rddreg [dreg:$0x2];
	[bflag:$0x3] =	sbarrier.arrive $0xFFFF;
	s2 =	simm.s32 @!p0 $0x1C04  }
0xc8: {  	[timem:s3], [sflag:s2] =	dma.local @!p0 [hbm:s0], s1  }
0xc9: {  	s0 =	simm.s32 @!p0 $0x4  }
0xca: {  	_ =	swait.ge @!p0 [sflag:s0], s1  }
0xcb: {  	s1 =	ssub.s32 @!p0 $0x0, s1;
	[sflag:s0] =	ssyncset.done @!p0 $0x0  }
0xcc: {  	[sflag:s0] =	ssyncadd.s32 @!p0 s1  }
0xcd: {  	[bflag:$0x3] =	sbarrier.arrive $0xFFFF  }
0xce: {  	_ =	shalt  }

// kernel: kernel.15.cloned.1.call-start
scs
__scs_entry_jumppad:
0x0: {  	(pc) =	sbr.rel $0x88, $3  }
0x1: {  	(tag) =	ssettag $0x0;
	lr =	simm.s32 $0x1  }
0x2: {  	[smem:$0x3F95] =	sst lr;
	_ =	strace $0xD0000000  }
0x3: {  	_ = 	snop  }
0x4: {  	_ = 	snop  }
0x5: {  	_ = 	snop  }
0x6: {  	_ = 	snop  }
0x7: {  	_ = 	snop  }
__scs_overlays_trampoline_lowered:
0x8: {  	[smem:$0x3FA4] =	sst s0  }
0x9: {  	[smem:$0x3FA5] =	sst s1  }
0xa: {  	[smem:$0x3FA6] =	sst s2  }
0xb: {  	[smem:$0x3FA7] =	sst s3  }
0xc: {  	[smem:$0x3FA8] =	sst s4  }
0xd: {  	[smem:$0x3FA9] =	sst s5  }
0xe: {  	[smem:$0x3FAA] =	sst s6  }
0xf: {  	[smem:$0x3FAB] =	sst s7  }
0x10: {  	[smem:$0x3FAC] =	sst s8  }
0x11: {  	[smem:$0x3FAD] =	sst s9;
	s0 =	simm.s32 @!p0 $0x0  }
0x12: {  	s1 =	sld [smem:$0x3F93];
	s0 =	simm.s32 @p0 $0x1  }
0x13: {  	[smem:$0x3FAE] =	sst s0;
	s0 =	simm.s32 @!p1 $0x0  }
0x14: {  	s2 =	sld [smem:$0x3F92];
	s0 =	simm.s32 @p1 $0x1  }
0x15: {  	[smem:$0x3FAF] =	sst s0;
	s0 =	simm.s32 @!p2 $0x0  }
0x16: {  	s3 =	sld [smem:$0x3FDB];
	s0 =	simm.s32 @p2 $0x1  }
0x17: {  	s4 =	simm.s32 $0x1BF5;
	[smem:$0x3FB1] =	sst s0  }
0x18: {  	s0 =	sld [smem:$0x3F94];
	_ =	swait.ge [sflag:s4], $0x0  }
0x19: {  	s7 =	sld [smem:$0x3F95]  }
0x1a: {  	s8 =	sadd.s32 $0xFFFFE003, lr  }
0x1b: {  	s9 =	sadd.s32 $0xFFFFFEF7, lr;
	s5 =	simm.s32 $0xFFFFFFFF;
	p2 =	slt.u32 s8, $0xFFFFF086  }
0x1c: {  	p1 =	slt.u32 s9, $0xF7A;
	s5 =	simm.s32 @!p2 $0x0  }
0x1d: {  	s5 =	simm.s32 @p1 $0x1;
	p0 =	seq.s32 s7, s2  }
0x1e: {  	s7 =	smul.u32 @!p0 $0xF7A, s2;
	p2 =	seq.s32 @!p0 s5, $0x0  }
0x1f: {  	s9 =	smul.u32 $0xF7A, s1;
	s8 =	simm.s32 @!p0 $0x1BF5;
	p2 =	por !p2, p0  }
0x20: {  	[sflag:s8] =	ssyncset.s32 @!p0 $0xFFFFF086;
	s6 =	sadd.s32 @!p0 s3, s7;
	s7 =	simm.s32 @!p0 $0x108  }
0x21: {  	s3 =	sadd.s32 s3, s9;
	s6 =	sadd.s32 @!p0 $0x88, s6;
	s7 =	simm.s32 @p2 $0x1082  }
0x22: {  	[simem:s7], [sflag:s8] =	dma.local @!p0 [hbm:s6], $0xF7A  }
0x23: {  	s9 =	sor.u32 $0xD0000000, s2;
	s6 =	simm.s32 $0x108;
	_ =	swait.ge @!p0 [sflag:s8], $0x0  }
0x24: {  	s3 =	sadd.s32 $0x88, s3;
	s6 =	simm.s32 @!p1 $0x1082;
	[sflag:s4] =	ssyncset.s32 $0xFFFFF086  }
0x25: {  	[simem:s6], [sflag:s4] =	dma.local [hbm:s3], $0xF7A  }
0x26: {  	[smem:$0x3F95] =	sst s1;
	(tag) =	ssettag s2;
	_ =	strace s9  }
0x27: {  	s1 =	sld [smem:$0x3FA5]  }
0x28: {  	s2 =	sld [smem:$0x3FA6]  }
0x29: {  	s4 =	sld [smem:$0x3FA8]  }
0x2a: {  	p0 =	seq.s32 s5, $0x0;
	s5 =	sld [smem:$0x3FA9]  }
0x2b: {  	s6 =	sld [smem:$0x3FAA]  }
0x2c: {  	s7 =	sld [smem:$0x3FAB]  }
0x2d: {  	s3 =	simm.s32 $0x108;
	s8 =	sld [smem:$0x3FAC]  }
0x2e: {  	s3 =	simm.s32 @!p0 $0x1082;
	s9 =	sld [smem:$0x3FAD]  }
0x2f: {  	lr =	sadd.s32 s0, s3;
	s0 =	sld [smem:$0x3FA4]  }
0x30: {  	s3 =	sld [smem:$0x3FA7]  }
0x31: {  	[smem:$0x3FB0] =	sst s10  }
0x32: {  	s10 =	sld [smem:$0x3FAE];
	_ =	sdelay $0x3  }
0x33: {  	p0 =	seq.s32 s10, $0x1;
	s10 =	sld [smem:$0x3FB0];
	_ =	sdelay $0x3  }
0x34: {  	[smem:$0x3FB0] =	sst s10  }
0x35: {  	s10 =	sld [smem:$0x3FAF];
	_ =	sdelay $0x3  }
0x36: {  	p1 =	seq.s32 s10, $0x1;
	s10 =	sld [smem:$0x3FB0];
	_ =	sdelay $0x3  }
0x37: {  	[smem:$0x3FB0] =	sst s10  }
0x38: {  	s10 =	sld [smem:$0x3FB1]  }
0x39: {  	_ = 	snop;
	(pc) =	sbr.ind lr, $3  }
0x3a: {  	_ = 	snop  }
0x3b: {  	_ = 	snop  }
0x3c: {  	p2 =	seq.s32 s10, $0x1;
	s10 =	sld [smem:$0x3FB0]  }
0x3d: {  	_ =	shalt  }
0x3e: {  	_ =	shalt  }
0x3f: {  	_ =	shalt  }
0x40: {  	_ =	shalt  }
0x41: {  	_ =	shalt  }
0x42: {  	_ =	shalt  }
0x43: {  	_ =	shalt  }
0x44: {  	_ =	shalt  }
0x45: {  	_ =	shalt  }
0x46: {  	_ =	shalt  }
0x47: {  	_ =	shalt  }
0x48: {  	_ =	shalt  }
0x49: {  	_ =	shalt  }
0x4a: {  	_ =	shalt  }
0x4b: {  	_ =	shalt  }
0x4c: {  	_ =	shalt  }
0x4d: {  	_ =	shalt  }
0x4e: {  	_ =	shalt  }
0x4f: {  	_ =	shalt  }
0x50: {  	_ =	shalt  }
0x51: {  	_ =	shalt  }
0x52: {  	_ =	shalt  }
0x53: {  	_ =	shalt  }
0x54: {  	_ =	shalt  }
0x55: {  	_ =	shalt  }
0x56: {  	_ =	shalt  }
0x57: {  	_ =	shalt  }
0x58: {  	_ =	shalt  }
0x59: {  	_ =	shalt  }
0x5a: {  	_ =	shalt  }
0x5b: {  	_ =	shalt  }
0x5c: {  	_ =	shalt  }
0x5d: {  	_ =	shalt  }
0x5e: {  	_ =	shalt  }
0x5f: {  	_ =	shalt  }
0x60: {  	_ =	shalt  }
0x61: {  	_ =	shalt  }
0x62: {  	_ =	shalt  }
0x63: {  	_ =	shalt  }
0x64: {  	_ =	shalt  }
0x65: {  	_ =	shalt  }
0x66: {  	_ =	shalt  }
0x67: {  	_ =	shalt  }
0x68: {  	_ =	shalt  }
0x69: {  	_ =	shalt  }
0x6a: {  	_ =	shalt  }
0x6b: {  	_ =	shalt  }
0x6c: {  	_ =	shalt  }
0x6d: {  	_ =	shalt  }
0x6e: {  	_ =	shalt  }
0x6f: {  	_ =	shalt  }
0x70: {  	_ =	shalt  }
0x71: {  	_ =	shalt  }
0x72: {  	_ =	shalt  }
0x73: {  	_ =	shalt  }
0x74: {  	_ =	shalt  }
0x75: {  	_ =	shalt  }
0x76: {  	_ =	shalt  }
0x77: {  	_ =	shalt  }
0x78: {  	_ =	shalt  }
0x79: {  	_ =	shalt  }
0x7a: {  	_ =	shalt  }
0x7b: {  	_ =	shalt  }
0x7c: {  	_ =	shalt  }
0x7d: {  	_ =	shalt  }
0x7e: {  	_ =	shalt  }
0x7f: {  	_ =	shalt  }
0x80: {  	_ =	shalt  }
0x81: {  	_ =	shalt  }
0x82: {  	_ =	shalt  }
0x83: {  	_ =	shalt  }
0x84: {  	_ =	shalt  }
0x85: {  	_ =	shalt  }
0x86: {  	_ =	shalt  }
0x87: {  	_ =	shalt  }
.Lfunc_end0:
.L_simem_size_0:
called_computation.1_lowered:
.L_overlay_start_0:
0x88: {  	s2 =	sld [smem:$0x3FD9]  }
0x89: {  	s3 =	sld [smem:$0x3FFE];
	_ =	sdelay $0x1  }
0x8a: {  	s1 =	srdreg.scid  }
0x8b: {  	s0 =	sand.u32 $0x1, s1  }
0x8c: {  	s16 =	sshll.u32 s0, $0xA;
	s2 =	sadd.s32 s3, s2  }
0x8d: {  	s2 =	sadd.s32 s2, s16  }
0x8e: {  	[smem:$0x3FBC] =	sst s2  }
0x8f: {  	_ = 	snop  }
0x90: {  	(tm) =	ssettm $0x1  }
0x91: {  	s17 =	sld [smem:$0x3FFB];
	_ =	sdelay $0x3  }
0x92: {  	_ =	strace s17  }
0x93: {  	s2 =	sld [smem:$0x3FFC];
	_ =	sdelay $0x3  }
0x94: {  	_ =	strace s2  }
0x95: {  	s2 =	sld [smem:$0x3FFD];
	_ =	sdelay $0x3  }
0x96: {  	_ =	strace s2  }
0x97: {  	_ =	strace $0x8FFFFFFF  }
0x98: {  	s18 =	sld [smem:$0x3FDB];
	_ =	sdelay $0x1  }
0x99: {  	s19 =	simm.s32 $_scs_section_size  }
0x9a: {  	s4 =	simm.s32 $_size__tile_overlayer_lowered;
	s5 =	simm.s32 $_tile_overlayer_lowered  }
0x9b: {  	s22 =	simm.s32 $0x1BFF;
	s21 =	sshll.u32 s5, $0x1;
	s2 =	sadd.s32 s19, s18  }
0x9c: {  	s6 =	simm.s32 $0x0;
	s20 =	sshll.u32 s4, $0x1;
	s4 =	sadd.s32 s21, s2  }
0x9d: {  	[timem:s6], [sflag:s22] =	dma.local [hbm:s4], s20  }
0x9e: {  	_ =	swait.ge [sflag:s22], s20  }
0x9f: {  	s3 =	ssub.s32 $0x0, s20;
	[sflag:s22] =	ssyncset.done $0x0  }
0xa0: {  	[sflag:s22] =	ssyncadd.s32 s3;
	_ =	sdelay $0x1  }
0xa1: {  	s23 =	simm.s32 $0x1B8B  }
0xa2: {  	_ =	swait.ge [sflag:s23], $0x1  }
0xa3: {  	[sflag:s23] =	ssyncset.done $0x0  }
0xa4: {  	s25 =	simm.s32 $0x1B8E;
	s24 =	sld [smem:$0x3FFE];
	[sflag:s23] =	ssyncadd.s32 $0xFFFFFFFF  }
0xa5: {  	s26 =	simm.s32 $execute0_lowered;
	[smem:$0x3FD2] =	sst s25  }
0xa6: {  	s4 =	sshll.u32 s26, $0x1;
	_ =	strace $0x80000049;
	[dreg:$0x1] =	wrdreg $0xFFFFFFFF  }
0xa7: {  	s28 =	simm.s32 $_size_execute0_lowered;
	s2 =	sadd.s32 s2, s4;
	[dreg:$0x0] =	wrdreg $0x0  }
0xa8: {  	s4 =	sshll.u32 s28, $0x1;
	[dreg:$0x2] =	wrdreg s2  }
0xa9: {  	[dreg:$0x3] =	wrdreg s4  }
0xaa: {  	[dreg:$0x4] =	wrdreg $0xC0  }
0xab: {  	_ =	task [dreg:s6], $0x5FFFF  }
0xac: {  	[dreg:$0x1] =	wrdreg $0xFFFFFFFF  }
0xad: {  	[dreg:$0x0] =	wrdreg $0x60  }
0xae: {  	[dreg:$0x2] =	wrdreg s24  }
0xaf: {  	[dreg:$0x3] =	wrdreg $0xA8000  }
0xb0: {  	[dreg:$0x4] =	wrdreg $0x9  }
0xb1: {  	_ =	task.clear_ibuf [dreg:s6], $0x5FFFF;
	_ =	strace $0x90000049  }
0xb2: {  	s29 =	simm.s32 $0x9;
	_ =	strace $0x8000004B  }
0xb3: {  	_ =	swait.ge [sflag:s29], $0x1  }
0xb4: {  	[sflag:s29] =	ssyncadd.s32 $0xFFFFFFFF  }
0xb5: {  	_ =	strace $0x9000004B  }
0xb6: {  	_ =	sfence  }
0xb7: {  	s30 =	sld [smem:$0x0];
	_ =	sdelay $0x2  }
0xb8: {  	s31 =	sshll.u32 s1, $0xD;
	s1 =	sshrl.u32 s1, $0x2  }
0xb9: {  	s3 =	sand.u32 $0x4000, s31;
	s1 =	sadd.s32 s1, s30  }
0xba: {  	s0 =	sor.u32 s3, s0;
	s1 =	sshll.u32 s1, $0x11  }
0xbb: {  	s0 =	sor.u32 s1, s0  }
0xbc: {  	s0 =	sadd.s32 $0x8F2B, s0  }
0xbd: {  	[sflag:s0] =	ssyncadd.remote.s32 $0x1  }
0xbe: {  	_ =	sfence.sel $0xFFFF  }
0xbf: {  	[dreg:$0x0] =	wrdreg $0xFFFFFFFF;
	(pc) =	sbr.abs _section_cstart, $3  }
0xc0: {  	[dreg:$0x1] =	wrdreg $0xFFFFFFFF  }
0xc1: {  	_ =	task.clear_ibuf [dreg:s6], $0x2FFFF;
	_ =	strace $0x9FFFFFFF  }
0xc2: {  	(tm) =	ssettm $0x7FFFFFFF  }
0xc3: {  	_ =	shalt  }
tec
execute0_lowered:
.L_overlay_start_1:
0x0: {  	(tag) =	ssettag $0x1  }
0x1: {  	s6 =	rddreg [dreg:$0x0]  }
0x2: {  	s2 =	rddreg [dreg:$0x1];
	s0 =	stileid.u32  }
0x3: {  	s3 =	simm.s32 $0x0;
	s4 =	srdreg.scid;
	s17 =	simm.s32 $0x4  }
0x4: {  	s18 =	simm.s32 $0x1400;
	s19 =	simm.s32 $0x7D;
	s20 =	simm.s32 $0x2800  }
0x5: {  	s21 =	simm.s32 $0x6800;
	s22 =	simm.s32 $0x1;
	s23 =	simm.s32 $0x2  }
0x6: {  	s24 =	simm.s32 $0x1380;
	s25 =	simm.s32 $0x2700;
	s28 =	simm.s32 $0x0  }
0x7: {  	s5 =	smul.u32 $0x2800, s0;
	[smem:$0x7FF] =	sst s3;
	s7 =	sand.u32 $0x1, s4  }
0x8: {  	s8 =	smul.u32 $0x280, s0;
	s9 =	sadd.s32 $0x3E00, s6;
	s11 =	sadd.s32 $0xDE00, s6  }
0x9: {  	s4 =	sadd.s32 $0x17E00, s6;
	s26 =	sshll.u32 s0, $0x1;
	s12 =	smul.u32 $0x50000, s0  }
0xa: {  	s15 =	sadd.s32 $0x12C000, s2;
	p0 =	seq.s32 s0, $0xF;
	_ =	strace $0x8000004A  }
0xb: {  	s10 =	smul.u32 $0x2710, s7;
	s13 =	ssub.s32 $0x2, s7;
	s7 =	sor.u32 s7, s26  }
0xc: {  	s26 =	simm.s32 $0x2780;
	s5 =	sadd.s32 s5, s6;
	s29 =	sshrl.u32 s13, $0x1  }
0xd: {  	s12 =	sshrl.u32 s12, $0x2;
	s7 =	smul.u32 $0x2800, s7;
	s8 =	sadd.s32 s8, s10  }
0xe: {  	s13 =	ssub.s32 s13, s29;
	s16 =	sadd.s32 s12, s2;
	s5 =	sadd.s32 $0x3F000, s5  }
0xf: {  	s12 =	sshll.u32 @!p0 s0, $0x6;
	s8 =	sshll.u32 s8, $0x4;
	s30 =	sshrl.u32 s7, $0x3  }
0x10: {  	s13 =	smax.u32 s13, $0x1;
	s16 =	sshrl.u32 @!p0 s16, $0x3;
	s14 =	sadd.s32 s8, s6  }
0x11: {  	s6 =	sadd.s32 $0x64800, s6;
	s7 =	sadd.s32 s9, s30;
	s31 =	sadd.s32 $0x280, s30  }
0x12: {  	s8 =	sadd.s32 s11, s30;
	s9 =	sadd.s32 s9, s31;
	s10 =	sadd.s32 s11, s31  }
0x13: {  	s11 =	sadd.s32 $0x66200, s14;
	s14 =	sshrl.u32 @p0 s15, $0x3;
	s15 =	sor.u32 @!p0 $0x1C03, s12  }
.LBB2_1:
0x14: {  	s29 =	simm.s32 @p0 $0x1FC3  }
0x15: {  	[spmem:s14], [sflag:s29] =	dma.local @p0 [hbm:s6], $0x1900  }
0x16: {  	[spmem:s16], [sflag:s15] =	dma.local @!p0 [hbm:s5], $0x2800  }
0x17: {  	[tilespmem:s3], [sflag:$0x4] =	stream.linear.gather [hbm4b:s7+s3], $0x1400, $0x38;
	[tilespmem:$0x1E080] =	vst v63  }
0x18: {  	_ =	swait.ge [sflag:s17], $0x1400  }
0x19: {  	[sflag:s17] =	ssyncset.done $0x0  }
0x1a: {  	[sflag:s17] =	ssyncadd.s32 $0xFFFFEC00  }
0x1b: {  	[tilespmem:s18], [sflag:$0x4] =	stream.linear.gather [hbm4b:s8+s3], $0x1400, $0x38;
	[tilespmem:$0x1E080] =	vst v63  }
0x1c: {  	_ =	swait.ge [sflag:s17], $0x1400  }
0x1d: {  	[sflag:s17] =	ssyncset.done $0x0  }
0x1e: {  	s29 =	simm.s32 @p0 $0x3;
	[sflag:s17] =	ssyncadd.s32 $0xFFFFEC00  }
0x1f: {  	[tilespmem:s20], [sflag:$0x1] =	stream.indirect.gather [hbm4b:s4+s19], $0x80, s3, s19, $0xb8;
	[tilespmem:$0x1E080] =	vst v63  }
0x20: {  	_ =	swait.ge @p0 [sflag:s29], $0x1900  }
0x21: {  	[sflag:s29] =	ssyncset.done @p0 $0x0  }
0x22: {  	[sflag:s29] =	ssyncadd.s32 @p0 $0xFFFFE700;
	s29 =	simm.s32 @!p0 $0x3  }
0x23: {  	_ =	swait.ge @!p0 [sflag:s29], $0x2800  }
0x24: {  	[sflag:s29] =	ssyncset.done @!p0 $0x0  }
0x25: {  	[sflag:s29] =	ssyncadd.s32 @!p0 $0xFFFFD800  }
0x26: {  	s29 =	simm.s32 $0x80;
	[bflag:$0x0] =	sbarrier.arrive $0xFFFF  }
0x27: {  	[tilespmem:s21], [sflag:$0x2] =	stream.indirect.gather [hbm4b:s4+s19], $0x80, s29, s19, $0xb8;
	[tilespmem:$0x1E080] =	vst v63  }
0x28: {  	_ =	swait.ge [sflag:s22], $0x3E80  }
0x29: {  	[sflag:s22] =	ssyncset.done $0x0  }
0x2a: {  	s29 =	simm.s32 $0x1400;
	[sflag:s22] =	ssyncadd.s32 $0xFFFFC180  }
0x2b: {  	[spmem:s2] =	stream.indirect.scatter.add.f32 [tilespmem:s20], [sflag:$0x4], $0x80, s29, s19, $0xb8;
	[tilespmem:$0x1E080] =	vst v63  }
0x2c: {  	_ =	swait.ge [sflag:s17], $0x3E80  }
0x2d: {  	[sflag:s17] =	ssyncset.done $0x0  }
0x2e: {  	s29 =	simm.s32 $0x100;
	[sflag:s17] =	ssyncadd.s32 $0xFFFFC180  }
0x2f: {  	[tilespmem:s20], [sflag:$0x1] =	stream.indirect.gather [hbm4b:s4+s19], $0x80, s29, s19, $0xb8;
	[tilespmem:$0x1E080] =	vst v63  }
0x30: {  	_ =	swait.ge [sflag:s23], $0x3E80  }
0x31: {  	[sflag:s23] =	ssyncset.done $0x0  }
0x32: {  	s29 =	simm.s32 $0x1480;
	[sflag:s23] =	ssyncadd.s32 $0xFFFFC180  }
0x33: {  	[spmem:s2] =	stream.indirect.scatter.add.f32 [tilespmem:s21], [sflag:$0x4], $0x80, s29, s19, $0xb8;
	[tilespmem:$0x1E080] =	vst v63  }
0x34: {  	_ =	swait.ge [sflag:s17], $0x3E80  }
0x35: {  	s30 =	simm.s32 $0x800;
	s29 =	simm.s32 $0x100;
	[sflag:s17] =	ssyncset.done $0x0  }
.LBB2_2:
0x36: {  	s31 =	sadd.s32 $0x80, s29  }
0x37: {  	[sflag:s17] =	ssyncadd.s32 $0xFFFFC180;
	s0 =	smov.u32 s30;
	s1 =	sadd.s32 $0x400, s30  }
0x38: {  	[tilespmem:s21], [sflag:$0x2] =	stream.indirect.gather [hbm4b:s4+s19], $0x80, s31, s19, $0xb8;
	[tilespmem:$0x1E080] =	vst v63  }
0x39: {  	p1 =	sne.s32 s30, $0x4800;
	_ =	swait.ge [sflag:s22], $0x3E80  }
0x3a: {  	[sflag:s22] =	ssyncset.done $0x0  }
0x3b: {  	s30 =	sadd.s32 $0x1400, s29;
	[sflag:s22] =	ssyncadd.s32 $0xFFFFC180  }
0x3c: {  	[spmem:s2] =	stream.indirect.scatter.add.f32 [tilespmem:s20], [sflag:$0x4], $0x80, s30, s19, $0xb8;
	[tilespmem:$0x1E080] =	vst v63  }
0x3d: {  	_ =	swait.ge [sflag:s17], $0x3E80  }
0x3e: {  	[sflag:s17] =	ssyncset.done $0x0  }
0x3f: {  	s30 =	sadd.s32 $0x100, s29;
	[sflag:s17] =	ssyncadd.s32 $0xFFFFC180  }
0x40: {  	[tilespmem:s20], [sflag:$0x1] =	stream.indirect.gather [hbm4b:s4+s19], $0x80, s30, s19, $0xb8;
	[tilespmem:$0x1E080] =	vst v63  }
0x41: {  	_ =	swait.ge [sflag:s23], $0x3E80  }
.Ltmp0:
0x42: {  	[sflag:s23] =	ssyncset.done $0x0;
	(pc) =	sbr.rel @p1 .LBB2_2-.Ltmp0, $4  }
0x43: {  	s29 =	sadd.s32 $0x1480, s29;
	[sflag:s23] =	ssyncadd.s32 $0xFFFFC180  }
0x44: {  	[spmem:s2] =	stream.indirect.scatter.add.f32 [tilespmem:s21], [sflag:$0x4], $0x80, s29, s19, $0xb8;
	[tilespmem:$0x1E080] =	vst v63  }
0x45: {  	_ =	swait.ge [sflag:s17], $0x3E80  }
0x46: {  	s30 =	smov.u32 s1;
	s29 =	sshra.s32 s0, $0x2;
	[sflag:s17] =	ssyncset.done $0x0  }
0x47: {  	s0 =	sadd.s32 $0x80, s29;
	[sflag:s17] =	ssyncadd.s32 $0xFFFFC180  }
0x48: {  	[tilespmem:s21], [sflag:$0x2] =	stream.indirect.gather [hbm4b:s4+s19], $0x80, s0, s19, $0xb8;
	[tilespmem:$0x1E080] =	vst v63  }
0x49: {  	_ =	swait.ge [sflag:s22], $0x3E80  }
0x4a: {  	[sflag:s22] =	ssyncset.done $0x0  }
0x4b: {  	s1 =	sadd.s32 $0x1400, s29;
	[sflag:s22] =	ssyncadd.s32 $0xFFFFC180  }
0x4c: {  	[spmem:s2] =	stream.indirect.scatter.add.f32 [tilespmem:s20], [sflag:$0x4], $0x80, s1, s19, $0xb8;
	[tilespmem:$0x1E080] =	vst v63  }
0x4d: {  	_ =	swait.ge [sflag:s17], $0x3E80  }
0x4e: {  	[sflag:s17] =	ssyncset.done $0x0  }
0x4f: {  	s31 =	sadd.s32 $0x100, s29;
	[sflag:s17] =	ssyncadd.s32 $0xFFFFC180  }
0x50: {  	[tilespmem:s20], [sflag:$0x1] =	stream.indirect.gather [hbm4b:s4+s19], $0x80, s31, s19, $0xb8;
	[tilespmem:$0x1E080] =	vst v63  }
0x51: {  	_ =	swait.ge [sflag:s23], $0x3E80  }
0x52: {  	[sflag:s23] =	ssyncset.done $0x0  }
0x53: {  	s1 =	sadd.s32 $0x1480, s29;
	[sflag:s23] =	ssyncadd.s32 $0xFFFFC180  }
0x54: {  	[spmem:s2] =	stream.indirect.scatter.add.f32 [tilespmem:s21], [sflag:$0x4], $0x80, s1, s19, $0xb8;
	[tilespmem:$0x1E080] =	vst v63  }
0x55: {  	_ =	swait.ge [sflag:s17], $0x3E80  }
0x56: {  	[sflag:s17] =	ssyncset.done $0x0  }
0x57: {  	[sflag:s17] =	ssyncadd.s32 $0xFFFFC180  }
0x58: {  	[tilespmem:s21], [sflag:$0x2] =	stream.indirect.gather [hbm4b:s4+s19], $0x80, s24, s19, $0xb8;
	[tilespmem:$0x1E080] =	vst v63  }
0x59: {  	_ =	swait.ge [sflag:s22], $0x3E80  }
0x5a: {  	[sflag:s22] =	ssyncset.done $0x0  }
0x5b: {  	[sflag:s22] =	ssyncadd.s32 $0xFFFFC180  }
0x5c: {  	[spmem:s2] =	stream.indirect.scatter.add.f32 [tilespmem:s20], [sflag:$0x4], $0x80, s25, s19, $0xb8;
	[tilespmem:$0x1E080] =	vst v63  }
0x5d: {  	_ =	swait.ge [sflag:s17], $0x3E80  }
0x5e: {  	[sflag:s17] =	ssyncset.done $0x0  }
0x5f: {  	[sflag:s17] =	ssyncadd.s32 $0xFFFFC180  }
0x60: {  	_ =	swait.ge [sflag:s23], $0x3E80  }
0x61: {  	[sflag:s23] =	ssyncset.done $0x0  }
0x62: {  	[sflag:s23] =	ssyncadd.s32 $0xFFFFC180  }
0x63: {  	[spmem:s2] =	stream.indirect.scatter.add.f32 [tilespmem:s21], [sflag:$0x4], $0x80, s26, s19, $0xb8;
	[tilespmem:$0x1E080] =	vst v63  }
0x64: {  	_ =	swait.ge [sflag:s17], $0x3E80  }
0x65: {  	[sflag:s17] =	ssyncset.done $0x0  }
0x66: {  	s31 =	simm.s32 $0x0;
	[sflag:s17] =	ssyncadd.s32 $0xFFFFC180  }
0x67: {  	[tilespmem:s31], [sflag:$0x4] =	stream.linear.gather [hbm4b:s9+s31], $0x1400, $0x38;
	[tilespmem:$0x1E080] =	vst v63  }
0x68: {  	_ =	swait.ge [sflag:s17], $0x1400  }
0x69: {  	[sflag:s17] =	ssyncset.done $0x0  }
0x6a: {  	[sflag:s17] =	ssyncadd.s32 $0xFFFFEC00  }
0x6b: {  	[tilespmem:s18], [sflag:$0x4] =	stream.linear.gather [hbm4b:s10+s31], $0x1400, $0x38;
	[tilespmem:$0x1E080] =	vst v63  }
0x6c: {  	_ =	swait.ge [sflag:s17], $0x1400  }
0x6d: {  	[sflag:s17] =	ssyncset.done $0x0  }
0x6e: {  	[sflag:s17] =	ssyncadd.s32 $0xFFFFEC00  }
0x6f: {  	[tilespmem:s20], [sflag:$0x1] =	stream.indirect.gather [hbm4b:s4+s19], $0x80, s31, s19, $0xb8;
	[tilespmem:$0x1E080] =	vst v63  }
0x70: {  	s1 =	simm.s32 $0x80  }
0x71: {  	[tilespmem:s21], [sflag:$0x2] =	stream.indirect.gather [hbm4b:s4+s19], $0x80, s1, s19, $0xb8;
	[tilespmem:$0x1E080] =	vst v63  }
0x72: {  	_ =	swait.ge [sflag:s22], $0x3E80  }
0x73: {  	[sflag:s22] =	ssyncset.done $0x0  }
0x74: {  	s31 =	simm.s32 $0x1400;
	[sflag:s22] =	ssyncadd.s32 $0xFFFFC180  }
0x75: {  	[spmem:s2] =	stream.indirect.scatter.add.f32 [tilespmem:s20], [sflag:$0x4], $0x80, s31, s19, $0xb8;
	[tilespmem:$0x1E080] =	vst v63  }
0x76: {  	_ =	swait.ge [sflag:s17], $0x3E80  }
0x77: {  	[sflag:s17] =	ssyncset.done $0x0  }
0x78: {  	s1 =	simm.s32 $0x100;
	[sflag:s17] =	ssyncadd.s32 $0xFFFFC180  }
0x79: {  	[tilespmem:s20], [sflag:$0x1] =	stream.indirect.gather [hbm4b:s4+s19], $0x80, s1, s19, $0xb8;
	[tilespmem:$0x1E080] =	vst v63  }
0x7a: {  	_ =	swait.ge [sflag:s23], $0x3E80  }
0x7b: {  	[sflag:s23] =	ssyncset.done $0x0  }
0x7c: {  	s31 =	simm.s32 $0x1480;
	[sflag:s23] =	ssyncadd.s32 $0xFFFFC180  }
0x7d: {  	[spmem:s2] =	stream.indirect.scatter.add.f32 [tilespmem:s21], [sflag:$0x4], $0x80, s31, s19, $0xb8;
	[tilespmem:$0x1E080] =	vst v63  }
0x7e: {  	_ =	swait.ge [sflag:s17], $0x3E80  }
0x7f: {  	s30 =	simm.s32 $0x800;
	s29 =	simm.s32 $0x100;
	[sflag:s17] =	ssyncset.done $0x0  }
.LBB2_4:
0x80: {  	s0 =	sadd.s32 $0x80, s29  }
0x81: {  	[sflag:s17] =	ssyncadd.s32 $0xFFFFC180;
	s1 =	smov.u32 s30;
	s31 =	sadd.s32 $0x400, s30  }
0x82: {  	[tilespmem:s21], [sflag:$0x2] =	stream.indirect.gather [hbm4b:s4+s19], $0x80, s0, s19, $0xb8;
	[tilespmem:$0x1E080] =	vst v63  }
0x83: {  	p1 =	sne.s32 s30, $0x4800;
	_ =	swait.ge [sflag:s22], $0x3E80  }
0x84: {  	[sflag:s22] =	ssyncset.done $0x0  }
0x85: {  	s0 =	sadd.s32 $0x1400, s29;
	[sflag:s22] =	ssyncadd.s32 $0xFFFFC180  }
0x86: {  	[spmem:s2] =	stream.indirect.scatter.add.f32 [tilespmem:s20], [sflag:$0x4], $0x80, s0, s19, $0xb8;
	[tilespmem:$0x1E080] =	vst v63  }
0x87: {  	_ =	swait.ge [sflag:s17], $0x3E80  }
0x88: {  	[sflag:s17] =	ssyncset.done $0x0  }
0x89: {  	s0 =	sadd.s32 $0x100, s29;
	[sflag:s17] =	ssyncadd.s32 $0xFFFFC180  }
0x8a: {  	[tilespmem:s20], [sflag:$0x1] =	stream.indirect.gather [hbm4b:s4+s19], $0x80, s0, s19, $0xb8;
	[tilespmem:$0x1E080] =	vst v63  }
0x8b: {  	_ =	swait.ge [sflag:s23], $0x3E80  }
.Ltmp1:
0x8c: {  	[sflag:s23] =	ssyncset.done $0x0;
	(pc) =	sbr.rel @p1 .LBB2_4-.Ltmp1, $4  }
0x8d: {  	s0 =	sadd.s32 $0x1480, s29;
	[sflag:s23] =	ssyncadd.s32 $0xFFFFC180  }
0x8e: {  	[spmem:s2] =	stream.indirect.scatter.add.f32 [tilespmem:s21], [sflag:$0x4], $0x80, s0, s19, $0xb8;
	[tilespmem:$0x1E080] =	vst v63  }
0x8f: {  	_ =	swait.ge [sflag:s17], $0x3E80  }
0x90: {  	s30 =	smov.u32 s31;
	s29 =	sshra.s32 s1, $0x2;
	[sflag:s17] =	ssyncset.done $0x0  }
0x91: {  	s0 =	sadd.s32 $0x80, s29;
	[sflag:s17] =	ssyncadd.s32 $0xFFFFC180  }
0x92: {  	[tilespmem:s21], [sflag:$0x2] =	stream.indirect.gather [hbm4b:s4+s19], $0x80, s0, s19, $0xb8;
	[tilespmem:$0x1E080] =	vst v63  }
0x93: {  	_ =	swait.ge [sflag:s22], $0x3E80  }
0x94: {  	[sflag:s22] =	ssyncset.done $0x0  }
0x95: {  	s1 =	sadd.s32 $0x1400, s29;
	[sflag:s22] =	ssyncadd.s32 $0xFFFFC180  }
0x96: {  	[spmem:s2] =	stream.indirect.scatter.add.f32 [tilespmem:s20], [sflag:$0x4], $0x80, s1, s19, $0xb8;
	[tilespmem:$0x1E080] =	vst v63  }
0x97: {  	_ =	swait.ge [sflag:s17], $0x3E80  }
0x98: {  	[sflag:s17] =	ssyncset.done $0x0  }
0x99: {  	s30 =	sadd.s32 $0x100, s29;
	[sflag:s17] =	ssyncadd.s32 $0xFFFFC180  }
0x9a: {  	[tilespmem:s20], [sflag:$0x1] =	stream.indirect.gather [hbm4b:s4+s19], $0x80, s30, s19, $0xb8;
	[tilespmem:$0x1E080] =	vst v63  }
0x9b: {  	_ =	swait.ge [sflag:s23], $0x3E80  }
0x9c: {  	[sflag:s23] =	ssyncset.done $0x0  }
0x9d: {  	s31 =	sadd.s32 $0x1480, s29;
	[sflag:s23] =	ssyncadd.s32 $0xFFFFC180  }
0x9e: {  	[spmem:s2] =	stream.indirect.scatter.add.f32 [tilespmem:s21], [sflag:$0x4], $0x80, s31, s19, $0xb8;
	[tilespmem:$0x1E080] =	vst v63  }
0x9f: {  	_ =	swait.ge [sflag:s17], $0x3E80  }
0xa0: {  	[sflag:s17] =	ssyncset.done $0x0  }
0xa1: {  	[sflag:s17] =	ssyncadd.s32 $0xFFFFC180  }
0xa2: {  	[tilespmem:s21], [sflag:$0x2] =	stream.indirect.gather [hbm4b:s4+s19], $0x80, s24, s19, $0xb8;
	[tilespmem:$0x1E080] =	vst v63  }
0xa3: {  	_ =	swait.ge [sflag:s22], $0x3E80  }
0xa4: {  	[sflag:s22] =	ssyncset.done $0x0  }
0xa5: {  	[sflag:s22] =	ssyncadd.s32 $0xFFFFC180  }
0xa6: {  	[spmem:s2] =	stream.indirect.scatter.add.f32 [tilespmem:s20], [sflag:$0x4], $0x80, s25, s19, $0xb8;
	[tilespmem:$0x1E080] =	vst v63  }
0xa7: {  	_ =	swait.ge [sflag:s17], $0x3E80  }
0xa8: {  	[sflag:s17] =	ssyncset.done $0x0  }
0xa9: {  	[sflag:s17] =	ssyncadd.s32 $0xFFFFC180  }
0xaa: {  	_ =	swait.ge [sflag:s23], $0x3E80  }
0xab: {  	[sflag:s23] =	ssyncset.done $0x0  }
0xac: {  	[sflag:s23] =	ssyncadd.s32 $0xFFFFC180  }
0xad: {  	[spmem:s2] =	stream.indirect.scatter.add.f32 [tilespmem:s21], [sflag:$0x4], $0x80, s26, s19, $0xb8;
	[tilespmem:$0x1E080] =	vst v63  }
0xae: {  	_ =	swait.ge [sflag:s17], $0x3E80  }
0xaf: {  	[sflag:s17] =	ssyncset.done $0x0  }
0xb0: {  	[sflag:s17] =	ssyncadd.s32 $0xFFFFC180  }
0xb1: {  	s0 =	simm.s32 @p0 $0x1FC4;
	[bflag:$0x0] =	sbarrier.arrive $0xFFFF  }
0xb2: {  	[hbm:s11], [sflag:s0] =	dma.local @p0 [spmem:s14], $0x1900  }
0xb3: {  	s0 =	simm.s32 @p0 $0x4  }
0xb4: {  	_ =	swait.ge @p0 [sflag:s0], $0x1900  }
0xb5: {  	s28 =	sadd.s32 $0x1, s28;
	[sflag:s0] =	ssyncset.done @p0 $0x0  }
0xb6: {  	p1 =	sne.s32 s28, s13;
	[sflag:s0] =	ssyncadd.s32 @p0 $0xFFFFE700;
	s0 =	sor.u32 @!p0 $0x1C04, s12  }
0xb7: {  	[hbm:s11], [sflag:s0] =	dma.local @!p0 [spmem:s16], $0x2800  }
.Ltmp2:
0xb8: {  	_ = 	snop;
	(pc) =	sbr.rel @p1 .LBB2_1-.Ltmp2, $4  }
0xb9: {  	s0 =	simm.s32 @!p0 $0x4  }
0xba: {  	_ =	swait.ge @!p0 [sflag:s0], $0x2800  }
0xbb: {  	[sflag:s0] =	ssyncset.done @!p0 $0x0  }
0xbc: {  	[sflag:s0] =	ssyncadd.s32 @!p0 $0xFFFFD800  }
0xbd: {  	_ =	sfence.sel $0x180000  }
0xbe: {  	[bflag:$0x0] =	sbarrier.arrive $0xFFFF  }
0xbf: {  	_ =	strace $0x9000004A  }
0xc0: {  	s0 =	stileid.u32;
	[bflag:$0x2] =	sbarrier.arrive $0xFFFF  }
0xc1: {  	p0 =	sne.s32 s0, $0x0;
	s0 =	rddreg [dreg:$0x2]  }
0xc2: {  	s0 =	sadd.s32 @!p0 $0x100000, s0  }
0xc3: {  	[sflag:s0] =	ssyncadd.tile.s32 @!p0 $0x1;
	_ =	shalt  }
.Lfunc_end2:
_tile_overlayer_lowered:
.L_overlay_start_2:
0xc4: {  	(tag) =	ssettag $0x2  }
0xc5: {  	s0 =	rddreg [dreg:$0x0];
	s2 =	stileid.u32  }
0xc6: {  	s1 =	rddreg [dreg:$0x1];
	p0 =	sne.s32 s2, $0x0  }
0xc7: {  	s3 =	rddreg [dreg:$0x2];
	[bflag:$0x3] =	sbarrier.arrive $0xFFFF;
	s2 =	simm.s32 @!p0 $0x1C04  }
0xc8: {  	[timem:s3], [sflag:s2] =	dma.local @!p0 [hbm:s0], s1  }
0xc9: {  	s0 =	simm.s32 @!p0 $0x4  }
0xca: {  	_ =	swait.ge @!p0 [sflag:s0], s1  }
0xcb: {  	s1 =	ssub.s32 @!p0 $0x0, s1;
	[sflag:s0] =	ssyncset.done @!p0 $0x0  }
0xcc: {  	[sflag:s0] =	ssyncadd.s32 @!p0 s1  }
0xcd: {  	[bflag:$0x3] =	sbarrier.arrive $0xFFFF  }
0xce: {  	_ =	shalt  }

// kernel: kernel.18.cloned.1.call-start
scs
__scs_entry_jumppad:
0x0: {  	(pc) =	sbr.rel $0x88, $3  }
0x1: {  	(tag) =	ssettag $0x0;
	lr =	simm.s32 $0x1  }
0x2: {  	[smem:$0x3F95] =	sst lr;
	_ =	strace $0xD0000000  }
0x3: {  	_ = 	snop  }
0x4: {  	_ = 	snop  }
0x5: {  	_ = 	snop  }
0x6: {  	_ = 	snop  }
0x7: {  	_ = 	snop  }
__scs_overlays_trampoline_lowered:
0x8: {  	[smem:$0x3FA4] =	sst s0  }
0x9: {  	[smem:$0x3FA5] =	sst s1  }
0xa: {  	[smem:$0x3FA6] =	sst s2  }
0xb: {  	[smem:$0x3FA7] =	sst s3  }
0xc: {  	[smem:$0x3FA8] =	sst s4  }
0xd: {  	[smem:$0x3FA9] =	sst s5  }
0xe: {  	[smem:$0x3FAA] =	sst s6  }
0xf: {  	[smem:$0x3FAB] =	sst s7  }
0x10: {  	[smem:$0x3FAC] =	sst s8  }
0x11: {  	[smem:$0x3FAD] =	sst s9;
	s0 =	simm.s32 @!p0 $0x0  }
0x12: {  	s1 =	sld [smem:$0x3F93];
	s0 =	simm.s32 @p0 $0x1  }
0x13: {  	[smem:$0x3FAE] =	sst s0;
	s0 =	simm.s32 @!p1 $0x0  }
0x14: {  	s2 =	sld [smem:$0x3F92];
	s0 =	simm.s32 @p1 $0x1  }
0x15: {  	[smem:$0x3FAF] =	sst s0;
	s0 =	simm.s32 @!p2 $0x0  }
0x16: {  	s3 =	sld [smem:$0x3FDB];
	s0 =	simm.s32 @p2 $0x1  }
0x17: {  	s4 =	simm.s32 $0x1BF5;
	[smem:$0x3FB1] =	sst s0  }
0x18: {  	s0 =	sld [smem:$0x3F94];
	_ =	swait.ge [sflag:s4], $0x0  }
0x19: {  	s7 =	sld [smem:$0x3F95]  }
0x1a: {  	s8 =	sadd.s32 $0xFFFFE003, lr  }
0x1b: {  	s9 =	sadd.s32 $0xFFFFFEF7, lr;
	s5 =	simm.s32 $0xFFFFFFFF;
	p2 =	slt.u32 s8, $0xFFFFF086  }
0x1c: {  	p1 =	slt.u32 s9, $0xF7A;
	s5 =	simm.s32 @!p2 $0x0  }
0x1d: {  	s5 =	simm.s32 @p1 $0x1;
	p0 =	seq.s32 s7, s2  }
0x1e: {  	s7 =	smul.u32 @!p0 $0xF7A, s2;
	p2 =	seq.s32 @!p0 s5, $0x0  }
0x1f: {  	s9 =	smul.u32 $0xF7A, s1;
	s8 =	simm.s32 @!p0 $0x1BF5;
	p2 =	por !p2, p0  }
0x20: {  	[sflag:s8] =	ssyncset.s32 @!p0 $0xFFFFF086;
	s6 =	sadd.s32 @!p0 s3, s7;
	s7 =	simm.s32 @!p0 $0x108  }
0x21: {  	s3 =	sadd.s32 s3, s9;
	s6 =	sadd.s32 @!p0 $0x88, s6;
	s7 =	simm.s32 @p2 $0x1082  }
0x22: {  	[simem:s7], [sflag:s8] =	dma.local @!p0 [hbm:s6], $0xF7A  }
0x23: {  	s9 =	sor.u32 $0xD0000000, s2;
	s6 =	simm.s32 $0x108;
	_ =	swait.ge @!p0 [sflag:s8], $0x0  }
0x24: {  	s3 =	sadd.s32 $0x88, s3;
	s6 =	simm.s32 @!p1 $0x1082;
	[sflag:s4] =	ssyncset.s32 $0xFFFFF086  }
0x25: {  	[simem:s6], [sflag:s4] =	dma.local [hbm:s3], $0xF7A  }
0x26: {  	[smem:$0x3F95] =	sst s1;
	(tag) =	ssettag s2;
	_ =	strace s9  }
0x27: {  	s1 =	sld [smem:$0x3FA5]  }
0x28: {  	s2 =	sld [smem:$0x3FA6]  }
0x29: {  	s4 =	sld [smem:$0x3FA8]  }
0x2a: {  	p0 =	seq.s32 s5, $0x0;
	s5 =	sld [smem:$0x3FA9]  }
0x2b: {  	s6 =	sld [smem:$0x3FAA]  }
0x2c: {  	s7 =	sld [smem:$0x3FAB]  }
0x2d: {  	s3 =	simm.s32 $0x108;
	s8 =	sld [smem:$0x3FAC]  }
0x2e: {  	s3 =	simm.s32 @!p0 $0x1082;
	s9 =	sld [smem:$0x3FAD]  }
0x2f: {  	lr =	sadd.s32 s0, s3;
	s0 =	sld [smem:$0x3FA4]  }
0x30: {  	s3 =	sld [smem:$0x3FA7]  }
0x31: {  	[smem:$0x3FB0] =	sst s10  }
0x32: {  	s10 =	sld [smem:$0x3FAE];
	_ =	sdelay $0x3  }
0x33: {  	p0 =	seq.s32 s10, $0x1;
	s10 =	sld [smem:$0x3FB0];
	_ =	sdelay $0x3  }
0x34: {  	[smem:$0x3FB0] =	sst s10  }
0x35: {  	s10 =	sld [smem:$0x3FAF];
	_ =	sdelay $0x3  }
0x36: {  	p1 =	seq.s32 s10, $0x1;
	s10 =	sld [smem:$0x3FB0];
	_ =	sdelay $0x3  }
0x37: {  	[smem:$0x3FB0] =	sst s10  }
0x38: {  	s10 =	sld [smem:$0x3FB1]  }
0x39: {  	_ = 	snop;
	(pc) =	sbr.ind lr, $3  }
0x3a: {  	_ = 	snop  }
0x3b: {  	_ = 	snop  }
0x3c: {  	p2 =	seq.s32 s10, $0x1;
	s10 =	sld [smem:$0x3FB0]  }
0x3d: {  	_ =	shalt  }
0x3e: {  	_ =	shalt  }
0x3f: {  	_ =	shalt  }
0x40: {  	_ =	shalt  }
0x41: {  	_ =	shalt  }
0x42: {  	_ =	shalt  }
0x43: {  	_ =	shalt  }
0x44: {  	_ =	shalt  }
0x45: {  	_ =	shalt  }
0x46: {  	_ =	shalt  }
0x47: {  	_ =	shalt  }
0x48: {  	_ =	shalt  }
0x49: {  	_ =	shalt  }
0x4a: {  	_ =	shalt  }
0x4b: {  	_ =	shalt  }
0x4c: {  	_ =	shalt  }
0x4d: {  	_ =	shalt  }
0x4e: {  	_ =	shalt  }
0x4f: {  	_ =	shalt  }
0x50: {  	_ =	shalt  }
0x51: {  	_ =	shalt  }
0x52: {  	_ =	shalt  }
0x53: {  	_ =	shalt  }
0x54: {  	_ =	shalt  }
0x55: {  	_ =	shalt  }
0x56: {  	_ =	shalt  }
0x57: {  	_ =	shalt  }
0x58: {  	_ =	shalt  }
0x59: {  	_ =	shalt  }
0x5a: {  	_ =	shalt  }
0x5b: {  	_ =	shalt  }
0x5c: {  	_ =	shalt  }
0x5d: {  	_ =	shalt  }
0x5e: {  	_ =	shalt  }
0x5f: {  	_ =	shalt  }
0x60: {  	_ =	shalt  }
0x61: {  	_ =	shalt  }
0x62: {  	_ =	shalt  }
0x63: {  	_ =	shalt  }
0x64: {  	_ =	shalt  }
0x65: {  	_ =	shalt  }
0x66: {  	_ =	shalt  }
0x67: {  	_ =	shalt  }
0x68: {  	_ =	shalt  }
0x69: {  	_ =	shalt  }
0x6a: {  	_ =	shalt  }
0x6b: {  	_ =	shalt  }
0x6c: {  	_ =	shalt  }
0x6d: {  	_ =	shalt  }
0x6e: {  	_ =	shalt  }
0x6f: {  	_ =	shalt  }
0x70: {  	_ =	shalt  }
0x71: {  	_ =	shalt  }
0x72: {  	_ =	shalt  }
0x73: {  	_ =	shalt  }
0x74: {  	_ =	shalt  }
0x75: {  	_ =	shalt  }
0x76: {  	_ =	shalt  }
0x77: {  	_ =	shalt  }
0x78: {  	_ =	shalt  }
0x79: {  	_ =	shalt  }
0x7a: {  	_ =	shalt  }
0x7b: {  	_ =	shalt  }
0x7c: {  	_ =	shalt  }
0x7d: {  	_ =	shalt  }
0x7e: {  	_ =	shalt  }
0x7f: {  	_ =	shalt  }
0x80: {  	_ =	shalt  }
0x81: {  	_ =	shalt  }
0x82: {  	_ =	shalt  }
0x83: {  	_ =	shalt  }
0x84: {  	_ =	shalt  }
0x85: {  	_ =	shalt  }
0x86: {  	_ =	shalt  }
0x87: {  	_ =	shalt  }
.Lfunc_end0:
.L_simem_size_0:
called_computation.2_lowered:
.L_overlay_start_0:
0x88: {  	s2 =	sld [smem:$0x3FD9]  }
0x89: {  	s3 =	sld [smem:$0x3FFE];
	_ =	sdelay $0x1  }
0x8a: {  	s1 =	srdreg.scid  }
0x8b: {  	s0 =	sand.u32 $0x1, s1  }
0x8c: {  	s16 =	sshll.u32 s0, $0xA;
	s2 =	sadd.s32 s3, s2  }
0x8d: {  	s2 =	sadd.s32 s2, s16  }
0x8e: {  	[smem:$0x3FBC] =	sst s2  }
0x8f: {  	_ = 	snop  }
0x90: {  	(tm) =	ssettm $0x1  }
0x91: {  	s17 =	sld [smem:$0x3FFB];
	_ =	sdelay $0x3  }
0x92: {  	_ =	strace s17  }
0x93: {  	s2 =	sld [smem:$0x3FFC];
	_ =	sdelay $0x3  }
0x94: {  	_ =	strace s2  }
0x95: {  	s2 =	sld [smem:$0x3FFD];
	_ =	sdelay $0x3  }
0x96: {  	_ =	strace s2  }
0x97: {  	_ =	strace $0x8FFFFFFF  }
0x98: {  	s18 =	sld [smem:$0x3FDB];
	_ =	sdelay $0x1  }
0x99: {  	s19 =	simm.s32 $_scs_section_size  }
0x9a: {  	s4 =	simm.s32 $_size__tile_overlayer_lowered;
	s5 =	simm.s32 $_tile_overlayer_lowered  }
0x9b: {  	s22 =	simm.s32 $0x1BFF;
	s21 =	sshll.u32 s5, $0x1;
	s2 =	sadd.s32 s19, s18  }
0x9c: {  	s6 =	simm.s32 $0x0;
	s20 =	sshll.u32 s4, $0x1;
	s4 =	sadd.s32 s21, s2  }
0x9d: {  	[timem:s6], [sflag:s22] =	dma.local [hbm:s4], s20  }
0x9e: {  	_ =	swait.ge [sflag:s22], s20  }
0x9f: {  	s3 =	ssub.s32 $0x0, s20;
	[sflag:s22] =	ssyncset.done $0x0  }
0xa0: {  	[sflag:s22] =	ssyncadd.s32 s3;
	_ =	sdelay $0x1  }
0xa1: {  	s23 =	simm.s32 $0x1B8B  }
0xa2: {  	_ =	swait.ge [sflag:s23], $0x1  }
0xa3: {  	[sflag:s23] =	ssyncset.done $0x0  }
0xa4: {  	s25 =	simm.s32 $0x1B8E;
	s24 =	sld [smem:$0x3FFE];
	[sflag:s23] =	ssyncadd.s32 $0xFFFFFFFF  }
0xa5: {  	s26 =	simm.s32 $execute0_lowered;
	[smem:$0x3FD2] =	sst s25  }
0xa6: {  	s4 =	sshll.u32 s26, $0x1;
	_ =	strace $0x8000004C;
	[dreg:$0x1] =	wrdreg $0xFFFFFFFF  }
0xa7: {  	s28 =	simm.s32 $_size_execute0_lowered;
	s2 =	sadd.s32 s2, s4;
	[dreg:$0x0] =	wrdreg $0x0  }
0xa8: {  	s4 =	sshll.u32 s28, $0x1;
	[dreg:$0x2] =	wrdreg s2  }
0xa9: {  	[dreg:$0x3] =	wrdreg s4  }
0xaa: {  	[dreg:$0x4] =	wrdreg $0xC0  }
0xab: {  	_ =	task [dreg:s6], $0x5FFFF  }
0xac: {  	[dreg:$0x1] =	wrdreg $0xFFFFFFFF  }
0xad: {  	[dreg:$0x0] =	wrdreg $0x60  }
0xae: {  	[dreg:$0x2] =	wrdreg s24  }
0xaf: {  	[dreg:$0x3] =	wrdreg $0xA8000  }
0xb0: {  	[dreg:$0x4] =	wrdreg $0x9  }
0xb1: {  	_ =	task.clear_ibuf [dreg:s6], $0x5FFFF;
	_ =	strace $0x9000004C  }
0xb2: {  	s29 =	simm.s32 $0x9;
	_ =	strace $0x8000004E  }
0xb3: {  	_ =	swait.ge [sflag:s29], $0x1  }
0xb4: {  	[sflag:s29] =	ssyncadd.s32 $0xFFFFFFFF  }
0xb5: {  	_ =	strace $0x9000004E  }
0xb6: {  	_ =	sfence  }
0xb7: {  	s30 =	sld [smem:$0x0];
	_ =	sdelay $0x2  }
0xb8: {  	s31 =	sshll.u32 s1, $0xD;
	s1 =	sshrl.u32 s1, $0x2  }
0xb9: {  	s3 =	sand.u32 $0x4000, s31;
	s1 =	sadd.s32 s1, s30  }
0xba: {  	s0 =	sor.u32 s3, s0;
	s1 =	sshll.u32 s1, $0x11  }
0xbb: {  	s0 =	sor.u32 s1, s0  }
0xbc: {  	s0 =	sadd.s32 $0x8F2B, s0  }
0xbd: {  	[sflag:s0] =	ssyncadd.remote.s32 $0x1  }
0xbe: {  	_ =	sfence.sel $0xFFFF  }
0xbf: {  	[dreg:$0x0] =	wrdreg $0xFFFFFFFF;
	(pc) =	sbr.abs _section_cstart, $3  }
0xc0: {  	[dreg:$0x1] =	wrdreg $0xFFFFFFFF  }
0xc1: {  	_ =	task.clear_ibuf [dreg:s6], $0x2FFFF;
	_ =	strace $0x9FFFFFFF  }
0xc2: {  	(tm) =	ssettm $0x7FFFFFFF  }
0xc3: {  	_ =	shalt  }
tec
execute0_lowered:
.L_overlay_start_1:
0x0: {  	(tag) =	ssettag $0x1  }
0x1: {  	s6 =	rddreg [dreg:$0x0]  }
0x2: {  	s2 =	rddreg [dreg:$0x1];
	s0 =	stileid.u32  }
0x3: {  	s3 =	simm.s32 $0x0;
	s4 =	srdreg.scid;
	s17 =	simm.s32 $0x4  }
0x4: {  	s18 =	simm.s32 $0x1400;
	s19 =	simm.s32 $0x7D;
	s20 =	simm.s32 $0x2800  }
0x5: {  	s21 =	simm.s32 $0x6800;
	s22 =	simm.s32 $0x1;
	s23 =	simm.s32 $0x2  }
0x6: {  	s24 =	simm.s32 $0x1380;
	s25 =	simm.s32 $0x2700;
	s28 =	simm.s32 $0x0  }
0x7: {  	s5 =	smul.u32 $0x2800, s0;
	[smem:$0x7FF] =	sst s3;
	s7 =	sand.u32 $0x1, s4  }
0x8: {  	s8 =	smul.u32 $0x280, s0;
	s9 =	sadd.s32 $0x3E00, s6;
	s11 =	sadd.s32 $0xDE00, s6  }
0x9: {  	s4 =	sadd.s32 $0x17E00, s6;
	s26 =	sshll.u32 s0, $0x1;
	s12 =	smul.u32 $0x50000, s0  }
0xa: {  	s15 =	sadd.s32 $0x12C000, s2;
	p0 =	seq.s32 s0, $0xF;
	_ =	strace $0x8000004D  }
0xb: {  	s10 =	smul.u32 $0x2710, s7;
	s13 =	ssub.s32 $0x2, s7;
	s7 =	sor.u32 s7, s26  }
0xc: {  	s26 =	simm.s32 $0x2780;
	s5 =	sadd.s32 s5, s6;
	s29 =	sshrl.u32 s13, $0x1  }
0xd: {  	s12 =	sshrl.u32 s12, $0x2;
	s7 =	smul.u32 $0x2800, s7;
	s8 =	sadd.s32 s8, s10  }
0xe: {  	s13 =	ssub.s32 s13, s29;
	s16 =	sadd.s32 s12, s2;
	s5 =	sadd.s32 $0x3F000, s5  }
0xf: {  	s12 =	sshll.u32 @!p0 s0, $0x6;
	s8 =	sshll.u32 s8, $0x4;
	s30 =	sshrl.u32 s7, $0x3  }
0x10: {  	s13 =	smax.u32 s13, $0x1;
	s16 =	sshrl.u32 @!p0 s16, $0x3;
	s14 =	sadd.s32 s8, s6  }
0x11: {  	s6 =	sadd.s32 $0x64800, s6;
	s7 =	sadd.s32 s9, s30;
	s31 =	sadd.s32 $0x280, s30  }
0x12: {  	s8 =	sadd.s32 s11, s30;
	s9 =	sadd.s32 s9, s31;
	s10 =	sadd.s32 s11, s31  }
0x13: {  	s11 =	sadd.s32 $0x66200, s14;
	s14 =	sshrl.u32 @p0 s15, $0x3;
	s15 =	sor.u32 @!p0 $0x1C03, s12  }
.LBB2_1:
0x14: {  	s29 =	simm.s32 @p0 $0x1FC3  }
0x15: {  	[spmem:s14], [sflag:s29] =	dma.local @p0 [hbm:s6], $0x1900  }
0x16: {  	[spmem:s16], [sflag:s15] =	dma.local @!p0 [hbm:s5], $0x2800  }
0x17: {  	[tilespmem:s3], [sflag:$0x4] =	stream.linear.gather [hbm4b:s7+s3], $0x1400, $0x38;
	[tilespmem:$0x1E080] =	vst v63  }
0x18: {  	_ =	swait.ge [sflag:s17], $0x1400  }
0x19: {  	[sflag:s17] =	ssyncset.done $0x0  }
0x1a: {  	[sflag:s17] =	ssyncadd.s32 $0xFFFFEC00  }
0x1b: {  	[tilespmem:s18], [sflag:$0x4] =	stream.linear.gather [hbm4b:s8+s3], $0x1400, $0x38;
	[tilespmem:$0x1E080] =	vst v63  }
0x1c: {  	_ =	swait.ge [sflag:s17], $0x1400  }
0x1d: {  	[sflag:s17] =	ssyncset.done $0x0  }
0x1e: {  	s29 =	simm.s32 @p0 $0x3;
	[sflag:s17] =	ssyncadd.s32 $0xFFFFEC00  }
0x1f: {  	[tilespmem:s20], [sflag:$0x1] =	stream.indirect.gather [hbm4b:s4+s19], $0x80, s3, s19, $0xb8;
	[tilespmem:$0x1E080] =	vst v63  }
0x20: {  	_ =	swait.ge @p0 [sflag:s29], $0x1900  }
0x21: {  	[sflag:s29] =	ssyncset.done @p0 $0x0  }
0x22: {  	[sflag:s29] =	ssyncadd.s32 @p0 $0xFFFFE700;
	s29 =	simm.s32 @!p0 $0x3  }
0x23: {  	_ =	swait.ge @!p0 [sflag:s29], $0x2800  }
0x24: {  	[sflag:s29] =	ssyncset.done @!p0 $0x0  }
0x25: {  	[sflag:s29] =	ssyncadd.s32 @!p0 $0xFFFFD800  }
0x26: {  	s29 =	simm.s32 $0x80;
	[bflag:$0x0] =	sbarrier.arrive $0xFFFF  }
0x27: {  	[tilespmem:s21], [sflag:$0x2] =	stream.indirect.gather [hbm4b:s4+s19], $0x80, s29, s19, $0xb8;
	[tilespmem:$0x1E080] =	vst v63  }
0x28: {  	_ =	swait.ge [sflag:s22], $0x3E80  }
0x29: {  	[sflag:s22] =	ssyncset.done $0x0  }
0x2a: {  	s29 =	simm.s32 $0x1400;
	[sflag:s22] =	ssyncadd.s32 $0xFFFFC180  }
0x2b: {  	[spmem:s2] =	stream.indirect.scatter.add.f32 [tilespmem:s20], [sflag:$0x4], $0x80, s29, s19, $0xb8;
	[tilespmem:$0x1E080] =	vst v63  }
0x2c: {  	_ =	swait.ge [sflag:s17], $0x3E80  }
0x2d: {  	[sflag:s17] =	ssyncset.done $0x0  }
0x2e: {  	s29 =	simm.s32 $0x100;
	[sflag:s17] =	ssyncadd.s32 $0xFFFFC180  }
0x2f: {  	[tilespmem:s20], [sflag:$0x1] =	stream.indirect.gather [hbm4b:s4+s19], $0x80, s29, s19, $0xb8;
	[tilespmem:$0x1E080] =	vst v63  }
0x30: {  	_ =	swait.ge [sflag:s23], $0x3E80  }
0x31: {  	[sflag:s23] =	ssyncset.done $0x0  }
0x32: {  	s29 =	simm.s32 $0x1480;
	[sflag:s23] =	ssyncadd.s32 $0xFFFFC180  }
0x33: {  	[spmem:s2] =	stream.indirect.scatter.add.f32 [tilespmem:s21], [sflag:$0x4], $0x80, s29, s19, $0xb8;
	[tilespmem:$0x1E080] =	vst v63  }
0x34: {  	_ =	swait.ge [sflag:s17], $0x3E80  }
0x35: {  	s30 =	simm.s32 $0x800;
	s29 =	simm.s32 $0x100;
	[sflag:s17] =	ssyncset.done $0x0  }
.LBB2_2:
0x36: {  	s31 =	sadd.s32 $0x80, s29  }
0x37: {  	[sflag:s17] =	ssyncadd.s32 $0xFFFFC180;
	s0 =	smov.u32 s30;
	s1 =	sadd.s32 $0x400, s30  }
0x38: {  	[tilespmem:s21], [sflag:$0x2] =	stream.indirect.gather [hbm4b:s4+s19], $0x80, s31, s19, $0xb8;
	[tilespmem:$0x1E080] =	vst v63  }
0x39: {  	p1 =	sne.s32 s30, $0x4800;
	_ =	swait.ge [sflag:s22], $0x3E80  }
0x3a: {  	[sflag:s22] =	ssyncset.done $0x0  }
0x3b: {  	s30 =	sadd.s32 $0x1400, s29;
	[sflag:s22] =	ssyncadd.s32 $0xFFFFC180  }
0x3c: {  	[spmem:s2] =	stream.indirect.scatter.add.f32 [tilespmem:s20], [sflag:$0x4], $0x80, s30, s19, $0xb8;
	[tilespmem:$0x1E080] =	vst v63  }
0x3d: {  	_ =	swait.ge [sflag:s17], $0x3E80  }
0x3e: {  	[sflag:s17] =	ssyncset.done $0x0  }
0x3f: {  	s30 =	sadd.s32 $0x100, s29;
	[sflag:s17] =	ssyncadd.s32 $0xFFFFC180  }
0x40: {  	[tilespmem:s20], [sflag:$0x1] =	stream.indirect.gather [hbm4b:s4+s19], $0x80, s30, s19, $0xb8;
	[tilespmem:$0x1E080] =	vst v63  }
0x41: {  	_ =	swait.ge [sflag:s23], $0x3E80  }
.Ltmp0:
0x42: {  	[sflag:s23] =	ssyncset.done $0x0;
	(pc) =	sbr.rel @p1 .LBB2_2-.Ltmp0, $4  }
0x43: {  	s29 =	sadd.s32 $0x1480, s29;
	[sflag:s23] =	ssyncadd.s32 $0xFFFFC180  }
0x44: {  	[spmem:s2] =	stream.indirect.scatter.add.f32 [tilespmem:s21], [sflag:$0x4], $0x80, s29, s19, $0xb8;
	[tilespmem:$0x1E080] =	vst v63  }
0x45: {  	_ =	swait.ge [sflag:s17], $0x3E80  }
0x46: {  	s30 =	smov.u32 s1;
	s29 =	sshra.s32 s0, $0x2;
	[sflag:s17] =	ssyncset.done $0x0  }
0x47: {  	s0 =	sadd.s32 $0x80, s29;
	[sflag:s17] =	ssyncadd.s32 $0xFFFFC180  }
0x48: {  	[tilespmem:s21], [sflag:$0x2] =	stream.indirect.gather [hbm4b:s4+s19], $0x80, s0, s19, $0xb8;
	[tilespmem:$0x1E080] =	vst v63  }
0x49: {  	_ =	swait.ge [sflag:s22], $0x3E80  }
0x4a: {  	[sflag:s22] =	ssyncset.done $0x0  }
0x4b: {  	s1 =	sadd.s32 $0x1400, s29;
	[sflag:s22] =	ssyncadd.s32 $0xFFFFC180  }
0x4c: {  	[spmem:s2] =	stream.indirect.scatter.add.f32 [tilespmem:s20], [sflag:$0x4], $0x80, s1, s19, $0xb8;
	[tilespmem:$0x1E080] =	vst v63  }
0x4d: {  	_ =	swait.ge [sflag:s17], $0x3E80  }
0x4e: {  	[sflag:s17] =	ssyncset.done $0x0  }
0x4f: {  	s31 =	sadd.s32 $0x100, s29;
	[sflag:s17] =	ssyncadd.s32 $0xFFFFC180  }
0x50: {  	[tilespmem:s20], [sflag:$0x1] =	stream.indirect.gather [hbm4b:s4+s19], $0x80, s31, s19, $0xb8;
	[tilespmem:$0x1E080] =	vst v63  }
0x51: {  	_ =	swait.ge [sflag:s23], $0x3E80  }
0x52: {  	[sflag:s23] =	ssyncset.done $0x0  }
0x53: {  	s1 =	sadd.s32 $0x1480, s29;
	[sflag:s23] =	ssyncadd.s32 $0xFFFFC180  }
0x54: {  	[spmem:s2] =	stream.indirect.scatter.add.f32 [tilespmem:s21], [sflag:$0x4], $0x80, s1, s19, $0xb8;
	[tilespmem:$0x1E080] =	vst v63  }
0x55: {  	_ =	swait.ge [sflag:s17], $0x3E80  }
0x56: {  	[sflag:s17] =	ssyncset.done $0x0  }
0x57: {  	[sflag:s17] =	ssyncadd.s32 $0xFFFFC180  }
0x58: {  	[tilespmem:s21], [sflag:$0x2] =	stream.indirect.gather [hbm4b:s4+s19], $0x80, s24, s19, $0xb8;
	[tilespmem:$0x1E080] =	vst v63  }
0x59: {  	_ =	swait.ge [sflag:s22], $0x3E80  }
0x5a: {  	[sflag:s22] =	ssyncset.done $0x0  }
0x5b: {  	[sflag:s22] =	ssyncadd.s32 $0xFFFFC180  }
0x5c: {  	[spmem:s2] =	stream.indirect.scatter.add.f32 [tilespmem:s20], [sflag:$0x4], $0x80, s25, s19, $0xb8;
	[tilespmem:$0x1E080] =	vst v63  }
0x5d: {  	_ =	swait.ge [sflag:s17], $0x3E80  }
0x5e: {  	[sflag:s17] =	ssyncset.done $0x0  }
0x5f: {  	[sflag:s17] =	ssyncadd.s32 $0xFFFFC180  }
0x60: {  	_ =	swait.ge [sflag:s23], $0x3E80  }
0x61: {  	[sflag:s23] =	ssyncset.done $0x0  }
0x62: {  	[sflag:s23] =	ssyncadd.s32 $0xFFFFC180  }
0x63: {  	[spmem:s2] =	stream.indirect.scatter.add.f32 [tilespmem:s21], [sflag:$0x4], $0x80, s26, s19, $0xb8;
	[tilespmem:$0x1E080] =	vst v63  }
0x64: {  	_ =	swait.ge [sflag:s17], $0x3E80  }
0x65: {  	[sflag:s17] =	ssyncset.done $0x0  }
0x66: {  	s31 =	simm.s32 $0x0;
	[sflag:s17] =	ssyncadd.s32 $0xFFFFC180  }
0x67: {  	[tilespmem:s31], [sflag:$0x4] =	stream.linear.gather [hbm4b:s9+s31], $0x1400, $0x38;
	[tilespmem:$0x1E080] =	vst v63  }
0x68: {  	_ =	swait.ge [sflag:s17], $0x1400  }
0x69: {  	[sflag:s17] =	ssyncset.done $0x0  }
0x6a: {  	[sflag:s17] =	ssyncadd.s32 $0xFFFFEC00  }
0x6b: {  	[tilespmem:s18], [sflag:$0x4] =	stream.linear.gather [hbm4b:s10+s31], $0x1400, $0x38;
	[tilespmem:$0x1E080] =	vst v63  }
0x6c: {  	_ =	swait.ge [sflag:s17], $0x1400  }
0x6d: {  	[sflag:s17] =	ssyncset.done $0x0  }
0x6e: {  	[sflag:s17] =	ssyncadd.s32 $0xFFFFEC00  }
0x6f: {  	[tilespmem:s20], [sflag:$0x1] =	stream.indirect.gather [hbm4b:s4+s19], $0x80, s31, s19, $0xb8;
	[tilespmem:$0x1E080] =	vst v63  }
0x70: {  	s1 =	simm.s32 $0x80  }
0x71: {  	[tilespmem:s21], [sflag:$0x2] =	stream.indirect.gather [hbm4b:s4+s19], $0x80, s1, s19, $0xb8;
	[tilespmem:$0x1E080] =	vst v63  }
0x72: {  	_ =	swait.ge [sflag:s22], $0x3E80  }
0x73: {  	[sflag:s22] =	ssyncset.done $0x0  }
0x74: {  	s31 =	simm.s32 $0x1400;
	[sflag:s22] =	ssyncadd.s32 $0xFFFFC180  }
0x75: {  	[spmem:s2] =	stream.indirect.scatter.add.f32 [tilespmem:s20], [sflag:$0x4], $0x80, s31, s19, $0xb8;
	[tilespmem:$0x1E080] =	vst v63  }
0x76: {  	_ =	swait.ge [sflag:s17], $0x3E80  }
0x77: {  	[sflag:s17] =	ssyncset.done $0x0  }
0x78: {  	s1 =	simm.s32 $0x100;
	[sflag:s17] =	ssyncadd.s32 $0xFFFFC180  }
0x79: {  	[tilespmem:s20], [sflag:$0x1] =	stream.indirect.gather [hbm4b:s4+s19], $0x80, s1, s19, $0xb8;
	[tilespmem:$0x1E080] =	vst v63  }
0x7a: {  	_ =	swait.ge [sflag:s23], $0x3E80  }
0x7b: {  	[sflag:s23] =	ssyncset.done $0x0  }
0x7c: {  	s31 =	simm.s32 $0x1480;
	[sflag:s23] =	ssyncadd.s32 $0xFFFFC180  }
0x7d: {  	[spmem:s2] =	stream.indirect.scatter.add.f32 [tilespmem:s21], [sflag:$0x4], $0x80, s31, s19, $0xb8;
	[tilespmem:$0x1E080] =	vst v63  }
0x7e: {  	_ =	swait.ge [sflag:s17], $0x3E80  }
0x7f: {  	s30 =	simm.s32 $0x800;
	s29 =	simm.s32 $0x100;
	[sflag:s17] =	ssyncset.done $0x0  }
.LBB2_4:
0x80: {  	s0 =	sadd.s32 $0x80, s29  }
0x81: {  	[sflag:s17] =	ssyncadd.s32 $0xFFFFC180;
	s1 =	smov.u32 s30;
	s31 =	sadd.s32 $0x400, s30  }
0x82: {  	[tilespmem:s21], [sflag:$0x2] =	stream.indirect.gather [hbm4b:s4+s19], $0x80, s0, s19, $0xb8;
	[tilespmem:$0x1E080] =	vst v63  }
0x83: {  	p1 =	sne.s32 s30, $0x4800;
	_ =	swait.ge [sflag:s22], $0x3E80  }
0x84: {  	[sflag:s22] =	ssyncset.done $0x0  }
0x85: {  	s0 =	sadd.s32 $0x1400, s29;
	[sflag:s22] =	ssyncadd.s32 $0xFFFFC180  }
0x86: {  	[spmem:s2] =	stream.indirect.scatter.add.f32 [tilespmem:s20], [sflag:$0x4], $0x80, s0, s19, $0xb8;
	[tilespmem:$0x1E080] =	vst v63  }
0x87: {  	_ =	swait.ge [sflag:s17], $0x3E80  }
0x88: {  	[sflag:s17] =	ssyncset.done $0x0  }
0x89: {  	s0 =	sadd.s32 $0x100, s29;
	[sflag:s17] =	ssyncadd.s32 $0xFFFFC180  }
0x8a: {  	[tilespmem:s20], [sflag:$0x1] =	stream.indirect.gather [hbm4b:s4+s19], $0x80, s0, s19, $0xb8;
	[tilespmem:$0x1E080] =	vst v63  }
0x8b: {  	_ =	swait.ge [sflag:s23], $0x3E80  }
.Ltmp1:
0x8c: {  	[sflag:s23] =	ssyncset.done $0x0;
	(pc) =	sbr.rel @p1 .LBB2_4-.Ltmp1, $4  }
0x8d: {  	s0 =	sadd.s32 $0x1480, s29;
	[sflag:s23] =	ssyncadd.s32 $0xFFFFC180  }
0x8e: {  	[spmem:s2] =	stream.indirect.scatter.add.f32 [tilespmem:s21], [sflag:$0x4], $0x80, s0, s19, $0xb8;
	[tilespmem:$0x1E080] =	vst v63  }
0x8f: {  	_ =	swait.ge [sflag:s17], $0x3E80  }
0x90: {  	s30 =	smov.u32 s31;
	s29 =	sshra.s32 s1, $0x2;
	[sflag:s17] =	ssyncset.done $0x0  }
0x91: {  	s0 =	sadd.s32 $0x80, s29;
	[sflag:s17] =	ssyncadd.s32 $0xFFFFC180  }
0x92: {  	[tilespmem:s21], [sflag:$0x2] =	stream.indirect.gather [hbm4b:s4+s19], $0x80, s0, s19, $0xb8;
	[tilespmem:$0x1E080] =	vst v63  }
0x93: {  	_ =	swait.ge [sflag:s22], $0x3E80  }
0x94: {  	[sflag:s22] =	ssyncset.done $0x0  }
0x95: {  	s1 =	sadd.s32 $0x1400, s29;
	[sflag:s22] =	ssyncadd.s32 $0xFFFFC180  }
0x96: {  	[spmem:s2] =	stream.indirect.scatter.add.f32 [tilespmem:s20], [sflag:$0x4], $0x80, s1, s19, $0xb8;
	[tilespmem:$0x1E080] =	vst v63  }
0x97: {  	_ =	swait.ge [sflag:s17], $0x3E80  }
0x98: {  	[sflag:s17] =	ssyncset.done $0x0  }
0x99: {  	s30 =	sadd.s32 $0x100, s29;
	[sflag:s17] =	ssyncadd.s32 $0xFFFFC180  }
0x9a: {  	[tilespmem:s20], [sflag:$0x1] =	stream.indirect.gather [hbm4b:s4+s19], $0x80, s30, s19, $0xb8;
	[tilespmem:$0x1E080] =	vst v63  }
0x9b: {  	_ =	swait.ge [sflag:s23], $0x3E80  }
0x9c: {  	[sflag:s23] =	ssyncset.done $0x0  }
0x9d: {  	s31 =	sadd.s32 $0x1480, s29;
	[sflag:s23] =	ssyncadd.s32 $0xFFFFC180  }
0x9e: {  	[spmem:s2] =	stream.indirect.scatter.add.f32 [tilespmem:s21], [sflag:$0x4], $0x80, s31, s19, $0xb8;
	[tilespmem:$0x1E080] =	vst v63  }
0x9f: {  	_ =	swait.ge [sflag:s17], $0x3E80  }
0xa0: {  	[sflag:s17] =	ssyncset.done $0x0  }
0xa1: {  	[sflag:s17] =	ssyncadd.s32 $0xFFFFC180  }
0xa2: {  	[tilespmem:s21], [sflag:$0x2] =	stream.indirect.gather [hbm4b:s4+s19], $0x80, s24, s19, $0xb8;
	[tilespmem:$0x1E080] =	vst v63  }
0xa3: {  	_ =	swait.ge [sflag:s22], $0x3E80  }
0xa4: {  	[sflag:s22] =	ssyncset.done $0x0  }
0xa5: {  	[sflag:s22] =	ssyncadd.s32 $0xFFFFC180  }
0xa6: {  	[spmem:s2] =	stream.indirect.scatter.add.f32 [tilespmem:s20], [sflag:$0x4], $0x80, s25, s19, $0xb8;
	[tilespmem:$0x1E080] =	vst v63  }
0xa7: {  	_ =	swait.ge [sflag:s17], $0x3E80  }
0xa8: {  	[sflag:s17] =	ssyncset.done $0x0  }
0xa9: {  	[sflag:s17] =	ssyncadd.s32 $0xFFFFC180  }
0xaa: {  	_ =	swait.ge [sflag:s23], $0x3E80  }
0xab: {  	[sflag:s23] =	ssyncset.done $0x0  }
0xac: {  	[sflag:s23] =	ssyncadd.s32 $0xFFFFC180  }
0xad: {  	[spmem:s2] =	stream.indirect.scatter.add.f32 [tilespmem:s21], [sflag:$0x4], $0x80, s26, s19, $0xb8;
	[tilespmem:$0x1E080] =	vst v63  }
0xae: {  	_ =	swait.ge [sflag:s17], $0x3E80  }
0xaf: {  	[sflag:s17] =	ssyncset.done $0x0  }
0xb0: {  	[sflag:s17] =	ssyncadd.s32 $0xFFFFC180  }
0xb1: {  	s0 =	simm.s32 @p0 $0x1FC4;
	[bflag:$0x0] =	sbarrier.arrive $0xFFFF  }
0xb2: {  	[hbm:s11], [sflag:s0] =	dma.local @p0 [spmem:s14], $0x1900  }
0xb3: {  	s0 =	simm.s32 @p0 $0x4  }
0xb4: {  	_ =	swait.ge @p0 [sflag:s0], $0x1900  }
0xb5: {  	s28 =	sadd.s32 $0x1, s28;
	[sflag:s0] =	ssyncset.done @p0 $0x0  }
0xb6: {  	p1 =	sne.s32 s28, s13;
	[sflag:s0] =	ssyncadd.s32 @p0 $0xFFFFE700;
	s0 =	sor.u32 @!p0 $0x1C04, s12  }
0xb7: {  	[hbm:s11], [sflag:s0] =	dma.local @!p0 [spmem:s16], $0x2800  }
.Ltmp2:
0xb8: {  	_ = 	snop;
	(pc) =	sbr.rel @p1 .LBB2_1-.Ltmp2, $4  }
0xb9: {  	s0 =	simm.s32 @!p0 $0x4  }
0xba: {  	_ =	swait.ge @!p0 [sflag:s0], $0x2800  }
0xbb: {  	[sflag:s0] =	ssyncset.done @!p0 $0x0  }
0xbc: {  	[sflag:s0] =	ssyncadd.s32 @!p0 $0xFFFFD800  }
0xbd: {  	_ =	sfence.sel $0x180000  }
0xbe: {  	[bflag:$0x0] =	sbarrier.arrive $0xFFFF  }
0xbf: {  	_ =	strace $0x9000004D  }
0xc0: {  	s0 =	stileid.u32;
	[bflag:$0x2] =	sbarrier.arrive $0xFFFF  }
0xc1: {  	p0 =	sne.s32 s0, $0x0;
	s0 =	rddreg [dreg:$0x2]  }
0xc2: {  	s0 =	sadd.s32 @!p0 $0x100000, s0  }
0xc3: {  	[sflag:s0] =	ssyncadd.tile.s32 @!p0 $0x1;
	_ =	shalt  }
.Lfunc_end2:
_tile_overlayer_lowered:
.L_overlay_start_2:
0xc4: {  	(tag) =	ssettag $0x2  }
0xc5: {  	s0 =	rddreg [dreg:$0x0];
	s2 =	stileid.u32  }
0xc6: {  	s1 =	rddreg [dreg:$0x1];
	p0 =	sne.s32 s2, $0x0  }
0xc7: {  	s3 =	rddreg [dreg:$0x2];
	[bflag:$0x3] =	sbarrier.arrive $0xFFFF;
	s2 =	simm.s32 @!p0 $0x1C04  }
0xc8: {  	[timem:s3], [sflag:s2] =	dma.local @!p0 [hbm:s0], s1  }
0xc9: {  	s0 =	simm.s32 @!p0 $0x4  }
0xca: {  	_ =	swait.ge @!p0 [sflag:s0], s1  }
0xcb: {  	s1 =	ssub.s32 @!p0 $0x0, s1;
	[sflag:s0] =	ssyncset.done @!p0 $0x0  }
0xcc: {  	[sflag:s0] =	ssyncadd.s32 @!p0 s1  }
0xcd: {  	[bflag:$0x3] =	sbarrier.arrive $0xFFFF  }
0xce: {  	_ =	shalt  }

// kernel: kernel.21.cloned.1.call-start
scs
__scs_entry_jumppad:
0x0: {  	(pc) =	sbr.rel $0x88, $3  }
0x1: {  	(tag) =	ssettag $0x0;
	lr =	simm.s32 $0x1  }
0x2: {  	[smem:$0x3F95] =	sst lr;
	_ =	strace $0xD0000000  }
0x3: {  	_ = 	snop  }
0x4: {  	_ = 	snop  }
0x5: {  	_ = 	snop  }
0x6: {  	_ = 	snop  }
0x7: {  	_ = 	snop  }
__scs_overlays_trampoline_lowered:
0x8: {  	[smem:$0x3FA4] =	sst s0  }
0x9: {  	[smem:$0x3FA5] =	sst s1  }
0xa: {  	[smem:$0x3FA6] =	sst s2  }
0xb: {  	[smem:$0x3FA7] =	sst s3  }
0xc: {  	[smem:$0x3FA8] =	sst s4  }
0xd: {  	[smem:$0x3FA9] =	sst s5  }
0xe: {  	[smem:$0x3FAA] =	sst s6  }
0xf: {  	[smem:$0x3FAB] =	sst s7  }
0x10: {  	[smem:$0x3FAC] =	sst s8  }
0x11: {  	[smem:$0x3FAD] =	sst s9;
	s0 =	simm.s32 @!p0 $0x0  }
0x12: {  	s1 =	sld [smem:$0x3F93];
	s0 =	simm.s32 @p0 $0x1  }
0x13: {  	[smem:$0x3FAE] =	sst s0;
	s0 =	simm.s32 @!p1 $0x0  }
0x14: {  	s2 =	sld [smem:$0x3F92];
	s0 =	simm.s32 @p1 $0x1  }
0x15: {  	[smem:$0x3FAF] =	sst s0;
	s0 =	simm.s32 @!p2 $0x0  }
0x16: {  	s3 =	sld [smem:$0x3FDB];
	s0 =	simm.s32 @p2 $0x1  }
0x17: {  	s4 =	simm.s32 $0x1BF5;
	[smem:$0x3FB1] =	sst s0  }
0x18: {  	s0 =	sld [smem:$0x3F94];
	_ =	swait.ge [sflag:s4], $0x0  }
0x19: {  	s7 =	sld [smem:$0x3F95]  }
0x1a: {  	s8 =	sadd.s32 $0xFFFFE003, lr  }
0x1b: {  	s9 =	sadd.s32 $0xFFFFFEF7, lr;
	s5 =	simm.s32 $0xFFFFFFFF;
	p2 =	slt.u32 s8, $0xFFFFF086  }
0x1c: {  	p1 =	slt.u32 s9, $0xF7A;
	s5 =	simm.s32 @!p2 $0x0  }
0x1d: {  	s5 =	simm.s32 @p1 $0x1;
	p0 =	seq.s32 s7, s2  }
0x1e: {  	s7 =	smul.u32 @!p0 $0xF7A, s2;
	p2 =	seq.s32 @!p0 s5, $0x0  }
0x1f: {  	s9 =	smul.u32 $0xF7A, s1;
	s8 =	simm.s32 @!p0 $0x1BF5;
	p2 =	por !p2, p0  }
0x20: {  	[sflag:s8] =	ssyncset.s32 @!p0 $0xFFFFF086;
	s6 =	sadd.s32 @!p0 s3, s7;
	s7 =	simm.s32 @!p0 $0x108  }
0x21: {  	s3 =	sadd.s32 s3, s9;
	s6 =	sadd.s32 @!p0 $0x88, s6;
	s7 =	simm.s32 @p2 $0x1082  }
0x22: {  	[simem:s7], [sflag:s8] =	dma.local @!p0 [hbm:s6], $0xF7A  }
0x23: {  	s9 =	sor.u32 $0xD0000000, s2;
	s6 =	simm.s32 $0x108;
	_ =	swait.ge @!p0 [sflag:s8], $0x0  }
0x24: {  	s3 =	sadd.s32 $0x88, s3;
	s6 =	simm.s32 @!p1 $0x1082;
	[sflag:s4] =	ssyncset.s32 $0xFFFFF086  }
0x25: {  	[simem:s6], [sflag:s4] =	dma.local [hbm:s3], $0xF7A  }
0x26: {  	[smem:$0x3F95] =	sst s1;
	(tag) =	ssettag s2;
	_ =	strace s9  }
0x27: {  	s1 =	sld [smem:$0x3FA5]  }
0x28: {  	s2 =	sld [smem:$0x3FA6]  }
0x29: {  	s4 =	sld [smem:$0x3FA8]  }
0x2a: {  	p0 =	seq.s32 s5, $0x0;
	s5 =	sld [smem:$0x3FA9]  }
0x2b: {  	s6 =	sld [smem:$0x3FAA]  }
0x2c: {  	s7 =	sld [smem:$0x3FAB]  }
0x2d: {  	s3 =	simm.s32 $0x108;
	s8 =	sld [smem:$0x3FAC]  }
0x2e: {  	s3 =	simm.s32 @!p0 $0x1082;
	s9 =	sld [smem:$0x3FAD]  }
0x2f: {  	lr =	sadd.s32 s0, s3;
	s0 =	sld [smem:$0x3FA4]  }
0x30: {  	s3 =	sld [smem:$0x3FA7]  }
0x31: {  	[smem:$0x3FB0] =	sst s10  }
0x32: {  	s10 =	sld [smem:$0x3FAE];
	_ =	sdelay $0x3  }
0x33: {  	p0 =	seq.s32 s10, $0x1;
	s10 =	sld [smem:$0x3FB0];
	_ =	sdelay $0x3  }
0x34: {  	[smem:$0x3FB0] =	sst s10  }
0x35: {  	s10 =	sld [smem:$0x3FAF];
	_ =	sdelay $0x3  }
0x36: {  	p1 =	seq.s32 s10, $0x1;
	s10 =	sld [smem:$0x3FB0];
	_ =	sdelay $0x3  }
0x37: {  	[smem:$0x3FB0] =	sst s10  }
0x38: {  	s10 =	sld [smem:$0x3FB1]  }
0x39: {  	_ = 	snop;
	(pc) =	sbr.ind lr, $3  }
0x3a: {  	_ = 	snop  }
0x3b: {  	_ = 	snop  }
0x3c: {  	p2 =	seq.s32 s10, $0x1;
	s10 =	sld [smem:$0x3FB0]  }
0x3d: {  	_ =	shalt  }
0x3e: {  	_ =	shalt  }
0x3f: {  	_ =	shalt  }
0x40: {  	_ =	shalt  }
0x41: {  	_ =	shalt  }
0x42: {  	_ =	shalt  }
0x43: {  	_ =	shalt  }
0x44: {  	_ =	shalt  }
0x45: {  	_ =	shalt  }
0x46: {  	_ =	shalt  }
0x47: {  	_ =	shalt  }
0x48: {  	_ =	shalt  }
0x49: {  	_ =	shalt  }
0x4a: {  	_ =	shalt  }
0x4b: {  	_ =	shalt  }
0x4c: {  	_ =	shalt  }
0x4d: {  	_ =	shalt  }
0x4e: {  	_ =	shalt  }
0x4f: {  	_ =	shalt  }
0x50: {  	_ =	shalt  }
0x51: {  	_ =	shalt  }
0x52: {  	_ =	shalt  }
0x53: {  	_ =	shalt  }
0x54: {  	_ =	shalt  }
0x55: {  	_ =	shalt  }
0x56: {  	_ =	shalt  }
0x57: {  	_ =	shalt  }
0x58: {  	_ =	shalt  }
0x59: {  	_ =	shalt  }
0x5a: {  	_ =	shalt  }
0x5b: {  	_ =	shalt  }
0x5c: {  	_ =	shalt  }
0x5d: {  	_ =	shalt  }
0x5e: {  	_ =	shalt  }
0x5f: {  	_ =	shalt  }
0x60: {  	_ =	shalt  }
0x61: {  	_ =	shalt  }
0x62: {  	_ =	shalt  }
0x63: {  	_ =	shalt  }
0x64: {  	_ =	shalt  }
0x65: {  	_ =	shalt  }
0x66: {  	_ =	shalt  }
0x67: {  	_ =	shalt  }
0x68: {  	_ =	shalt  }
0x69: {  	_ =	shalt  }
0x6a: {  	_ =	shalt  }
0x6b: {  	_ =	shalt  }
0x6c: {  	_ =	shalt  }
0x6d: {  	_ =	shalt  }
0x6e: {  	_ =	shalt  }
0x6f: {  	_ =	shalt  }
0x70: {  	_ =	shalt  }
0x71: {  	_ =	shalt  }
0x72: {  	_ =	shalt  }
0x73: {  	_ =	shalt  }
0x74: {  	_ =	shalt  }
0x75: {  	_ =	shalt  }
0x76: {  	_ =	shalt  }
0x77: {  	_ =	shalt  }
0x78: {  	_ =	shalt  }
0x79: {  	_ =	shalt  }
0x7a: {  	_ =	shalt  }
0x7b: {  	_ =	shalt  }
0x7c: {  	_ =	shalt  }
0x7d: {  	_ =	shalt  }
0x7e: {  	_ =	shalt  }
0x7f: {  	_ =	shalt  }
0x80: {  	_ =	shalt  }
0x81: {  	_ =	shalt  }
0x82: {  	_ =	shalt  }
0x83: {  	_ =	shalt  }
0x84: {  	_ =	shalt  }
0x85: {  	_ =	shalt  }
0x86: {  	_ =	shalt  }
0x87: {  	_ =	shalt  }
.Lfunc_end0:
.L_simem_size_0:
called_computation.3_lowered:
.L_overlay_start_0:
0x88: {  	s2 =	sld [smem:$0x3FD9]  }
0x89: {  	s3 =	sld [smem:$0x3FFE];
	_ =	sdelay $0x1  }
0x8a: {  	s1 =	srdreg.scid  }
0x8b: {  	s0 =	sand.u32 $0x1, s1  }
0x8c: {  	s16 =	sshll.u32 s0, $0xA;
	s2 =	sadd.s32 s3, s2  }
0x8d: {  	s2 =	sadd.s32 s2, s16  }
0x8e: {  	[smem:$0x3FBC] =	sst s2  }
0x8f: {  	_ = 	snop  }
0x90: {  	(tm) =	ssettm $0x1  }
0x91: {  	s17 =	sld [smem:$0x3FFB];
	_ =	sdelay $0x3  }
0x92: {  	_ =	strace s17  }
0x93: {  	s2 =	sld [smem:$0x3FFC];
	_ =	sdelay $0x3  }
0x94: {  	_ =	strace s2  }
0x95: {  	s2 =	sld [smem:$0x3FFD];
	_ =	sdelay $0x3  }
0x96: {  	_ =	strace s2  }
0x97: {  	_ =	strace $0x8FFFFFFF  }
0x98: {  	s18 =	sld [smem:$0x3FDB];
	_ =	sdelay $0x1  }
0x99: {  	s19 =	simm.s32 $_scs_section_size  }
0x9a: {  	s4 =	simm.s32 $_size__tile_overlayer_lowered;
	s5 =	simm.s32 $_tile_overlayer_lowered  }
0x9b: {  	s22 =	simm.s32 $0x1BFF;
	s21 =	sshll.u32 s5, $0x1;
	s2 =	sadd.s32 s19, s18  }
0x9c: {  	s6 =	simm.s32 $0x0;
	s20 =	sshll.u32 s4, $0x1;
	s4 =	sadd.s32 s21, s2  }
0x9d: {  	[timem:s6], [sflag:s22] =	dma.local [hbm:s4], s20  }
0x9e: {  	_ =	swait.ge [sflag:s22], s20  }
0x9f: {  	s3 =	ssub.s32 $0x0, s20;
	[sflag:s22] =	ssyncset.done $0x0  }
0xa0: {  	[sflag:s22] =	ssyncadd.s32 s3;
	_ =	sdelay $0x1  }
0xa1: {  	s23 =	simm.s32 $0x1B8B  }
0xa2: {  	_ =	swait.ge [sflag:s23], $0x1  }
0xa3: {  	[sflag:s23] =	ssyncset.done $0x0  }
0xa4: {  	s25 =	simm.s32 $0x1B8E;
	s24 =	sld [smem:$0x3FFE];
	[sflag:s23] =	ssyncadd.s32 $0xFFFFFFFF  }
0xa5: {  	s26 =	simm.s32 $execute0_lowered;
	[smem:$0x3FD2] =	sst s25  }
0xa6: {  	s4 =	sshll.u32 s26, $0x1;
	_ =	strace $0x8000004F;
	[dreg:$0x1] =	wrdreg $0xFFFFFFFF  }
0xa7: {  	s28 =	simm.s32 $_size_execute0_lowered;
	s2 =	sadd.s32 s2, s4;
	[dreg:$0x0] =	wrdreg $0x0  }
0xa8: {  	s4 =	sshll.u32 s28, $0x1;
	[dreg:$0x2] =	wrdreg s2  }
0xa9: {  	[dreg:$0x3] =	wrdreg s4  }
0xaa: {  	[dreg:$0x4] =	wrdreg $0xC0  }
0xab: {  	_ =	task [dreg:s6], $0x5FFFF  }
0xac: {  	[dreg:$0x1] =	wrdreg $0xFFFFFFFF  }
0xad: {  	[dreg:$0x0] =	wrdreg $0x60  }
0xae: {  	[dreg:$0x2] =	wrdreg s24  }
0xaf: {  	[dreg:$0x3] =	wrdreg $0xA8000  }
0xb0: {  	[dreg:$0x4] =	wrdreg $0x9  }
0xb1: {  	_ =	task.clear_ibuf [dreg:s6], $0x5FFFF;
	_ =	strace $0x9000004F  }
0xb2: {  	s29 =	simm.s32 $0x9;
	_ =	strace $0x80000051  }
0xb3: {  	_ =	swait.ge [sflag:s29], $0x1  }
0xb4: {  	[sflag:s29] =	ssyncadd.s32 $0xFFFFFFFF  }
0xb5: {  	_ =	strace $0x90000051  }
0xb6: {  	_ =	sfence  }
0xb7: {  	s30 =	sld [smem:$0x0];
	_ =	sdelay $0x2  }
0xb8: {  	s31 =	sshll.u32 s1, $0xD;
	s1 =	sshrl.u32 s1, $0x2  }
0xb9: {  	s3 =	sand.u32 $0x4000, s31;
	s1 =	sadd.s32 s1, s30  }
0xba: {  	s0 =	sor.u32 s3, s0;
	s1 =	sshll.u32 s1, $0x11  }
0xbb: {  	s0 =	sor.u32 s1, s0  }
0xbc: {  	s0 =	sadd.s32 $0x8F2B, s0  }
0xbd: {  	[sflag:s0] =	ssyncadd.remote.s32 $0x1  }
0xbe: {  	_ =	sfence.sel $0xFFFF  }
0xbf: {  	[dreg:$0x0] =	wrdreg $0xFFFFFFFF;
	(pc) =	sbr.abs _section_cstart, $3  }
0xc0: {  	[dreg:$0x1] =	wrdreg $0xFFFFFFFF  }
0xc1: {  	_ =	task.clear_ibuf [dreg:s6], $0x2FFFF;
	_ =	strace $0x9FFFFFFF  }
0xc2: {  	(tm) =	ssettm $0x7FFFFFFF  }
0xc3: {  	_ =	shalt  }
tec
execute0_lowered:
.L_overlay_start_1:
0x0: {  	(tag) =	ssettag $0x1  }
0x1: {  	s6 =	rddreg [dreg:$0x0]  }
0x2: {  	s2 =	rddreg [dreg:$0x1];
	s0 =	stileid.u32  }
0x3: {  	s3 =	simm.s32 $0x0;
	s4 =	srdreg.scid;
	s17 =	simm.s32 $0x4  }
0x4: {  	s18 =	simm.s32 $0x1400;
	s19 =	simm.s32 $0x7D;
	s20 =	simm.s32 $0x2800  }
0x5: {  	s21 =	simm.s32 $0x6800;
	s22 =	simm.s32 $0x1;
	s23 =	simm.s32 $0x2  }
0x6: {  	s24 =	simm.s32 $0x1380;
	s25 =	simm.s32 $0x2700;
	s28 =	simm.s32 $0x0  }
0x7: {  	s5 =	smul.u32 $0x2800, s0;
	[smem:$0x7FF] =	sst s3;
	s7 =	sand.u32 $0x1, s4  }
0x8: {  	s8 =	smul.u32 $0x280, s0;
	s9 =	sadd.s32 $0x3E00, s6;
	s11 =	sadd.s32 $0xDE00, s6  }
0x9: {  	s4 =	sadd.s32 $0x17E00, s6;
	s26 =	sshll.u32 s0, $0x1;
	s12 =	smul.u32 $0x50000, s0  }
0xa: {  	s15 =	sadd.s32 $0x12C000, s2;
	p0 =	seq.s32 s0, $0xF;
	_ =	strace $0x80000050  }
0xb: {  	s10 =	smul.u32 $0x2710, s7;
	s13 =	ssub.s32 $0x2, s7;
	s7 =	sor.u32 s7, s26  }
0xc: {  	s26 =	simm.s32 $0x2780;
	s5 =	sadd.s32 s5, s6;
	s29 =	sshrl.u32 s13, $0x1  }
0xd: {  	s12 =	sshrl.u32 s12, $0x2;
	s7 =	smul.u32 $0x2800, s7;
	s8 =	sadd.s32 s8, s10  }
0xe: {  	s13 =	ssub.s32 s13, s29;
	s16 =	sadd.s32 s12, s2;
	s5 =	sadd.s32 $0x3F000, s5  }
0xf: {  	s12 =	sshll.u32 @!p0 s0, $0x6;
	s8 =	sshll.u32 s8, $0x4;
	s30 =	sshrl.u32 s7, $0x3  }
0x10: {  	s13 =	smax.u32 s13, $0x1;
	s16 =	sshrl.u32 @!p0 s16, $0x3;
	s14 =	sadd.s32 s8, s6  }
0x11: {  	s6 =	sadd.s32 $0x64800, s6;
	s7 =	sadd.s32 s9, s30;
	s31 =	sadd.s32 $0x280, s30  }
0x12: {  	s8 =	sadd.s32 s11, s30;
	s9 =	sadd.s32 s9, s31;
	s10 =	sadd.s32 s11, s31  }
0x13: {  	s11 =	sadd.s32 $0x66200, s14;
	s14 =	sshrl.u32 @p0 s15, $0x3;
	s15 =	sor.u32 @!p0 $0x1C03, s12  }
.LBB2_1:
0x14: {  	s29 =	simm.s32 @p0 $0x1FC3  }
0x15: {  	[spmem:s14], [sflag:s29] =	dma.local @p0 [hbm:s6], $0x1900  }
0x16: {  	[spmem:s16], [sflag:s15] =	dma.local @!p0 [hbm:s5], $0x2800  }
0x17: {  	[tilespmem:s3], [sflag:$0x4] =	stream.linear.gather [hbm4b:s7+s3], $0x1400, $0x38;
	[tilespmem:$0x1E080] =	vst v63  }
0x18: {  	_ =	swait.ge [sflag:s17], $0x1400  }
0x19: {  	[sflag:s17] =	ssyncset.done $0x0  }
0x1a: {  	[sflag:s17] =	ssyncadd.s32 $0xFFFFEC00  }
0x1b: {  	[tilespmem:s18], [sflag:$0x4] =	stream.linear.gather [hbm4b:s8+s3], $0x1400, $0x38;
	[tilespmem:$0x1E080] =	vst v63  }
0x1c: {  	_ =	swait.ge [sflag:s17], $0x1400  }
0x1d: {  	[sflag:s17] =	ssyncset.done $0x0  }
0x1e: {  	s29 =	simm.s32 @p0 $0x3;
	[sflag:s17] =	ssyncadd.s32 $0xFFFFEC00  }
0x1f: {  	[tilespmem:s20], [sflag:$0x1] =	stream.indirect.gather [hbm4b:s4+s19], $0x80, s3, s19, $0xb8;
	[tilespmem:$0x1E080] =	vst v63  }
0x20: {  	_ =	swait.ge @p0 [sflag:s29], $0x1900  }
0x21: {  	[sflag:s29] =	ssyncset.done @p0 $0x0  }
0x22: {  	[sflag:s29] =	ssyncadd.s32 @p0 $0xFFFFE700;
	s29 =	simm.s32 @!p0 $0x3  }
0x23: {  	_ =	swait.ge @!p0 [sflag:s29], $0x2800  }
0x24: {  	[sflag:s29] =	ssyncset.done @!p0 $0x0  }
0x25: {  	[sflag:s29] =	ssyncadd.s32 @!p0 $0xFFFFD800  }
0x26: {  	s29 =	simm.s32 $0x80;
	[bflag:$0x0] =	sbarrier.arrive $0xFFFF  }
0x27: {  	[tilespmem:s21], [sflag:$0x2] =	stream.indirect.gather [hbm4b:s4+s19], $0x80, s29, s19, $0xb8;
	[tilespmem:$0x1E080] =	vst v63  }
0x28: {  	_ =	swait.ge [sflag:s22], $0x3E80  }
0x29: {  	[sflag:s22] =	ssyncset.done $0x0  }
0x2a: {  	s29 =	simm.s32 $0x1400;
	[sflag:s22] =	ssyncadd.s32 $0xFFFFC180  }
0x2b: {  	[spmem:s2] =	stream.indirect.scatter.add.f32 [tilespmem:s20], [sflag:$0x4], $0x80, s29, s19, $0xb8;
	[tilespmem:$0x1E080] =	vst v63  }
0x2c: {  	_ =	swait.ge [sflag:s17], $0x3E80  }
0x2d: {  	[sflag:s17] =	ssyncset.done $0x0  }
0x2e: {  	s29 =	simm.s32 $0x100;
	[sflag:s17] =	ssyncadd.s32 $0xFFFFC180  }
0x2f: {  	[tilespmem:s20], [sflag:$0x1] =	stream.indirect.gather [hbm4b:s4+s19], $0x80, s29, s19, $0xb8;
	[tilespmem:$0x1E080] =	vst v63  }
0x30: {  	_ =	swait.ge [sflag:s23], $0x3E80  }
0x31: {  	[sflag:s23] =	ssyncset.done $0x0  }
0x32: {  	s29 =	simm.s32 $0x1480;
	[sflag:s23] =	ssyncadd.s32 $0xFFFFC180  }
0x33: {  	[spmem:s2] =	stream.indirect.scatter.add.f32 [tilespmem:s21], [sflag:$0x4], $0x80, s29, s19, $0xb8;
	[tilespmem:$0x1E080] =	vst v63  }
0x34: {  	_ =	swait.ge [sflag:s17], $0x3E80  }
0x35: {  	s30 =	simm.s32 $0x800;
	s29 =	simm.s32 $0x100;
	[sflag:s17] =	ssyncset.done $0x0  }
.LBB2_2:
0x36: {  	s31 =	sadd.s32 $0x80, s29  }
0x37: {  	[sflag:s17] =	ssyncadd.s32 $0xFFFFC180;
	s0 =	smov.u32 s30;
	s1 =	sadd.s32 $0x400, s30  }
0x38: {  	[tilespmem:s21], [sflag:$0x2] =	stream.indirect.gather [hbm4b:s4+s19], $0x80, s31, s19, $0xb8;
	[tilespmem:$0x1E080] =	vst v63  }
0x39: {  	p1 =	sne.s32 s30, $0x4800;
	_ =	swait.ge [sflag:s22], $0x3E80  }
0x3a: {  	[sflag:s22] =	ssyncset.done $0x0  }
0x3b: {  	s30 =	sadd.s32 $0x1400, s29;
	[sflag:s22] =	ssyncadd.s32 $0xFFFFC180  }
0x3c: {  	[spmem:s2] =	stream.indirect.scatter.add.f32 [tilespmem:s20], [sflag:$0x4], $0x80, s30, s19, $0xb8;
	[tilespmem:$0x1E080] =	vst v63  }
0x3d: {  	_ =	swait.ge [sflag:s17], $0x3E80  }
0x3e: {  	[sflag:s17] =	ssyncset.done $0x0  }
0x3f: {  	s30 =	sadd.s32 $0x100, s29;
	[sflag:s17] =	ssyncadd.s32 $0xFFFFC180  }
0x40: {  	[tilespmem:s20], [sflag:$0x1] =	stream.indirect.gather [hbm4b:s4+s19], $0x80, s30, s19, $0xb8;
	[tilespmem:$0x1E080] =	vst v63  }
0x41: {  	_ =	swait.ge [sflag:s23], $0x3E80  }
.Ltmp0:
0x42: {  	[sflag:s23] =	ssyncset.done $0x0;
	(pc) =	sbr.rel @p1 .LBB2_2-.Ltmp0, $4  }
0x43: {  	s29 =	sadd.s32 $0x1480, s29;
	[sflag:s23] =	ssyncadd.s32 $0xFFFFC180  }
0x44: {  	[spmem:s2] =	stream.indirect.scatter.add.f32 [tilespmem:s21], [sflag:$0x4], $0x80, s29, s19, $0xb8;
	[tilespmem:$0x1E080] =	vst v63  }
0x45: {  	_ =	swait.ge [sflag:s17], $0x3E80  }
0x46: {  	s30 =	smov.u32 s1;
	s29 =	sshra.s32 s0, $0x2;
	[sflag:s17] =	ssyncset.done $0x0  }
0x47: {  	s0 =	sadd.s32 $0x80, s29;
	[sflag:s17] =	ssyncadd.s32 $0xFFFFC180  }
0x48: {  	[tilespmem:s21], [sflag:$0x2] =	stream.indirect.gather [hbm4b:s4+s19], $0x80, s0, s19, $0xb8;
	[tilespmem:$0x1E080] =	vst v63  }
0x49: {  	_ =	swait.ge [sflag:s22], $0x3E80  }
0x4a: {  	[sflag:s22] =	ssyncset.done $0x0  }
0x4b: {  	s1 =	sadd.s32 $0x1400, s29;
	[sflag:s22] =	ssyncadd.s32 $0xFFFFC180  }
0x4c: {  	[spmem:s2] =	stream.indirect.scatter.add.f32 [tilespmem:s20], [sflag:$0x4], $0x80, s1, s19, $0xb8;
	[tilespmem:$0x1E080] =	vst v63  }
0x4d: {  	_ =	swait.ge [sflag:s17], $0x3E80  }
0x4e: {  	[sflag:s17] =	ssyncset.done $0x0  }
0x4f: {  	s31 =	sadd.s32 $0x100, s29;
	[sflag:s17] =	ssyncadd.s32 $0xFFFFC180  }
0x50: {  	[tilespmem:s20], [sflag:$0x1] =	stream.indirect.gather [hbm4b:s4+s19], $0x80, s31, s19, $0xb8;
	[tilespmem:$0x1E080] =	vst v63  }
0x51: {  	_ =	swait.ge [sflag:s23], $0x3E80  }
0x52: {  	[sflag:s23] =	ssyncset.done $0x0  }
0x53: {  	s1 =	sadd.s32 $0x1480, s29;
	[sflag:s23] =	ssyncadd.s32 $0xFFFFC180  }
0x54: {  	[spmem:s2] =	stream.indirect.scatter.add.f32 [tilespmem:s21], [sflag:$0x4], $0x80, s1, s19, $0xb8;
	[tilespmem:$0x1E080] =	vst v63  }
0x55: {  	_ =	swait.ge [sflag:s17], $0x3E80  }
0x56: {  	[sflag:s17] =	ssyncset.done $0x0  }
0x57: {  	[sflag:s17] =	ssyncadd.s32 $0xFFFFC180  }
0x58: {  	[tilespmem:s21], [sflag:$0x2] =	stream.indirect.gather [hbm4b:s4+s19], $0x80, s24, s19, $0xb8;
	[tilespmem:$0x1E080] =	vst v63  }
0x59: {  	_ =	swait.ge [sflag:s22], $0x3E80  }
0x5a: {  	[sflag:s22] =	ssyncset.done $0x0  }
0x5b: {  	[sflag:s22] =	ssyncadd.s32 $0xFFFFC180  }
0x5c: {  	[spmem:s2] =	stream.indirect.scatter.add.f32 [tilespmem:s20], [sflag:$0x4], $0x80, s25, s19, $0xb8;
	[tilespmem:$0x1E080] =	vst v63  }
0x5d: {  	_ =	swait.ge [sflag:s17], $0x3E80  }
0x5e: {  	[sflag:s17] =	ssyncset.done $0x0  }
0x5f: {  	[sflag:s17] =	ssyncadd.s32 $0xFFFFC180  }
0x60: {  	_ =	swait.ge [sflag:s23], $0x3E80  }
0x61: {  	[sflag:s23] =	ssyncset.done $0x0  }
0x62: {  	[sflag:s23] =	ssyncadd.s32 $0xFFFFC180  }
0x63: {  	[spmem:s2] =	stream.indirect.scatter.add.f32 [tilespmem:s21], [sflag:$0x4], $0x80, s26, s19, $0xb8;
	[tilespmem:$0x1E080] =	vst v63  }
0x64: {  	_ =	swait.ge [sflag:s17], $0x3E80  }
0x65: {  	[sflag:s17] =	ssyncset.done $0x0  }
0x66: {  	s31 =	simm.s32 $0x0;
	[sflag:s17] =	ssyncadd.s32 $0xFFFFC180  }
0x67: {  	[tilespmem:s31], [sflag:$0x4] =	stream.linear.gather [hbm4b:s9+s31], $0x1400, $0x38;
	[tilespmem:$0x1E080] =	vst v63  }
0x68: {  	_ =	swait.ge [sflag:s17], $0x1400  }
0x69: {  	[sflag:s17] =	ssyncset.done $0x0  }
0x6a: {  	[sflag:s17] =	ssyncadd.s32 $0xFFFFEC00  }
0x6b: {  	[tilespmem:s18], [sflag:$0x4] =	stream.linear.gather [hbm4b:s10+s31], $0x1400, $0x38;
	[tilespmem:$0x1E080] =	vst v63  }
0x6c: {  	_ =	swait.ge [sflag:s17], $0x1400  }
0x6d: {  	[sflag:s17] =	ssyncset.done $0x0  }
0x6e: {  	[sflag:s17] =	ssyncadd.s32 $0xFFFFEC00  }
0x6f: {  	[tilespmem:s20], [sflag:$0x1] =	stream.indirect.gather [hbm4b:s4+s19], $0x80, s31, s19, $0xb8;
	[tilespmem:$0x1E080] =	vst v63  }
0x70: {  	s1 =	simm.s32 $0x80  }
0x71: {  	[tilespmem:s21], [sflag:$0x2] =	stream.indirect.gather [hbm4b:s4+s19], $0x80, s1, s19, $0xb8;
	[tilespmem:$0x1E080] =	vst v63  }
0x72: {  	_ =	swait.ge [sflag:s22], $0x3E80  }
0x73: {  	[sflag:s22] =	ssyncset.done $0x0  }
0x74: {  	s31 =	simm.s32 $0x1400;
	[sflag:s22] =	ssyncadd.s32 $0xFFFFC180  }
0x75: {  	[spmem:s2] =	stream.indirect.scatter.add.f32 [tilespmem:s20], [sflag:$0x4], $0x80, s31, s19, $0xb8;
	[tilespmem:$0x1E080] =	vst v63  }
0x76: {  	_ =	swait.ge [sflag:s17], $0x3E80  }
0x77: {  	[sflag:s17] =	ssyncset.done $0x0  }
0x78: {  	s1 =	simm.s32 $0x100;
	[sflag:s17] =	ssyncadd.s32 $0xFFFFC180  }
0x79: {  	[tilespmem:s20], [sflag:$0x1] =	stream.indirect.gather [hbm4b:s4+s19], $0x80, s1, s19, $0xb8;
	[tilespmem:$0x1E080] =	vst v63  }
0x7a: {  	_ =	swait.ge [sflag:s23], $0x3E80  }
0x7b: {  	[sflag:s23] =	ssyncset.done $0x0  }
0x7c: {  	s31 =	simm.s32 $0x1480;
	[sflag:s23] =	ssyncadd.s32 $0xFFFFC180  }
0x7d: {  	[spmem:s2] =	stream.indirect.scatter.add.f32 [tilespmem:s21], [sflag:$0x4], $0x80, s31, s19, $0xb8;
	[tilespmem:$0x1E080] =	vst v63  }
0x7e: {  	_ =	swait.ge [sflag:s17], $0x3E80  }
0x7f: {  	s30 =	simm.s32 $0x800;
	s29 =	simm.s32 $0x100;
	[sflag:s17] =	ssyncset.done $0x0  }
.LBB2_4:
0x80: {  	s0 =	sadd.s32 $0x80, s29  }
0x81: {  	[sflag:s17] =	ssyncadd.s32 $0xFFFFC180;
	s1 =	smov.u32 s30;
	s31 =	sadd.s32 $0x400, s30  }
0x82: {  	[tilespmem:s21], [sflag:$0x2] =	stream.indirect.gather [hbm4b:s4+s19], $0x80, s0, s19, $0xb8;
	[tilespmem:$0x1E080] =	vst v63  }
0x83: {  	p1 =	sne.s32 s30, $0x4800;
	_ =	swait.ge [sflag:s22], $0x3E80  }
0x84: {  	[sflag:s22] =	ssyncset.done $0x0  }
0x85: {  	s0 =	sadd.s32 $0x1400, s29;
	[sflag:s22] =	ssyncadd.s32 $0xFFFFC180  }
0x86: {  	[spmem:s2] =	stream.indirect.scatter.add.f32 [tilespmem:s20], [sflag:$0x4], $0x80, s0, s19, $0xb8;
	[tilespmem:$0x1E080] =	vst v63  }
0x87: {  	_ =	swait.ge [sflag:s17], $0x3E80  }
0x88: {  	[sflag:s17] =	ssyncset.done $0x0  }
0x89: {  	s0 =	sadd.s32 $0x100, s29;
	[sflag:s17] =	ssyncadd.s32 $0xFFFFC180  }
0x8a: {  	[tilespmem:s20], [sflag:$0x1] =	stream.indirect.gather [hbm4b:s4+s19], $0x80, s0, s19, $0xb8;
	[tilespmem:$0x1E080] =	vst v63  }
0x8b: {  	_ =	swait.ge [sflag:s23], $0x3E80  }
.Ltmp1:
0x8c: {  	[sflag:s23] =	ssyncset.done $0x0;
	(pc) =	sbr.rel @p1 .LBB2_4-.Ltmp1, $4  }
0x8d: {  	s0 =	sadd.s32 $0x1480, s29;
	[sflag:s23] =	ssyncadd.s32 $0xFFFFC180  }
0x8e: {  	[spmem:s2] =	stream.indirect.scatter.add.f32 [tilespmem:s21], [sflag:$0x4], $0x80, s0, s19, $0xb8;
	[tilespmem:$0x1E080] =	vst v63  }
0x8f: {  	_ =	swait.ge [sflag:s17], $0x3E80  }
0x90: {  	s30 =	smov.u32 s31;
	s29 =	sshra.s32 s1, $0x2;
	[sflag:s17] =	ssyncset.done $0x0  }
0x91: {  	s0 =	sadd.s32 $0x80, s29;
	[sflag:s17] =	ssyncadd.s32 $0xFFFFC180  }
0x92: {  	[tilespmem:s21], [sflag:$0x2] =	stream.indirect.gather [hbm4b:s4+s19], $0x80, s0, s19, $0xb8;
	[tilespmem:$0x1E080] =	vst v63  }
0x93: {  	_ =	swait.ge [sflag:s22], $0x3E80  }
0x94: {  	[sflag:s22] =	ssyncset.done $0x0  }
0x95: {  	s1 =	sadd.s32 $0x1400, s29;
	[sflag:s22] =	ssyncadd.s32 $0xFFFFC180  }
0x96: {  	[spmem:s2] =	stream.indirect.scatter.add.f32 [tilespmem:s20], [sflag:$0x4], $0x80, s1, s19, $0xb8;
	[tilespmem:$0x1E080] =	vst v63  }
0x97: {  	_ =	swait.ge [sflag:s17], $0x3E80  }
0x98: {  	[sflag:s17] =	ssyncset.done $0x0  }
0x99: {  	s30 =	sadd.s32 $0x100, s29;
	[sflag:s17] =	ssyncadd.s32 $0xFFFFC180  }
0x9a: {  	[tilespmem:s20], [sflag:$0x1] =	stream.indirect.gather [hbm4b:s4+s19], $0x80, s30, s19, $0xb8;
	[tilespmem:$0x1E080] =	vst v63  }
0x9b: {  	_ =	swait.ge [sflag:s23], $0x3E80  }
0x9c: {  	[sflag:s23] =	ssyncset.done $0x0  }
0x9d: {  	s31 =	sadd.s32 $0x1480, s29;
	[sflag:s23] =	ssyncadd.s32 $0xFFFFC180  }
0x9e: {  	[spmem:s2] =	stream.indirect.scatter.add.f32 [tilespmem:s21], [sflag:$0x4], $0x80, s31, s19, $0xb8;
	[tilespmem:$0x1E080] =	vst v63  }
0x9f: {  	_ =	swait.ge [sflag:s17], $0x3E80  }
0xa0: {  	[sflag:s17] =	ssyncset.done $0x0  }
0xa1: {  	[sflag:s17] =	ssyncadd.s32 $0xFFFFC180  }
0xa2: {  	[tilespmem:s21], [sflag:$0x2] =	stream.indirect.gather [hbm4b:s4+s19], $0x80, s24, s19, $0xb8;
	[tilespmem:$0x1E080] =	vst v63  }
0xa3: {  	_ =	swait.ge [sflag:s22], $0x3E80  }
0xa4: {  	[sflag:s22] =	ssyncset.done $0x0  }
0xa5: {  	[sflag:s22] =	ssyncadd.s32 $0xFFFFC180  }
0xa6: {  	[spmem:s2] =	stream.indirect.scatter.add.f32 [tilespmem:s20], [sflag:$0x4], $0x80, s25, s19, $0xb8;
	[tilespmem:$0x1E080] =	vst v63  }
0xa7: {  	_ =	swait.ge [sflag:s17], $0x3E80  }
0xa8: {  	[sflag:s17] =	ssyncset.done $0x0  }
0xa9: {  	[sflag:s17] =	ssyncadd.s32 $0xFFFFC180  }
0xaa: {  	_ =	swait.ge [sflag:s23], $0x3E80  }
0xab: {  	[sflag:s23] =	ssyncset.done $0x0  }
0xac: {  	[sflag:s23] =	ssyncadd.s32 $0xFFFFC180  }
0xad: {  	[spmem:s2] =	stream.indirect.scatter.add.f32 [tilespmem:s21], [sflag:$0x4], $0x80, s26, s19, $0xb8;
	[tilespmem:$0x1E080] =	vst v63  }
0xae: {  	_ =	swait.ge [sflag:s17], $0x3E80  }
0xaf: {  	[sflag:s17] =	ssyncset.done $0x0  }
0xb0: {  	[sflag:s17] =	ssyncadd.s32 $0xFFFFC180  }
0xb1: {  	s0 =	simm.s32 @p0 $0x1FC4;
	[bflag:$0x0] =	sbarrier.arrive $0xFFFF  }
0xb2: {  	[hbm:s11], [sflag:s0] =	dma.local @p0 [spmem:s14], $0x1900  }
0xb3: {  	s0 =	simm.s32 @p0 $0x4  }
0xb4: {  	_ =	swait.ge @p0 [sflag:s0], $0x1900  }
0xb5: {  	s28 =	sadd.s32 $0x1, s28;
	[sflag:s0] =	ssyncset.done @p0 $0x0  }
0xb6: {  	p1 =	sne.s32 s28, s13;
	[sflag:s0] =	ssyncadd.s32 @p0 $0xFFFFE700;
	s0 =	sor.u32 @!p0 $0x1C04, s12  }
0xb7: {  	[hbm:s11], [sflag:s0] =	dma.local @!p0 [spmem:s16], $0x2800  }
.Ltmp2:
0xb8: {  	_ = 	snop;
	(pc) =	sbr.rel @p1 .LBB2_1-.Ltmp2, $4  }
0xb9: {  	s0 =	simm.s32 @!p0 $0x4  }
0xba: {  	_ =	swait.ge @!p0 [sflag:s0], $0x2800  }
0xbb: {  	[sflag:s0] =	ssyncset.done @!p0 $0x0  }
0xbc: {  	[sflag:s0] =	ssyncadd.s32 @!p0 $0xFFFFD800  }
0xbd: {  	_ =	sfence.sel $0x180000  }
0xbe: {  	[bflag:$0x0] =	sbarrier.arrive $0xFFFF  }
0xbf: {  	_ =	strace $0x90000050  }
0xc0: {  	s0 =	stileid.u32;
	[bflag:$0x2] =	sbarrier.arrive $0xFFFF  }
0xc1: {  	p0 =	sne.s32 s0, $0x0;
	s0 =	rddreg [dreg:$0x2]  }
0xc2: {  	s0 =	sadd.s32 @!p0 $0x100000, s0  }
0xc3: {  	[sflag:s0] =	ssyncadd.tile.s32 @!p0 $0x1;
	_ =	shalt  }
.Lfunc_end2:
_tile_overlayer_lowered:
.L_overlay_start_2:
0xc4: {  	(tag) =	ssettag $0x2  }
0xc5: {  	s0 =	rddreg [dreg:$0x0];
	s2 =	stileid.u32  }
0xc6: {  	s1 =	rddreg [dreg:$0x1];
	p0 =	sne.s32 s2, $0x0  }
0xc7: {  	s3 =	rddreg [dreg:$0x2];
	[bflag:$0x3] =	sbarrier.arrive $0xFFFF;
	s2 =	simm.s32 @!p0 $0x1C04  }
0xc8: {  	[timem:s3], [sflag:s2] =	dma.local @!p0 [hbm:s0], s1  }
0xc9: {  	s0 =	simm.s32 @!p0 $0x4  }
0xca: {  	_ =	swait.ge @!p0 [sflag:s0], s1  }
0xcb: {  	s1 =	ssub.s32 @!p0 $0x0, s1;
	[sflag:s0] =	ssyncset.done @!p0 $0x0  }
0xcc: {  	[sflag:s0] =	ssyncadd.s32 @!p0 s1  }
0xcd: {  	[bflag:$0x3] =	sbarrier.arrive $0xFFFF  }
0xce: {  	_ =	shalt  }

</sc_bundles>
